<compile_context>
chip_gen: v7x
topology: tpu7x:2x2x1
jax: 0.10.2.dev20260603
libtpu: 0.0.44.dev20260713+nightly
codegen_flags: <defaults>
</compile_context>

<pallas_src>
import functools

import jax
import jax.numpy as jnp
from jax import lax
from jax.experimental import pallas as pl
from jax.experimental.pallas import tpu as pltpu
from jax.experimental.pallas import tpu_sc as plsc

_GAMMA = 12.0
_S = 4096
_K = 128
_D = 64
_L = 16
_NC = 2
_NS = 16
_NW = _NC * _NS
_SPW = _S // _NW
_OUTW = 1 + 2 * _K
_NBLK = _K // _L
_NBUF = 4
_SCHUNK = 32


def _sc_body(node_hbm, rel_hbm, head_hbm, relidx_hbm, tail_hbm, nt_hbm, nh_hbm,
             out_hbm,
             hidx_v, ridx_v, tidx_v, ntidx_v, nhidx_v,
             p_v, pos_v, g_v, score_v,
             sem_a, sem_b, sem_c, sem_s0, sem_s1, sem_s2, sem_s3):
    wid = lax.axis_index("s") * _NC + lax.axis_index("c")
    base = wid * _SPW
    lanes = lax.iota(jnp.int32, _L)
    zeros_i = jnp.zeros((_L,), jnp.int32)
    zeros_f = jnp.zeros((_L,), jnp.float32)
    row_vecs = [blk * _L + lanes for blk in range(_NBLK)]

    pltpu.sync_copy(head_hbm.at[pl.ds(base, _SPW)], hidx_v)
    pltpu.sync_copy(relidx_hbm.at[pl.ds(base, _SPW)], ridx_v)
    pltpu.sync_copy(tail_hbm.at[pl.ds(base, _SPW)], tidx_v)
    pltpu.sync_copy(nt_hbm.at[pl.ds(base, _SPW)], ntidx_v)
    pltpu.sync_copy(nh_hbm.at[pl.ds(base, _SPW)], nhidx_v)

    sems = [sem_s0, sem_s1, sem_s2, sem_s3]

    def _fire(s, b):
        pltpu.async_copy(node_hbm.at[ntidx_v.at[s]], g_v.at[b, 0], sems[b])
        pltpu.async_copy(node_hbm.at[nhidx_v.at[s]], g_v.at[b, 1], sems[b])

    _fire(0, 0)
    _fire(1, 1)
    _fire(3, 3)

    t_v = g_v.at[2, 0]
    r_v = g_v.at[2, 1]
    cp_h = pltpu.async_copy(node_hbm.at[hidx_v], p_v, sem_a)
    cp_r = pltpu.async_copy(rel_hbm.at[ridx_v], r_v, sem_b)
    cp_t = pltpu.async_copy(node_hbm.at[tidx_v], t_v, sem_c)
    cp_h.wait()
    cp_r.wait()

    def _padd(j, carry):
        for q in range(_D // _L):
            sl = pl.ds(q * _L, _L)
            p_v[j, sl] = p_v[j, sl] + r_v[j, sl]
        return carry
    lax.fori_loop(0, _SPW, _padd, None, unroll=4)

    cp_t.wait()

    for blk in range(_SPW // _L):
        rows = blk * _L + lanes

        def _pos_d(d, acc):
            dv = (jnp.full((_L,), d, jnp.int32) + lanes) & (_D - 1)
            pcol = plsc.load_gather(p_v, [rows, dv])
            tcol = plsc.load_gather(t_v, [rows, dv])
            return acc + jnp.abs(pcol - tcol)
        acc = lax.fori_loop(0, _D, _pos_d, zeros_f, unroll=2)
        pos_v[pl.ds(blk * _L, _L)] = jnp.float32(_GAMMA) - acc

    _fire(2, 2)

    def _wait(s, b):
        pltpu.make_async_copy(
            node_hbm.at[ntidx_v.at[s]], g_v.at[b, 0], sems[b]).wait()
        pltpu.make_async_copy(
            node_hbm.at[nhidx_v.at[s]], g_v.at[b, 1], sems[b]).wait()

    def _step(i, carry):
        for b in range(_NBUF):
            s = _NBUF * i + b
            srow = s % _SCHUNK
            _wait(s, b)
            gt = g_v.at[b, 0]
            gh = g_v.at[b, 1]
            psrow = jnp.full((_L,), s, jnp.int32)

            def _neg_d(d, accs_in):
                dv = (jnp.full((_L,), d, jnp.int32) + lanes) & (_D - 1)
                pd = plsc.load_gather(p_v, [psrow, dv])
                new = []
                for g_ref in (gt, gh):
                    for blk in range(_NBLK):
                        idx = len(new)
                        g = plsc.load_gather(g_ref, [row_vecs[blk], dv])
                        new.append(accs_in[idx] + jnp.abs(pd - g))
                return tuple(new)
            accs = lax.fori_loop(0, _D, _neg_d, (zeros_f,) * (2 * _NBLK),
                                 unroll=2)
            for side in range(2):
                for blk in range(_NBLK):
                    col0 = 1 + side * _K + blk * _L
                    score_v[srow, pl.ds(col0, _L)] = (
                        jnp.float32(_GAMMA) - accs[side * _NBLK + blk])

            @pl.when(s + _NBUF < _SPW)
            def _():
                _fire(s + _NBUF, b)

            @pl.when(srow == _SCHUNK - 1)
            def _():
                c0 = s - (_SCHUNK - 1)
                for q in range(_SCHUNK // _L):
                    pos = pos_v[pl.ds(c0 + q * _L, _L)]
                    plsc.store_scatter(
                        score_v, [q * _L + lanes, zeros_i], pos)
                pltpu.sync_copy(score_v,
                                out_hbm.at[pl.ds(base + c0, _SCHUNK)])
        return carry
    lax.fori_loop(0, _SPW // _NBUF, _step, None)


_sc_kernel = functools.partial(
    pl.kernel,
    out_type=jax.ShapeDtypeStruct((_S, _OUTW), jnp.float32),
    mesh=plsc.VectorSubcoreMesh(
        core_axis_name="c", subcore_axis_name="s",
        num_cores=_NC, num_subcores=_NS),
    compiler_params=pltpu.CompilerParams(
        needs_layout_passes=False, use_tc_tiling_on_sc=False),
    scratch_types=[
        pltpu.VMEM((_SPW,), jnp.int32),
        pltpu.VMEM((_SPW,), jnp.int32),
        pltpu.VMEM((_SPW,), jnp.int32),
        pltpu.VMEM((_SPW, _K), jnp.int32),
        pltpu.VMEM((_SPW, _K), jnp.int32),
        pltpu.VMEM((_SPW, _D), jnp.float32),
        pltpu.VMEM((_SPW,), jnp.float32),
        pltpu.VMEM((_NBUF, 2, _K, _D), jnp.float32),
        pltpu.VMEM((_SCHUNK, _OUTW), jnp.float32),
        pltpu.SemaphoreType.DMA,
        pltpu.SemaphoreType.DMA,
        pltpu.SemaphoreType.DMA,
        pltpu.SemaphoreType.DMA,
        pltpu.SemaphoreType.DMA,
        pltpu.SemaphoreType.DMA,
        pltpu.SemaphoreType.DMA,
    ],
)(_sc_body)


def kernel(all_node_embedding, relation_embedding_G2, head_idx, rel_idx,
           tail_idx, neg_tail_idx, neg_head_idx):
    return _sc_kernel(
        all_node_embedding.astype(jnp.float32),
        relation_embedding_G2.astype(jnp.float32),
        head_idx.astype(jnp.int32),
        rel_idx.astype(jnp.int32),
        tail_idx.astype(jnp.int32),
        neg_tail_idx.astype(jnp.int32),
        neg_head_idx.astype(jnp.int32),
    )

# --- scband reference (transcript-rebuilt; emitter-appended) ---
"""Pipeline reference for scband-sample-score-84937273245882 (READ-ONLY COPY).

The authoritative reference and input builder live on the scoring server;
editing this copy changes nothing except your own understanding.
"""

import jax, jax.numpy as jnp
import numpy as np

GAMMA = 12.0
N_NODES = 100000
N_REL = 1000
SAMPLE_NUM = 4096
NEG_NUM = 128
EMB_DIM = 64


def setup_inputs(seed: int = 0) -> dict:
    key = jax.random.key(seed)
    ks = jax.random.split(key, 7)
    return {
        "all_node_embedding": jax.random.normal(ks[0], (N_NODES, EMB_DIM), dtype=jnp.float32),
        "relation_embedding_G2": jax.random.normal(ks[1], (N_REL, EMB_DIM), dtype=jnp.float32),
        "head_idx": jax.random.randint(ks[2], (SAMPLE_NUM,), 0, N_NODES, dtype=jnp.int64) if jax.config.jax_enable_x64 else jax.random.randint(ks[2], (SAMPLE_NUM,), 0, N_NODES).astype(jnp.int32),
        "rel_idx": jax.random.randint(ks[3], (SAMPLE_NUM,), 0, N_REL).astype(jnp.int32),
        "tail_idx": jax.random.randint(ks[4], (SAMPLE_NUM,), 0, N_NODES).astype(jnp.int32),
        "neg_tail_idx": jax.random.randint(ks[5], (SAMPLE_NUM, NEG_NUM), 0, N_NODES).astype(jnp.int32),
        "neg_head_idx": jax.random.randint(ks[6], (SAMPLE_NUM, NEG_NUM), 0, N_NODES).astype(jnp.int32),
    }


def count_score(head_tensor, relation_tensor, tail_tensor, mode):
    # Count_Score.forward: both branches compute head + relation - tail,
    # then gamma - L1 norm over the embedding dim (dim=2).
    if mode == 'head-match':
        score = head_tensor + (relation_tensor - tail_tensor)
    else:
        score = head_tensor + relation_tensor - tail_tensor
    return GAMMA - jnp.sum(jnp.abs(score), axis=2)


def reference(all_node_embedding, relation_embedding_G2, head_idx, rel_idx, tail_idx, neg_tail_idx, neg_head_idx):
    D = all_node_embedding.shape[1]
    # positive triple gathers (sample_tensor materializes these via embedding lookups)
    h = jnp.take(all_node_embedding, head_idx, axis=0)[:, None, :]          # [S,1,D]
    r = jnp.take(relation_embedding_G2, rel_idx, axis=0)[:, None, :]        # [S,1,D]
    t = jnp.take(all_node_embedding, tail_idx, axis=0)[:, None, :]          # [S,1,D]
    # negative sample gathers
    t_neg = jnp.take(all_node_embedding, neg_tail_idx.reshape(-1), axis=0).reshape(neg_tail_idx.shape + (D,))  # [S,K,D]
    h_neg = jnp.take(all_node_embedding, neg_head_idx.reshape(-1), axis=0).reshape(neg_head_idx.shape + (D,))  # [S,K,D]
    positive_score = count_score(h, r, t, 'single')           # [S,1]
    negative_score_tail = count_score(h, r, t_neg, 'tail-match')   # [S,K]
    negative_score_head = count_score(h, r, h_neg, 'head-match')   # [S,K] (original passes head negatives in tail slot)
    return jnp.concatenate([positive_score, negative_score_tail, negative_score_head], axis=1)  # [S, 1+2K]

if __name__ == "__main__":
    import jax
    _d = setup_inputs()
    print(jax.jit(kernel)(*tuple(_d.values())))

</pallas_src>

<mosaic_0001>
#map = affine_map<(d0, d1) -> (0, 0)>
#map1 = affine_map<(d0, d1) -> (0)>
module attributes {stable_mosaic.version = 14 : i64} {
  func.func @_sc_body(%arg0: i32, %arg1: i32, %arg2: memref<100000x64xf32, #tpu.memory_space<hbm>>, %arg3: memref<1000x64xf32, #tpu.memory_space<hbm>>, %arg4: memref<4096xi32, #tpu.memory_space<hbm>>, %arg5: memref<4096xi32, #tpu.memory_space<hbm>>, %arg6: memref<4096xi32, #tpu.memory_space<hbm>>, %arg7: memref<4096x128xi32, #tpu.memory_space<hbm>>, %arg8: memref<4096x128xi32, #tpu.memory_space<hbm>>, %arg9: memref<4096x257xf32, #tpu.memory_space<hbm>>, %arg10: memref<128xi32, #tpu.memory_space<vmem>>, %arg11: memref<128xi32, #tpu.memory_space<vmem>>, %arg12: memref<128xi32, #tpu.memory_space<vmem>>, %arg13: memref<128x128xi32, #tpu.memory_space<vmem>>, %arg14: memref<128x128xi32, #tpu.memory_space<vmem>>, %arg15: memref<128x64xf32, #tpu.memory_space<vmem>>, %arg16: memref<128xf32, #tpu.memory_space<vmem>>, %arg17: memref<4x2x128x64xf32, #tpu.memory_space<vmem>>, %arg18: memref<32x257xf32, #tpu.memory_space<vmem>>, %arg19: memref<!tpu.dma_semaphore, #tpu.memory_space<semaphore_mem>>, %arg20: memref<!tpu.dma_semaphore, #tpu.memory_space<semaphore_mem>>, %arg21: memref<!tpu.dma_semaphore, #tpu.memory_space<semaphore_mem>>, %arg22: memref<!tpu.dma_semaphore, #tpu.memory_space<semaphore_mem>>, %arg23: memref<!tpu.dma_semaphore, #tpu.memory_space<semaphore_mem>>, %arg24: memref<!tpu.dma_semaphore, #tpu.memory_space<semaphore_mem>>, %arg25: memref<!tpu.dma_semaphore, #tpu.memory_space<semaphore_mem>>) attributes {dimension_semantics = [#tpu.dimension_semantics<core_parallel>, #tpu.dimension_semantics<subcore_parallel>], iteration_bounds = array<i64: 2, 16>, scalar_prefetch = 0 : i64, scratch_operands = 16 : i64, tpu.core_type = #tpu.core_type<sc_vector_subcore>, window_params = [{transform_indices = #map}, {transform_indices = #map}, {transform_indices = #map1}, {transform_indices = #map1}, {transform_indices = #map1}, {transform_indices = #map}, {transform_indices = #map}, {transform_indices = #map}]} {
    %mul3A = arith.constant 2 : i32
    %mul3A_0 = arith.muli %arg1, %mul3A : i32
    %add3A = arith.addi %mul3A_0, %arg0 : i32
    %mul3A_1 = arith.constant 128 : i32
    %mul3A_2 = arith.muli %add3A, %mul3A_1 : i32
    %iota3A = tpu.iota {dimensions = array<i32: 0>} : vector<16xi32>
    %broadcast_in_dim3A = arith.constant 0 : i32
    %broadcast_in_dim3A_3 = vector.broadcast %broadcast_in_dim3A : i32 to vector<16xi32>
    %broadcast_in_dim3A_4 = arith.constant 0.000000e+00 : f32
    %broadcast_in_dim3A_5 = vector.broadcast %broadcast_in_dim3A_4 : f32 to vector<16xf32>
    %add3A_6 = arith.constant 0 : i32
    %add3A_7 = vector.broadcast %add3A_6 : i32 to vector<16xi32>
    %add3A_8 = arith.addi %add3A_7, %iota3A : vector<16xi32>
    %add3A_9 = arith.constant 16 : i32
    %add3A_10 = vector.broadcast %add3A_9 : i32 to vector<16xi32>
    %add3A_11 = arith.addi %add3A_10, %iota3A : vector<16xi32>
    %add3A_12 = arith.constant 32 : i32
    %add3A_13 = vector.broadcast %add3A_12 : i32 to vector<16xi32>
    %add3A_14 = arith.addi %add3A_13, %iota3A : vector<16xi32>
    %add3A_15 = arith.constant 48 : i32
    %add3A_16 = vector.broadcast %add3A_15 : i32 to vector<16xi32>
    %add3A_17 = arith.addi %add3A_16, %iota3A : vector<16xi32>
    %add3A_18 = arith.constant 64 : i32
    %add3A_19 = vector.broadcast %add3A_18 : i32 to vector<16xi32>
    %add3A_20 = arith.addi %add3A_19, %iota3A : vector<16xi32>
    %add3A_21 = arith.constant 80 : i32
    %add3A_22 = vector.broadcast %add3A_21 : i32 to vector<16xi32>
    %add3A_23 = arith.addi %add3A_22, %iota3A : vector<16xi32>
    %add3A_24 = arith.constant 96 : i32
    %add3A_25 = vector.broadcast %add3A_24 : i32 to vector<16xi32>
    %add3A_26 = arith.addi %add3A_25, %iota3A : vector<16xi32>
    %add3A_27 = arith.constant 112 : i32
    %add3A_28 = vector.broadcast %add3A_27 : i32 to vector<16xi32>
    %add3A_29 = arith.addi %add3A_28, %iota3A : vector<16xi32>
    "tpu.region"() ({
      %run_scoped3A = tpu.sem_alloc : memref<!tpu.dma_semaphore, #tpu.memory_space<semaphore_mem>>
      %dma_start3A_311 = tpu.memref_slice %arg4[%mul3A_2] : memref<4096xi32, #tpu.memory_space<hbm>> -> memref<128xi32, #tpu.memory_space<hbm>>
      %dma_start3A_312 = tpu.memref_slice %arg4[%mul3A_2] : memref<4096xi32, #tpu.memory_space<hbm>> -> memref<128xi32, #tpu.memory_space<hbm>>
      tpu.enqueue_dma source(%dma_start3A_312 : memref<128xi32, #tpu.memory_space<hbm>>) target(%arg10 : memref<128xi32, #tpu.memory_space<vmem>>) target_semaphore(%run_scoped3A : memref<!tpu.dma_semaphore, #tpu.memory_space<semaphore_mem>>)
      %dma_wait3A_313 = tpu.memref_slice %arg4[%mul3A_2] : memref<4096xi32, #tpu.memory_space<hbm>> -> memref<128xi32, #tpu.memory_space<hbm>>
      %dma_wait3A_314 = tpu.memref_slice %arg4[%mul3A_2] : memref<4096xi32, #tpu.memory_space<hbm>> -> memref<128xi32, #tpu.memory_space<hbm>>
      tpu.wait_dma2 semaphore(%run_scoped3A : memref<!tpu.dma_semaphore, #tpu.memory_space<semaphore_mem>>) src(%dma_wait3A_314 : memref<128xi32, #tpu.memory_space<hbm>>) dst(%arg10 : memref<128xi32, #tpu.memory_space<vmem>>)
      tpu.yield
    }) : () -> ()
    "tpu.region"() ({
      %run_scoped3A = tpu.sem_alloc : memref<!tpu.dma_semaphore, #tpu.memory_space<semaphore_mem>>
      %dma_start3A_311 = tpu.memref_slice %arg5[%mul3A_2] : memref<4096xi32, #tpu.memory_space<hbm>> -> memref<128xi32, #tpu.memory_space<hbm>>
      %dma_start3A_312 = tpu.memref_slice %arg5[%mul3A_2] : memref<4096xi32, #tpu.memory_space<hbm>> -> memref<128xi32, #tpu.memory_space<hbm>>
      tpu.enqueue_dma source(%dma_start3A_312 : memref<128xi32, #tpu.memory_space<hbm>>) target(%arg11 : memref<128xi32, #tpu.memory_space<vmem>>) target_semaphore(%run_scoped3A : memref<!tpu.dma_semaphore, #tpu.memory_space<semaphore_mem>>)
      %dma_wait3A_313 = tpu.memref_slice %arg5[%mul3A_2] : memref<4096xi32, #tpu.memory_space<hbm>> -> memref<128xi32, #tpu.memory_space<hbm>>
      %dma_wait3A_314 = tpu.memref_slice %arg5[%mul3A_2] : memref<4096xi32, #tpu.memory_space<hbm>> -> memref<128xi32, #tpu.memory_space<hbm>>
      tpu.wait_dma2 semaphore(%run_scoped3A : memref<!tpu.dma_semaphore, #tpu.memory_space<semaphore_mem>>) src(%dma_wait3A_314 : memref<128xi32, #tpu.memory_space<hbm>>) dst(%arg11 : memref<128xi32, #tpu.memory_space<vmem>>)
      tpu.yield
    }) : () -> ()
    "tpu.region"() ({
      %run_scoped3A = tpu.sem_alloc : memref<!tpu.dma_semaphore, #tpu.memory_space<semaphore_mem>>
      %dma_start3A_311 = tpu.memref_slice %arg6[%mul3A_2] : memref<4096xi32, #tpu.memory_space<hbm>> -> memref<128xi32, #tpu.memory_space<hbm>>
      %dma_start3A_312 = tpu.memref_slice %arg6[%mul3A_2] : memref<4096xi32, #tpu.memory_space<hbm>> -> memref<128xi32, #tpu.memory_space<hbm>>
      tpu.enqueue_dma source(%dma_start3A_312 : memref<128xi32, #tpu.memory_space<hbm>>) target(%arg12 : memref<128xi32, #tpu.memory_space<vmem>>) target_semaphore(%run_scoped3A : memref<!tpu.dma_semaphore, #tpu.memory_space<semaphore_mem>>)
      %dma_wait3A_313 = tpu.memref_slice %arg6[%mul3A_2] : memref<4096xi32, #tpu.memory_space<hbm>> -> memref<128xi32, #tpu.memory_space<hbm>>
      %dma_wait3A_314 = tpu.memref_slice %arg6[%mul3A_2] : memref<4096xi32, #tpu.memory_space<hbm>> -> memref<128xi32, #tpu.memory_space<hbm>>
      tpu.wait_dma2 semaphore(%run_scoped3A : memref<!tpu.dma_semaphore, #tpu.memory_space<semaphore_mem>>) src(%dma_wait3A_314 : memref<128xi32, #tpu.memory_space<hbm>>) dst(%arg12 : memref<128xi32, #tpu.memory_space<vmem>>)
      tpu.yield
    }) : () -> ()
    "tpu.region"() ({
      %run_scoped3A = tpu.sem_alloc : memref<!tpu.dma_semaphore, #tpu.memory_space<semaphore_mem>>
      %dma_start3A_311 = arith.constant 0 : i32
      %dma_start3A_312 = tpu.memref_slice %arg7[%mul3A_2, %dma_start3A_311] : memref<4096x128xi32, #tpu.memory_space<hbm>> -> memref<128x128xi32, #tpu.memory_space<hbm>>
      %dma_start3A_313 = arith.constant 0 : i32
      %dma_start3A_314 = tpu.memref_slice %arg7[%mul3A_2, %dma_start3A_313] : memref<4096x128xi32, #tpu.memory_space<hbm>> -> memref<128x128xi32, #tpu.memory_space<hbm>>
      tpu.enqueue_dma source(%dma_start3A_314 : memref<128x128xi32, #tpu.memory_space<hbm>>) target(%arg13 : memref<128x128xi32, #tpu.memory_space<vmem>>) target_semaphore(%run_scoped3A : memref<!tpu.dma_semaphore, #tpu.memory_space<semaphore_mem>>)
      %dma_wait3A_315 = arith.constant 0 : i32
      %dma_wait3A_316 = tpu.memref_slice %arg7[%mul3A_2, %dma_wait3A_315] : memref<4096x128xi32, #tpu.memory_space<hbm>> -> memref<128x128xi32, #tpu.memory_space<hbm>>
      %dma_wait3A_317 = arith.constant 0 : i32
      %dma_wait3A_318 = tpu.memref_slice %arg7[%mul3A_2, %dma_wait3A_317] : memref<4096x128xi32, #tpu.memory_space<hbm>> -> memref<128x128xi32, #tpu.memory_space<hbm>>
      tpu.wait_dma2 semaphore(%run_scoped3A : memref<!tpu.dma_semaphore, #tpu.memory_space<semaphore_mem>>) src(%dma_wait3A_318 : memref<128x128xi32, #tpu.memory_space<hbm>>) dst(%arg13 : memref<128x128xi32, #tpu.memory_space<vmem>>)
      tpu.yield
    }) : () -> ()
    "tpu.region"() ({
      %run_scoped3A = tpu.sem_alloc : memref<!tpu.dma_semaphore, #tpu.memory_space<semaphore_mem>>
      %dma_start3A_311 = arith.constant 0 : i32
      %dma_start3A_312 = tpu.memref_slice %arg8[%mul3A_2, %dma_start3A_311] : memref<4096x128xi32, #tpu.memory_space<hbm>> -> memref<128x128xi32, #tpu.memory_space<hbm>>
      %dma_start3A_313 = arith.constant 0 : i32
      %dma_start3A_314 = tpu.memref_slice %arg8[%mul3A_2, %dma_start3A_313] : memref<4096x128xi32, #tpu.memory_space<hbm>> -> memref<128x128xi32, #tpu.memory_space<hbm>>
      tpu.enqueue_dma source(%dma_start3A_314 : memref<128x128xi32, #tpu.memory_space<hbm>>) target(%arg14 : memref<128x128xi32, #tpu.memory_space<vmem>>) target_semaphore(%run_scoped3A : memref<!tpu.dma_semaphore, #tpu.memory_space<semaphore_mem>>)
      %dma_wait3A_315 = arith.constant 0 : i32
      %dma_wait3A_316 = tpu.memref_slice %arg8[%mul3A_2, %dma_wait3A_315] : memref<4096x128xi32, #tpu.memory_space<hbm>> -> memref<128x128xi32, #tpu.memory_space<hbm>>
      %dma_wait3A_317 = arith.constant 0 : i32
      %dma_wait3A_318 = tpu.memref_slice %arg8[%mul3A_2, %dma_wait3A_317] : memref<4096x128xi32, #tpu.memory_space<hbm>> -> memref<128x128xi32, #tpu.memory_space<hbm>>
      tpu.wait_dma2 semaphore(%run_scoped3A : memref<!tpu.dma_semaphore, #tpu.memory_space<semaphore_mem>>) src(%dma_wait3A_318 : memref<128x128xi32, #tpu.memory_space<hbm>>) dst(%arg14 : memref<128x128xi32, #tpu.memory_space<vmem>>)
      tpu.yield
    }) : () -> ()
    %dma_start3A = arith.constant 0 : i32
    %dma_start3A_30 = arith.constant 0 : i32
    %dma_start3A_31 = arith.constant 0 : i32
    %dma_start3A_32 = arith.constant 0 : i32
    %dma_start3A_33 = arith.constant 0 : i32
    %dma_start3A_34 = tpu.memref_slice %arg17[%dma_start3A_30, %dma_start3A_31, %dma_start3A_32, %dma_start3A_33] : memref<4x2x128x64xf32, #tpu.memory_space<vmem>> -> memref<1x1x128x64xf32, #tpu.memory_space<vmem>>
    %dma_start3A_35 = tpu.memref_squeeze %dma_start3A_34 : memref<1x1x128x64xf32, #tpu.memory_space<vmem>> -> memref<128x64xf32, #tpu.memory_space<vmem>>
    %dma_start3A_36 = arith.constant 0 : i32
    %dma_start3A_37 = tpu.memref_slice %arg13[%dma_start3A, %dma_start3A_36] : memref<128x128xi32, #tpu.memory_space<vmem>> -> memref<1x128xi32, #tpu.memory_space<vmem>>
    %dma_start3A_38 = tpu.memref_squeeze %dma_start3A_37 : memref<1x128xi32, #tpu.memory_space<vmem>> -> memref<128xi32, #tpu.memory_space<vmem>>
    %dma_start3A_39 = arith.constant 0 : i32
    %dma_start3A_40 = arith.constant 0 : i32
    %dma_start3A_41 = tpu.memref_slice %arg2[%dma_start3A_39, %dma_start3A_40] : memref<100000x64xf32, #tpu.memory_space<hbm>> -> memref<100000x64xf32, #tpu.memory_space<hbm>>
    tpu.enqueue_indirect_dma source(%dma_start3A_41 : memref<100000x64xf32, #tpu.memory_space<hbm>>) target(%dma_start3A_35 : memref<128x64xf32, #tpu.memory_space<vmem>>) offsets(%dma_start3A_38 : memref<128xi32, #tpu.memory_space<vmem>>) semaphore(%arg22 : memref<!tpu.dma_semaphore, #tpu.memory_space<semaphore_mem>>)
    %dma_start3A_42 = arith.constant 0 : i32
    %dma_start3A_43 = arith.constant 0 : i32
    %dma_start3A_44 = arith.constant 1 : i32
    %dma_start3A_45 = arith.constant 0 : i32
    %dma_start3A_46 = arith.constant 0 : i32
    %dma_start3A_47 = tpu.memref_slice %arg17[%dma_start3A_43, %dma_start3A_44, %dma_start3A_45, %dma_start3A_46] : memref<4x2x128x64xf32, #tpu.memory_space<vmem>> -> memref<1x1x128x64xf32, #tpu.memory_space<vmem>>
    %dma_start3A_48 = tpu.memref_squeeze %dma_start3A_47 : memref<1x1x128x64xf32, #tpu.memory_space<vmem>> -> memref<128x64xf32, #tpu.memory_space<vmem>>
    %dma_start3A_49 = arith.constant 0 : i32
    %dma_start3A_50 = tpu.memref_slice %arg14[%dma_start3A_42, %dma_start3A_49] : memref<128x128xi32, #tpu.memory_space<vmem>> -> memref<1x128xi32, #tpu.memory_space<vmem>>
    %dma_start3A_51 = tpu.memref_squeeze %dma_start3A_50 : memref<1x128xi32, #tpu.memory_space<vmem>> -> memref<128xi32, #tpu.memory_space<vmem>>
    %dma_start3A_52 = arith.constant 0 : i32
    %dma_start3A_53 = arith.constant 0 : i32
    %dma_start3A_54 = tpu.memref_slice %arg2[%dma_start3A_52, %dma_start3A_53] : memref<100000x64xf32, #tpu.memory_space<hbm>> -> memref<100000x64xf32, #tpu.memory_space<hbm>>
    tpu.enqueue_indirect_dma source(%dma_start3A_54 : memref<100000x64xf32, #tpu.memory_space<hbm>>) target(%dma_start3A_48 : memref<128x64xf32, #tpu.memory_space<vmem>>) offsets(%dma_start3A_51 : memref<128xi32, #tpu.memory_space<vmem>>) semaphore(%arg22 : memref<!tpu.dma_semaphore, #tpu.memory_space<semaphore_mem>>)
    %dma_start3A_55 = arith.constant 1 : i32
    %dma_start3A_56 = arith.constant 1 : i32
    %dma_start3A_57 = arith.constant 0 : i32
    %dma_start3A_58 = arith.constant 0 : i32
    %dma_start3A_59 = arith.constant 0 : i32
    %dma_start3A_60 = tpu.memref_slice %arg17[%dma_start3A_56, %dma_start3A_57, %dma_start3A_58, %dma_start3A_59] : memref<4x2x128x64xf32, #tpu.memory_space<vmem>> -> memref<1x1x128x64xf32, #tpu.memory_space<vmem>>
    %dma_start3A_61 = tpu.memref_squeeze %dma_start3A_60 : memref<1x1x128x64xf32, #tpu.memory_space<vmem>> -> memref<128x64xf32, #tpu.memory_space<vmem>>
    %dma_start3A_62 = arith.constant 0 : i32
    %dma_start3A_63 = tpu.memref_slice %arg13[%dma_start3A_55, %dma_start3A_62] : memref<128x128xi32, #tpu.memory_space<vmem>> -> memref<1x128xi32, #tpu.memory_space<vmem>>
    %dma_start3A_64 = tpu.memref_squeeze %dma_start3A_63 : memref<1x128xi32, #tpu.memory_space<vmem>> -> memref<128xi32, #tpu.memory_space<vmem>>
    %dma_start3A_65 = arith.constant 0 : i32
    %dma_start3A_66 = arith.constant 0 : i32
    %dma_start3A_67 = tpu.memref_slice %arg2[%dma_start3A_65, %dma_start3A_66] : memref<100000x64xf32, #tpu.memory_space<hbm>> -> memref<100000x64xf32, #tpu.memory_space<hbm>>
    tpu.enqueue_indirect_dma source(%dma_start3A_67 : memref<100000x64xf32, #tpu.memory_space<hbm>>) target(%dma_start3A_61 : memref<128x64xf32, #tpu.memory_space<vmem>>) offsets(%dma_start3A_64 : memref<128xi32, #tpu.memory_space<vmem>>) semaphore(%arg23 : memref<!tpu.dma_semaphore, #tpu.memory_space<semaphore_mem>>)
    %dma_start3A_68 = arith.constant 1 : i32
    %dma_start3A_69 = arith.constant 1 : i32
    %dma_start3A_70 = arith.constant 1 : i32
    %dma_start3A_71 = arith.constant 0 : i32
    %dma_start3A_72 = arith.constant 0 : i32
    %dma_start3A_73 = tpu.memref_slice %arg17[%dma_start3A_69, %dma_start3A_70, %dma_start3A_71, %dma_start3A_72] : memref<4x2x128x64xf32, #tpu.memory_space<vmem>> -> memref<1x1x128x64xf32, #tpu.memory_space<vmem>>
    %dma_start3A_74 = tpu.memref_squeeze %dma_start3A_73 : memref<1x1x128x64xf32, #tpu.memory_space<vmem>> -> memref<128x64xf32, #tpu.memory_space<vmem>>
    %dma_start3A_75 = arith.constant 0 : i32
    %dma_start3A_76 = tpu.memref_slice %arg14[%dma_start3A_68, %dma_start3A_75] : memref<128x128xi32, #tpu.memory_space<vmem>> -> memref<1x128xi32, #tpu.memory_space<vmem>>
    %dma_start3A_77 = tpu.memref_squeeze %dma_start3A_76 : memref<1x128xi32, #tpu.memory_space<vmem>> -> memref<128xi32, #tpu.memory_space<vmem>>
    %dma_start3A_78 = arith.constant 0 : i32
    %dma_start3A_79 = arith.constant 0 : i32
    %dma_start3A_80 = tpu.memref_slice %arg2[%dma_start3A_78, %dma_start3A_79] : memref<100000x64xf32, #tpu.memory_space<hbm>> -> memref<100000x64xf32, #tpu.memory_space<hbm>>
    tpu.enqueue_indirect_dma source(%dma_start3A_80 : memref<100000x64xf32, #tpu.memory_space<hbm>>) target(%dma_start3A_74 : memref<128x64xf32, #tpu.memory_space<vmem>>) offsets(%dma_start3A_77 : memref<128xi32, #tpu.memory_space<vmem>>) semaphore(%arg23 : memref<!tpu.dma_semaphore, #tpu.memory_space<semaphore_mem>>)
    %dma_start3A_81 = arith.constant 3 : i32
    %dma_start3A_82 = arith.constant 3 : i32
    %dma_start3A_83 = arith.constant 0 : i32
    %dma_start3A_84 = arith.constant 0 : i32
    %dma_start3A_85 = arith.constant 0 : i32
    %dma_start3A_86 = tpu.memref_slice %arg17[%dma_start3A_82, %dma_start3A_83, %dma_start3A_84, %dma_start3A_85] : memref<4x2x128x64xf32, #tpu.memory_space<vmem>> -> memref<1x1x128x64xf32, #tpu.memory_space<vmem>>
    %dma_start3A_87 = tpu.memref_squeeze %dma_start3A_86 : memref<1x1x128x64xf32, #tpu.memory_space<vmem>> -> memref<128x64xf32, #tpu.memory_space<vmem>>
    %dma_start3A_88 = arith.constant 0 : i32
    %dma_start3A_89 = tpu.memref_slice %arg13[%dma_start3A_81, %dma_start3A_88] : memref<128x128xi32, #tpu.memory_space<vmem>> -> memref<1x128xi32, #tpu.memory_space<vmem>>
    %dma_start3A_90 = tpu.memref_squeeze %dma_start3A_89 : memref<1x128xi32, #tpu.memory_space<vmem>> -> memref<128xi32, #tpu.memory_space<vmem>>
    %dma_start3A_91 = arith.constant 0 : i32
    %dma_start3A_92 = arith.constant 0 : i32
    %dma_start3A_93 = tpu.memref_slice %arg2[%dma_start3A_91, %dma_start3A_92] : memref<100000x64xf32, #tpu.memory_space<hbm>> -> memref<100000x64xf32, #tpu.memory_space<hbm>>
    tpu.enqueue_indirect_dma source(%dma_start3A_93 : memref<100000x64xf32, #tpu.memory_space<hbm>>) target(%dma_start3A_87 : memref<128x64xf32, #tpu.memory_space<vmem>>) offsets(%dma_start3A_90 : memref<128xi32, #tpu.memory_space<vmem>>) semaphore(%arg25 : memref<!tpu.dma_semaphore, #tpu.memory_space<semaphore_mem>>)
    %dma_start3A_94 = arith.constant 3 : i32
    %dma_start3A_95 = arith.constant 3 : i32
    %dma_start3A_96 = arith.constant 1 : i32
    %dma_start3A_97 = arith.constant 0 : i32
    %dma_start3A_98 = arith.constant 0 : i32
    %dma_start3A_99 = tpu.memref_slice %arg17[%dma_start3A_95, %dma_start3A_96, %dma_start3A_97, %dma_start3A_98] : memref<4x2x128x64xf32, #tpu.memory_space<vmem>> -> memref<1x1x128x64xf32, #tpu.memory_space<vmem>>
    %dma_start3A_100 = tpu.memref_squeeze %dma_start3A_99 : memref<1x1x128x64xf32, #tpu.memory_space<vmem>> -> memref<128x64xf32, #tpu.memory_space<vmem>>
    %dma_start3A_101 = arith.constant 0 : i32
    %dma_start3A_102 = tpu.memref_slice %arg14[%dma_start3A_94, %dma_start3A_101] : memref<128x128xi32, #tpu.memory_space<vmem>> -> memref<1x128xi32, #tpu.memory_space<vmem>>
    %dma_start3A_103 = tpu.memref_squeeze %dma_start3A_102 : memref<1x128xi32, #tpu.memory_space<vmem>> -> memref<128xi32, #tpu.memory_space<vmem>>
    %dma_start3A_104 = arith.constant 0 : i32
    %dma_start3A_105 = arith.constant 0 : i32
    %dma_start3A_106 = tpu.memref_slice %arg2[%dma_start3A_104, %dma_start3A_105] : memref<100000x64xf32, #tpu.memory_space<hbm>> -> memref<100000x64xf32, #tpu.memory_space<hbm>>
    tpu.enqueue_indirect_dma source(%dma_start3A_106 : memref<100000x64xf32, #tpu.memory_space<hbm>>) target(%dma_start3A_100 : memref<128x64xf32, #tpu.memory_space<vmem>>) offsets(%dma_start3A_103 : memref<128xi32, #tpu.memory_space<vmem>>) semaphore(%arg25 : memref<!tpu.dma_semaphore, #tpu.memory_space<semaphore_mem>>)
    %dma_start3A_107 = arith.constant 0 : i32
    %dma_start3A_108 = arith.constant 0 : i32
    %dma_start3A_109 = tpu.memref_slice %arg2[%dma_start3A_107, %dma_start3A_108] : memref<100000x64xf32, #tpu.memory_space<hbm>> -> memref<100000x64xf32, #tpu.memory_space<hbm>>
    tpu.enqueue_indirect_dma source(%dma_start3A_109 : memref<100000x64xf32, #tpu.memory_space<hbm>>) target(%arg15 : memref<128x64xf32, #tpu.memory_space<vmem>>) offsets(%arg10 : memref<128xi32, #tpu.memory_space<vmem>>) semaphore(%arg19 : memref<!tpu.dma_semaphore, #tpu.memory_space<semaphore_mem>>)
    %dma_start3A_110 = arith.constant 2 : i32
    %dma_start3A_111 = arith.constant 1 : i32
    %dma_start3A_112 = arith.constant 0 : i32
    %dma_start3A_113 = arith.constant 0 : i32
    %dma_start3A_114 = tpu.memref_slice %arg17[%dma_start3A_110, %dma_start3A_111, %dma_start3A_112, %dma_start3A_113] : memref<4x2x128x64xf32, #tpu.memory_space<vmem>> -> memref<1x1x128x64xf32, #tpu.memory_space<vmem>>
    %dma_start3A_115 = tpu.memref_squeeze %dma_start3A_114 : memref<1x1x128x64xf32, #tpu.memory_space<vmem>> -> memref<128x64xf32, #tpu.memory_space<vmem>>
    %dma_start3A_116 = arith.constant 0 : i32
    %dma_start3A_117 = arith.constant 0 : i32
    %dma_start3A_118 = tpu.memref_slice %arg3[%dma_start3A_116, %dma_start3A_117] : memref<1000x64xf32, #tpu.memory_space<hbm>> -> memref<1000x64xf32, #tpu.memory_space<hbm>>
    tpu.enqueue_indirect_dma source(%dma_start3A_118 : memref<1000x64xf32, #tpu.memory_space<hbm>>) target(%dma_start3A_115 : memref<128x64xf32, #tpu.memory_space<vmem>>) offsets(%arg11 : memref<128xi32, #tpu.memory_space<vmem>>) semaphore(%arg20 : memref<!tpu.dma_semaphore, #tpu.memory_space<semaphore_mem>>)
    %dma_start3A_119 = arith.constant 2 : i32
    %dma_start3A_120 = arith.constant 0 : i32
    %dma_start3A_121 = arith.constant 0 : i32
    %dma_start3A_122 = arith.constant 0 : i32
    %dma_start3A_123 = tpu.memref_slice %arg17[%dma_start3A_119, %dma_start3A_120, %dma_start3A_121, %dma_start3A_122] : memref<4x2x128x64xf32, #tpu.memory_space<vmem>> -> memref<1x1x128x64xf32, #tpu.memory_space<vmem>>
    %dma_start3A_124 = tpu.memref_squeeze %dma_start3A_123 : memref<1x1x128x64xf32, #tpu.memory_space<vmem>> -> memref<128x64xf32, #tpu.memory_space<vmem>>
    %dma_start3A_125 = arith.constant 0 : i32
    %dma_start3A_126 = arith.constant 0 : i32
    %dma_start3A_127 = tpu.memref_slice %arg2[%dma_start3A_125, %dma_start3A_126] : memref<100000x64xf32, #tpu.memory_space<hbm>> -> memref<100000x64xf32, #tpu.memory_space<hbm>>
    tpu.enqueue_indirect_dma source(%dma_start3A_127 : memref<100000x64xf32, #tpu.memory_space<hbm>>) target(%dma_start3A_124 : memref<128x64xf32, #tpu.memory_space<vmem>>) offsets(%arg12 : memref<128xi32, #tpu.memory_space<vmem>>) semaphore(%arg21 : memref<!tpu.dma_semaphore, #tpu.memory_space<semaphore_mem>>)
    %dma_wait3A = arith.constant 0 : i32
    %dma_wait3A_128 = arith.constant 0 : i32
    %dma_wait3A_129 = tpu.memref_slice %arg2[%dma_wait3A, %dma_wait3A_128] : memref<100000x64xf32, #tpu.memory_space<hbm>> -> memref<100000x64xf32, #tpu.memory_space<hbm>>
    tpu.wait_indirect_dma semaphore(%arg19 : memref<!tpu.dma_semaphore, #tpu.memory_space<semaphore_mem>>) src(%dma_wait3A_129 : memref<100000x64xf32, #tpu.memory_space<hbm>>) dst(%arg15 : memref<128x64xf32, #tpu.memory_space<vmem>>)
    %dma_wait3A_130 = arith.constant 2 : i32
    %dma_wait3A_131 = arith.constant 1 : i32
    %dma_wait3A_132 = arith.constant 0 : i32
    %dma_wait3A_133 = arith.constant 0 : i32
    %dma_wait3A_134 = tpu.memref_slice %arg17[%dma_wait3A_130, %dma_wait3A_131, %dma_wait3A_132, %dma_wait3A_133] : memref<4x2x128x64xf32, #tpu.memory_space<vmem>> -> memref<1x1x128x64xf32, #tpu.memory_space<vmem>>
    %dma_wait3A_135 = tpu.memref_squeeze %dma_wait3A_134 : memref<1x1x128x64xf32, #tpu.memory_space<vmem>> -> memref<128x64xf32, #tpu.memory_space<vmem>>
    %dma_wait3A_136 = arith.constant 0 : i32
    %dma_wait3A_137 = arith.constant 0 : i32
    %dma_wait3A_138 = tpu.memref_slice %arg3[%dma_wait3A_136, %dma_wait3A_137] : memref<1000x64xf32, #tpu.memory_space<hbm>> -> memref<1000x64xf32, #tpu.memory_space<hbm>>
    tpu.wait_indirect_dma semaphore(%arg20 : memref<!tpu.dma_semaphore, #tpu.memory_space<semaphore_mem>>) src(%dma_wait3A_138 : memref<1000x64xf32, #tpu.memory_space<hbm>>) dst(%dma_wait3A_135 : memref<128x64xf32, #tpu.memory_space<vmem>>)
    %scan3A = arith.constant 2 : i32
    %scan3A_139 = arith.constant 1 : i32
    %scan3A_140 = arith.constant 0 : i32
    %scan3A_141 = arith.constant 128 : i32
    %scan3A_142 = arith.addi %scan3A_140, %scan3A_141 : i32
    %scan3A_143 = arith.constant 4 : i32
    scf.for %scan3A_311 = %scan3A_140 to %scan3A_142 step %scan3A_143  : i32 {
      %get3A = arith.index_cast %scan3A_311 : i32 to index
      %get3A_312 = arith.constant 0 : index
      %get3A_313 = tpu.vector_load %arg15[%get3A, %get3A_312] {strides = array<i32>} : memref<128x64xf32, #tpu.memory_space<vmem>>, vector<16xf32>,
      %get3A_314 = arith.constant 0 : i32
      %get3A_315 = arith.constant 0 : i32
      %get3A_316 = tpu.memref_slice %arg17[%scan3A, %scan3A_139, %get3A_314, %get3A_315] : memref<4x2x128x64xf32, #tpu.memory_space<vmem>> -> memref<1x1x128x64xf32, #tpu.memory_space<vmem>>
      %get3A_317 = tpu.memref_squeeze %get3A_316 : memref<1x1x128x64xf32, #tpu.memory_space<vmem>> -> memref<128x64xf32, #tpu.memory_space<vmem>>
      %get3A_318 = arith.index_cast %scan3A_311 : i32 to index
      %get3A_319 = arith.constant 0 : index
      %get3A_320 = tpu.vector_load %get3A_317[%get3A_318, %get3A_319] {strides = array<i32>} : memref<128x64xf32, #tpu.memory_space<vmem>>, vector<16xf32>,
      %add3A_321 = arith.addf %get3A_313, %get3A_320 : vector<16xf32>
      %swap3A_322 = arith.index_cast %scan3A_311 : i32 to index
      %swap3A_323 = arith.constant 0 : index
      %swap3A_324 = tpu.vector_load %arg15[%swap3A_322, %swap3A_323] {strides = array<i32>} : memref<128x64xf32, #tpu.memory_space<vmem>>, vector<16xf32>,
      tpu.vector_store %arg15[%swap3A_322, %swap3A_323], %add3A_321 {strides = array<i32>} : memref<128x64xf32, #tpu.memory_space<vmem>>, vector<16xf32>,
      %get3A_325 = arith.index_cast %scan3A_311 : i32 to index
      %get3A_326 = arith.constant 16 : index
      %get3A_327 = tpu.vector_load %arg15[%get3A_325, %get3A_326] {strides = array<i32>} : memref<128x64xf32, #tpu.memory_space<vmem>>, vector<16xf32>,
      %get3A_328 = arith.constant 0 : i32
      %get3A_329 = arith.constant 0 : i32
      %get3A_330 = tpu.memref_slice %arg17[%scan3A, %scan3A_139, %get3A_328, %get3A_329] : memref<4x2x128x64xf32, #tpu.memory_space<vmem>> -> memref<1x1x128x64xf32, #tpu.memory_space<vmem>>
      %get3A_331 = tpu.memref_squeeze %get3A_330 : memref<1x1x128x64xf32, #tpu.memory_space<vmem>> -> memref<128x64xf32, #tpu.memory_space<vmem>>
      %get3A_332 = arith.index_cast %scan3A_311 : i32 to index
      %get3A_333 = arith.constant 16 : index
      %get3A_334 = tpu.vector_load %get3A_331[%get3A_332, %get3A_333] {strides = array<i32>} : memref<128x64xf32, #tpu.memory_space<vmem>>, vector<16xf32>,
      %add3A_335 = arith.addf %get3A_327, %get3A_334 : vector<16xf32>
      %swap3A_336 = arith.index_cast %scan3A_311 : i32 to index
      %swap3A_337 = arith.constant 16 : index
      %swap3A_338 = tpu.vector_load %arg15[%swap3A_336, %swap3A_337] {strides = array<i32>} : memref<128x64xf32, #tpu.memory_space<vmem>>, vector<16xf32>,
      tpu.vector_store %arg15[%swap3A_336, %swap3A_337], %add3A_335 {strides = array<i32>} : memref<128x64xf32, #tpu.memory_space<vmem>>, vector<16xf32>,
      %get3A_339 = arith.index_cast %scan3A_311 : i32 to index
      %get3A_340 = arith.constant 32 : index
      %get3A_341 = tpu.vector_load %arg15[%get3A_339, %get3A_340] {strides = array<i32>} : memref<128x64xf32, #tpu.memory_space<vmem>>, vector<16xf32>,
      %get3A_342 = arith.constant 0 : i32
      %get3A_343 = arith.constant 0 : i32
      %get3A_344 = tpu.memref_slice %arg17[%scan3A, %scan3A_139, %get3A_342, %get3A_343] : memref<4x2x128x64xf32, #tpu.memory_space<vmem>> -> memref<1x1x128x64xf32, #tpu.memory_space<vmem>>
      %get3A_345 = tpu.memref_squeeze %get3A_344 : memref<1x1x128x64xf32, #tpu.memory_space<vmem>> -> memref<128x64xf32, #tpu.memory_space<vmem>>
      %get3A_346 = arith.index_cast %scan3A_311 : i32 to index
      %get3A_347 = arith.constant 32 : index
      %get3A_348 = tpu.vector_load %get3A_345[%get3A_346, %get3A_347] {strides = array<i32>} : memref<128x64xf32, #tpu.memory_space<vmem>>, vector<16xf32>,
      %add3A_349 = arith.addf %get3A_341, %get3A_348 : vector<16xf32>
      %swap3A_350 = arith.index_cast %scan3A_311 : i32 to index
      %swap3A_351 = arith.constant 32 : index
      %swap3A_352 = tpu.vector_load %arg15[%swap3A_350, %swap3A_351] {strides = array<i32>} : memref<128x64xf32, #tpu.memory_space<vmem>>, vector<16xf32>,
      tpu.vector_store %arg15[%swap3A_350, %swap3A_351], %add3A_349 {strides = array<i32>} : memref<128x64xf32, #tpu.memory_space<vmem>>, vector<16xf32>,
      %get3A_353 = arith.index_cast %scan3A_311 : i32 to index
      %get3A_354 = arith.constant 48 : index
      %get3A_355 = tpu.vector_load %arg15[%get3A_353, %get3A_354] {strides = array<i32>} : memref<128x64xf32, #tpu.memory_space<vmem>>, vector<16xf32>,
      %get3A_356 = arith.constant 0 : i32
      %get3A_357 = arith.constant 0 : i32
      %get3A_358 = tpu.memref_slice %arg17[%scan3A, %scan3A_139, %get3A_356, %get3A_357] : memref<4x2x128x64xf32, #tpu.memory_space<vmem>> -> memref<1x1x128x64xf32, #tpu.memory_space<vmem>>
      %get3A_359 = tpu.memref_squeeze %get3A_358 : memref<1x1x128x64xf32, #tpu.memory_space<vmem>> -> memref<128x64xf32, #tpu.memory_space<vmem>>
      %get3A_360 = arith.index_cast %scan3A_311 : i32 to index
      %get3A_361 = arith.constant 48 : index
      %get3A_362 = tpu.vector_load %get3A_359[%get3A_360, %get3A_361] {strides = array<i32>} : memref<128x64xf32, #tpu.memory_space<vmem>>, vector<16xf32>,
      %add3A_363 = arith.addf %get3A_355, %get3A_362 : vector<16xf32>
      %swap3A_364 = arith.index_cast %scan3A_311 : i32 to index
      %swap3A_365 = arith.constant 48 : index
      %swap3A_366 = tpu.vector_load %arg15[%swap3A_364, %swap3A_365] {strides = array<i32>} : memref<128x64xf32, #tpu.memory_space<vmem>>, vector<16xf32>,
      tpu.vector_store %arg15[%swap3A_364, %swap3A_365], %add3A_363 {strides = array<i32>} : memref<128x64xf32, #tpu.memory_space<vmem>>, vector<16xf32>,
      %scan3A_367 = arith.constant 1 : i32
      %scan3A_368 = arith.addi %scan3A_311, %scan3A_367 : i32
      %get3A_369 = arith.index_cast %scan3A_368 : i32 to index
      %get3A_370 = arith.constant 0 : index
      %get3A_371 = tpu.vector_load %arg15[%get3A_369, %get3A_370] {strides = array<i32>} : memref<128x64xf32, #tpu.memory_space<vmem>>, vector<16xf32>,
      %get3A_372 = arith.constant 0 : i32
      %get3A_373 = arith.constant 0 : i32
      %get3A_374 = tpu.memref_slice %arg17[%scan3A, %scan3A_139, %get3A_372, %get3A_373] : memref<4x2x128x64xf32, #tpu.memory_space<vmem>> -> memref<1x1x128x64xf32, #tpu.memory_space<vmem>>
      %get3A_375 = tpu.memref_squeeze %get3A_374 : memref<1x1x128x64xf32, #tpu.memory_space<vmem>> -> memref<128x64xf32, #tpu.memory_space<vmem>>
      %get3A_376 = arith.index_cast %scan3A_368 : i32 to index
      %get3A_377 = arith.constant 0 : index
      %get3A_378 = tpu.vector_load %get3A_375[%get3A_376, %get3A_377] {strides = array<i32>} : memref<128x64xf32, #tpu.memory_space<vmem>>, vector<16xf32>,
      %add3A_379 = arith.addf %get3A_371, %get3A_378 : vector<16xf32>
      %swap3A_380 = arith.index_cast %scan3A_368 : i32 to index
      %swap3A_381 = arith.constant 0 : index
      %swap3A_382 = tpu.vector_load %arg15[%swap3A_380, %swap3A_381] {strides = array<i32>} : memref<128x64xf32, #tpu.memory_space<vmem>>, vector<16xf32>,
      tpu.vector_store %arg15[%swap3A_380, %swap3A_381], %add3A_379 {strides = array<i32>} : memref<128x64xf32, #tpu.memory_space<vmem>>, vector<16xf32>,
      %get3A_383 = arith.index_cast %scan3A_368 : i32 to index
      %get3A_384 = arith.constant 16 : index
      %get3A_385 = tpu.vector_load %arg15[%get3A_383, %get3A_384] {strides = array<i32>} : memref<128x64xf32, #tpu.memory_space<vmem>>, vector<16xf32>,
      %get3A_386 = arith.constant 0 : i32
      %get3A_387 = arith.constant 0 : i32
      %get3A_388 = tpu.memref_slice %arg17[%scan3A, %scan3A_139, %get3A_386, %get3A_387] : memref<4x2x128x64xf32, #tpu.memory_space<vmem>> -> memref<1x1x128x64xf32, #tpu.memory_space<vmem>>
      %get3A_389 = tpu.memref_squeeze %get3A_388 : memref<1x1x128x64xf32, #tpu.memory_space<vmem>> -> memref<128x64xf32, #tpu.memory_space<vmem>>
      %get3A_390 = arith.index_cast %scan3A_368 : i32 to index
      %get3A_391 = arith.constant 16 : index
      %get3A_392 = tpu.vector_load %get3A_389[%get3A_390, %get3A_391] {strides = array<i32>} : memref<128x64xf32, #tpu.memory_space<vmem>>, vector<16xf32>,
      %add3A_393 = arith.addf %get3A_385, %get3A_392 : vector<16xf32>
      %swap3A_394 = arith.index_cast %scan3A_368 : i32 to index
      %swap3A_395 = arith.constant 16 : index
      %swap3A_396 = tpu.vector_load %arg15[%swap3A_394, %swap3A_395] {strides = array<i32>} : memref<128x64xf32, #tpu.memory_space<vmem>>, vector<16xf32>,
      tpu.vector_store %arg15[%swap3A_394, %swap3A_395], %add3A_393 {strides = array<i32>} : memref<128x64xf32, #tpu.memory_space<vmem>>, vector<16xf32>,
      %get3A_397 = arith.index_cast %scan3A_368 : i32 to index
      %get3A_398 = arith.constant 32 : index
      %get3A_399 = tpu.vector_load %arg15[%get3A_397, %get3A_398] {strides = array<i32>} : memref<128x64xf32, #tpu.memory_space<vmem>>, vector<16xf32>,
      %get3A_400 = arith.constant 0 : i32
      %get3A_401 = arith.constant 0 : i32
      %get3A_402 = tpu.memref_slice %arg17[%scan3A, %scan3A_139, %get3A_400, %get3A_401] : memref<4x2x128x64xf32, #tpu.memory_space<vmem>> -> memref<1x1x128x64xf32, #tpu.memory_space<vmem>>
      %get3A_403 = tpu.memref_squeeze %get3A_402 : memref<1x1x128x64xf32, #tpu.memory_space<vmem>> -> memref<128x64xf32, #tpu.memory_space<vmem>>
      %get3A_404 = arith.index_cast %scan3A_368 : i32 to index
      %get3A_405 = arith.constant 32 : index
      %get3A_406 = tpu.vector_load %get3A_403[%get3A_404, %get3A_405] {strides = array<i32>} : memref<128x64xf32, #tpu.memory_space<vmem>>, vector<16xf32>,
      %add3A_407 = arith.addf %get3A_399, %get3A_406 : vector<16xf32>
      %swap3A_408 = arith.index_cast %scan3A_368 : i32 to index
      %swap3A_409 = arith.constant 32 : index
      %swap3A_410 = tpu.vector_load %arg15[%swap3A_408, %swap3A_409] {strides = array<i32>} : memref<128x64xf32, #tpu.memory_space<vmem>>, vector<16xf32>,
      tpu.vector_store %arg15[%swap3A_408, %swap3A_409], %add3A_407 {strides = array<i32>} : memref<128x64xf32, #tpu.memory_space<vmem>>, vector<16xf32>,
      %get3A_411 = arith.index_cast %scan3A_368 : i32 to index
      %get3A_412 = arith.constant 48 : index
      %get3A_413 = tpu.vector_load %arg15[%get3A_411, %get3A_412] {strides = array<i32>} : memref<128x64xf32, #tpu.memory_space<vmem>>, vector<16xf32>,
      %get3A_414 = arith.constant 0 : i32
      %get3A_415 = arith.constant 0 : i32
      %get3A_416 = tpu.memref_slice %arg17[%scan3A, %scan3A_139, %get3A_414, %get3A_415] : memref<4x2x128x64xf32, #tpu.memory_space<vmem>> -> memref<1x1x128x64xf32, #tpu.memory_space<vmem>>
      %get3A_417 = tpu.memref_squeeze %get3A_416 : memref<1x1x128x64xf32, #tpu.memory_space<vmem>> -> memref<128x64xf32, #tpu.memory_space<vmem>>
      %get3A_418 = arith.index_cast %scan3A_368 : i32 to index
      %get3A_419 = arith.constant 48 : index
      %get3A_420 = tpu.vector_load %get3A_417[%get3A_418, %get3A_419] {strides = array<i32>} : memref<128x64xf32, #tpu.memory_space<vmem>>, vector<16xf32>,
      %add3A_421 = arith.addf %get3A_413, %get3A_420 : vector<16xf32>
      %swap3A_422 = arith.index_cast %scan3A_368 : i32 to index
      %swap3A_423 = arith.constant 48 : index
      %swap3A_424 = tpu.vector_load %arg15[%swap3A_422, %swap3A_423] {strides = array<i32>} : memref<128x64xf32, #tpu.memory_space<vmem>>, vector<16xf32>,
      tpu.vector_store %arg15[%swap3A_422, %swap3A_423], %add3A_421 {strides = array<i32>} : memref<128x64xf32, #tpu.memory_space<vmem>>, vector<16xf32>,
      %scan3A_425 = arith.constant 2 : i32
      %scan3A_426 = arith.addi %scan3A_311, %scan3A_425 : i32
      %get3A_427 = arith.index_cast %scan3A_426 : i32 to index
      %get3A_428 = arith.constant 0 : index
      %get3A_429 = tpu.vector_load %arg15[%get3A_427, %get3A_428] {strides = array<i32>} : memref<128x64xf32, #tpu.memory_space<vmem>>, vector<16xf32>,
      %get3A_430 = arith.constant 0 : i32
      %get3A_431 = arith.constant 0 : i32
      %get3A_432 = tpu.memref_slice %arg17[%scan3A, %scan3A_139, %get3A_430, %get3A_431] : memref<4x2x128x64xf32, #tpu.memory_space<vmem>> -> memref<1x1x128x64xf32, #tpu.memory_space<vmem>>
      %get3A_433 = tpu.memref_squeeze %get3A_432 : memref<1x1x128x64xf32, #tpu.memory_space<vmem>> -> memref<128x64xf32, #tpu.memory_space<vmem>>
      %get3A_434 = arith.index_cast %scan3A_426 : i32 to index
      %get3A_435 = arith.constant 0 : index
      %get3A_436 = tpu.vector_load %get3A_433[%get3A_434, %get3A_435] {strides = array<i32>} : memref<128x64xf32, #tpu.memory_space<vmem>>, vector<16xf32>,
      %add3A_437 = arith.addf %get3A_429, %get3A_436 : vector<16xf32>
      %swap3A_438 = arith.index_cast %scan3A_426 : i32 to index
      %swap3A_439 = arith.constant 0 : index
      %swap3A_440 = tpu.vector_load %arg15[%swap3A_438, %swap3A_439] {strides = array<i32>} : memref<128x64xf32, #tpu.memory_space<vmem>>, vector<16xf32>,
      tpu.vector_store %arg15[%swap3A_438, %swap3A_439], %add3A_437 {strides = array<i32>} : memref<128x64xf32, #tpu.memory_space<vmem>>, vector<16xf32>,
      %get3A_441 = arith.index_cast %scan3A_426 : i32 to index
      %get3A_442 = arith.constant 16 : index
      %get3A_443 = tpu.vector_load %arg15[%get3A_441, %get3A_442] {strides = array<i32>} : memref<128x64xf32, #tpu.memory_space<vmem>>, vector<16xf32>,
      %get3A_444 = arith.constant 0 : i32
      %get3A_445 = arith.constant 0 : i32
      %get3A_446 = tpu.memref_slice %arg17[%scan3A, %scan3A_139, %get3A_444, %get3A_445] : memref<4x2x128x64xf32, #tpu.memory_space<vmem>> -> memref<1x1x128x64xf32, #tpu.memory_space<vmem>>
      %get3A_447 = tpu.memref_squeeze %get3A_446 : memref<1x1x128x64xf32, #tpu.memory_space<vmem>> -> memref<128x64xf32, #tpu.memory_space<vmem>>
      %get3A_448 = arith.index_cast %scan3A_426 : i32 to index
      %get3A_449 = arith.constant 16 : index
      %get3A_450 = tpu.vector_load %get3A_447[%get3A_448, %get3A_449] {strides = array<i32>} : memref<128x64xf32, #tpu.memory_space<vmem>>, vector<16xf32>,
      %add3A_451 = arith.addf %get3A_443, %get3A_450 : vector<16xf32>
      %swap3A_452 = arith.index_cast %scan3A_426 : i32 to index
      %swap3A_453 = arith.constant 16 : index
      %swap3A_454 = tpu.vector_load %arg15[%swap3A_452, %swap3A_453] {strides = array<i32>} : memref<128x64xf32, #tpu.memory_space<vmem>>, vector<16xf32>,
      tpu.vector_store %arg15[%swap3A_452, %swap3A_453], %add3A_451 {strides = array<i32>} : memref<128x64xf32, #tpu.memory_space<vmem>>, vector<16xf32>,
      %get3A_455 = arith.index_cast %scan3A_426 : i32 to index
      %get3A_456 = arith.constant 32 : index
      %get3A_457 = tpu.vector_load %arg15[%get3A_455, %get3A_456] {strides = array<i32>} : memref<128x64xf32, #tpu.memory_space<vmem>>, vector<16xf32>,
      %get3A_458 = arith.constant 0 : i32
      %get3A_459 = arith.constant 0 : i32
      %get3A_460 = tpu.memref_slice %arg17[%scan3A, %scan3A_139, %get3A_458, %get3A_459] : memref<4x2x128x64xf32, #tpu.memory_space<vmem>> -> memref<1x1x128x64xf32, #tpu.memory_space<vmem>>
      %get3A_461 = tpu.memref_squeeze %get3A_460 : memref<1x1x128x64xf32, #tpu.memory_space<vmem>> -> memref<128x64xf32, #tpu.memory_space<vmem>>
      %get3A_462 = arith.index_cast %scan3A_426 : i32 to index
      %get3A_463 = arith.constant 32 : index
      %get3A_464 = tpu.vector_load %get3A_461[%get3A_462, %get3A_463] {strides = array<i32>} : memref<128x64xf32, #tpu.memory_space<vmem>>, vector<16xf32>,
      %add3A_465 = arith.addf %get3A_457, %get3A_464 : vector<16xf32>
      %swap3A_466 = arith.index_cast %scan3A_426 : i32 to index
      %swap3A_467 = arith.constant 32 : index
      %swap3A_468 = tpu.vector_load %arg15[%swap3A_466, %swap3A_467] {strides = array<i32>} : memref<128x64xf32, #tpu.memory_space<vmem>>, vector<16xf32>,
      tpu.vector_store %arg15[%swap3A_466, %swap3A_467], %add3A_465 {strides = array<i32>} : memref<128x64xf32, #tpu.memory_space<vmem>>, vector<16xf32>,
      %get3A_469 = arith.index_cast %scan3A_426 : i32 to index
      %get3A_470 = arith.constant 48 : index
      %get3A_471 = tpu.vector_load %arg15[%get3A_469, %get3A_470] {strides = array<i32>} : memref<128x64xf32, #tpu.memory_space<vmem>>, vector<16xf32>,
      %get3A_472 = arith.constant 0 : i32
      %get3A_473 = arith.constant 0 : i32
      %get3A_474 = tpu.memref_slice %arg17[%scan3A, %scan3A_139, %get3A_472, %get3A_473] : memref<4x2x128x64xf32, #tpu.memory_space<vmem>> -> memref<1x1x128x64xf32, #tpu.memory_space<vmem>>
      %get3A_475 = tpu.memref_squeeze %get3A_474 : memref<1x1x128x64xf32, #tpu.memory_space<vmem>> -> memref<128x64xf32, #tpu.memory_space<vmem>>
      %get3A_476 = arith.index_cast %scan3A_426 : i32 to index
      %get3A_477 = arith.constant 48 : index
      %get3A_478 = tpu.vector_load %get3A_475[%get3A_476, %get3A_477] {strides = array<i32>} : memref<128x64xf32, #tpu.memory_space<vmem>>, vector<16xf32>,
      %add3A_479 = arith.addf %get3A_471, %get3A_478 : vector<16xf32>
      %swap3A_480 = arith.index_cast %scan3A_426 : i32 to index
      %swap3A_481 = arith.constant 48 : index
      %swap3A_482 = tpu.vector_load %arg15[%swap3A_480, %swap3A_481] {strides = array<i32>} : memref<128x64xf32, #tpu.memory_space<vmem>>, vector<16xf32>,
      tpu.vector_store %arg15[%swap3A_480, %swap3A_481], %add3A_479 {strides = array<i32>} : memref<128x64xf32, #tpu.memory_space<vmem>>, vector<16xf32>,
      %scan3A_483 = arith.constant 3 : i32
      %scan3A_484 = arith.addi %scan3A_311, %scan3A_483 : i32
      %get3A_485 = arith.index_cast %scan3A_484 : i32 to index
      %get3A_486 = arith.constant 0 : index
      %get3A_487 = tpu.vector_load %arg15[%get3A_485, %get3A_486] {strides = array<i32>} : memref<128x64xf32, #tpu.memory_space<vmem>>, vector<16xf32>,
      %get3A_488 = arith.constant 0 : i32
      %get3A_489 = arith.constant 0 : i32
      %get3A_490 = tpu.memref_slice %arg17[%scan3A, %scan3A_139, %get3A_488, %get3A_489] : memref<4x2x128x64xf32, #tpu.memory_space<vmem>> -> memref<1x1x128x64xf32, #tpu.memory_space<vmem>>
      %get3A_491 = tpu.memref_squeeze %get3A_490 : memref<1x1x128x64xf32, #tpu.memory_space<vmem>> -> memref<128x64xf32, #tpu.memory_space<vmem>>
      %get3A_492 = arith.index_cast %scan3A_484 : i32 to index
      %get3A_493 = arith.constant 0 : index
      %get3A_494 = tpu.vector_load %get3A_491[%get3A_492, %get3A_493] {strides = array<i32>} : memref<128x64xf32, #tpu.memory_space<vmem>>, vector<16xf32>,
      %add3A_495 = arith.addf %get3A_487, %get3A_494 : vector<16xf32>
      %swap3A_496 = arith.index_cast %scan3A_484 : i32 to index
      %swap3A_497 = arith.constant 0 : index
      %swap3A_498 = tpu.vector_load %arg15[%swap3A_496, %swap3A_497] {strides = array<i32>} : memref<128x64xf32, #tpu.memory_space<vmem>>, vector<16xf32>,
      tpu.vector_store %arg15[%swap3A_496, %swap3A_497], %add3A_495 {strides = array<i32>} : memref<128x64xf32, #tpu.memory_space<vmem>>, vector<16xf32>,
      %get3A_499 = arith.index_cast %scan3A_484 : i32 to index
      %get3A_500 = arith.constant 16 : index
      %get3A_501 = tpu.vector_load %arg15[%get3A_499, %get3A_500] {strides = array<i32>} : memref<128x64xf32, #tpu.memory_space<vmem>>, vector<16xf32>,
      %get3A_502 = arith.constant 0 : i32
      %get3A_503 = arith.constant 0 : i32
      %get3A_504 = tpu.memref_slice %arg17[%scan3A, %scan3A_139, %get3A_502, %get3A_503] : memref<4x2x128x64xf32, #tpu.memory_space<vmem>> -> memref<1x1x128x64xf32, #tpu.memory_space<vmem>>
      %get3A_505 = tpu.memref_squeeze %get3A_504 : memref<1x1x128x64xf32, #tpu.memory_space<vmem>> -> memref<128x64xf32, #tpu.memory_space<vmem>>
      %get3A_506 = arith.index_cast %scan3A_484 : i32 to index
      %get3A_507 = arith.constant 16 : index
      %get3A_508 = tpu.vector_load %get3A_505[%get3A_506, %get3A_507] {strides = array<i32>} : memref<128x64xf32, #tpu.memory_space<vmem>>, vector<16xf32>,
      %add3A_509 = arith.addf %get3A_501, %get3A_508 : vector<16xf32>
      %swap3A_510 = arith.index_cast %scan3A_484 : i32 to index
      %swap3A_511 = arith.constant 16 : index
      %swap3A_512 = tpu.vector_load %arg15[%swap3A_510, %swap3A_511] {strides = array<i32>} : memref<128x64xf32, #tpu.memory_space<vmem>>, vector<16xf32>,
      tpu.vector_store %arg15[%swap3A_510, %swap3A_511], %add3A_509 {strides = array<i32>} : memref<128x64xf32, #tpu.memory_space<vmem>>, vector<16xf32>,
      %get3A_513 = arith.index_cast %scan3A_484 : i32 to index
      %get3A_514 = arith.constant 32 : index
      %get3A_515 = tpu.vector_load %arg15[%get3A_513, %get3A_514] {strides = array<i32>} : memref<128x64xf32, #tpu.memory_space<vmem>>, vector<16xf32>,
      %get3A_516 = arith.constant 0 : i32
      %get3A_517 = arith.constant 0 : i32
      %get3A_518 = tpu.memref_slice %arg17[%scan3A, %scan3A_139, %get3A_516, %get3A_517] : memref<4x2x128x64xf32, #tpu.memory_space<vmem>> -> memref<1x1x128x64xf32, #tpu.memory_space<vmem>>
      %get3A_519 = tpu.memref_squeeze %get3A_518 : memref<1x1x128x64xf32, #tpu.memory_space<vmem>> -> memref<128x64xf32, #tpu.memory_space<vmem>>
      %get3A_520 = arith.index_cast %scan3A_484 : i32 to index
      %get3A_521 = arith.constant 32 : index
      %get3A_522 = tpu.vector_load %get3A_519[%get3A_520, %get3A_521] {strides = array<i32>} : memref<128x64xf32, #tpu.memory_space<vmem>>, vector<16xf32>,
      %add3A_523 = arith.addf %get3A_515, %get3A_522 : vector<16xf32>
      %swap3A_524 = arith.index_cast %scan3A_484 : i32 to index
      %swap3A_525 = arith.constant 32 : index
      %swap3A_526 = tpu.vector_load %arg15[%swap3A_524, %swap3A_525] {strides = array<i32>} : memref<128x64xf32, #tpu.memory_space<vmem>>, vector<16xf32>,
      tpu.vector_store %arg15[%swap3A_524, %swap3A_525], %add3A_523 {strides = array<i32>} : memref<128x64xf32, #tpu.memory_space<vmem>>, vector<16xf32>,
      %get3A_527 = arith.index_cast %scan3A_484 : i32 to index
      %get3A_528 = arith.constant 48 : index
      %get3A_529 = tpu.vector_load %arg15[%get3A_527, %get3A_528] {strides = array<i32>} : memref<128x64xf32, #tpu.memory_space<vmem>>, vector<16xf32>,
      %get3A_530 = arith.constant 0 : i32
      %get3A_531 = arith.constant 0 : i32
      %get3A_532 = tpu.memref_slice %arg17[%scan3A, %scan3A_139, %get3A_530, %get3A_531] : memref<4x2x128x64xf32, #tpu.memory_space<vmem>> -> memref<1x1x128x64xf32, #tpu.memory_space<vmem>>
      %get3A_533 = tpu.memref_squeeze %get3A_532 : memref<1x1x128x64xf32, #tpu.memory_space<vmem>> -> memref<128x64xf32, #tpu.memory_space<vmem>>
      %get3A_534 = arith.index_cast %scan3A_484 : i32 to index
      %get3A_535 = arith.constant 48 : index
      %get3A_536 = tpu.vector_load %get3A_533[%get3A_534, %get3A_535] {strides = array<i32>} : memref<128x64xf32, #tpu.memory_space<vmem>>, vector<16xf32>,
      %add3A_537 = arith.addf %get3A_529, %get3A_536 : vector<16xf32>
      %swap3A_538 = arith.index_cast %scan3A_484 : i32 to index
      %swap3A_539 = arith.constant 48 : index
      %swap3A_540 = tpu.vector_load %arg15[%swap3A_538, %swap3A_539] {strides = array<i32>} : memref<128x64xf32, #tpu.memory_space<vmem>>, vector<16xf32>,
      tpu.vector_store %arg15[%swap3A_538, %swap3A_539], %add3A_537 {strides = array<i32>} : memref<128x64xf32, #tpu.memory_space<vmem>>, vector<16xf32>,
    }
    %scan3A_144 = arith.constant 128 : i32
    %dma_wait3A_145 = arith.constant 2 : i32
    %dma_wait3A_146 = arith.constant 0 : i32
    %dma_wait3A_147 = arith.constant 0 : i32
    %dma_wait3A_148 = arith.constant 0 : i32
    %dma_wait3A_149 = tpu.memref_slice %arg17[%dma_wait3A_145, %dma_wait3A_146, %dma_wait3A_147, %dma_wait3A_148] : memref<4x2x128x64xf32, #tpu.memory_space<vmem>> -> memref<1x1x128x64xf32, #tpu.memory_space<vmem>>
    %dma_wait3A_150 = tpu.memref_squeeze %dma_wait3A_149 : memref<1x1x128x64xf32, #tpu.memory_space<vmem>> -> memref<128x64xf32, #tpu.memory_space<vmem>>
    %dma_wait3A_151 = arith.constant 0 : i32
    %dma_wait3A_152 = arith.constant 0 : i32
    %dma_wait3A_153 = tpu.memref_slice %arg2[%dma_wait3A_151, %dma_wait3A_152] : memref<100000x64xf32, #tpu.memory_space<hbm>> -> memref<100000x64xf32, #tpu.memory_space<hbm>>
    tpu.wait_indirect_dma semaphore(%arg21 : memref<!tpu.dma_semaphore, #tpu.memory_space<semaphore_mem>>) src(%dma_wait3A_153 : memref<100000x64xf32, #tpu.memory_space<hbm>>) dst(%dma_wait3A_150 : memref<128x64xf32, #tpu.memory_space<vmem>>)
    %add3A_154 = arith.constant 0 : i32
    %add3A_155 = vector.broadcast %add3A_154 : i32 to vector<16xi32>
    %add3A_156 = arith.addi %add3A_155, %iota3A : vector<16xi32>
    %scan3A_157 = arith.constant 2 : i32
    %scan3A_158 = arith.constant 0 : i32
    %scan3A_159 = arith.constant 0 : i32
    %scan3A_160 = arith.constant 64 : i32
    %scan3A_161 = arith.addi %scan3A_159, %scan3A_160 : i32
    %scan3A_162 = arith.constant 2 : i32
    %scan3A_163 = scf.for %scan3A_311 = %scan3A_159 to %scan3A_161 step %scan3A_162 iter_args(%scan3A_312 = %broadcast_in_dim3A_5) -> (vector<16xf32>)  : i32 {
      %broadcast_in_dim3A_313 = vector.broadcast %scan3A_311 : i32 to vector<16xi32>
      %add3A_314 = arith.addi %broadcast_in_dim3A_313, %iota3A : vector<16xi32>
      %and3A = arith.constant 63 : i32
      %and3A_315 = vector.broadcast %and3A : i32 to vector<16xi32>
      %and3A_316 = arith.andi %add3A_314, %and3A_315 : vector<16xi32>
      %gather3A = tpu.vector_load_idx %arg15[%add3A_156, %and3A_316] : memref<128x64xf32, #tpu.memory_space<vmem>>[vector<16xi32>, vector<16xi32>], vector<16xf32>,
      %gather3A_317 = arith.constant 0 : i32
      %gather3A_318 = arith.constant 0 : i32
      %gather3A_319 = tpu.memref_slice %arg17[%scan3A_157, %scan3A_158, %gather3A_317, %gather3A_318] : memref<4x2x128x64xf32, #tpu.memory_space<vmem>> -> memref<1x1x128x64xf32, #tpu.memory_space<vmem>>
      %gather3A_320 = tpu.memref_squeeze %gather3A_319 : memref<1x1x128x64xf32, #tpu.memory_space<vmem>> -> memref<128x64xf32, #tpu.memory_space<vmem>>
      %gather3A_321 = tpu.vector_load_idx %gather3A_320[%add3A_156, %and3A_316] : memref<128x64xf32, #tpu.memory_space<vmem>>[vector<16xi32>, vector<16xi32>], vector<16xf32>,
      %sub3A_322 = arith.subf %gather3A, %gather3A_321 : vector<16xf32>
      %abs3A = math.absf %sub3A_322 : vector<16xf32>
      %add3A_323 = arith.addf %scan3A_312, %abs3A : vector<16xf32>
      %scan3A_324 = arith.constant 1 : i32
      %scan3A_325 = arith.addi %scan3A_311, %scan3A_324 : i32
      %broadcast_in_dim3A_326 = vector.broadcast %scan3A_325 : i32 to vector<16xi32>
      %add3A_327 = arith.addi %broadcast_in_dim3A_326, %iota3A : vector<16xi32>
      %and3A_328 = arith.constant 63 : i32
      %and3A_329 = vector.broadcast %and3A_328 : i32 to vector<16xi32>
      %and3A_330 = arith.andi %add3A_327, %and3A_329 : vector<16xi32>
      %gather3A_331 = tpu.vector_load_idx %arg15[%add3A_156, %and3A_330] : memref<128x64xf32, #tpu.memory_space<vmem>>[vector<16xi32>, vector<16xi32>], vector<16xf32>,
      %gather3A_332 = arith.constant 0 : i32
      %gather3A_333 = arith.constant 0 : i32
      %gather3A_334 = tpu.memref_slice %arg17[%scan3A_157, %scan3A_158, %gather3A_332, %gather3A_333] : memref<4x2x128x64xf32, #tpu.memory_space<vmem>> -> memref<1x1x128x64xf32, #tpu.memory_space<vmem>>
      %gather3A_335 = tpu.memref_squeeze %gather3A_334 : memref<1x1x128x64xf32, #tpu.memory_space<vmem>> -> memref<128x64xf32, #tpu.memory_space<vmem>>
      %gather3A_336 = tpu.vector_load_idx %gather3A_335[%add3A_156, %and3A_330] : memref<128x64xf32, #tpu.memory_space<vmem>>[vector<16xi32>, vector<16xi32>], vector<16xf32>,
      %sub3A_337 = arith.subf %gather3A_331, %gather3A_336 : vector<16xf32>
      %abs3A_338 = math.absf %sub3A_337 : vector<16xf32>
      %add3A_339 = arith.addf %add3A_323, %abs3A_338 : vector<16xf32>
      scf.yield %add3A_339 : vector<16xf32>
    }
    %scan3A_164 = arith.constant 64 : i32
    %sub3A = arith.constant 1.200000e+01 : f32
    %sub3A_165 = vector.broadcast %sub3A : f32 to vector<16xf32>
    %sub3A_166 = arith.subf %sub3A_165, %scan3A_163 : vector<16xf32>
    %swap3A = arith.constant 0 : index
    %swap3A_167 = tpu.vector_load %arg16[%swap3A] {strides = array<i32>} : memref<128xf32, #tpu.memory_space<vmem>>, vector<16xf32>,
    tpu.vector_store %arg16[%swap3A], %sub3A_166 {strides = array<i32>} : memref<128xf32, #tpu.memory_space<vmem>>, vector<16xf32>,
    %add3A_168 = arith.constant 16 : i32
    %add3A_169 = vector.broadcast %add3A_168 : i32 to vector<16xi32>
    %add3A_170 = arith.addi %add3A_169, %iota3A : vector<16xi32>
    %scan3A_171 = arith.constant 2 : i32
    %scan3A_172 = arith.constant 0 : i32
    %scan3A_173 = arith.constant 0 : i32
    %scan3A_174 = arith.constant 64 : i32
    %scan3A_175 = arith.addi %scan3A_173, %scan3A_174 : i32
    %scan3A_176 = arith.constant 2 : i32
    %scan3A_177 = scf.for %scan3A_311 = %scan3A_173 to %scan3A_175 step %scan3A_176 iter_args(%scan3A_312 = %broadcast_in_dim3A_5) -> (vector<16xf32>)  : i32 {
      %broadcast_in_dim3A_313 = vector.broadcast %scan3A_311 : i32 to vector<16xi32>
      %add3A_314 = arith.addi %broadcast_in_dim3A_313, %iota3A : vector<16xi32>
      %and3A = arith.constant 63 : i32
      %and3A_315 = vector.broadcast %and3A : i32 to vector<16xi32>
      %and3A_316 = arith.andi %add3A_314, %and3A_315 : vector<16xi32>
      %gather3A = tpu.vector_load_idx %arg15[%add3A_170, %and3A_316] : memref<128x64xf32, #tpu.memory_space<vmem>>[vector<16xi32>, vector<16xi32>], vector<16xf32>,
      %gather3A_317 = arith.constant 0 : i32
      %gather3A_318 = arith.constant 0 : i32
      %gather3A_319 = tpu.memref_slice %arg17[%scan3A_171, %scan3A_172, %gather3A_317, %gather3A_318] : memref<4x2x128x64xf32, #tpu.memory_space<vmem>> -> memref<1x1x128x64xf32, #tpu.memory_space<vmem>>
      %gather3A_320 = tpu.memref_squeeze %gather3A_319 : memref<1x1x128x64xf32, #tpu.memory_space<vmem>> -> memref<128x64xf32, #tpu.memory_space<vmem>>
      %gather3A_321 = tpu.vector_load_idx %gather3A_320[%add3A_170, %and3A_316] : memref<128x64xf32, #tpu.memory_space<vmem>>[vector<16xi32>, vector<16xi32>], vector<16xf32>,
      %sub3A_322 = arith.subf %gather3A, %gather3A_321 : vector<16xf32>
      %abs3A = math.absf %sub3A_322 : vector<16xf32>
      %add3A_323 = arith.addf %scan3A_312, %abs3A : vector<16xf32>
      %scan3A_324 = arith.constant 1 : i32
      %scan3A_325 = arith.addi %scan3A_311, %scan3A_324 : i32
      %broadcast_in_dim3A_326 = vector.broadcast %scan3A_325 : i32 to vector<16xi32>
      %add3A_327 = arith.addi %broadcast_in_dim3A_326, %iota3A : vector<16xi32>
      %and3A_328 = arith.constant 63 : i32
      %and3A_329 = vector.broadcast %and3A_328 : i32 to vector<16xi32>
      %and3A_330 = arith.andi %add3A_327, %and3A_329 : vector<16xi32>
      %gather3A_331 = tpu.vector_load_idx %arg15[%add3A_170, %and3A_330] : memref<128x64xf32, #tpu.memory_space<vmem>>[vector<16xi32>, vector<16xi32>], vector<16xf32>,
      %gather3A_332 = arith.constant 0 : i32
      %gather3A_333 = arith.constant 0 : i32
      %gather3A_334 = tpu.memref_slice %arg17[%scan3A_171, %scan3A_172, %gather3A_332, %gather3A_333] : memref<4x2x128x64xf32, #tpu.memory_space<vmem>> -> memref<1x1x128x64xf32, #tpu.memory_space<vmem>>
      %gather3A_335 = tpu.memref_squeeze %gather3A_334 : memref<1x1x128x64xf32, #tpu.memory_space<vmem>> -> memref<128x64xf32, #tpu.memory_space<vmem>>
      %gather3A_336 = tpu.vector_load_idx %gather3A_335[%add3A_170, %and3A_330] : memref<128x64xf32, #tpu.memory_space<vmem>>[vector<16xi32>, vector<16xi32>], vector<16xf32>,
      %sub3A_337 = arith.subf %gather3A_331, %gather3A_336 : vector<16xf32>
      %abs3A_338 = math.absf %sub3A_337 : vector<16xf32>
      %add3A_339 = arith.addf %add3A_323, %abs3A_338 : vector<16xf32>
      scf.yield %add3A_339 : vector<16xf32>
    }
    %scan3A_178 = arith.constant 64 : i32
    %sub3A_179 = arith.constant 1.200000e+01 : f32
    %sub3A_180 = vector.broadcast %sub3A_179 : f32 to vector<16xf32>
    %sub3A_181 = arith.subf %sub3A_180, %scan3A_177 : vector<16xf32>
    %swap3A_182 = arith.constant 16 : index
    %swap3A_183 = tpu.vector_load %arg16[%swap3A_182] {strides = array<i32>} : memref<128xf32, #tpu.memory_space<vmem>>, vector<16xf32>,
    tpu.vector_store %arg16[%swap3A_182], %sub3A_181 {strides = array<i32>} : memref<128xf32, #tpu.memory_space<vmem>>, vector<16xf32>,
    %add3A_184 = arith.constant 32 : i32
    %add3A_185 = vector.broadcast %add3A_184 : i32 to vector<16xi32>
    %add3A_186 = arith.addi %add3A_185, %iota3A : vector<16xi32>
    %scan3A_187 = arith.constant 2 : i32
    %scan3A_188 = arith.constant 0 : i32
    %scan3A_189 = arith.constant 0 : i32
    %scan3A_190 = arith.constant 64 : i32
    %scan3A_191 = arith.addi %scan3A_189, %scan3A_190 : i32
    %scan3A_192 = arith.constant 2 : i32
    %scan3A_193 = scf.for %scan3A_311 = %scan3A_189 to %scan3A_191 step %scan3A_192 iter_args(%scan3A_312 = %broadcast_in_dim3A_5) -> (vector<16xf32>)  : i32 {
      %broadcast_in_dim3A_313 = vector.broadcast %scan3A_311 : i32 to vector<16xi32>
      %add3A_314 = arith.addi %broadcast_in_dim3A_313, %iota3A : vector<16xi32>
      %and3A = arith.constant 63 : i32
      %and3A_315 = vector.broadcast %and3A : i32 to vector<16xi32>
      %and3A_316 = arith.andi %add3A_314, %and3A_315 : vector<16xi32>
      %gather3A = tpu.vector_load_idx %arg15[%add3A_186, %and3A_316] : memref<128x64xf32, #tpu.memory_space<vmem>>[vector<16xi32>, vector<16xi32>], vector<16xf32>,
      %gather3A_317 = arith.constant 0 : i32
      %gather3A_318 = arith.constant 0 : i32
      %gather3A_319 = tpu.memref_slice %arg17[%scan3A_187, %scan3A_188, %gather3A_317, %gather3A_318] : memref<4x2x128x64xf32, #tpu.memory_space<vmem>> -> memref<1x1x128x64xf32, #tpu.memory_space<vmem>>
      %gather3A_320 = tpu.memref_squeeze %gather3A_319 : memref<1x1x128x64xf32, #tpu.memory_space<vmem>> -> memref<128x64xf32, #tpu.memory_space<vmem>>
      %gather3A_321 = tpu.vector_load_idx %gather3A_320[%add3A_186, %and3A_316] : memref<128x64xf32, #tpu.memory_space<vmem>>[vector<16xi32>, vector<16xi32>], vector<16xf32>,
      %sub3A_322 = arith.subf %gather3A, %gather3A_321 : vector<16xf32>
      %abs3A = math.absf %sub3A_322 : vector<16xf32>
      %add3A_323 = arith.addf %scan3A_312, %abs3A : vector<16xf32>
      %scan3A_324 = arith.constant 1 : i32
      %scan3A_325 = arith.addi %scan3A_311, %scan3A_324 : i32
      %broadcast_in_dim3A_326 = vector.broadcast %scan3A_325 : i32 to vector<16xi32>
      %add3A_327 = arith.addi %broadcast_in_dim3A_326, %iota3A : vector<16xi32>
      %and3A_328 = arith.constant 63 : i32
      %and3A_329 = vector.broadcast %and3A_328 : i32 to vector<16xi32>
      %and3A_330 = arith.andi %add3A_327, %and3A_329 : vector<16xi32>
      %gather3A_331 = tpu.vector_load_idx %arg15[%add3A_186, %and3A_330] : memref<128x64xf32, #tpu.memory_space<vmem>>[vector<16xi32>, vector<16xi32>], vector<16xf32>,
      %gather3A_332 = arith.constant 0 : i32
      %gather3A_333 = arith.constant 0 : i32
      %gather3A_334 = tpu.memref_slice %arg17[%scan3A_187, %scan3A_188, %gather3A_332, %gather3A_333] : memref<4x2x128x64xf32, #tpu.memory_space<vmem>> -> memref<1x1x128x64xf32, #tpu.memory_space<vmem>>
      %gather3A_335 = tpu.memref_squeeze %gather3A_334 : memref<1x1x128x64xf32, #tpu.memory_space<vmem>> -> memref<128x64xf32, #tpu.memory_space<vmem>>
      %gather3A_336 = tpu.vector_load_idx %gather3A_335[%add3A_186, %and3A_330] : memref<128x64xf32, #tpu.memory_space<vmem>>[vector<16xi32>, vector<16xi32>], vector<16xf32>,
      %sub3A_337 = arith.subf %gather3A_331, %gather3A_336 : vector<16xf32>
      %abs3A_338 = math.absf %sub3A_337 : vector<16xf32>
      %add3A_339 = arith.addf %add3A_323, %abs3A_338 : vector<16xf32>
      scf.yield %add3A_339 : vector<16xf32>
    }
    %scan3A_194 = arith.constant 64 : i32
    %sub3A_195 = arith.constant 1.200000e+01 : f32
    %sub3A_196 = vector.broadcast %sub3A_195 : f32 to vector<16xf32>
    %sub3A_197 = arith.subf %sub3A_196, %scan3A_193 : vector<16xf32>
    %swap3A_198 = arith.constant 32 : index
    %swap3A_199 = tpu.vector_load %arg16[%swap3A_198] {strides = array<i32>} : memref<128xf32, #tpu.memory_space<vmem>>, vector<16xf32>,
    tpu.vector_store %arg16[%swap3A_198], %sub3A_197 {strides = array<i32>} : memref<128xf32, #tpu.memory_space<vmem>>, vector<16xf32>,
    %add3A_200 = arith.constant 48 : i32
    %add3A_201 = vector.broadcast %add3A_200 : i32 to vector<16xi32>
    %add3A_202 = arith.addi %add3A_201, %iota3A : vector<16xi32>
    %scan3A_203 = arith.constant 2 : i32
    %scan3A_204 = arith.constant 0 : i32
    %scan3A_205 = arith.constant 0 : i32
    %scan3A_206 = arith.constant 64 : i32
    %scan3A_207 = arith.addi %scan3A_205, %scan3A_206 : i32
    %scan3A_208 = arith.constant 2 : i32
    %scan3A_209 = scf.for %scan3A_311 = %scan3A_205 to %scan3A_207 step %scan3A_208 iter_args(%scan3A_312 = %broadcast_in_dim3A_5) -> (vector<16xf32>)  : i32 {
      %broadcast_in_dim3A_313 = vector.broadcast %scan3A_311 : i32 to vector<16xi32>
      %add3A_314 = arith.addi %broadcast_in_dim3A_313, %iota3A : vector<16xi32>
      %and3A = arith.constant 63 : i32
      %and3A_315 = vector.broadcast %and3A : i32 to vector<16xi32>
      %and3A_316 = arith.andi %add3A_314, %and3A_315 : vector<16xi32>
      %gather3A = tpu.vector_load_idx %arg15[%add3A_202, %and3A_316] : memref<128x64xf32, #tpu.memory_space<vmem>>[vector<16xi32>, vector<16xi32>], vector<16xf32>,
      %gather3A_317 = arith.constant 0 : i32
      %gather3A_318 = arith.constant 0 : i32
      %gather3A_319 = tpu.memref_slice %arg17[%scan3A_203, %scan3A_204, %gather3A_317, %gather3A_318] : memref<4x2x128x64xf32, #tpu.memory_space<vmem>> -> memref<1x1x128x64xf32, #tpu.memory_space<vmem>>
      %gather3A_320 = tpu.memref_squeeze %gather3A_319 : memref<1x1x128x64xf32, #tpu.memory_space<vmem>> -> memref<128x64xf32, #tpu.memory_space<vmem>>
      %gather3A_321 = tpu.vector_load_idx %gather3A_320[%add3A_202, %and3A_316] : memref<128x64xf32, #tpu.memory_space<vmem>>[vector<16xi32>, vector<16xi32>], vector<16xf32>,
      %sub3A_322 = arith.subf %gather3A, %gather3A_321 : vector<16xf32>
      %abs3A = math.absf %sub3A_322 : vector<16xf32>
      %add3A_323 = arith.addf %scan3A_312, %abs3A : vector<16xf32>
      %scan3A_324 = arith.constant 1 : i32
      %scan3A_325 = arith.addi %scan3A_311, %scan3A_324 : i32
      %broadcast_in_dim3A_326 = vector.broadcast %scan3A_325 : i32 to vector<16xi32>
      %add3A_327 = arith.addi %broadcast_in_dim3A_326, %iota3A : vector<16xi32>
      %and3A_328 = arith.constant 63 : i32
      %and3A_329 = vector.broadcast %and3A_328 : i32 to vector<16xi32>
      %and3A_330 = arith.andi %add3A_327, %and3A_329 : vector<16xi32>
      %gather3A_331 = tpu.vector_load_idx %arg15[%add3A_202, %and3A_330] : memref<128x64xf32, #tpu.memory_space<vmem>>[vector<16xi32>, vector<16xi32>], vector<16xf32>,
      %gather3A_332 = arith.constant 0 : i32
      %gather3A_333 = arith.constant 0 : i32
      %gather3A_334 = tpu.memref_slice %arg17[%scan3A_203, %scan3A_204, %gather3A_332, %gather3A_333] : memref<4x2x128x64xf32, #tpu.memory_space<vmem>> -> memref<1x1x128x64xf32, #tpu.memory_space<vmem>>
      %gather3A_335 = tpu.memref_squeeze %gather3A_334 : memref<1x1x128x64xf32, #tpu.memory_space<vmem>> -> memref<128x64xf32, #tpu.memory_space<vmem>>
      %gather3A_336 = tpu.vector_load_idx %gather3A_335[%add3A_202, %and3A_330] : memref<128x64xf32, #tpu.memory_space<vmem>>[vector<16xi32>, vector<16xi32>], vector<16xf32>,
      %sub3A_337 = arith.subf %gather3A_331, %gather3A_336 : vector<16xf32>
      %abs3A_338 = math.absf %sub3A_337 : vector<16xf32>
      %add3A_339 = arith.addf %add3A_323, %abs3A_338 : vector<16xf32>
      scf.yield %add3A_339 : vector<16xf32>
    }
    %scan3A_210 = arith.constant 64 : i32
    %sub3A_211 = arith.constant 1.200000e+01 : f32
    %sub3A_212 = vector.broadcast %sub3A_211 : f32 to vector<16xf32>
    %sub3A_213 = arith.subf %sub3A_212, %scan3A_209 : vector<16xf32>
    %swap3A_214 = arith.constant 48 : index
    %swap3A_215 = tpu.vector_load %arg16[%swap3A_214] {strides = array<i32>} : memref<128xf32, #tpu.memory_space<vmem>>, vector<16xf32>,
    tpu.vector_store %arg16[%swap3A_214], %sub3A_213 {strides = array<i32>} : memref<128xf32, #tpu.memory_space<vmem>>, vector<16xf32>,
    %add3A_216 = arith.constant 64 : i32
    %add3A_217 = vector.broadcast %add3A_216 : i32 to vector<16xi32>
    %add3A_218 = arith.addi %add3A_217, %iota3A : vector<16xi32>
    %scan3A_219 = arith.constant 2 : i32
    %scan3A_220 = arith.constant 0 : i32
    %scan3A_221 = arith.constant 0 : i32
    %scan3A_222 = arith.constant 64 : i32
    %scan3A_223 = arith.addi %scan3A_221, %scan3A_222 : i32
    %scan3A_224 = arith.constant 2 : i32
    %scan3A_225 = scf.for %scan3A_311 = %scan3A_221 to %scan3A_223 step %scan3A_224 iter_args(%scan3A_312 = %broadcast_in_dim3A_5) -> (vector<16xf32>)  : i32 {
      %broadcast_in_dim3A_313 = vector.broadcast %scan3A_311 : i32 to vector<16xi32>
      %add3A_314 = arith.addi %broadcast_in_dim3A_313, %iota3A : vector<16xi32>
      %and3A = arith.constant 63 : i32
      %and3A_315 = vector.broadcast %and3A : i32 to vector<16xi32>
      %and3A_316 = arith.andi %add3A_314, %and3A_315 : vector<16xi32>
      %gather3A = tpu.vector_load_idx %arg15[%add3A_218, %and3A_316] : memref<128x64xf32, #tpu.memory_space<vmem>>[vector<16xi32>, vector<16xi32>], vector<16xf32>,
      %gather3A_317 = arith.constant 0 : i32
      %gather3A_318 = arith.constant 0 : i32
      %gather3A_319 = tpu.memref_slice %arg17[%scan3A_219, %scan3A_220, %gather3A_317, %gather3A_318] : memref<4x2x128x64xf32, #tpu.memory_space<vmem>> -> memref<1x1x128x64xf32, #tpu.memory_space<vmem>>
      %gather3A_320 = tpu.memref_squeeze %gather3A_319 : memref<1x1x128x64xf32, #tpu.memory_space<vmem>> -> memref<128x64xf32, #tpu.memory_space<vmem>>
      %gather3A_321 = tpu.vector_load_idx %gather3A_320[%add3A_218, %and3A_316] : memref<128x64xf32, #tpu.memory_space<vmem>>[vector<16xi32>, vector<16xi32>], vector<16xf32>,
      %sub3A_322 = arith.subf %gather3A, %gather3A_321 : vector<16xf32>
      %abs3A = math.absf %sub3A_322 : vector<16xf32>
      %add3A_323 = arith.addf %scan3A_312, %abs3A : vector<16xf32>
      %scan3A_324 = arith.constant 1 : i32
      %scan3A_325 = arith.addi %scan3A_311, %scan3A_324 : i32
      %broadcast_in_dim3A_326 = vector.broadcast %scan3A_325 : i32 to vector<16xi32>
      %add3A_327 = arith.addi %broadcast_in_dim3A_326, %iota3A : vector<16xi32>
      %and3A_328 = arith.constant 63 : i32
      %and3A_329 = vector.broadcast %and3A_328 : i32 to vector<16xi32>
      %and3A_330 = arith.andi %add3A_327, %and3A_329 : vector<16xi32>
      %gather3A_331 = tpu.vector_load_idx %arg15[%add3A_218, %and3A_330] : memref<128x64xf32, #tpu.memory_space<vmem>>[vector<16xi32>, vector<16xi32>], vector<16xf32>,
      %gather3A_332 = arith.constant 0 : i32
      %gather3A_333 = arith.constant 0 : i32
      %gather3A_334 = tpu.memref_slice %arg17[%scan3A_219, %scan3A_220, %gather3A_332, %gather3A_333] : memref<4x2x128x64xf32, #tpu.memory_space<vmem>> -> memref<1x1x128x64xf32, #tpu.memory_space<vmem>>
      %gather3A_335 = tpu.memref_squeeze %gather3A_334 : memref<1x1x128x64xf32, #tpu.memory_space<vmem>> -> memref<128x64xf32, #tpu.memory_space<vmem>>
      %gather3A_336 = tpu.vector_load_idx %gather3A_335[%add3A_218, %and3A_330] : memref<128x64xf32, #tpu.memory_space<vmem>>[vector<16xi32>, vector<16xi32>], vector<16xf32>,
      %sub3A_337 = arith.subf %gather3A_331, %gather3A_336 : vector<16xf32>
      %abs3A_338 = math.absf %sub3A_337 : vector<16xf32>
      %add3A_339 = arith.addf %add3A_323, %abs3A_338 : vector<16xf32>
      scf.yield %add3A_339 : vector<16xf32>
    }
    %scan3A_226 = arith.constant 64 : i32
    %sub3A_227 = arith.constant 1.200000e+01 : f32
    %sub3A_228 = vector.broadcast %sub3A_227 : f32 to vector<16xf32>
    %sub3A_229 = arith.subf %sub3A_228, %scan3A_225 : vector<16xf32>
    %swap3A_230 = arith.constant 64 : index
    %swap3A_231 = tpu.vector_load %arg16[%swap3A_230] {strides = array<i32>} : memref<128xf32, #tpu.memory_space<vmem>>, vector<16xf32>,
    tpu.vector_store %arg16[%swap3A_230], %sub3A_229 {strides = array<i32>} : memref<128xf32, #tpu.memory_space<vmem>>, vector<16xf32>,
    %add3A_232 = arith.constant 80 : i32
    %add3A_233 = vector.broadcast %add3A_232 : i32 to vector<16xi32>
    %add3A_234 = arith.addi %add3A_233, %iota3A : vector<16xi32>
    %scan3A_235 = arith.constant 2 : i32
    %scan3A_236 = arith.constant 0 : i32
    %scan3A_237 = arith.constant 0 : i32
    %scan3A_238 = arith.constant 64 : i32
    %scan3A_239 = arith.addi %scan3A_237, %scan3A_238 : i32
    %scan3A_240 = arith.constant 2 : i32
    %scan3A_241 = scf.for %scan3A_311 = %scan3A_237 to %scan3A_239 step %scan3A_240 iter_args(%scan3A_312 = %broadcast_in_dim3A_5) -> (vector<16xf32>)  : i32 {
      %broadcast_in_dim3A_313 = vector.broadcast %scan3A_311 : i32 to vector<16xi32>
      %add3A_314 = arith.addi %broadcast_in_dim3A_313, %iota3A : vector<16xi32>
      %and3A = arith.constant 63 : i32
      %and3A_315 = vector.broadcast %and3A : i32 to vector<16xi32>
      %and3A_316 = arith.andi %add3A_314, %and3A_315 : vector<16xi32>
      %gather3A = tpu.vector_load_idx %arg15[%add3A_234, %and3A_316] : memref<128x64xf32, #tpu.memory_space<vmem>>[vector<16xi32>, vector<16xi32>], vector<16xf32>,
      %gather3A_317 = arith.constant 0 : i32
      %gather3A_318 = arith.constant 0 : i32
      %gather3A_319 = tpu.memref_slice %arg17[%scan3A_235, %scan3A_236, %gather3A_317, %gather3A_318] : memref<4x2x128x64xf32, #tpu.memory_space<vmem>> -> memref<1x1x128x64xf32, #tpu.memory_space<vmem>>
      %gather3A_320 = tpu.memref_squeeze %gather3A_319 : memref<1x1x128x64xf32, #tpu.memory_space<vmem>> -> memref<128x64xf32, #tpu.memory_space<vmem>>
      %gather3A_321 = tpu.vector_load_idx %gather3A_320[%add3A_234, %and3A_316] : memref<128x64xf32, #tpu.memory_space<vmem>>[vector<16xi32>, vector<16xi32>], vector<16xf32>,
      %sub3A_322 = arith.subf %gather3A, %gather3A_321 : vector<16xf32>
      %abs3A = math.absf %sub3A_322 : vector<16xf32>
      %add3A_323 = arith.addf %scan3A_312, %abs3A : vector<16xf32>
      %scan3A_324 = arith.constant 1 : i32
      %scan3A_325 = arith.addi %scan3A_311, %scan3A_324 : i32
      %broadcast_in_dim3A_326 = vector.broadcast %scan3A_325 : i32 to vector<16xi32>
      %add3A_327 = arith.addi %broadcast_in_dim3A_326, %iota3A : vector<16xi32>
      %and3A_328 = arith.constant 63 : i32
      %and3A_329 = vector.broadcast %and3A_328 : i32 to vector<16xi32>
      %and3A_330 = arith.andi %add3A_327, %and3A_329 : vector<16xi32>
      %gather3A_331 = tpu.vector_load_idx %arg15[%add3A_234, %and3A_330] : memref<128x64xf32, #tpu.memory_space<vmem>>[vector<16xi32>, vector<16xi32>], vector<16xf32>,
      %gather3A_332 = arith.constant 0 : i32
      %gather3A_333 = arith.constant 0 : i32
      %gather3A_334 = tpu.memref_slice %arg17[%scan3A_235, %scan3A_236, %gather3A_332, %gather3A_333] : memref<4x2x128x64xf32, #tpu.memory_space<vmem>> -> memref<1x1x128x64xf32, #tpu.memory_space<vmem>>
      %gather3A_335 = tpu.memref_squeeze %gather3A_334 : memref<1x1x128x64xf32, #tpu.memory_space<vmem>> -> memref<128x64xf32, #tpu.memory_space<vmem>>
      %gather3A_336 = tpu.vector_load_idx %gather3A_335[%add3A_234, %and3A_330] : memref<128x64xf32, #tpu.memory_space<vmem>>[vector<16xi32>, vector<16xi32>], vector<16xf32>,
      %sub3A_337 = arith.subf %gather3A_331, %gather3A_336 : vector<16xf32>
      %abs3A_338 = math.absf %sub3A_337 : vector<16xf32>
      %add3A_339 = arith.addf %add3A_323, %abs3A_338 : vector<16xf32>
      scf.yield %add3A_339 : vector<16xf32>
    }
    %scan3A_242 = arith.constant 64 : i32
    %sub3A_243 = arith.constant 1.200000e+01 : f32
    %sub3A_244 = vector.broadcast %sub3A_243 : f32 to vector<16xf32>
    %sub3A_245 = arith.subf %sub3A_244, %scan3A_241 : vector<16xf32>
    %swap3A_246 = arith.constant 80 : index
    %swap3A_247 = tpu.vector_load %arg16[%swap3A_246] {strides = array<i32>} : memref<128xf32, #tpu.memory_space<vmem>>, vector<16xf32>,
    tpu.vector_store %arg16[%swap3A_246], %sub3A_245 {strides = array<i32>} : memref<128xf32, #tpu.memory_space<vmem>>, vector<16xf32>,
    %add3A_248 = arith.constant 96 : i32
    %add3A_249 = vector.broadcast %add3A_248 : i32 to vector<16xi32>
    %add3A_250 = arith.addi %add3A_249, %iota3A : vector<16xi32>
    %scan3A_251 = arith.constant 2 : i32
    %scan3A_252 = arith.constant 0 : i32
    %scan3A_253 = arith.constant 0 : i32
    %scan3A_254 = arith.constant 64 : i32
    %scan3A_255 = arith.addi %scan3A_253, %scan3A_254 : i32
    %scan3A_256 = arith.constant 2 : i32
    %scan3A_257 = scf.for %scan3A_311 = %scan3A_253 to %scan3A_255 step %scan3A_256 iter_args(%scan3A_312 = %broadcast_in_dim3A_5) -> (vector<16xf32>)  : i32 {
      %broadcast_in_dim3A_313 = vector.broadcast %scan3A_311 : i32 to vector<16xi32>
      %add3A_314 = arith.addi %broadcast_in_dim3A_313, %iota3A : vector<16xi32>
      %and3A = arith.constant 63 : i32
      %and3A_315 = vector.broadcast %and3A : i32 to vector<16xi32>
      %and3A_316 = arith.andi %add3A_314, %and3A_315 : vector<16xi32>
      %gather3A = tpu.vector_load_idx %arg15[%add3A_250, %and3A_316] : memref<128x64xf32, #tpu.memory_space<vmem>>[vector<16xi32>, vector<16xi32>], vector<16xf32>,
      %gather3A_317 = arith.constant 0 : i32
      %gather3A_318 = arith.constant 0 : i32
      %gather3A_319 = tpu.memref_slice %arg17[%scan3A_251, %scan3A_252, %gather3A_317, %gather3A_318] : memref<4x2x128x64xf32, #tpu.memory_space<vmem>> -> memref<1x1x128x64xf32, #tpu.memory_space<vmem>>
      %gather3A_320 = tpu.memref_squeeze %gather3A_319 : memref<1x1x128x64xf32, #tpu.memory_space<vmem>> -> memref<128x64xf32, #tpu.memory_space<vmem>>
      %gather3A_321 = tpu.vector_load_idx %gather3A_320[%add3A_250, %and3A_316] : memref<128x64xf32, #tpu.memory_space<vmem>>[vector<16xi32>, vector<16xi32>], vector<16xf32>,
      %sub3A_322 = arith.subf %gather3A, %gather3A_321 : vector<16xf32>
      %abs3A = math.absf %sub3A_322 : vector<16xf32>
      %add3A_323 = arith.addf %scan3A_312, %abs3A : vector<16xf32>
      %scan3A_324 = arith.constant 1 : i32
      %scan3A_325 = arith.addi %scan3A_311, %scan3A_324 : i32
      %broadcast_in_dim3A_326 = vector.broadcast %scan3A_325 : i32 to vector<16xi32>
      %add3A_327 = arith.addi %broadcast_in_dim3A_326, %iota3A : vector<16xi32>
      %and3A_328 = arith.constant 63 : i32
      %and3A_329 = vector.broadcast %and3A_328 : i32 to vector<16xi32>
      %and3A_330 = arith.andi %add3A_327, %and3A_329 : vector<16xi32>
      %gather3A_331 = tpu.vector_load_idx %arg15[%add3A_250, %and3A_330] : memref<128x64xf32, #tpu.memory_space<vmem>>[vector<16xi32>, vector<16xi32>], vector<16xf32>,
      %gather3A_332 = arith.constant 0 : i32
      %gather3A_333 = arith.constant 0 : i32
      %gather3A_334 = tpu.memref_slice %arg17[%scan3A_251, %scan3A_252, %gather3A_332, %gather3A_333] : memref<4x2x128x64xf32, #tpu.memory_space<vmem>> -> memref<1x1x128x64xf32, #tpu.memory_space<vmem>>
      %gather3A_335 = tpu.memref_squeeze %gather3A_334 : memref<1x1x128x64xf32, #tpu.memory_space<vmem>> -> memref<128x64xf32, #tpu.memory_space<vmem>>
      %gather3A_336 = tpu.vector_load_idx %gather3A_335[%add3A_250, %and3A_330] : memref<128x64xf32, #tpu.memory_space<vmem>>[vector<16xi32>, vector<16xi32>], vector<16xf32>,
      %sub3A_337 = arith.subf %gather3A_331, %gather3A_336 : vector<16xf32>
      %abs3A_338 = math.absf %sub3A_337 : vector<16xf32>
      %add3A_339 = arith.addf %add3A_323, %abs3A_338 : vector<16xf32>
      scf.yield %add3A_339 : vector<16xf32>
    }
    %scan3A_258 = arith.constant 64 : i32
    %sub3A_259 = arith.constant 1.200000e+01 : f32
    %sub3A_260 = vector.broadcast %sub3A_259 : f32 to vector<16xf32>
    %sub3A_261 = arith.subf %sub3A_260, %scan3A_257 : vector<16xf32>
    %swap3A_262 = arith.constant 96 : index
    %swap3A_263 = tpu.vector_load %arg16[%swap3A_262] {strides = array<i32>} : memref<128xf32, #tpu.memory_space<vmem>>, vector<16xf32>,
    tpu.vector_store %arg16[%swap3A_262], %sub3A_261 {strides = array<i32>} : memref<128xf32, #tpu.memory_space<vmem>>, vector<16xf32>,
    %add3A_264 = arith.constant 112 : i32
    %add3A_265 = vector.broadcast %add3A_264 : i32 to vector<16xi32>
    %add3A_266 = arith.addi %add3A_265, %iota3A : vector<16xi32>
    %scan3A_267 = arith.constant 2 : i32
    %scan3A_268 = arith.constant 0 : i32
    %scan3A_269 = arith.constant 0 : i32
    %scan3A_270 = arith.constant 64 : i32
    %scan3A_271 = arith.addi %scan3A_269, %scan3A_270 : i32
    %scan3A_272 = arith.constant 2 : i32
    %scan3A_273 = scf.for %scan3A_311 = %scan3A_269 to %scan3A_271 step %scan3A_272 iter_args(%scan3A_312 = %broadcast_in_dim3A_5) -> (vector<16xf32>)  : i32 {
      %broadcast_in_dim3A_313 = vector.broadcast %scan3A_311 : i32 to vector<16xi32>
      %add3A_314 = arith.addi %broadcast_in_dim3A_313, %iota3A : vector<16xi32>
      %and3A = arith.constant 63 : i32
      %and3A_315 = vector.broadcast %and3A : i32 to vector<16xi32>
      %and3A_316 = arith.andi %add3A_314, %and3A_315 : vector<16xi32>
      %gather3A = tpu.vector_load_idx %arg15[%add3A_266, %and3A_316] : memref<128x64xf32, #tpu.memory_space<vmem>>[vector<16xi32>, vector<16xi32>], vector<16xf32>,
      %gather3A_317 = arith.constant 0 : i32
      %gather3A_318 = arith.constant 0 : i32
      %gather3A_319 = tpu.memref_slice %arg17[%scan3A_267, %scan3A_268, %gather3A_317, %gather3A_318] : memref<4x2x128x64xf32, #tpu.memory_space<vmem>> -> memref<1x1x128x64xf32, #tpu.memory_space<vmem>>
      %gather3A_320 = tpu.memref_squeeze %gather3A_319 : memref<1x1x128x64xf32, #tpu.memory_space<vmem>> -> memref<128x64xf32, #tpu.memory_space<vmem>>
      %gather3A_321 = tpu.vector_load_idx %gather3A_320[%add3A_266, %and3A_316] : memref<128x64xf32, #tpu.memory_space<vmem>>[vector<16xi32>, vector<16xi32>], vector<16xf32>,
      %sub3A_322 = arith.subf %gather3A, %gather3A_321 : vector<16xf32>
      %abs3A = math.absf %sub3A_322 : vector<16xf32>
      %add3A_323 = arith.addf %scan3A_312, %abs3A : vector<16xf32>
      %scan3A_324 = arith.constant 1 : i32
      %scan3A_325 = arith.addi %scan3A_311, %scan3A_324 : i32
      %broadcast_in_dim3A_326 = vector.broadcast %scan3A_325 : i32 to vector<16xi32>
      %add3A_327 = arith.addi %broadcast_in_dim3A_326, %iota3A : vector<16xi32>
      %and3A_328 = arith.constant 63 : i32
      %and3A_329 = vector.broadcast %and3A_328 : i32 to vector<16xi32>
      %and3A_330 = arith.andi %add3A_327, %and3A_329 : vector<16xi32>
      %gather3A_331 = tpu.vector_load_idx %arg15[%add3A_266, %and3A_330] : memref<128x64xf32, #tpu.memory_space<vmem>>[vector<16xi32>, vector<16xi32>], vector<16xf32>,
      %gather3A_332 = arith.constant 0 : i32
      %gather3A_333 = arith.constant 0 : i32
      %gather3A_334 = tpu.memref_slice %arg17[%scan3A_267, %scan3A_268, %gather3A_332, %gather3A_333] : memref<4x2x128x64xf32, #tpu.memory_space<vmem>> -> memref<1x1x128x64xf32, #tpu.memory_space<vmem>>
      %gather3A_335 = tpu.memref_squeeze %gather3A_334 : memref<1x1x128x64xf32, #tpu.memory_space<vmem>> -> memref<128x64xf32, #tpu.memory_space<vmem>>
      %gather3A_336 = tpu.vector_load_idx %gather3A_335[%add3A_266, %and3A_330] : memref<128x64xf32, #tpu.memory_space<vmem>>[vector<16xi32>, vector<16xi32>], vector<16xf32>,
      %sub3A_337 = arith.subf %gather3A_331, %gather3A_336 : vector<16xf32>
      %abs3A_338 = math.absf %sub3A_337 : vector<16xf32>
      %add3A_339 = arith.addf %add3A_323, %abs3A_338 : vector<16xf32>
      scf.yield %add3A_339 : vector<16xf32>
    }
    %scan3A_274 = arith.constant 64 : i32
    %sub3A_275 = arith.constant 1.200000e+01 : f32
    %sub3A_276 = vector.broadcast %sub3A_275 : f32 to vector<16xf32>
    %sub3A_277 = arith.subf %sub3A_276, %scan3A_273 : vector<16xf32>
    %swap3A_278 = arith.constant 112 : index
    %swap3A_279 = tpu.vector_load %arg16[%swap3A_278] {strides = array<i32>} : memref<128xf32, #tpu.memory_space<vmem>>, vector<16xf32>,
    tpu.vector_store %arg16[%swap3A_278], %sub3A_277 {strides = array<i32>} : memref<128xf32, #tpu.memory_space<vmem>>, vector<16xf32>,
    %dma_start3A_280 = arith.constant 2 : i32
    %dma_start3A_281 = arith.constant 2 : i32
    %dma_start3A_282 = arith.constant 0 : i32
    %dma_start3A_283 = arith.constant 0 : i32
    %dma_start3A_284 = arith.constant 0 : i32
    %dma_start3A_285 = tpu.memref_slice %arg17[%dma_start3A_281, %dma_start3A_282, %dma_start3A_283, %dma_start3A_284] : memref<4x2x128x64xf32, #tpu.memory_space<vmem>> -> memref<1x1x128x64xf32, #tpu.memory_space<vmem>>
    %dma_start3A_286 = tpu.memref_squeeze %dma_start3A_285 : memref<1x1x128x64xf32, #tpu.memory_space<vmem>> -> memref<128x64xf32, #tpu.memory_space<vmem>>
    %dma_start3A_287 = arith.constant 0 : i32
    %dma_start3A_288 = tpu.memref_slice %arg13[%dma_start3A_280, %dma_start3A_287] : memref<128x128xi32, #tpu.memory_space<vmem>> -> memref<1x128xi32, #tpu.memory_space<vmem>>
    %dma_start3A_289 = tpu.memref_squeeze %dma_start3A_288 : memref<1x128xi32, #tpu.memory_space<vmem>> -> memref<128xi32, #tpu.memory_space<vmem>>
    %dma_start3A_290 = arith.constant 0 : i32
    %dma_start3A_291 = arith.constant 0 : i32
    %dma_start3A_292 = tpu.memref_slice %arg2[%dma_start3A_290, %dma_start3A_291] : memref<100000x64xf32, #tpu.memory_space<hbm>> -> memref<100000x64xf32, #tpu.memory_space<hbm>>
    tpu.enqueue_indirect_dma source(%dma_start3A_292 : memref<100000x64xf32, #tpu.memory_space<hbm>>) target(%dma_start3A_286 : memref<128x64xf32, #tpu.memory_space<vmem>>) offsets(%dma_start3A_289 : memref<128xi32, #tpu.memory_space<vmem>>) semaphore(%arg24 : memref<!tpu.dma_semaphore, #tpu.memory_space<semaphore_mem>>)
    %dma_start3A_293 = arith.constant 2 : i32
    %dma_start3A_294 = arith.constant 2 : i32
    %dma_start3A_295 = arith.constant 1 : i32
    %dma_start3A_296 = arith.constant 0 : i32
    %dma_start3A_297 = arith.constant 0 : i32
    %dma_start3A_298 = tpu.memref_slice %arg17[%dma_start3A_294, %dma_start3A_295, %dma_start3A_296, %dma_start3A_297] : memref<4x2x128x64xf32, #tpu.memory_space<vmem>> -> memref<1x1x128x64xf32, #tpu.memory_space<vmem>>
    %dma_start3A_299 = tpu.memref_squeeze %dma_start3A_298 : memref<1x1x128x64xf32, #tpu.memory_space<vmem>> -> memref<128x64xf32, #tpu.memory_space<vmem>>
    %dma_start3A_300 = arith.constant 0 : i32
    %dma_start3A_301 = tpu.memref_slice %arg14[%dma_start3A_293, %dma_start3A_300] : memref<128x128xi32, #tpu.memory_space<vmem>> -> memref<1x128xi32, #tpu.memory_space<vmem>>
    %dma_start3A_302 = tpu.memref_squeeze %dma_start3A_301 : memref<1x128xi32, #tpu.memory_space<vmem>> -> memref<128xi32, #tpu.memory_space<vmem>>
    %dma_start3A_303 = arith.constant 0 : i32
    %dma_start3A_304 = arith.constant 0 : i32
    %dma_start3A_305 = tpu.memref_slice %arg2[%dma_start3A_303, %dma_start3A_304] : memref<100000x64xf32, #tpu.memory_space<hbm>> -> memref<100000x64xf32, #tpu.memory_space<hbm>>
    tpu.enqueue_indirect_dma source(%dma_start3A_305 : memref<100000x64xf32, #tpu.memory_space<hbm>>) target(%dma_start3A_299 : memref<128x64xf32, #tpu.memory_space<vmem>>) offsets(%dma_start3A_302 : memref<128xi32, #tpu.memory_space<vmem>>) semaphore(%arg24 : memref<!tpu.dma_semaphore, #tpu.memory_space<semaphore_mem>>)
    %scan3A_306 = arith.constant 0 : i32
    %scan3A_307 = arith.constant 32 : i32
    %scan3A_308 = arith.addi %scan3A_306, %scan3A_307 : i32
    %scan3A_309 = arith.constant 1 : i32
    scf.for %scan3A_311 = %scan3A_306 to %scan3A_308 step %scan3A_309  : i32 {
      %mul3A_312 = arith.constant 4 : i32
      %mul3A_313 = arith.muli %mul3A_312, %scan3A_311 : i32
      %add3A_314 = arith.constant 0 : i32
      %add3A_315 = arith.addi %mul3A_313, %add3A_314 : i32
      %jit3A = arith.constant 32 : i32
      %eq3A = arith.constant 0 : i32
      %eq3A_316 = arith.cmpi eq, %jit3A, %eq3A : i32
      %jit3A_317 = arith.constant 1 : i32
      %select_n3A = arith.select %eq3A_316, %jit3A_317, %jit3A : i32
      %rem3A = arith.remsi %add3A_315, %select_n3A : i32
      %ne3A = arith.constant 0 : i32
      %ne3A_318 = arith.cmpi ne, %rem3A, %ne3A : i32
      %lt3A = arith.constant 0 : i32
      %lt3A_319 = arith.cmpi slt, %rem3A, %lt3A : i32
      %lt3A_320 = arith.constant 0 : i32
      %lt3A_321 = arith.cmpi slt, %select_n3A, %lt3A_320 : i32
      %ne3A_322 = arith.xori %lt3A_319, %lt3A_321 : i1
      %and3A = arith.andi %ne3A_322, %ne3A_318 : i1
      %add3A_323 = arith.addi %rem3A, %select_n3A : i32
      %select_n3A_324 = arith.select %and3A, %add3A_323, %rem3A : i32
      %dma_wait3A_325 = arith.constant 0 : i32
      %dma_wait3A_326 = arith.constant 0 : i32
      %dma_wait3A_327 = arith.constant 0 : i32
      %dma_wait3A_328 = arith.constant 0 : i32
      %dma_wait3A_329 = tpu.memref_slice %arg17[%dma_wait3A_325, %dma_wait3A_326, %dma_wait3A_327, %dma_wait3A_328] : memref<4x2x128x64xf32, #tpu.memory_space<vmem>> -> memref<1x1x128x64xf32, #tpu.memory_space<vmem>>
      %dma_wait3A_330 = tpu.memref_squeeze %dma_wait3A_329 : memref<1x1x128x64xf32, #tpu.memory_space<vmem>> -> memref<128x64xf32, #tpu.memory_space<vmem>>
      %dma_wait3A_331 = arith.constant 0 : i32
      %dma_wait3A_332 = tpu.memref_slice %arg13[%add3A_315, %dma_wait3A_331] : memref<128x128xi32, #tpu.memory_space<vmem>> -> memref<1x128xi32, #tpu.memory_space<vmem>>
      %dma_wait3A_333 = tpu.memref_squeeze %dma_wait3A_332 : memref<1x128xi32, #tpu.memory_space<vmem>> -> memref<128xi32, #tpu.memory_space<vmem>>
      %dma_wait3A_334 = arith.constant 0 : i32
      %dma_wait3A_335 = arith.constant 0 : i32
      %dma_wait3A_336 = tpu.memref_slice %arg2[%dma_wait3A_334, %dma_wait3A_335] : memref<100000x64xf32, #tpu.memory_space<hbm>> -> memref<100000x64xf32, #tpu.memory_space<hbm>>
      tpu.wait_indirect_dma semaphore(%arg22 : memref<!tpu.dma_semaphore, #tpu.memory_space<semaphore_mem>>) src(%dma_wait3A_336 : memref<100000x64xf32, #tpu.memory_space<hbm>>) dst(%dma_wait3A_330 : memref<128x64xf32, #tpu.memory_space<vmem>>)
      %dma_wait3A_337 = arith.constant 0 : i32
      %dma_wait3A_338 = arith.constant 1 : i32
      %dma_wait3A_339 = arith.constant 0 : i32
      %dma_wait3A_340 = arith.constant 0 : i32
      %dma_wait3A_341 = tpu.memref_slice %arg17[%dma_wait3A_337, %dma_wait3A_338, %dma_wait3A_339, %dma_wait3A_340] : memref<4x2x128x64xf32, #tpu.memory_space<vmem>> -> memref<1x1x128x64xf32, #tpu.memory_space<vmem>>
      %dma_wait3A_342 = tpu.memref_squeeze %dma_wait3A_341 : memref<1x1x128x64xf32, #tpu.memory_space<vmem>> -> memref<128x64xf32, #tpu.memory_space<vmem>>
      %dma_wait3A_343 = arith.constant 0 : i32
      %dma_wait3A_344 = tpu.memref_slice %arg14[%add3A_315, %dma_wait3A_343] : memref<128x128xi32, #tpu.memory_space<vmem>> -> memref<1x128xi32, #tpu.memory_space<vmem>>
      %dma_wait3A_345 = tpu.memref_squeeze %dma_wait3A_344 : memref<1x128xi32, #tpu.memory_space<vmem>> -> memref<128xi32, #tpu.memory_space<vmem>>
      %dma_wait3A_346 = arith.constant 0 : i32
      %dma_wait3A_347 = arith.constant 0 : i32
      %dma_wait3A_348 = tpu.memref_slice %arg2[%dma_wait3A_346, %dma_wait3A_347] : memref<100000x64xf32, #tpu.memory_space<hbm>> -> memref<100000x64xf32, #tpu.memory_space<hbm>>
      tpu.wait_indirect_dma semaphore(%arg22 : memref<!tpu.dma_semaphore, #tpu.memory_space<semaphore_mem>>) src(%dma_wait3A_348 : memref<100000x64xf32, #tpu.memory_space<hbm>>) dst(%dma_wait3A_342 : memref<128x64xf32, #tpu.memory_space<vmem>>)
      %broadcast_in_dim3A_349 = vector.broadcast %add3A_315 : i32 to vector<16xi32>
      %scan3A_350 = arith.constant 0 : i32
      %scan3A_351 = arith.constant 0 : i32
      %scan3A_352 = arith.constant 0 : i32
      %scan3A_353 = arith.constant 1 : i32
      %scan3A_354 = arith.constant 0 : i32
      %scan3A_355 = arith.constant 64 : i32
      %scan3A_356 = arith.addi %scan3A_354, %scan3A_355 : i32
      %scan3A_357 = arith.constant 2 : i32
      %scan3A_358:16 = scf.for %scan3A_955 = %scan3A_354 to %scan3A_356 step %scan3A_357 iter_args(%scan3A_956 = %broadcast_in_dim3A_5, %scan3A_957 = %broadcast_in_dim3A_5, %scan3A_958 = %broadcast_in_dim3A_5, %scan3A_959 = %broadcast_in_dim3A_5, %scan3A_960 = %broadcast_in_dim3A_5, %scan3A_961 = %broadcast_in_dim3A_5, %scan3A_962 = %broadcast_in_dim3A_5, %scan3A_963 = %broadcast_in_dim3A_5, %scan3A_964 = %broadcast_in_dim3A_5, %scan3A_965 = %broadcast_in_dim3A_5, %scan3A_966 = %broadcast_in_dim3A_5, %scan3A_967 = %broadcast_in_dim3A_5, %scan3A_968 = %broadcast_in_dim3A_5, %scan3A_969 = %broadcast_in_dim3A_5, %scan3A_970 = %broadcast_in_dim3A_5, %scan3A_971 = %broadcast_in_dim3A_5) -> (vector<16xf32>, vector<16xf32>, vector<16xf32>, vector<16xf32>, vector<16xf32>, vector<16xf32>, vector<16xf32>, vector<16xf32>, vector<16xf32>, vector<16xf32>, vector<16xf32>, vector<16xf32>, vector<16xf32>, vector<16xf32>, vector<16xf32>, vector<16xf32>)  : i32 {
        %broadcast_in_dim3A_972 = vector.broadcast %scan3A_955 : i32 to vector<16xi32>
        %add3A_973 = arith.addi %broadcast_in_dim3A_972, %iota3A : vector<16xi32>
        %and3A_974 = arith.constant 63 : i32
        %and3A_975 = vector.broadcast %and3A_974 : i32 to vector<16xi32>
        %and3A_976 = arith.andi %add3A_973, %and3A_975 : vector<16xi32>
        %gather3A = tpu.vector_load_idx %arg15[%broadcast_in_dim3A_349, %and3A_976] : memref<128x64xf32, #tpu.memory_space<vmem>>[vector<16xi32>, vector<16xi32>], vector<16xf32>,
        %gather3A_977 = arith.constant 0 : i32
        %gather3A_978 = arith.constant 0 : i32
        %gather3A_979 = tpu.memref_slice %arg17[%scan3A_350, %scan3A_351, %gather3A_977, %gather3A_978] : memref<4x2x128x64xf32, #tpu.memory_space<vmem>> -> memref<1x1x128x64xf32, #tpu.memory_space<vmem>>
        %gather3A_980 = tpu.memref_squeeze %gather3A_979 : memref<1x1x128x64xf32, #tpu.memory_space<vmem>> -> memref<128x64xf32, #tpu.memory_space<vmem>>
        %gather3A_981 = tpu.vector_load_idx %gather3A_980[%add3A_8, %and3A_976] : memref<128x64xf32, #tpu.memory_space<vmem>>[vector<16xi32>, vector<16xi32>], vector<16xf32>,
        %sub3A_982 = arith.subf %gather3A, %gather3A_981 : vector<16xf32>
        %abs3A = math.absf %sub3A_982 : vector<16xf32>
        %add3A_983 = arith.addf %scan3A_956, %abs3A : vector<16xf32>
        %gather3A_984 = arith.constant 0 : i32
        %gather3A_985 = arith.constant 0 : i32
        %gather3A_986 = tpu.memref_slice %arg17[%scan3A_350, %scan3A_351, %gather3A_984, %gather3A_985] : memref<4x2x128x64xf32, #tpu.memory_space<vmem>> -> memref<1x1x128x64xf32, #tpu.memory_space<vmem>>
        %gather3A_987 = tpu.memref_squeeze %gather3A_986 : memref<1x1x128x64xf32, #tpu.memory_space<vmem>> -> memref<128x64xf32, #tpu.memory_space<vmem>>
        %gather3A_988 = tpu.vector_load_idx %gather3A_987[%add3A_11, %and3A_976] : memref<128x64xf32, #tpu.memory_space<vmem>>[vector<16xi32>, vector<16xi32>], vector<16xf32>,
        %sub3A_989 = arith.subf %gather3A, %gather3A_988 : vector<16xf32>
        %abs3A_990 = math.absf %sub3A_989 : vector<16xf32>
        %add3A_991 = arith.addf %scan3A_957, %abs3A_990 : vector<16xf32>
        %gather3A_992 = arith.constant 0 : i32
        %gather3A_993 = arith.constant 0 : i32
        %gather3A_994 = tpu.memref_slice %arg17[%scan3A_350, %scan3A_351, %gather3A_992, %gather3A_993] : memref<4x2x128x64xf32, #tpu.memory_space<vmem>> -> memref<1x1x128x64xf32, #tpu.memory_space<vmem>>
        %gather3A_995 = tpu.memref_squeeze %gather3A_994 : memref<1x1x128x64xf32, #tpu.memory_space<vmem>> -> memref<128x64xf32, #tpu.memory_space<vmem>>
        %gather3A_996 = tpu.vector_load_idx %gather3A_995[%add3A_14, %and3A_976] : memref<128x64xf32, #tpu.memory_space<vmem>>[vector<16xi32>, vector<16xi32>], vector<16xf32>,
        %sub3A_997 = arith.subf %gather3A, %gather3A_996 : vector<16xf32>
        %abs3A_998 = math.absf %sub3A_997 : vector<16xf32>
        %add3A_999 = arith.addf %scan3A_958, %abs3A_998 : vector<16xf32>
        %gather3A_1000 = arith.constant 0 : i32
        %gather3A_1001 = arith.constant 0 : i32
        %gather3A_1002 = tpu.memref_slice %arg17[%scan3A_350, %scan3A_351, %gather3A_1000, %gather3A_1001] : memref<4x2x128x64xf32, #tpu.memory_space<vmem>> -> memref<1x1x128x64xf32, #tpu.memory_space<vmem>>
        %gather3A_1003 = tpu.memref_squeeze %gather3A_1002 : memref<1x1x128x64xf32, #tpu.memory_space<vmem>> -> memref<128x64xf32, #tpu.memory_space<vmem>>
        %gather3A_1004 = tpu.vector_load_idx %gather3A_1003[%add3A_17, %and3A_976] : memref<128x64xf32, #tpu.memory_space<vmem>>[vector<16xi32>, vector<16xi32>], vector<16xf32>,
        %sub3A_1005 = arith.subf %gather3A, %gather3A_1004 : vector<16xf32>
        %abs3A_1006 = math.absf %sub3A_1005 : vector<16xf32>
        %add3A_1007 = arith.addf %scan3A_959, %abs3A_1006 : vector<16xf32>
        %gather3A_1008 = arith.constant 0 : i32
        %gather3A_1009 = arith.constant 0 : i32
        %gather3A_1010 = tpu.memref_slice %arg17[%scan3A_350, %scan3A_351, %gather3A_1008, %gather3A_1009] : memref<4x2x128x64xf32, #tpu.memory_space<vmem>> -> memref<1x1x128x64xf32, #tpu.memory_space<vmem>>
        %gather3A_1011 = tpu.memref_squeeze %gather3A_1010 : memref<1x1x128x64xf32, #tpu.memory_space<vmem>> -> memref<128x64xf32, #tpu.memory_space<vmem>>
        %gather3A_1012 = tpu.vector_load_idx %gather3A_1011[%add3A_20, %and3A_976] : memref<128x64xf32, #tpu.memory_space<vmem>>[vector<16xi32>, vector<16xi32>], vector<16xf32>,
        %sub3A_1013 = arith.subf %gather3A, %gather3A_1012 : vector<16xf32>
        %abs3A_1014 = math.absf %sub3A_1013 : vector<16xf32>
        %add3A_1015 = arith.addf %scan3A_960, %abs3A_1014 : vector<16xf32>
        %gather3A_1016 = arith.constant 0 : i32
        %gather3A_1017 = arith.constant 0 : i32
        %gather3A_1018 = tpu.memref_slice %arg17[%scan3A_350, %scan3A_351, %gather3A_1016, %gather3A_1017] : memref<4x2x128x64xf32, #tpu.memory_space<vmem>> -> memref<1x1x128x64xf32, #tpu.memory_space<vmem>>
        %gather3A_1019 = tpu.memref_squeeze %gather3A_1018 : memref<1x1x128x64xf32, #tpu.memory_space<vmem>> -> memref<128x64xf32, #tpu.memory_space<vmem>>
        %gather3A_1020 = tpu.vector_load_idx %gather3A_1019[%add3A_23, %and3A_976] : memref<128x64xf32, #tpu.memory_space<vmem>>[vector<16xi32>, vector<16xi32>], vector<16xf32>,
        %sub3A_1021 = arith.subf %gather3A, %gather3A_1020 : vector<16xf32>
        %abs3A_1022 = math.absf %sub3A_1021 : vector<16xf32>
        %add3A_1023 = arith.addf %scan3A_961, %abs3A_1022 : vector<16xf32>
        %gather3A_1024 = arith.constant 0 : i32
        %gather3A_1025 = arith.constant 0 : i32
        %gather3A_1026 = tpu.memref_slice %arg17[%scan3A_350, %scan3A_351, %gather3A_1024, %gather3A_1025] : memref<4x2x128x64xf32, #tpu.memory_space<vmem>> -> memref<1x1x128x64xf32, #tpu.memory_space<vmem>>
        %gather3A_1027 = tpu.memref_squeeze %gather3A_1026 : memref<1x1x128x64xf32, #tpu.memory_space<vmem>> -> memref<128x64xf32, #tpu.memory_space<vmem>>
        %gather3A_1028 = tpu.vector_load_idx %gather3A_1027[%add3A_26, %and3A_976] : memref<128x64xf32, #tpu.memory_space<vmem>>[vector<16xi32>, vector<16xi32>], vector<16xf32>,
        %sub3A_1029 = arith.subf %gather3A, %gather3A_1028 : vector<16xf32>
        %abs3A_1030 = math.absf %sub3A_1029 : vector<16xf32>
        %add3A_1031 = arith.addf %scan3A_962, %abs3A_1030 : vector<16xf32>
        %gather3A_1032 = arith.constant 0 : i32
        %gather3A_1033 = arith.constant 0 : i32
        %gather3A_1034 = tpu.memref_slice %arg17[%scan3A_350, %scan3A_351, %gather3A_1032, %gather3A_1033] : memref<4x2x128x64xf32, #tpu.memory_space<vmem>> -> memref<1x1x128x64xf32, #tpu.memory_space<vmem>>
        %gather3A_1035 = tpu.memref_squeeze %gather3A_1034 : memref<1x1x128x64xf32, #tpu.memory_space<vmem>> -> memref<128x64xf32, #tpu.memory_space<vmem>>
        %gather3A_1036 = tpu.vector_load_idx %gather3A_1035[%add3A_29, %and3A_976] : memref<128x64xf32, #tpu.memory_space<vmem>>[vector<16xi32>, vector<16xi32>], vector<16xf32>,
        %sub3A_1037 = arith.subf %gather3A, %gather3A_1036 : vector<16xf32>
        %abs3A_1038 = math.absf %sub3A_1037 : vector<16xf32>
        %add3A_1039 = arith.addf %scan3A_963, %abs3A_1038 : vector<16xf32>
        %gather3A_1040 = arith.constant 0 : i32
        %gather3A_1041 = arith.constant 0 : i32
        %gather3A_1042 = tpu.memref_slice %arg17[%scan3A_352, %scan3A_353, %gather3A_1040, %gather3A_1041] : memref<4x2x128x64xf32, #tpu.memory_space<vmem>> -> memref<1x1x128x64xf32, #tpu.memory_space<vmem>>
        %gather3A_1043 = tpu.memref_squeeze %gather3A_1042 : memref<1x1x128x64xf32, #tpu.memory_space<vmem>> -> memref<128x64xf32, #tpu.memory_space<vmem>>
        %gather3A_1044 = tpu.vector_load_idx %gather3A_1043[%add3A_8, %and3A_976] : memref<128x64xf32, #tpu.memory_space<vmem>>[vector<16xi32>, vector<16xi32>], vector<16xf32>,
        %sub3A_1045 = arith.subf %gather3A, %gather3A_1044 : vector<16xf32>
        %abs3A_1046 = math.absf %sub3A_1045 : vector<16xf32>
        %add3A_1047 = arith.addf %scan3A_964, %abs3A_1046 : vector<16xf32>
        %gather3A_1048 = arith.constant 0 : i32
        %gather3A_1049 = arith.constant 0 : i32
        %gather3A_1050 = tpu.memref_slice %arg17[%scan3A_352, %scan3A_353, %gather3A_1048, %gather3A_1049] : memref<4x2x128x64xf32, #tpu.memory_space<vmem>> -> memref<1x1x128x64xf32, #tpu.memory_space<vmem>>
        %gather3A_1051 = tpu.memref_squeeze %gather3A_1050 : memref<1x1x128x64xf32, #tpu.memory_space<vmem>> -> memref<128x64xf32, #tpu.memory_space<vmem>>
        %gather3A_1052 = tpu.vector_load_idx %gather3A_1051[%add3A_11, %and3A_976] : memref<128x64xf32, #tpu.memory_space<vmem>>[vector<16xi32>, vector<16xi32>], vector<16xf32>,
        %sub3A_1053 = arith.subf %gather3A, %gather3A_1052 : vector<16xf32>
        %abs3A_1054 = math.absf %sub3A_1053 : vector<16xf32>
        %add3A_1055 = arith.addf %scan3A_965, %abs3A_1054 : vector<16xf32>
        %gather3A_1056 = arith.constant 0 : i32
        %gather3A_1057 = arith.constant 0 : i32
        %gather3A_1058 = tpu.memref_slice %arg17[%scan3A_352, %scan3A_353, %gather3A_1056, %gather3A_1057] : memref<4x2x128x64xf32, #tpu.memory_space<vmem>> -> memref<1x1x128x64xf32, #tpu.memory_space<vmem>>
        %gather3A_1059 = tpu.memref_squeeze %gather3A_1058 : memref<1x1x128x64xf32, #tpu.memory_space<vmem>> -> memref<128x64xf32, #tpu.memory_space<vmem>>
        %gather3A_1060 = tpu.vector_load_idx %gather3A_1059[%add3A_14, %and3A_976] : memref<128x64xf32, #tpu.memory_space<vmem>>[vector<16xi32>, vector<16xi32>], vector<16xf32>,
        %sub3A_1061 = arith.subf %gather3A, %gather3A_1060 : vector<16xf32>
        %abs3A_1062 = math.absf %sub3A_1061 : vector<16xf32>
        %add3A_1063 = arith.addf %scan3A_966, %abs3A_1062 : vector<16xf32>
        %gather3A_1064 = arith.constant 0 : i32
        %gather3A_1065 = arith.constant 0 : i32
        %gather3A_1066 = tpu.memref_slice %arg17[%scan3A_352, %scan3A_353, %gather3A_1064, %gather3A_1065] : memref<4x2x128x64xf32, #tpu.memory_space<vmem>> -> memref<1x1x128x64xf32, #tpu.memory_space<vmem>>
        %gather3A_1067 = tpu.memref_squeeze %gather3A_1066 : memref<1x1x128x64xf32, #tpu.memory_space<vmem>> -> memref<128x64xf32, #tpu.memory_space<vmem>>
        %gather3A_1068 = tpu.vector_load_idx %gather3A_1067[%add3A_17, %and3A_976] : memref<128x64xf32, #tpu.memory_space<vmem>>[vector<16xi32>, vector<16xi32>], vector<16xf32>,
        %sub3A_1069 = arith.subf %gather3A, %gather3A_1068 : vector<16xf32>
        %abs3A_1070 = math.absf %sub3A_1069 : vector<16xf32>
        %add3A_1071 = arith.addf %scan3A_967, %abs3A_1070 : vector<16xf32>
        %gather3A_1072 = arith.constant 0 : i32
        %gather3A_1073 = arith.constant 0 : i32
        %gather3A_1074 = tpu.memref_slice %arg17[%scan3A_352, %scan3A_353, %gather3A_1072, %gather3A_1073] : memref<4x2x128x64xf32, #tpu.memory_space<vmem>> -> memref<1x1x128x64xf32, #tpu.memory_space<vmem>>
        %gather3A_1075 = tpu.memref_squeeze %gather3A_1074 : memref<1x1x128x64xf32, #tpu.memory_space<vmem>> -> memref<128x64xf32, #tpu.memory_space<vmem>>
        %gather3A_1076 = tpu.vector_load_idx %gather3A_1075[%add3A_20, %and3A_976] : memref<128x64xf32, #tpu.memory_space<vmem>>[vector<16xi32>, vector<16xi32>], vector<16xf32>,
        %sub3A_1077 = arith.subf %gather3A, %gather3A_1076 : vector<16xf32>
        %abs3A_1078 = math.absf %sub3A_1077 : vector<16xf32>
        %add3A_1079 = arith.addf %scan3A_968, %abs3A_1078 : vector<16xf32>
        %gather3A_1080 = arith.constant 0 : i32
        %gather3A_1081 = arith.constant 0 : i32
        %gather3A_1082 = tpu.memref_slice %arg17[%scan3A_352, %scan3A_353, %gather3A_1080, %gather3A_1081] : memref<4x2x128x64xf32, #tpu.memory_space<vmem>> -> memref<1x1x128x64xf32, #tpu.memory_space<vmem>>
        %gather3A_1083 = tpu.memref_squeeze %gather3A_1082 : memref<1x1x128x64xf32, #tpu.memory_space<vmem>> -> memref<128x64xf32, #tpu.memory_space<vmem>>
        %gather3A_1084 = tpu.vector_load_idx %gather3A_1083[%add3A_23, %and3A_976] : memref<128x64xf32, #tpu.memory_space<vmem>>[vector<16xi32>, vector<16xi32>], vector<16xf32>,
        %sub3A_1085 = arith.subf %gather3A, %gather3A_1084 : vector<16xf32>
        %abs3A_1086 = math.absf %sub3A_1085 : vector<16xf32>
        %add3A_1087 = arith.addf %scan3A_969, %abs3A_1086 : vector<16xf32>
        %gather3A_1088 = arith.constant 0 : i32
        %gather3A_1089 = arith.constant 0 : i32
        %gather3A_1090 = tpu.memref_slice %arg17[%scan3A_352, %scan3A_353, %gather3A_1088, %gather3A_1089] : memref<4x2x128x64xf32, #tpu.memory_space<vmem>> -> memref<1x1x128x64xf32, #tpu.memory_space<vmem>>
        %gather3A_1091 = tpu.memref_squeeze %gather3A_1090 : memref<1x1x128x64xf32, #tpu.memory_space<vmem>> -> memref<128x64xf32, #tpu.memory_space<vmem>>
        %gather3A_1092 = tpu.vector_load_idx %gather3A_1091[%add3A_26, %and3A_976] : memref<128x64xf32, #tpu.memory_space<vmem>>[vector<16xi32>, vector<16xi32>], vector<16xf32>,
        %sub3A_1093 = arith.subf %gather3A, %gather3A_1092 : vector<16xf32>
        %abs3A_1094 = math.absf %sub3A_1093 : vector<16xf32>
        %add3A_1095 = arith.addf %scan3A_970, %abs3A_1094 : vector<16xf32>
        %gather3A_1096 = arith.constant 0 : i32
        %gather3A_1097 = arith.constant 0 : i32
        %gather3A_1098 = tpu.memref_slice %arg17[%scan3A_352, %scan3A_353, %gather3A_1096, %gather3A_1097] : memref<4x2x128x64xf32, #tpu.memory_space<vmem>> -> memref<1x1x128x64xf32, #tpu.memory_space<vmem>>
        %gather3A_1099 = tpu.memref_squeeze %gather3A_1098 : memref<1x1x128x64xf32, #tpu.memory_space<vmem>> -> memref<128x64xf32, #tpu.memory_space<vmem>>
        %gather3A_1100 = tpu.vector_load_idx %gather3A_1099[%add3A_29, %and3A_976] : memref<128x64xf32, #tpu.memory_space<vmem>>[vector<16xi32>, vector<16xi32>], vector<16xf32>,
        %sub3A_1101 = arith.subf %gather3A, %gather3A_1100 : vector<16xf32>
        %abs3A_1102 = math.absf %sub3A_1101 : vector<16xf32>
        %add3A_1103 = arith.addf %scan3A_971, %abs3A_1102 : vector<16xf32>
        %scan3A_1104 = arith.constant 1 : i32
        %scan3A_1105 = arith.addi %scan3A_955, %scan3A_1104 : i32
        %broadcast_in_dim3A_1106 = vector.broadcast %scan3A_1105 : i32 to vector<16xi32>
        %add3A_1107 = arith.addi %broadcast_in_dim3A_1106, %iota3A : vector<16xi32>
        %and3A_1108 = arith.constant 63 : i32
        %and3A_1109 = vector.broadcast %and3A_1108 : i32 to vector<16xi32>
        %and3A_1110 = arith.andi %add3A_1107, %and3A_1109 : vector<16xi32>
        %gather3A_1111 = tpu.vector_load_idx %arg15[%broadcast_in_dim3A_349, %and3A_1110] : memref<128x64xf32, #tpu.memory_space<vmem>>[vector<16xi32>, vector<16xi32>], vector<16xf32>,
        %gather3A_1112 = arith.constant 0 : i32
        %gather3A_1113 = arith.constant 0 : i32
        %gather3A_1114 = tpu.memref_slice %arg17[%scan3A_350, %scan3A_351, %gather3A_1112, %gather3A_1113] : memref<4x2x128x64xf32, #tpu.memory_space<vmem>> -> memref<1x1x128x64xf32, #tpu.memory_space<vmem>>
        %gather3A_1115 = tpu.memref_squeeze %gather3A_1114 : memref<1x1x128x64xf32, #tpu.memory_space<vmem>> -> memref<128x64xf32, #tpu.memory_space<vmem>>
        %gather3A_1116 = tpu.vector_load_idx %gather3A_1115[%add3A_8, %and3A_1110] : memref<128x64xf32, #tpu.memory_space<vmem>>[vector<16xi32>, vector<16xi32>], vector<16xf32>,
        %sub3A_1117 = arith.subf %gather3A_1111, %gather3A_1116 : vector<16xf32>
        %abs3A_1118 = math.absf %sub3A_1117 : vector<16xf32>
        %add3A_1119 = arith.addf %add3A_983, %abs3A_1118 : vector<16xf32>
        %gather3A_1120 = arith.constant 0 : i32
        %gather3A_1121 = arith.constant 0 : i32
        %gather3A_1122 = tpu.memref_slice %arg17[%scan3A_350, %scan3A_351, %gather3A_1120, %gather3A_1121] : memref<4x2x128x64xf32, #tpu.memory_space<vmem>> -> memref<1x1x128x64xf32, #tpu.memory_space<vmem>>
        %gather3A_1123 = tpu.memref_squeeze %gather3A_1122 : memref<1x1x128x64xf32, #tpu.memory_space<vmem>> -> memref<128x64xf32, #tpu.memory_space<vmem>>
        %gather3A_1124 = tpu.vector_load_idx %gather3A_1123[%add3A_11, %and3A_1110] : memref<128x64xf32, #tpu.memory_space<vmem>>[vector<16xi32>, vector<16xi32>], vector<16xf32>,
        %sub3A_1125 = arith.subf %gather3A_1111, %gather3A_1124 : vector<16xf32>
        %abs3A_1126 = math.absf %sub3A_1125 : vector<16xf32>
        %add3A_1127 = arith.addf %add3A_991, %abs3A_1126 : vector<16xf32>
        %gather3A_1128 = arith.constant 0 : i32
        %gather3A_1129 = arith.constant 0 : i32
        %gather3A_1130 = tpu.memref_slice %arg17[%scan3A_350, %scan3A_351, %gather3A_1128, %gather3A_1129] : memref<4x2x128x64xf32, #tpu.memory_space<vmem>> -> memref<1x1x128x64xf32, #tpu.memory_space<vmem>>
        %gather3A_1131 = tpu.memref_squeeze %gather3A_1130 : memref<1x1x128x64xf32, #tpu.memory_space<vmem>> -> memref<128x64xf32, #tpu.memory_space<vmem>>
        %gather3A_1132 = tpu.vector_load_idx %gather3A_1131[%add3A_14, %and3A_1110] : memref<128x64xf32, #tpu.memory_space<vmem>>[vector<16xi32>, vector<16xi32>], vector<16xf32>,
        %sub3A_1133 = arith.subf %gather3A_1111, %gather3A_1132 : vector<16xf32>
        %abs3A_1134 = math.absf %sub3A_1133 : vector<16xf32>
        %add3A_1135 = arith.addf %add3A_999, %abs3A_1134 : vector<16xf32>
        %gather3A_1136 = arith.constant 0 : i32
        %gather3A_1137 = arith.constant 0 : i32
        %gather3A_1138 = tpu.memref_slice %arg17[%scan3A_350, %scan3A_351, %gather3A_1136, %gather3A_1137] : memref<4x2x128x64xf32, #tpu.memory_space<vmem>> -> memref<1x1x128x64xf32, #tpu.memory_space<vmem>>
        %gather3A_1139 = tpu.memref_squeeze %gather3A_1138 : memref<1x1x128x64xf32, #tpu.memory_space<vmem>> -> memref<128x64xf32, #tpu.memory_space<vmem>>
        %gather3A_1140 = tpu.vector_load_idx %gather3A_1139[%add3A_17, %and3A_1110] : memref<128x64xf32, #tpu.memory_space<vmem>>[vector<16xi32>, vector<16xi32>], vector<16xf32>,
        %sub3A_1141 = arith.subf %gather3A_1111, %gather3A_1140 : vector<16xf32>
        %abs3A_1142 = math.absf %sub3A_1141 : vector<16xf32>
        %add3A_1143 = arith.addf %add3A_1007, %abs3A_1142 : vector<16xf32>
        %gather3A_1144 = arith.constant 0 : i32
        %gather3A_1145 = arith.constant 0 : i32
        %gather3A_1146 = tpu.memref_slice %arg17[%scan3A_350, %scan3A_351, %gather3A_1144, %gather3A_1145] : memref<4x2x128x64xf32, #tpu.memory_space<vmem>> -> memref<1x1x128x64xf32, #tpu.memory_space<vmem>>
        %gather3A_1147 = tpu.memref_squeeze %gather3A_1146 : memref<1x1x128x64xf32, #tpu.memory_space<vmem>> -> memref<128x64xf32, #tpu.memory_space<vmem>>
        %gather3A_1148 = tpu.vector_load_idx %gather3A_1147[%add3A_20, %and3A_1110] : memref<128x64xf32, #tpu.memory_space<vmem>>[vector<16xi32>, vector<16xi32>], vector<16xf32>,
        %sub3A_1149 = arith.subf %gather3A_1111, %gather3A_1148 : vector<16xf32>
        %abs3A_1150 = math.absf %sub3A_1149 : vector<16xf32>
        %add3A_1151 = arith.addf %add3A_1015, %abs3A_1150 : vector<16xf32>
        %gather3A_1152 = arith.constant 0 : i32
        %gather3A_1153 = arith.constant 0 : i32
        %gather3A_1154 = tpu.memref_slice %arg17[%scan3A_350, %scan3A_351, %gather3A_1152, %gather3A_1153] : memref<4x2x128x64xf32, #tpu.memory_space<vmem>> -> memref<1x1x128x64xf32, #tpu.memory_space<vmem>>
        %gather3A_1155 = tpu.memref_squeeze %gather3A_1154 : memref<1x1x128x64xf32, #tpu.memory_space<vmem>> -> memref<128x64xf32, #tpu.memory_space<vmem>>
        %gather3A_1156 = tpu.vector_load_idx %gather3A_1155[%add3A_23, %and3A_1110] : memref<128x64xf32, #tpu.memory_space<vmem>>[vector<16xi32>, vector<16xi32>], vector<16xf32>,
        %sub3A_1157 = arith.subf %gather3A_1111, %gather3A_1156 : vector<16xf32>
        %abs3A_1158 = math.absf %sub3A_1157 : vector<16xf32>
        %add3A_1159 = arith.addf %add3A_1023, %abs3A_1158 : vector<16xf32>
        %gather3A_1160 = arith.constant 0 : i32
        %gather3A_1161 = arith.constant 0 : i32
        %gather3A_1162 = tpu.memref_slice %arg17[%scan3A_350, %scan3A_351, %gather3A_1160, %gather3A_1161] : memref<4x2x128x64xf32, #tpu.memory_space<vmem>> -> memref<1x1x128x64xf32, #tpu.memory_space<vmem>>
        %gather3A_1163 = tpu.memref_squeeze %gather3A_1162 : memref<1x1x128x64xf32, #tpu.memory_space<vmem>> -> memref<128x64xf32, #tpu.memory_space<vmem>>
        %gather3A_1164 = tpu.vector_load_idx %gather3A_1163[%add3A_26, %and3A_1110] : memref<128x64xf32, #tpu.memory_space<vmem>>[vector<16xi32>, vector<16xi32>], vector<16xf32>,
        %sub3A_1165 = arith.subf %gather3A_1111, %gather3A_1164 : vector<16xf32>
        %abs3A_1166 = math.absf %sub3A_1165 : vector<16xf32>
        %add3A_1167 = arith.addf %add3A_1031, %abs3A_1166 : vector<16xf32>
        %gather3A_1168 = arith.constant 0 : i32
        %gather3A_1169 = arith.constant 0 : i32
        %gather3A_1170 = tpu.memref_slice %arg17[%scan3A_350, %scan3A_351, %gather3A_1168, %gather3A_1169] : memref<4x2x128x64xf32, #tpu.memory_space<vmem>> -> memref<1x1x128x64xf32, #tpu.memory_space<vmem>>
        %gather3A_1171 = tpu.memref_squeeze %gather3A_1170 : memref<1x1x128x64xf32, #tpu.memory_space<vmem>> -> memref<128x64xf32, #tpu.memory_space<vmem>>
        %gather3A_1172 = tpu.vector_load_idx %gather3A_1171[%add3A_29, %and3A_1110] : memref<128x64xf32, #tpu.memory_space<vmem>>[vector<16xi32>, vector<16xi32>], vector<16xf32>,
        %sub3A_1173 = arith.subf %gather3A_1111, %gather3A_1172 : vector<16xf32>
        %abs3A_1174 = math.absf %sub3A_1173 : vector<16xf32>
        %add3A_1175 = arith.addf %add3A_1039, %abs3A_1174 : vector<16xf32>
        %gather3A_1176 = arith.constant 0 : i32
        %gather3A_1177 = arith.constant 0 : i32
        %gather3A_1178 = tpu.memref_slice %arg17[%scan3A_352, %scan3A_353, %gather3A_1176, %gather3A_1177] : memref<4x2x128x64xf32, #tpu.memory_space<vmem>> -> memref<1x1x128x64xf32, #tpu.memory_space<vmem>>
        %gather3A_1179 = tpu.memref_squeeze %gather3A_1178 : memref<1x1x128x64xf32, #tpu.memory_space<vmem>> -> memref<128x64xf32, #tpu.memory_space<vmem>>
        %gather3A_1180 = tpu.vector_load_idx %gather3A_1179[%add3A_8, %and3A_1110] : memref<128x64xf32, #tpu.memory_space<vmem>>[vector<16xi32>, vector<16xi32>], vector<16xf32>,
        %sub3A_1181 = arith.subf %gather3A_1111, %gather3A_1180 : vector<16xf32>
        %abs3A_1182 = math.absf %sub3A_1181 : vector<16xf32>
        %add3A_1183 = arith.addf %add3A_1047, %abs3A_1182 : vector<16xf32>
        %gather3A_1184 = arith.constant 0 : i32
        %gather3A_1185 = arith.constant 0 : i32
        %gather3A_1186 = tpu.memref_slice %arg17[%scan3A_352, %scan3A_353, %gather3A_1184, %gather3A_1185] : memref<4x2x128x64xf32, #tpu.memory_space<vmem>> -> memref<1x1x128x64xf32, #tpu.memory_space<vmem>>
        %gather3A_1187 = tpu.memref_squeeze %gather3A_1186 : memref<1x1x128x64xf32, #tpu.memory_space<vmem>> -> memref<128x64xf32, #tpu.memory_space<vmem>>
        %gather3A_1188 = tpu.vector_load_idx %gather3A_1187[%add3A_11, %and3A_1110] : memref<128x64xf32, #tpu.memory_space<vmem>>[vector<16xi32>, vector<16xi32>], vector<16xf32>,
        %sub3A_1189 = arith.subf %gather3A_1111, %gather3A_1188 : vector<16xf32>
        %abs3A_1190 = math.absf %sub3A_1189 : vector<16xf32>
        %add3A_1191 = arith.addf %add3A_1055, %abs3A_1190 : vector<16xf32>
        %gather3A_1192 = arith.constant 0 : i32
        %gather3A_1193 = arith.constant 0 : i32
        %gather3A_1194 = tpu.memref_slice %arg17[%scan3A_352, %scan3A_353, %gather3A_1192, %gather3A_1193] : memref<4x2x128x64xf32, #tpu.memory_space<vmem>> -> memref<1x1x128x64xf32, #tpu.memory_space<vmem>>
        %gather3A_1195 = tpu.memref_squeeze %gather3A_1194 : memref<1x1x128x64xf32, #tpu.memory_space<vmem>> -> memref<128x64xf32, #tpu.memory_space<vmem>>
        %gather3A_1196 = tpu.vector_load_idx %gather3A_1195[%add3A_14, %and3A_1110] : memref<128x64xf32, #tpu.memory_space<vmem>>[vector<16xi32>, vector<16xi32>], vector<16xf32>,
        %sub3A_1197 = arith.subf %gather3A_1111, %gather3A_1196 : vector<16xf32>
        %abs3A_1198 = math.absf %sub3A_1197 : vector<16xf32>
        %add3A_1199 = arith.addf %add3A_1063, %abs3A_1198 : vector<16xf32>
        %gather3A_1200 = arith.constant 0 : i32
        %gather3A_1201 = arith.constant 0 : i32
        %gather3A_1202 = tpu.memref_slice %arg17[%scan3A_352, %scan3A_353, %gather3A_1200, %gather3A_1201] : memref<4x2x128x64xf32, #tpu.memory_space<vmem>> -> memref<1x1x128x64xf32, #tpu.memory_space<vmem>>
        %gather3A_1203 = tpu.memref_squeeze %gather3A_1202 : memref<1x1x128x64xf32, #tpu.memory_space<vmem>> -> memref<128x64xf32, #tpu.memory_space<vmem>>
        %gather3A_1204 = tpu.vector_load_idx %gather3A_1203[%add3A_17, %and3A_1110] : memref<128x64xf32, #tpu.memory_space<vmem>>[vector<16xi32>, vector<16xi32>], vector<16xf32>,
        %sub3A_1205 = arith.subf %gather3A_1111, %gather3A_1204 : vector<16xf32>
        %abs3A_1206 = math.absf %sub3A_1205 : vector<16xf32>
        %add3A_1207 = arith.addf %add3A_1071, %abs3A_1206 : vector<16xf32>
        %gather3A_1208 = arith.constant 0 : i32
        %gather3A_1209 = arith.constant 0 : i32
        %gather3A_1210 = tpu.memref_slice %arg17[%scan3A_352, %scan3A_353, %gather3A_1208, %gather3A_1209] : memref<4x2x128x64xf32, #tpu.memory_space<vmem>> -> memref<1x1x128x64xf32, #tpu.memory_space<vmem>>
        %gather3A_1211 = tpu.memref_squeeze %gather3A_1210 : memref<1x1x128x64xf32, #tpu.memory_space<vmem>> -> memref<128x64xf32, #tpu.memory_space<vmem>>
        %gather3A_1212 = tpu.vector_load_idx %gather3A_1211[%add3A_20, %and3A_1110] : memref<128x64xf32, #tpu.memory_space<vmem>>[vector<16xi32>, vector<16xi32>], vector<16xf32>,
        %sub3A_1213 = arith.subf %gather3A_1111, %gather3A_1212 : vector<16xf32>
        %abs3A_1214 = math.absf %sub3A_1213 : vector<16xf32>
        %add3A_1215 = arith.addf %add3A_1079, %abs3A_1214 : vector<16xf32>
        %gather3A_1216 = arith.constant 0 : i32
        %gather3A_1217 = arith.constant 0 : i32
        %gather3A_1218 = tpu.memref_slice %arg17[%scan3A_352, %scan3A_353, %gather3A_1216, %gather3A_1217] : memref<4x2x128x64xf32, #tpu.memory_space<vmem>> -> memref<1x1x128x64xf32, #tpu.memory_space<vmem>>
        %gather3A_1219 = tpu.memref_squeeze %gather3A_1218 : memref<1x1x128x64xf32, #tpu.memory_space<vmem>> -> memref<128x64xf32, #tpu.memory_space<vmem>>
        %gather3A_1220 = tpu.vector_load_idx %gather3A_1219[%add3A_23, %and3A_1110] : memref<128x64xf32, #tpu.memory_space<vmem>>[vector<16xi32>, vector<16xi32>], vector<16xf32>,
        %sub3A_1221 = arith.subf %gather3A_1111, %gather3A_1220 : vector<16xf32>
        %abs3A_1222 = math.absf %sub3A_1221 : vector<16xf32>
        %add3A_1223 = arith.addf %add3A_1087, %abs3A_1222 : vector<16xf32>
        %gather3A_1224 = arith.constant 0 : i32
        %gather3A_1225 = arith.constant 0 : i32
        %gather3A_1226 = tpu.memref_slice %arg17[%scan3A_352, %scan3A_353, %gather3A_1224, %gather3A_1225] : memref<4x2x128x64xf32, #tpu.memory_space<vmem>> -> memref<1x1x128x64xf32, #tpu.memory_space<vmem>>
        %gather3A_1227 = tpu.memref_squeeze %gather3A_1226 : memref<1x1x128x64xf32, #tpu.memory_space<vmem>> -> memref<128x64xf32, #tpu.memory_space<vmem>>
        %gather3A_1228 = tpu.vector_load_idx %gather3A_1227[%add3A_26, %and3A_1110] : memref<128x64xf32, #tpu.memory_space<vmem>>[vector<16xi32>, vector<16xi32>], vector<16xf32>,
        %sub3A_1229 = arith.subf %gather3A_1111, %gather3A_1228 : vector<16xf32>
        %abs3A_1230 = math.absf %sub3A_1229 : vector<16xf32>
        %add3A_1231 = arith.addf %add3A_1095, %abs3A_1230 : vector<16xf32>
        %gather3A_1232 = arith.constant 0 : i32
        %gather3A_1233 = arith.constant 0 : i32
        %gather3A_1234 = tpu.memref_slice %arg17[%scan3A_352, %scan3A_353, %gather3A_1232, %gather3A_1233] : memref<4x2x128x64xf32, #tpu.memory_space<vmem>> -> memref<1x1x128x64xf32, #tpu.memory_space<vmem>>
        %gather3A_1235 = tpu.memref_squeeze %gather3A_1234 : memref<1x1x128x64xf32, #tpu.memory_space<vmem>> -> memref<128x64xf32, #tpu.memory_space<vmem>>
        %gather3A_1236 = tpu.vector_load_idx %gather3A_1235[%add3A_29, %and3A_1110] : memref<128x64xf32, #tpu.memory_space<vmem>>[vector<16xi32>, vector<16xi32>], vector<16xf32>,
        %sub3A_1237 = arith.subf %gather3A_1111, %gather3A_1236 : vector<16xf32>
        %abs3A_1238 = math.absf %sub3A_1237 : vector<16xf32>
        %add3A_1239 = arith.addf %add3A_1103, %abs3A_1238 : vector<16xf32>
        scf.yield %add3A_1119, %add3A_1127, %add3A_1135, %add3A_1143, %add3A_1151, %add3A_1159, %add3A_1167, %add3A_1175, %add3A_1183, %add3A_1191, %add3A_1199, %add3A_1207, %add3A_1215, %add3A_1223, %add3A_1231, %add3A_1239 : vector<16xf32>, vector<16xf32>, vector<16xf32>, vector<16xf32>, vector<16xf32>, vector<16xf32>, vector<16xf32>, vector<16xf32>, vector<16xf32>, vector<16xf32>, vector<16xf32>, vector<16xf32>, vector<16xf32>, vector<16xf32>, vector<16xf32>, vector<16xf32>
      }
      %scan3A_359 = arith.constant 64 : i32
      %sub3A_360 = arith.constant 1.200000e+01 : f32
      %sub3A_361 = vector.broadcast %sub3A_360 : f32 to vector<16xf32>
      %sub3A_362 = arith.subf %sub3A_361, %scan3A_358#0 : vector<16xf32>
      %swap3A_363 = arith.index_cast %select_n3A_324 : i32 to index
      %swap3A_364 = arith.constant 1 : index
      %swap3A_365 = tpu.vector_load %arg18[%swap3A_363, %swap3A_364] {strides = array<i32>} : memref<32x257xf32, #tpu.memory_space<vmem>>, vector<16xf32>,
      tpu.vector_store %arg18[%swap3A_363, %swap3A_364], %sub3A_362 {strides = array<i32>} : memref<32x257xf32, #tpu.memory_space<vmem>>, vector<16xf32>,
      %sub3A_366 = arith.constant 1.200000e+01 : f32
      %sub3A_367 = vector.broadcast %sub3A_366 : f32 to vector<16xf32>
      %sub3A_368 = arith.subf %sub3A_367, %scan3A_358#1 : vector<16xf32>
      %swap3A_369 = arith.index_cast %select_n3A_324 : i32 to index
      %swap3A_370 = arith.constant 17 : index
      %swap3A_371 = tpu.vector_load %arg18[%swap3A_369, %swap3A_370] {strides = array<i32>} : memref<32x257xf32, #tpu.memory_space<vmem>>, vector<16xf32>,
      tpu.vector_store %arg18[%swap3A_369, %swap3A_370], %sub3A_368 {strides = array<i32>} : memref<32x257xf32, #tpu.memory_space<vmem>>, vector<16xf32>,
      %sub3A_372 = arith.constant 1.200000e+01 : f32
      %sub3A_373 = vector.broadcast %sub3A_372 : f32 to vector<16xf32>
      %sub3A_374 = arith.subf %sub3A_373, %scan3A_358#2 : vector<16xf32>
      %swap3A_375 = arith.index_cast %select_n3A_324 : i32 to index
      %swap3A_376 = arith.constant 33 : index
      %swap3A_377 = tpu.vector_load %arg18[%swap3A_375, %swap3A_376] {strides = array<i32>} : memref<32x257xf32, #tpu.memory_space<vmem>>, vector<16xf32>,
      tpu.vector_store %arg18[%swap3A_375, %swap3A_376], %sub3A_374 {strides = array<i32>} : memref<32x257xf32, #tpu.memory_space<vmem>>, vector<16xf32>,
      %sub3A_378 = arith.constant 1.200000e+01 : f32
      %sub3A_379 = vector.broadcast %sub3A_378 : f32 to vector<16xf32>
      %sub3A_380 = arith.subf %sub3A_379, %scan3A_358#3 : vector<16xf32>
      %swap3A_381 = arith.index_cast %select_n3A_324 : i32 to index
      %swap3A_382 = arith.constant 49 : index
      %swap3A_383 = tpu.vector_load %arg18[%swap3A_381, %swap3A_382] {strides = array<i32>} : memref<32x257xf32, #tpu.memory_space<vmem>>, vector<16xf32>,
      tpu.vector_store %arg18[%swap3A_381, %swap3A_382], %sub3A_380 {strides = array<i32>} : memref<32x257xf32, #tpu.memory_space<vmem>>, vector<16xf32>,
      %sub3A_384 = arith.constant 1.200000e+01 : f32
      %sub3A_385 = vector.broadcast %sub3A_384 : f32 to vector<16xf32>
      %sub3A_386 = arith.subf %sub3A_385, %scan3A_358#4 : vector<16xf32>
      %swap3A_387 = arith.index_cast %select_n3A_324 : i32 to index
      %swap3A_388 = arith.constant 65 : index
      %swap3A_389 = tpu.vector_load %arg18[%swap3A_387, %swap3A_388] {strides = array<i32>} : memref<32x257xf32, #tpu.memory_space<vmem>>, vector<16xf32>,
      tpu.vector_store %arg18[%swap3A_387, %swap3A_388], %sub3A_386 {strides = array<i32>} : memref<32x257xf32, #tpu.memory_space<vmem>>, vector<16xf32>,
      %sub3A_390 = arith.constant 1.200000e+01 : f32
      %sub3A_391 = vector.broadcast %sub3A_390 : f32 to vector<16xf32>
      %sub3A_392 = arith.subf %sub3A_391, %scan3A_358#5 : vector<16xf32>
      %swap3A_393 = arith.index_cast %select_n3A_324 : i32 to index
      %swap3A_394 = arith.constant 81 : index
      %swap3A_395 = tpu.vector_load %arg18[%swap3A_393, %swap3A_394] {strides = array<i32>} : memref<32x257xf32, #tpu.memory_space<vmem>>, vector<16xf32>,
      tpu.vector_store %arg18[%swap3A_393, %swap3A_394], %sub3A_392 {strides = array<i32>} : memref<32x257xf32, #tpu.memory_space<vmem>>, vector<16xf32>,
      %sub3A_396 = arith.constant 1.200000e+01 : f32
      %sub3A_397 = vector.broadcast %sub3A_396 : f32 to vector<16xf32>
      %sub3A_398 = arith.subf %sub3A_397, %scan3A_358#6 : vector<16xf32>
      %swap3A_399 = arith.index_cast %select_n3A_324 : i32 to index
      %swap3A_400 = arith.constant 97 : index
      %swap3A_401 = tpu.vector_load %arg18[%swap3A_399, %swap3A_400] {strides = array<i32>} : memref<32x257xf32, #tpu.memory_space<vmem>>, vector<16xf32>,
      tpu.vector_store %arg18[%swap3A_399, %swap3A_400], %sub3A_398 {strides = array<i32>} : memref<32x257xf32, #tpu.memory_space<vmem>>, vector<16xf32>,
      %sub3A_402 = arith.constant 1.200000e+01 : f32
      %sub3A_403 = vector.broadcast %sub3A_402 : f32 to vector<16xf32>
      %sub3A_404 = arith.subf %sub3A_403, %scan3A_358#7 : vector<16xf32>
      %swap3A_405 = arith.index_cast %select_n3A_324 : i32 to index
      %swap3A_406 = arith.constant 113 : index
      %swap3A_407 = tpu.vector_load %arg18[%swap3A_405, %swap3A_406] {strides = array<i32>} : memref<32x257xf32, #tpu.memory_space<vmem>>, vector<16xf32>,
      tpu.vector_store %arg18[%swap3A_405, %swap3A_406], %sub3A_404 {strides = array<i32>} : memref<32x257xf32, #tpu.memory_space<vmem>>, vector<16xf32>,
      %sub3A_408 = arith.constant 1.200000e+01 : f32
      %sub3A_409 = vector.broadcast %sub3A_408 : f32 to vector<16xf32>
      %sub3A_410 = arith.subf %sub3A_409, %scan3A_358#8 : vector<16xf32>
      %swap3A_411 = arith.index_cast %select_n3A_324 : i32 to index
      %swap3A_412 = arith.constant 129 : index
      %swap3A_413 = tpu.vector_load %arg18[%swap3A_411, %swap3A_412] {strides = array<i32>} : memref<32x257xf32, #tpu.memory_space<vmem>>, vector<16xf32>,
      tpu.vector_store %arg18[%swap3A_411, %swap3A_412], %sub3A_410 {strides = array<i32>} : memref<32x257xf32, #tpu.memory_space<vmem>>, vector<16xf32>,
      %sub3A_414 = arith.constant 1.200000e+01 : f32
      %sub3A_415 = vector.broadcast %sub3A_414 : f32 to vector<16xf32>
      %sub3A_416 = arith.subf %sub3A_415, %scan3A_358#9 : vector<16xf32>
      %swap3A_417 = arith.index_cast %select_n3A_324 : i32 to index
      %swap3A_418 = arith.constant 145 : index
      %swap3A_419 = tpu.vector_load %arg18[%swap3A_417, %swap3A_418] {strides = array<i32>} : memref<32x257xf32, #tpu.memory_space<vmem>>, vector<16xf32>,
      tpu.vector_store %arg18[%swap3A_417, %swap3A_418], %sub3A_416 {strides = array<i32>} : memref<32x257xf32, #tpu.memory_space<vmem>>, vector<16xf32>,
      %sub3A_420 = arith.constant 1.200000e+01 : f32
      %sub3A_421 = vector.broadcast %sub3A_420 : f32 to vector<16xf32>
      %sub3A_422 = arith.subf %sub3A_421, %scan3A_358#10 : vector<16xf32>
      %swap3A_423 = arith.index_cast %select_n3A_324 : i32 to index
      %swap3A_424 = arith.constant 161 : index
      %swap3A_425 = tpu.vector_load %arg18[%swap3A_423, %swap3A_424] {strides = array<i32>} : memref<32x257xf32, #tpu.memory_space<vmem>>, vector<16xf32>,
      tpu.vector_store %arg18[%swap3A_423, %swap3A_424], %sub3A_422 {strides = array<i32>} : memref<32x257xf32, #tpu.memory_space<vmem>>, vector<16xf32>,
      %sub3A_426 = arith.constant 1.200000e+01 : f32
      %sub3A_427 = vector.broadcast %sub3A_426 : f32 to vector<16xf32>
      %sub3A_428 = arith.subf %sub3A_427, %scan3A_358#11 : vector<16xf32>
      %swap3A_429 = arith.index_cast %select_n3A_324 : i32 to index
      %swap3A_430 = arith.constant 177 : index
      %swap3A_431 = tpu.vector_load %arg18[%swap3A_429, %swap3A_430] {strides = array<i32>} : memref<32x257xf32, #tpu.memory_space<vmem>>, vector<16xf32>,
      tpu.vector_store %arg18[%swap3A_429, %swap3A_430], %sub3A_428 {strides = array<i32>} : memref<32x257xf32, #tpu.memory_space<vmem>>, vector<16xf32>,
      %sub3A_432 = arith.constant 1.200000e+01 : f32
      %sub3A_433 = vector.broadcast %sub3A_432 : f32 to vector<16xf32>
      %sub3A_434 = arith.subf %sub3A_433, %scan3A_358#12 : vector<16xf32>
      %swap3A_435 = arith.index_cast %select_n3A_324 : i32 to index
      %swap3A_436 = arith.constant 193 : index
      %swap3A_437 = tpu.vector_load %arg18[%swap3A_435, %swap3A_436] {strides = array<i32>} : memref<32x257xf32, #tpu.memory_space<vmem>>, vector<16xf32>,
      tpu.vector_store %arg18[%swap3A_435, %swap3A_436], %sub3A_434 {strides = array<i32>} : memref<32x257xf32, #tpu.memory_space<vmem>>, vector<16xf32>,
      %sub3A_438 = arith.constant 1.200000e+01 : f32
      %sub3A_439 = vector.broadcast %sub3A_438 : f32 to vector<16xf32>
      %sub3A_440 = arith.subf %sub3A_439, %scan3A_358#13 : vector<16xf32>
      %swap3A_441 = arith.index_cast %select_n3A_324 : i32 to index
      %swap3A_442 = arith.constant 209 : index
      %swap3A_443 = tpu.vector_load %arg18[%swap3A_441, %swap3A_442] {strides = array<i32>} : memref<32x257xf32, #tpu.memory_space<vmem>>, vector<16xf32>,
      tpu.vector_store %arg18[%swap3A_441, %swap3A_442], %sub3A_440 {strides = array<i32>} : memref<32x257xf32, #tpu.memory_space<vmem>>, vector<16xf32>,
      %sub3A_444 = arith.constant 1.200000e+01 : f32
      %sub3A_445 = vector.broadcast %sub3A_444 : f32 to vector<16xf32>
      %sub3A_446 = arith.subf %sub3A_445, %scan3A_358#14 : vector<16xf32>
      %swap3A_447 = arith.index_cast %select_n3A_324 : i32 to index
      %swap3A_448 = arith.constant 225 : index
      %swap3A_449 = tpu.vector_load %arg18[%swap3A_447, %swap3A_448] {strides = array<i32>} : memref<32x257xf32, #tpu.memory_space<vmem>>, vector<16xf32>,
      tpu.vector_store %arg18[%swap3A_447, %swap3A_448], %sub3A_446 {strides = array<i32>} : memref<32x257xf32, #tpu.memory_space<vmem>>, vector<16xf32>,
      %sub3A_450 = arith.constant 1.200000e+01 : f32
      %sub3A_451 = vector.broadcast %sub3A_450 : f32 to vector<16xf32>
      %sub3A_452 = arith.subf %sub3A_451, %scan3A_358#15 : vector<16xf32>
      %swap3A_453 = arith.index_cast %select_n3A_324 : i32 to index
      %swap3A_454 = arith.constant 241 : index
      %swap3A_455 = tpu.vector_load %arg18[%swap3A_453, %swap3A_454] {strides = array<i32>} : memref<32x257xf32, #tpu.memory_space<vmem>>, vector<16xf32>,
      tpu.vector_store %arg18[%swap3A_453, %swap3A_454], %sub3A_452 {strides = array<i32>} : memref<32x257xf32, #tpu.memory_space<vmem>>, vector<16xf32>,
      %add3A_456 = arith.constant 4 : i32
      %add3A_457 = arith.addi %add3A_315, %add3A_456 : i32
      %lt3A_458 = arith.constant 128 : i32
      %lt3A_459 = arith.cmpi slt, %add3A_457, %lt3A_458 : i32
      %convert_element_type3A = arith.extui %lt3A_459 : i1 to i32
      %cond3A = arith.constant 0 : i32
      %cond3A_460 = arith.cmpi ne, %convert_element_type3A, %cond3A : i32
      scf.if %cond3A_460 {
        %add3A_955 = arith.constant 4 : i32
        %add3A_956 = arith.addi %add3A_315, %add3A_955 : i32
        %dma_start3A_957 = arith.constant 0 : i32
        %dma_start3A_958 = arith.constant 0 : i32
        %dma_start3A_959 = arith.constant 0 : i32
        %dma_start3A_960 = arith.constant 0 : i32
        %dma_start3A_961 = tpu.memref_slice %arg17[%dma_start3A_957, %dma_start3A_958, %dma_start3A_959, %dma_start3A_960] : memref<4x2x128x64xf32, #tpu.memory_space<vmem>> -> memref<1x1x128x64xf32, #tpu.memory_space<vmem>>
        %dma_start3A_962 = tpu.memref_squeeze %dma_start3A_961 : memref<1x1x128x64xf32, #tpu.memory_space<vmem>> -> memref<128x64xf32, #tpu.memory_space<vmem>>
        %dma_start3A_963 = arith.constant 0 : i32
        %dma_start3A_964 = tpu.memref_slice %arg13[%add3A_956, %dma_start3A_963] : memref<128x128xi32, #tpu.memory_space<vmem>> -> memref<1x128xi32, #tpu.memory_space<vmem>>
        %dma_start3A_965 = tpu.memref_squeeze %dma_start3A_964 : memref<1x128xi32, #tpu.memory_space<vmem>> -> memref<128xi32, #tpu.memory_space<vmem>>
        %dma_start3A_966 = arith.constant 0 : i32
        %dma_start3A_967 = arith.constant 0 : i32
        %dma_start3A_968 = tpu.memref_slice %arg2[%dma_start3A_966, %dma_start3A_967] : memref<100000x64xf32, #tpu.memory_space<hbm>> -> memref<100000x64xf32, #tpu.memory_space<hbm>>
        tpu.enqueue_indirect_dma source(%dma_start3A_968 : memref<100000x64xf32, #tpu.memory_space<hbm>>) target(%dma_start3A_962 : memref<128x64xf32, #tpu.memory_space<vmem>>) offsets(%dma_start3A_965 : memref<128xi32, #tpu.memory_space<vmem>>) semaphore(%arg22 : memref<!tpu.dma_semaphore, #tpu.memory_space<semaphore_mem>>)
        %dma_start3A_969 = arith.constant 0 : i32
        %dma_start3A_970 = arith.constant 1 : i32
        %dma_start3A_971 = arith.constant 0 : i32
        %dma_start3A_972 = arith.constant 0 : i32
        %dma_start3A_973 = tpu.memref_slice %arg17[%dma_start3A_969, %dma_start3A_970, %dma_start3A_971, %dma_start3A_972] : memref<4x2x128x64xf32, #tpu.memory_space<vmem>> -> memref<1x1x128x64xf32, #tpu.memory_space<vmem>>
        %dma_start3A_974 = tpu.memref_squeeze %dma_start3A_973 : memref<1x1x128x64xf32, #tpu.memory_space<vmem>> -> memref<128x64xf32, #tpu.memory_space<vmem>>
        %dma_start3A_975 = arith.constant 0 : i32
        %dma_start3A_976 = tpu.memref_slice %arg14[%add3A_956, %dma_start3A_975] : memref<128x128xi32, #tpu.memory_space<vmem>> -> memref<1x128xi32, #tpu.memory_space<vmem>>
        %dma_start3A_977 = tpu.memref_squeeze %dma_start3A_976 : memref<1x128xi32, #tpu.memory_space<vmem>> -> memref<128xi32, #tpu.memory_space<vmem>>
        %dma_start3A_978 = arith.constant 0 : i32
        %dma_start3A_979 = arith.constant 0 : i32
        %dma_start3A_980 = tpu.memref_slice %arg2[%dma_start3A_978, %dma_start3A_979] : memref<100000x64xf32, #tpu.memory_space<hbm>> -> memref<100000x64xf32, #tpu.memory_space<hbm>>
        tpu.enqueue_indirect_dma source(%dma_start3A_980 : memref<100000x64xf32, #tpu.memory_space<hbm>>) target(%dma_start3A_974 : memref<128x64xf32, #tpu.memory_space<vmem>>) offsets(%dma_start3A_977 : memref<128xi32, #tpu.memory_space<vmem>>) semaphore(%arg22 : memref<!tpu.dma_semaphore, #tpu.memory_space<semaphore_mem>>)
      } else {
      }
      %eq3A_461 = arith.constant 31 : i32
      %eq3A_462 = arith.cmpi eq, %select_n3A_324, %eq3A_461 : i32
      %convert_element_type3A_463 = arith.extui %eq3A_462 : i1 to i32
      %cond3A_464 = arith.constant 0 : i32
      %cond3A_465 = arith.cmpi ne, %convert_element_type3A_463, %cond3A_464 : i32
      scf.if %cond3A_465 {
        %sub3A_955 = arith.constant 31 : i32
        %sub3A_956 = arith.subi %add3A_315, %sub3A_955 : i32
        %add3A_957 = arith.constant 0 : i32
        %add3A_958 = arith.addi %sub3A_956, %add3A_957 : i32
        %get3A = arith.index_cast %add3A_958 : i32 to index
        %get3A_959 = tpu.vector_load %arg16[%get3A] {strides = array<i32>} : memref<128xf32, #tpu.memory_space<vmem>>, vector<16xf32>,
        %add3A_960 = arith.constant 0 : i32
        %add3A_961 = vector.broadcast %add3A_960 : i32 to vector<16xi32>
        %add3A_962 = arith.addi %add3A_961, %iota3A : vector<16xi32>
        tpu.vector_store_idx %arg18[%add3A_962, %broadcast_in_dim3A_3], %get3A_959 : memref<32x257xf32, #tpu.memory_space<vmem>>[vector<16xi32>, vector<16xi32>], vector<16xf32>,
        %add3A_963 = arith.constant 16 : i32
        %add3A_964 = arith.addi %sub3A_956, %add3A_963 : i32
        %get3A_965 = arith.index_cast %add3A_964 : i32 to index
        %get3A_966 = tpu.vector_load %arg16[%get3A_965] {strides = array<i32>} : memref<128xf32, #tpu.memory_space<vmem>>, vector<16xf32>,
        %add3A_967 = arith.constant 16 : i32
        %add3A_968 = vector.broadcast %add3A_967 : i32 to vector<16xi32>
        %add3A_969 = arith.addi %add3A_968, %iota3A : vector<16xi32>
        tpu.vector_store_idx %arg18[%add3A_969, %broadcast_in_dim3A_3], %get3A_966 : memref<32x257xf32, #tpu.memory_space<vmem>>[vector<16xi32>, vector<16xi32>], vector<16xf32>,
        %add3A_970 = arith.addi %mul3A_2, %sub3A_956 : i32
        "tpu.region"() ({
          %run_scoped3A = tpu.sem_alloc : memref<!tpu.dma_semaphore, #tpu.memory_space<semaphore_mem>>
          %dma_start3A_971 = arith.constant 0 : i32
          %dma_start3A_972 = tpu.memref_slice %arg9[%add3A_970, %dma_start3A_971] : memref<4096x257xf32, #tpu.memory_space<hbm>> -> memref<32x257xf32, #tpu.memory_space<hbm>>
          %dma_start3A_973 = arith.constant 0 : i32
          %dma_start3A_974 = tpu.memref_slice %arg9[%add3A_970, %dma_start3A_973] : memref<4096x257xf32, #tpu.memory_space<hbm>> -> memref<32x257xf32, #tpu.memory_space<hbm>>
          tpu.enqueue_dma source(%arg18 : memref<32x257xf32, #tpu.memory_space<vmem>>) target(%dma_start3A_974 : memref<32x257xf32, #tpu.memory_space<hbm>>) target_semaphore(%run_scoped3A : memref<!tpu.dma_semaphore, #tpu.memory_space<semaphore_mem>>)
          %dma_wait3A_975 = arith.constant 0 : i32
          %dma_wait3A_976 = tpu.memref_slice %arg9[%add3A_970, %dma_wait3A_975] : memref<4096x257xf32, #tpu.memory_space<hbm>> -> memref<32x257xf32, #tpu.memory_space<hbm>>
          %dma_wait3A_977 = arith.constant 0 : i32
          %dma_wait3A_978 = tpu.memref_slice %arg9[%add3A_970, %dma_wait3A_977] : memref<4096x257xf32, #tpu.memory_space<hbm>> -> memref<32x257xf32, #tpu.memory_space<hbm>>
          tpu.wait_dma2 semaphore(%run_scoped3A : memref<!tpu.dma_semaphore, #tpu.memory_space<semaphore_mem>>) src(%arg18 : memref<32x257xf32, #tpu.memory_space<vmem>>) dst(%dma_wait3A_978 : memref<32x257xf32, #tpu.memory_space<hbm>>)
          tpu.yield
        }) : () -> ()
      } else {
      }
      %mul3A_466 = arith.constant 4 : i32
      %mul3A_467 = arith.muli %mul3A_466, %scan3A_311 : i32
      %add3A_468 = arith.constant 1 : i32
      %add3A_469 = arith.addi %mul3A_467, %add3A_468 : i32
      %jit3A_470 = arith.constant 32 : i32
      %eq3A_471 = arith.constant 0 : i32
      %eq3A_472 = arith.cmpi eq, %jit3A_470, %eq3A_471 : i32
      %jit3A_473 = arith.constant 1 : i32
      %select_n3A_474 = arith.select %eq3A_472, %jit3A_473, %jit3A_470 : i32
      %rem3A_475 = arith.remsi %add3A_469, %select_n3A_474 : i32
      %ne3A_476 = arith.constant 0 : i32
      %ne3A_477 = arith.cmpi ne, %rem3A_475, %ne3A_476 : i32
      %lt3A_478 = arith.constant 0 : i32
      %lt3A_479 = arith.cmpi slt, %rem3A_475, %lt3A_478 : i32
      %lt3A_480 = arith.constant 0 : i32
      %lt3A_481 = arith.cmpi slt, %select_n3A_474, %lt3A_480 : i32
      %ne3A_482 = arith.xori %lt3A_479, %lt3A_481 : i1
      %and3A_483 = arith.andi %ne3A_482, %ne3A_477 : i1
      %add3A_484 = arith.addi %rem3A_475, %select_n3A_474 : i32
      %select_n3A_485 = arith.select %and3A_483, %add3A_484, %rem3A_475 : i32
      %dma_wait3A_486 = arith.constant 1 : i32
      %dma_wait3A_487 = arith.constant 0 : i32
      %dma_wait3A_488 = arith.constant 0 : i32
      %dma_wait3A_489 = arith.constant 0 : i32
      %dma_wait3A_490 = tpu.memref_slice %arg17[%dma_wait3A_486, %dma_wait3A_487, %dma_wait3A_488, %dma_wait3A_489] : memref<4x2x128x64xf32, #tpu.memory_space<vmem>> -> memref<1x1x128x64xf32, #tpu.memory_space<vmem>>
      %dma_wait3A_491 = tpu.memref_squeeze %dma_wait3A_490 : memref<1x1x128x64xf32, #tpu.memory_space<vmem>> -> memref<128x64xf32, #tpu.memory_space<vmem>>
      %dma_wait3A_492 = arith.constant 0 : i32
      %dma_wait3A_493 = tpu.memref_slice %arg13[%add3A_469, %dma_wait3A_492] : memref<128x128xi32, #tpu.memory_space<vmem>> -> memref<1x128xi32, #tpu.memory_space<vmem>>
      %dma_wait3A_494 = tpu.memref_squeeze %dma_wait3A_493 : memref<1x128xi32, #tpu.memory_space<vmem>> -> memref<128xi32, #tpu.memory_space<vmem>>
      %dma_wait3A_495 = arith.constant 0 : i32
      %dma_wait3A_496 = arith.constant 0 : i32
      %dma_wait3A_497 = tpu.memref_slice %arg2[%dma_wait3A_495, %dma_wait3A_496] : memref<100000x64xf32, #tpu.memory_space<hbm>> -> memref<100000x64xf32, #tpu.memory_space<hbm>>
      tpu.wait_indirect_dma semaphore(%arg23 : memref<!tpu.dma_semaphore, #tpu.memory_space<semaphore_mem>>) src(%dma_wait3A_497 : memref<100000x64xf32, #tpu.memory_space<hbm>>) dst(%dma_wait3A_491 : memref<128x64xf32, #tpu.memory_space<vmem>>)
      %dma_wait3A_498 = arith.constant 1 : i32
      %dma_wait3A_499 = arith.constant 1 : i32
      %dma_wait3A_500 = arith.constant 0 : i32
      %dma_wait3A_501 = arith.constant 0 : i32
      %dma_wait3A_502 = tpu.memref_slice %arg17[%dma_wait3A_498, %dma_wait3A_499, %dma_wait3A_500, %dma_wait3A_501] : memref<4x2x128x64xf32, #tpu.memory_space<vmem>> -> memref<1x1x128x64xf32, #tpu.memory_space<vmem>>
      %dma_wait3A_503 = tpu.memref_squeeze %dma_wait3A_502 : memref<1x1x128x64xf32, #tpu.memory_space<vmem>> -> memref<128x64xf32, #tpu.memory_space<vmem>>
      %dma_wait3A_504 = arith.constant 0 : i32
      %dma_wait3A_505 = tpu.memref_slice %arg14[%add3A_469, %dma_wait3A_504] : memref<128x128xi32, #tpu.memory_space<vmem>> -> memref<1x128xi32, #tpu.memory_space<vmem>>
      %dma_wait3A_506 = tpu.memref_squeeze %dma_wait3A_505 : memref<1x128xi32, #tpu.memory_space<vmem>> -> memref<128xi32, #tpu.memory_space<vmem>>
      %dma_wait3A_507 = arith.constant 0 : i32
      %dma_wait3A_508 = arith.constant 0 : i32
      %dma_wait3A_509 = tpu.memref_slice %arg2[%dma_wait3A_507, %dma_wait3A_508] : memref<100000x64xf32, #tpu.memory_space<hbm>> -> memref<100000x64xf32, #tpu.memory_space<hbm>>
      tpu.wait_indirect_dma semaphore(%arg23 : memref<!tpu.dma_semaphore, #tpu.memory_space<semaphore_mem>>) src(%dma_wait3A_509 : memref<100000x64xf32, #tpu.memory_space<hbm>>) dst(%dma_wait3A_503 : memref<128x64xf32, #tpu.memory_space<vmem>>)
      %broadcast_in_dim3A_510 = vector.broadcast %add3A_469 : i32 to vector<16xi32>
      %scan3A_511 = arith.constant 1 : i32
      %scan3A_512 = arith.constant 0 : i32
      %scan3A_513 = arith.constant 1 : i32
      %scan3A_514 = arith.constant 1 : i32
      %scan3A_515 = arith.constant 0 : i32
      %scan3A_516 = arith.constant 64 : i32
      %scan3A_517 = arith.addi %scan3A_515, %scan3A_516 : i32
      %scan3A_518 = arith.constant 2 : i32
      %scan3A_519:16 = scf.for %scan3A_955 = %scan3A_515 to %scan3A_517 step %scan3A_518 iter_args(%scan3A_956 = %broadcast_in_dim3A_5, %scan3A_957 = %broadcast_in_dim3A_5, %scan3A_958 = %broadcast_in_dim3A_5, %scan3A_959 = %broadcast_in_dim3A_5, %scan3A_960 = %broadcast_in_dim3A_5, %scan3A_961 = %broadcast_in_dim3A_5, %scan3A_962 = %broadcast_in_dim3A_5, %scan3A_963 = %broadcast_in_dim3A_5, %scan3A_964 = %broadcast_in_dim3A_5, %scan3A_965 = %broadcast_in_dim3A_5, %scan3A_966 = %broadcast_in_dim3A_5, %scan3A_967 = %broadcast_in_dim3A_5, %scan3A_968 = %broadcast_in_dim3A_5, %scan3A_969 = %broadcast_in_dim3A_5, %scan3A_970 = %broadcast_in_dim3A_5, %scan3A_971 = %broadcast_in_dim3A_5) -> (vector<16xf32>, vector<16xf32>, vector<16xf32>, vector<16xf32>, vector<16xf32>, vector<16xf32>, vector<16xf32>, vector<16xf32>, vector<16xf32>, vector<16xf32>, vector<16xf32>, vector<16xf32>, vector<16xf32>, vector<16xf32>, vector<16xf32>, vector<16xf32>)  : i32 {
        %broadcast_in_dim3A_972 = vector.broadcast %scan3A_955 : i32 to vector<16xi32>
        %add3A_973 = arith.addi %broadcast_in_dim3A_972, %iota3A : vector<16xi32>
        %and3A_974 = arith.constant 63 : i32
        %and3A_975 = vector.broadcast %and3A_974 : i32 to vector<16xi32>
        %and3A_976 = arith.andi %add3A_973, %and3A_975 : vector<16xi32>
        %gather3A = tpu.vector_load_idx %arg15[%broadcast_in_dim3A_510, %and3A_976] : memref<128x64xf32, #tpu.memory_space<vmem>>[vector<16xi32>, vector<16xi32>], vector<16xf32>,
        %gather3A_977 = arith.constant 0 : i32
        %gather3A_978 = arith.constant 0 : i32
        %gather3A_979 = tpu.memref_slice %arg17[%scan3A_511, %scan3A_512, %gather3A_977, %gather3A_978] : memref<4x2x128x64xf32, #tpu.memory_space<vmem>> -> memref<1x1x128x64xf32, #tpu.memory_space<vmem>>
        %gather3A_980 = tpu.memref_squeeze %gather3A_979 : memref<1x1x128x64xf32, #tpu.memory_space<vmem>> -> memref<128x64xf32, #tpu.memory_space<vmem>>
        %gather3A_981 = tpu.vector_load_idx %gather3A_980[%add3A_8, %and3A_976] : memref<128x64xf32, #tpu.memory_space<vmem>>[vector<16xi32>, vector<16xi32>], vector<16xf32>,
        %sub3A_982 = arith.subf %gather3A, %gather3A_981 : vector<16xf32>
        %abs3A = math.absf %sub3A_982 : vector<16xf32>
        %add3A_983 = arith.addf %scan3A_956, %abs3A : vector<16xf32>
        %gather3A_984 = arith.constant 0 : i32
        %gather3A_985 = arith.constant 0 : i32
        %gather3A_986 = tpu.memref_slice %arg17[%scan3A_511, %scan3A_512, %gather3A_984, %gather3A_985] : memref<4x2x128x64xf32, #tpu.memory_space<vmem>> -> memref<1x1x128x64xf32, #tpu.memory_space<vmem>>
        %gather3A_987 = tpu.memref_squeeze %gather3A_986 : memref<1x1x128x64xf32, #tpu.memory_space<vmem>> -> memref<128x64xf32, #tpu.memory_space<vmem>>
        %gather3A_988 = tpu.vector_load_idx %gather3A_987[%add3A_11, %and3A_976] : memref<128x64xf32, #tpu.memory_space<vmem>>[vector<16xi32>, vector<16xi32>], vector<16xf32>,
        %sub3A_989 = arith.subf %gather3A, %gather3A_988 : vector<16xf32>
        %abs3A_990 = math.absf %sub3A_989 : vector<16xf32>
        %add3A_991 = arith.addf %scan3A_957, %abs3A_990 : vector<16xf32>
        %gather3A_992 = arith.constant 0 : i32
        %gather3A_993 = arith.constant 0 : i32
        %gather3A_994 = tpu.memref_slice %arg17[%scan3A_511, %scan3A_512, %gather3A_992, %gather3A_993] : memref<4x2x128x64xf32, #tpu.memory_space<vmem>> -> memref<1x1x128x64xf32, #tpu.memory_space<vmem>>
        %gather3A_995 = tpu.memref_squeeze %gather3A_994 : memref<1x1x128x64xf32, #tpu.memory_space<vmem>> -> memref<128x64xf32, #tpu.memory_space<vmem>>
        %gather3A_996 = tpu.vector_load_idx %gather3A_995[%add3A_14, %and3A_976] : memref<128x64xf32, #tpu.memory_space<vmem>>[vector<16xi32>, vector<16xi32>], vector<16xf32>,
        %sub3A_997 = arith.subf %gather3A, %gather3A_996 : vector<16xf32>
        %abs3A_998 = math.absf %sub3A_997 : vector<16xf32>
        %add3A_999 = arith.addf %scan3A_958, %abs3A_998 : vector<16xf32>
        %gather3A_1000 = arith.constant 0 : i32
        %gather3A_1001 = arith.constant 0 : i32
        %gather3A_1002 = tpu.memref_slice %arg17[%scan3A_511, %scan3A_512, %gather3A_1000, %gather3A_1001] : memref<4x2x128x64xf32, #tpu.memory_space<vmem>> -> memref<1x1x128x64xf32, #tpu.memory_space<vmem>>
        %gather3A_1003 = tpu.memref_squeeze %gather3A_1002 : memref<1x1x128x64xf32, #tpu.memory_space<vmem>> -> memref<128x64xf32, #tpu.memory_space<vmem>>
        %gather3A_1004 = tpu.vector_load_idx %gather3A_1003[%add3A_17, %and3A_976] : memref<128x64xf32, #tpu.memory_space<vmem>>[vector<16xi32>, vector<16xi32>], vector<16xf32>,
        %sub3A_1005 = arith.subf %gather3A, %gather3A_1004 : vector<16xf32>
        %abs3A_1006 = math.absf %sub3A_1005 : vector<16xf32>
        %add3A_1007 = arith.addf %scan3A_959, %abs3A_1006 : vector<16xf32>
        %gather3A_1008 = arith.constant 0 : i32
        %gather3A_1009 = arith.constant 0 : i32
        %gather3A_1010 = tpu.memref_slice %arg17[%scan3A_511, %scan3A_512, %gather3A_1008, %gather3A_1009] : memref<4x2x128x64xf32, #tpu.memory_space<vmem>> -> memref<1x1x128x64xf32, #tpu.memory_space<vmem>>
        %gather3A_1011 = tpu.memref_squeeze %gather3A_1010 : memref<1x1x128x64xf32, #tpu.memory_space<vmem>> -> memref<128x64xf32, #tpu.memory_space<vmem>>
        %gather3A_1012 = tpu.vector_load_idx %gather3A_1011[%add3A_20, %and3A_976] : memref<128x64xf32, #tpu.memory_space<vmem>>[vector<16xi32>, vector<16xi32>], vector<16xf32>,
        %sub3A_1013 = arith.subf %gather3A, %gather3A_1012 : vector<16xf32>
        %abs3A_1014 = math.absf %sub3A_1013 : vector<16xf32>
        %add3A_1015 = arith.addf %scan3A_960, %abs3A_1014 : vector<16xf32>
        %gather3A_1016 = arith.constant 0 : i32
        %gather3A_1017 = arith.constant 0 : i32
        %gather3A_1018 = tpu.memref_slice %arg17[%scan3A_511, %scan3A_512, %gather3A_1016, %gather3A_1017] : memref<4x2x128x64xf32, #tpu.memory_space<vmem>> -> memref<1x1x128x64xf32, #tpu.memory_space<vmem>>
        %gather3A_1019 = tpu.memref_squeeze %gather3A_1018 : memref<1x1x128x64xf32, #tpu.memory_space<vmem>> -> memref<128x64xf32, #tpu.memory_space<vmem>>
        %gather3A_1020 = tpu.vector_load_idx %gather3A_1019[%add3A_23, %and3A_976] : memref<128x64xf32, #tpu.memory_space<vmem>>[vector<16xi32>, vector<16xi32>], vector<16xf32>,
        %sub3A_1021 = arith.subf %gather3A, %gather3A_1020 : vector<16xf32>
        %abs3A_1022 = math.absf %sub3A_1021 : vector<16xf32>
        %add3A_1023 = arith.addf %scan3A_961, %abs3A_1022 : vector<16xf32>
        %gather3A_1024 = arith.constant 0 : i32
        %gather3A_1025 = arith.constant 0 : i32
        %gather3A_1026 = tpu.memref_slice %arg17[%scan3A_511, %scan3A_512, %gather3A_1024, %gather3A_1025] : memref<4x2x128x64xf32, #tpu.memory_space<vmem>> -> memref<1x1x128x64xf32, #tpu.memory_space<vmem>>
        %gather3A_1027 = tpu.memref_squeeze %gather3A_1026 : memref<1x1x128x64xf32, #tpu.memory_space<vmem>> -> memref<128x64xf32, #tpu.memory_space<vmem>>
        %gather3A_1028 = tpu.vector_load_idx %gather3A_1027[%add3A_26, %and3A_976] : memref<128x64xf32, #tpu.memory_space<vmem>>[vector<16xi32>, vector<16xi32>], vector<16xf32>,
        %sub3A_1029 = arith.subf %gather3A, %gather3A_1028 : vector<16xf32>
        %abs3A_1030 = math.absf %sub3A_1029 : vector<16xf32>
        %add3A_1031 = arith.addf %scan3A_962, %abs3A_1030 : vector<16xf32>
        %gather3A_1032 = arith.constant 0 : i32
        %gather3A_1033 = arith.constant 0 : i32
        %gather3A_1034 = tpu.memref_slice %arg17[%scan3A_511, %scan3A_512, %gather3A_1032, %gather3A_1033] : memref<4x2x128x64xf32, #tpu.memory_space<vmem>> -> memref<1x1x128x64xf32, #tpu.memory_space<vmem>>
        %gather3A_1035 = tpu.memref_squeeze %gather3A_1034 : memref<1x1x128x64xf32, #tpu.memory_space<vmem>> -> memref<128x64xf32, #tpu.memory_space<vmem>>
        %gather3A_1036 = tpu.vector_load_idx %gather3A_1035[%add3A_29, %and3A_976] : memref<128x64xf32, #tpu.memory_space<vmem>>[vector<16xi32>, vector<16xi32>], vector<16xf32>,
        %sub3A_1037 = arith.subf %gather3A, %gather3A_1036 : vector<16xf32>
        %abs3A_1038 = math.absf %sub3A_1037 : vector<16xf32>
        %add3A_1039 = arith.addf %scan3A_963, %abs3A_1038 : vector<16xf32>
        %gather3A_1040 = arith.constant 0 : i32
        %gather3A_1041 = arith.constant 0 : i32
        %gather3A_1042 = tpu.memref_slice %arg17[%scan3A_513, %scan3A_514, %gather3A_1040, %gather3A_1041] : memref<4x2x128x64xf32, #tpu.memory_space<vmem>> -> memref<1x1x128x64xf32, #tpu.memory_space<vmem>>
        %gather3A_1043 = tpu.memref_squeeze %gather3A_1042 : memref<1x1x128x64xf32, #tpu.memory_space<vmem>> -> memref<128x64xf32, #tpu.memory_space<vmem>>
        %gather3A_1044 = tpu.vector_load_idx %gather3A_1043[%add3A_8, %and3A_976] : memref<128x64xf32, #tpu.memory_space<vmem>>[vector<16xi32>, vector<16xi32>], vector<16xf32>,
        %sub3A_1045 = arith.subf %gather3A, %gather3A_1044 : vector<16xf32>
        %abs3A_1046 = math.absf %sub3A_1045 : vector<16xf32>
        %add3A_1047 = arith.addf %scan3A_964, %abs3A_1046 : vector<16xf32>
        %gather3A_1048 = arith.constant 0 : i32
        %gather3A_1049 = arith.constant 0 : i32
        %gather3A_1050 = tpu.memref_slice %arg17[%scan3A_513, %scan3A_514, %gather3A_1048, %gather3A_1049] : memref<4x2x128x64xf32, #tpu.memory_space<vmem>> -> memref<1x1x128x64xf32, #tpu.memory_space<vmem>>
        %gather3A_1051 = tpu.memref_squeeze %gather3A_1050 : memref<1x1x128x64xf32, #tpu.memory_space<vmem>> -> memref<128x64xf32, #tpu.memory_space<vmem>>
        %gather3A_1052 = tpu.vector_load_idx %gather3A_1051[%add3A_11, %and3A_976] : memref<128x64xf32, #tpu.memory_space<vmem>>[vector<16xi32>, vector<16xi32>], vector<16xf32>,
        %sub3A_1053 = arith.subf %gather3A, %gather3A_1052 : vector<16xf32>
        %abs3A_1054 = math.absf %sub3A_1053 : vector<16xf32>
        %add3A_1055 = arith.addf %scan3A_965, %abs3A_1054 : vector<16xf32>
        %gather3A_1056 = arith.constant 0 : i32
        %gather3A_1057 = arith.constant 0 : i32
        %gather3A_1058 = tpu.memref_slice %arg17[%scan3A_513, %scan3A_514, %gather3A_1056, %gather3A_1057] : memref<4x2x128x64xf32, #tpu.memory_space<vmem>> -> memref<1x1x128x64xf32, #tpu.memory_space<vmem>>
        %gather3A_1059 = tpu.memref_squeeze %gather3A_1058 : memref<1x1x128x64xf32, #tpu.memory_space<vmem>> -> memref<128x64xf32, #tpu.memory_space<vmem>>
        %gather3A_1060 = tpu.vector_load_idx %gather3A_1059[%add3A_14, %and3A_976] : memref<128x64xf32, #tpu.memory_space<vmem>>[vector<16xi32>, vector<16xi32>], vector<16xf32>,
        %sub3A_1061 = arith.subf %gather3A, %gather3A_1060 : vector<16xf32>
        %abs3A_1062 = math.absf %sub3A_1061 : vector<16xf32>
        %add3A_1063 = arith.addf %scan3A_966, %abs3A_1062 : vector<16xf32>
        %gather3A_1064 = arith.constant 0 : i32
        %gather3A_1065 = arith.constant 0 : i32
        %gather3A_1066 = tpu.memref_slice %arg17[%scan3A_513, %scan3A_514, %gather3A_1064, %gather3A_1065] : memref<4x2x128x64xf32, #tpu.memory_space<vmem>> -> memref<1x1x128x64xf32, #tpu.memory_space<vmem>>
        %gather3A_1067 = tpu.memref_squeeze %gather3A_1066 : memref<1x1x128x64xf32, #tpu.memory_space<vmem>> -> memref<128x64xf32, #tpu.memory_space<vmem>>
        %gather3A_1068 = tpu.vector_load_idx %gather3A_1067[%add3A_17, %and3A_976] : memref<128x64xf32, #tpu.memory_space<vmem>>[vector<16xi32>, vector<16xi32>], vector<16xf32>,
        %sub3A_1069 = arith.subf %gather3A, %gather3A_1068 : vector<16xf32>
        %abs3A_1070 = math.absf %sub3A_1069 : vector<16xf32>
        %add3A_1071 = arith.addf %scan3A_967, %abs3A_1070 : vector<16xf32>
        %gather3A_1072 = arith.constant 0 : i32
        %gather3A_1073 = arith.constant 0 : i32
        %gather3A_1074 = tpu.memref_slice %arg17[%scan3A_513, %scan3A_514, %gather3A_1072, %gather3A_1073] : memref<4x2x128x64xf32, #tpu.memory_space<vmem>> -> memref<1x1x128x64xf32, #tpu.memory_space<vmem>>
        %gather3A_1075 = tpu.memref_squeeze %gather3A_1074 : memref<1x1x128x64xf32, #tpu.memory_space<vmem>> -> memref<128x64xf32, #tpu.memory_space<vmem>>
        %gather3A_1076 = tpu.vector_load_idx %gather3A_1075[%add3A_20, %and3A_976] : memref<128x64xf32, #tpu.memory_space<vmem>>[vector<16xi32>, vector<16xi32>], vector<16xf32>,
        %sub3A_1077 = arith.subf %gather3A, %gather3A_1076 : vector<16xf32>
        %abs3A_1078 = math.absf %sub3A_1077 : vector<16xf32>
        %add3A_1079 = arith.addf %scan3A_968, %abs3A_1078 : vector<16xf32>
        %gather3A_1080 = arith.constant 0 : i32
        %gather3A_1081 = arith.constant 0 : i32
        %gather3A_1082 = tpu.memref_slice %arg17[%scan3A_513, %scan3A_514, %gather3A_1080, %gather3A_1081] : memref<4x2x128x64xf32, #tpu.memory_space<vmem>> -> memref<1x1x128x64xf32, #tpu.memory_space<vmem>>
        %gather3A_1083 = tpu.memref_squeeze %gather3A_1082 : memref<1x1x128x64xf32, #tpu.memory_space<vmem>> -> memref<128x64xf32, #tpu.memory_space<vmem>>
        %gather3A_1084 = tpu.vector_load_idx %gather3A_1083[%add3A_23, %and3A_976] : memref<128x64xf32, #tpu.memory_space<vmem>>[vector<16xi32>, vector<16xi32>], vector<16xf32>,
        %sub3A_1085 = arith.subf %gather3A, %gather3A_1084 : vector<16xf32>
        %abs3A_1086 = math.absf %sub3A_1085 : vector<16xf32>
        %add3A_1087 = arith.addf %scan3A_969, %abs3A_1086 : vector<16xf32>
        %gather3A_1088 = arith.constant 0 : i32
        %gather3A_1089 = arith.constant 0 : i32
        %gather3A_1090 = tpu.memref_slice %arg17[%scan3A_513, %scan3A_514, %gather3A_1088, %gather3A_1089] : memref<4x2x128x64xf32, #tpu.memory_space<vmem>> -> memref<1x1x128x64xf32, #tpu.memory_space<vmem>>
        %gather3A_1091 = tpu.memref_squeeze %gather3A_1090 : memref<1x1x128x64xf32, #tpu.memory_space<vmem>> -> memref<128x64xf32, #tpu.memory_space<vmem>>
        %gather3A_1092 = tpu.vector_load_idx %gather3A_1091[%add3A_26, %and3A_976] : memref<128x64xf32, #tpu.memory_space<vmem>>[vector<16xi32>, vector<16xi32>], vector<16xf32>,
        %sub3A_1093 = arith.subf %gather3A, %gather3A_1092 : vector<16xf32>
        %abs3A_1094 = math.absf %sub3A_1093 : vector<16xf32>
        %add3A_1095 = arith.addf %scan3A_970, %abs3A_1094 : vector<16xf32>
        %gather3A_1096 = arith.constant 0 : i32
        %gather3A_1097 = arith.constant 0 : i32
        %gather3A_1098 = tpu.memref_slice %arg17[%scan3A_513, %scan3A_514, %gather3A_1096, %gather3A_1097] : memref<4x2x128x64xf32, #tpu.memory_space<vmem>> -> memref<1x1x128x64xf32, #tpu.memory_space<vmem>>
        %gather3A_1099 = tpu.memref_squeeze %gather3A_1098 : memref<1x1x128x64xf32, #tpu.memory_space<vmem>> -> memref<128x64xf32, #tpu.memory_space<vmem>>
        %gather3A_1100 = tpu.vector_load_idx %gather3A_1099[%add3A_29, %and3A_976] : memref<128x64xf32, #tpu.memory_space<vmem>>[vector<16xi32>, vector<16xi32>], vector<16xf32>,
        %sub3A_1101 = arith.subf %gather3A, %gather3A_1100 : vector<16xf32>
        %abs3A_1102 = math.absf %sub3A_1101 : vector<16xf32>
        %add3A_1103 = arith.addf %scan3A_971, %abs3A_1102 : vector<16xf32>
        %scan3A_1104 = arith.constant 1 : i32
        %scan3A_1105 = arith.addi %scan3A_955, %scan3A_1104 : i32
        %broadcast_in_dim3A_1106 = vector.broadcast %scan3A_1105 : i32 to vector<16xi32>
        %add3A_1107 = arith.addi %broadcast_in_dim3A_1106, %iota3A : vector<16xi32>
        %and3A_1108 = arith.constant 63 : i32
        %and3A_1109 = vector.broadcast %and3A_1108 : i32 to vector<16xi32>
        %and3A_1110 = arith.andi %add3A_1107, %and3A_1109 : vector<16xi32>
        %gather3A_1111 = tpu.vector_load_idx %arg15[%broadcast_in_dim3A_510, %and3A_1110] : memref<128x64xf32, #tpu.memory_space<vmem>>[vector<16xi32>, vector<16xi32>], vector<16xf32>,
        %gather3A_1112 = arith.constant 0 : i32
        %gather3A_1113 = arith.constant 0 : i32
        %gather3A_1114 = tpu.memref_slice %arg17[%scan3A_511, %scan3A_512, %gather3A_1112, %gather3A_1113] : memref<4x2x128x64xf32, #tpu.memory_space<vmem>> -> memref<1x1x128x64xf32, #tpu.memory_space<vmem>>
        %gather3A_1115 = tpu.memref_squeeze %gather3A_1114 : memref<1x1x128x64xf32, #tpu.memory_space<vmem>> -> memref<128x64xf32, #tpu.memory_space<vmem>>
        %gather3A_1116 = tpu.vector_load_idx %gather3A_1115[%add3A_8, %and3A_1110] : memref<128x64xf32, #tpu.memory_space<vmem>>[vector<16xi32>, vector<16xi32>], vector<16xf32>,
        %sub3A_1117 = arith.subf %gather3A_1111, %gather3A_1116 : vector<16xf32>
        %abs3A_1118 = math.absf %sub3A_1117 : vector<16xf32>
        %add3A_1119 = arith.addf %add3A_983, %abs3A_1118 : vector<16xf32>
        %gather3A_1120 = arith.constant 0 : i32
        %gather3A_1121 = arith.constant 0 : i32
        %gather3A_1122 = tpu.memref_slice %arg17[%scan3A_511, %scan3A_512, %gather3A_1120, %gather3A_1121] : memref<4x2x128x64xf32, #tpu.memory_space<vmem>> -> memref<1x1x128x64xf32, #tpu.memory_space<vmem>>
        %gather3A_1123 = tpu.memref_squeeze %gather3A_1122 : memref<1x1x128x64xf32, #tpu.memory_space<vmem>> -> memref<128x64xf32, #tpu.memory_space<vmem>>
        %gather3A_1124 = tpu.vector_load_idx %gather3A_1123[%add3A_11, %and3A_1110] : memref<128x64xf32, #tpu.memory_space<vmem>>[vector<16xi32>, vector<16xi32>], vector<16xf32>,
        %sub3A_1125 = arith.subf %gather3A_1111, %gather3A_1124 : vector<16xf32>
        %abs3A_1126 = math.absf %sub3A_1125 : vector<16xf32>
        %add3A_1127 = arith.addf %add3A_991, %abs3A_1126 : vector<16xf32>
        %gather3A_1128 = arith.constant 0 : i32
        %gather3A_1129 = arith.constant 0 : i32
        %gather3A_1130 = tpu.memref_slice %arg17[%scan3A_511, %scan3A_512, %gather3A_1128, %gather3A_1129] : memref<4x2x128x64xf32, #tpu.memory_space<vmem>> -> memref<1x1x128x64xf32, #tpu.memory_space<vmem>>
        %gather3A_1131 = tpu.memref_squeeze %gather3A_1130 : memref<1x1x128x64xf32, #tpu.memory_space<vmem>> -> memref<128x64xf32, #tpu.memory_space<vmem>>
        %gather3A_1132 = tpu.vector_load_idx %gather3A_1131[%add3A_14, %and3A_1110] : memref<128x64xf32, #tpu.memory_space<vmem>>[vector<16xi32>, vector<16xi32>], vector<16xf32>,
        %sub3A_1133 = arith.subf %gather3A_1111, %gather3A_1132 : vector<16xf32>
        %abs3A_1134 = math.absf %sub3A_1133 : vector<16xf32>
        %add3A_1135 = arith.addf %add3A_999, %abs3A_1134 : vector<16xf32>
        %gather3A_1136 = arith.constant 0 : i32
        %gather3A_1137 = arith.constant 0 : i32
        %gather3A_1138 = tpu.memref_slice %arg17[%scan3A_511, %scan3A_512, %gather3A_1136, %gather3A_1137] : memref<4x2x128x64xf32, #tpu.memory_space<vmem>> -> memref<1x1x128x64xf32, #tpu.memory_space<vmem>>
        %gather3A_1139 = tpu.memref_squeeze %gather3A_1138 : memref<1x1x128x64xf32, #tpu.memory_space<vmem>> -> memref<128x64xf32, #tpu.memory_space<vmem>>
        %gather3A_1140 = tpu.vector_load_idx %gather3A_1139[%add3A_17, %and3A_1110] : memref<128x64xf32, #tpu.memory_space<vmem>>[vector<16xi32>, vector<16xi32>], vector<16xf32>,
        %sub3A_1141 = arith.subf %gather3A_1111, %gather3A_1140 : vector<16xf32>
        %abs3A_1142 = math.absf %sub3A_1141 : vector<16xf32>
        %add3A_1143 = arith.addf %add3A_1007, %abs3A_1142 : vector<16xf32>
        %gather3A_1144 = arith.constant 0 : i32
        %gather3A_1145 = arith.constant 0 : i32
        %gather3A_1146 = tpu.memref_slice %arg17[%scan3A_511, %scan3A_512, %gather3A_1144, %gather3A_1145] : memref<4x2x128x64xf32, #tpu.memory_space<vmem>> -> memref<1x1x128x64xf32, #tpu.memory_space<vmem>>
        %gather3A_1147 = tpu.memref_squeeze %gather3A_1146 : memref<1x1x128x64xf32, #tpu.memory_space<vmem>> -> memref<128x64xf32, #tpu.memory_space<vmem>>
        %gather3A_1148 = tpu.vector_load_idx %gather3A_1147[%add3A_20, %and3A_1110] : memref<128x64xf32, #tpu.memory_space<vmem>>[vector<16xi32>, vector<16xi32>], vector<16xf32>,
        %sub3A_1149 = arith.subf %gather3A_1111, %gather3A_1148 : vector<16xf32>
        %abs3A_1150 = math.absf %sub3A_1149 : vector<16xf32>
        %add3A_1151 = arith.addf %add3A_1015, %abs3A_1150 : vector<16xf32>
        %gather3A_1152 = arith.constant 0 : i32
        %gather3A_1153 = arith.constant 0 : i32
        %gather3A_1154 = tpu.memref_slice %arg17[%scan3A_511, %scan3A_512, %gather3A_1152, %gather3A_1153] : memref<4x2x128x64xf32, #tpu.memory_space<vmem>> -> memref<1x1x128x64xf32, #tpu.memory_space<vmem>>
        %gather3A_1155 = tpu.memref_squeeze %gather3A_1154 : memref<1x1x128x64xf32, #tpu.memory_space<vmem>> -> memref<128x64xf32, #tpu.memory_space<vmem>>
        %gather3A_1156 = tpu.vector_load_idx %gather3A_1155[%add3A_23, %and3A_1110] : memref<128x64xf32, #tpu.memory_space<vmem>>[vector<16xi32>, vector<16xi32>], vector<16xf32>,
        %sub3A_1157 = arith.subf %gather3A_1111, %gather3A_1156 : vector<16xf32>
        %abs3A_1158 = math.absf %sub3A_1157 : vector<16xf32>
        %add3A_1159 = arith.addf %add3A_1023, %abs3A_1158 : vector<16xf32>
        %gather3A_1160 = arith.constant 0 : i32
        %gather3A_1161 = arith.constant 0 : i32
        %gather3A_1162 = tpu.memref_slice %arg17[%scan3A_511, %scan3A_512, %gather3A_1160, %gather3A_1161] : memref<4x2x128x64xf32, #tpu.memory_space<vmem>> -> memref<1x1x128x64xf32, #tpu.memory_space<vmem>>
        %gather3A_1163 = tpu.memref_squeeze %gather3A_1162 : memref<1x1x128x64xf32, #tpu.memory_space<vmem>> -> memref<128x64xf32, #tpu.memory_space<vmem>>
        %gather3A_1164 = tpu.vector_load_idx %gather3A_1163[%add3A_26, %and3A_1110] : memref<128x64xf32, #tpu.memory_space<vmem>>[vector<16xi32>, vector<16xi32>], vector<16xf32>,
        %sub3A_1165 = arith.subf %gather3A_1111, %gather3A_1164 : vector<16xf32>
        %abs3A_1166 = math.absf %sub3A_1165 : vector<16xf32>
        %add3A_1167 = arith.addf %add3A_1031, %abs3A_1166 : vector<16xf32>
        %gather3A_1168 = arith.constant 0 : i32
        %gather3A_1169 = arith.constant 0 : i32
        %gather3A_1170 = tpu.memref_slice %arg17[%scan3A_511, %scan3A_512, %gather3A_1168, %gather3A_1169] : memref<4x2x128x64xf32, #tpu.memory_space<vmem>> -> memref<1x1x128x64xf32, #tpu.memory_space<vmem>>
        %gather3A_1171 = tpu.memref_squeeze %gather3A_1170 : memref<1x1x128x64xf32, #tpu.memory_space<vmem>> -> memref<128x64xf32, #tpu.memory_space<vmem>>
        %gather3A_1172 = tpu.vector_load_idx %gather3A_1171[%add3A_29, %and3A_1110] : memref<128x64xf32, #tpu.memory_space<vmem>>[vector<16xi32>, vector<16xi32>], vector<16xf32>,
        %sub3A_1173 = arith.subf %gather3A_1111, %gather3A_1172 : vector<16xf32>
        %abs3A_1174 = math.absf %sub3A_1173 : vector<16xf32>
        %add3A_1175 = arith.addf %add3A_1039, %abs3A_1174 : vector<16xf32>
        %gather3A_1176 = arith.constant 0 : i32
        %gather3A_1177 = arith.constant 0 : i32
        %gather3A_1178 = tpu.memref_slice %arg17[%scan3A_513, %scan3A_514, %gather3A_1176, %gather3A_1177] : memref<4x2x128x64xf32, #tpu.memory_space<vmem>> -> memref<1x1x128x64xf32, #tpu.memory_space<vmem>>
        %gather3A_1179 = tpu.memref_squeeze %gather3A_1178 : memref<1x1x128x64xf32, #tpu.memory_space<vmem>> -> memref<128x64xf32, #tpu.memory_space<vmem>>
        %gather3A_1180 = tpu.vector_load_idx %gather3A_1179[%add3A_8, %and3A_1110] : memref<128x64xf32, #tpu.memory_space<vmem>>[vector<16xi32>, vector<16xi32>], vector<16xf32>,
        %sub3A_1181 = arith.subf %gather3A_1111, %gather3A_1180 : vector<16xf32>
        %abs3A_1182 = math.absf %sub3A_1181 : vector<16xf32>
        %add3A_1183 = arith.addf %add3A_1047, %abs3A_1182 : vector<16xf32>
        %gather3A_1184 = arith.constant 0 : i32
        %gather3A_1185 = arith.constant 0 : i32
        %gather3A_1186 = tpu.memref_slice %arg17[%scan3A_513, %scan3A_514, %gather3A_1184, %gather3A_1185] : memref<4x2x128x64xf32, #tpu.memory_space<vmem>> -> memref<1x1x128x64xf32, #tpu.memory_space<vmem>>
        %gather3A_1187 = tpu.memref_squeeze %gather3A_1186 : memref<1x1x128x64xf32, #tpu.memory_space<vmem>> -> memref<128x64xf32, #tpu.memory_space<vmem>>
        %gather3A_1188 = tpu.vector_load_idx %gather3A_1187[%add3A_11, %and3A_1110] : memref<128x64xf32, #tpu.memory_space<vmem>>[vector<16xi32>, vector<16xi32>], vector<16xf32>,
        %sub3A_1189 = arith.subf %gather3A_1111, %gather3A_1188 : vector<16xf32>
        %abs3A_1190 = math.absf %sub3A_1189 : vector<16xf32>
        %add3A_1191 = arith.addf %add3A_1055, %abs3A_1190 : vector<16xf32>
        %gather3A_1192 = arith.constant 0 : i32
        %gather3A_1193 = arith.constant 0 : i32
        %gather3A_1194 = tpu.memref_slice %arg17[%scan3A_513, %scan3A_514, %gather3A_1192, %gather3A_1193] : memref<4x2x128x64xf32, #tpu.memory_space<vmem>> -> memref<1x1x128x64xf32, #tpu.memory_space<vmem>>
        %gather3A_1195 = tpu.memref_squeeze %gather3A_1194 : memref<1x1x128x64xf32, #tpu.memory_space<vmem>> -> memref<128x64xf32, #tpu.memory_space<vmem>>
        %gather3A_1196 = tpu.vector_load_idx %gather3A_1195[%add3A_14, %and3A_1110] : memref<128x64xf32, #tpu.memory_space<vmem>>[vector<16xi32>, vector<16xi32>], vector<16xf32>,
        %sub3A_1197 = arith.subf %gather3A_1111, %gather3A_1196 : vector<16xf32>
        %abs3A_1198 = math.absf %sub3A_1197 : vector<16xf32>
        %add3A_1199 = arith.addf %add3A_1063, %abs3A_1198 : vector<16xf32>
        %gather3A_1200 = arith.constant 0 : i32
        %gather3A_1201 = arith.constant 0 : i32
        %gather3A_1202 = tpu.memref_slice %arg17[%scan3A_513, %scan3A_514, %gather3A_1200, %gather3A_1201] : memref<4x2x128x64xf32, #tpu.memory_space<vmem>> -> memref<1x1x128x64xf32, #tpu.memory_space<vmem>>
        %gather3A_1203 = tpu.memref_squeeze %gather3A_1202 : memref<1x1x128x64xf32, #tpu.memory_space<vmem>> -> memref<128x64xf32, #tpu.memory_space<vmem>>
        %gather3A_1204 = tpu.vector_load_idx %gather3A_1203[%add3A_17, %and3A_1110] : memref<128x64xf32, #tpu.memory_space<vmem>>[vector<16xi32>, vector<16xi32>], vector<16xf32>,
        %sub3A_1205 = arith.subf %gather3A_1111, %gather3A_1204 : vector<16xf32>
        %abs3A_1206 = math.absf %sub3A_1205 : vector<16xf32>
        %add3A_1207 = arith.addf %add3A_1071, %abs3A_1206 : vector<16xf32>
        %gather3A_1208 = arith.constant 0 : i32
        %gather3A_1209 = arith.constant 0 : i32
        %gather3A_1210 = tpu.memref_slice %arg17[%scan3A_513, %scan3A_514, %gather3A_1208, %gather3A_1209] : memref<4x2x128x64xf32, #tpu.memory_space<vmem>> -> memref<1x1x128x64xf32, #tpu.memory_space<vmem>>
        %gather3A_1211 = tpu.memref_squeeze %gather3A_1210 : memref<1x1x128x64xf32, #tpu.memory_space<vmem>> -> memref<128x64xf32, #tpu.memory_space<vmem>>
        %gather3A_1212 = tpu.vector_load_idx %gather3A_1211[%add3A_20, %and3A_1110] : memref<128x64xf32, #tpu.memory_space<vmem>>[vector<16xi32>, vector<16xi32>], vector<16xf32>,
        %sub3A_1213 = arith.subf %gather3A_1111, %gather3A_1212 : vector<16xf32>
        %abs3A_1214 = math.absf %sub3A_1213 : vector<16xf32>
        %add3A_1215 = arith.addf %add3A_1079, %abs3A_1214 : vector<16xf32>
        %gather3A_1216 = arith.constant 0 : i32
        %gather3A_1217 = arith.constant 0 : i32
        %gather3A_1218 = tpu.memref_slice %arg17[%scan3A_513, %scan3A_514, %gather3A_1216, %gather3A_1217] : memref<4x2x128x64xf32, #tpu.memory_space<vmem>> -> memref<1x1x128x64xf32, #tpu.memory_space<vmem>>
        %gather3A_1219 = tpu.memref_squeeze %gather3A_1218 : memref<1x1x128x64xf32, #tpu.memory_space<vmem>> -> memref<128x64xf32, #tpu.memory_space<vmem>>
        %gather3A_1220 = tpu.vector_load_idx %gather3A_1219[%add3A_23, %and3A_1110] : memref<128x64xf32, #tpu.memory_space<vmem>>[vector<16xi32>, vector<16xi32>], vector<16xf32>,
        %sub3A_1221 = arith.subf %gather3A_1111, %gather3A_1220 : vector<16xf32>
        %abs3A_1222 = math.absf %sub3A_1221 : vector<16xf32>
        %add3A_1223 = arith.addf %add3A_1087, %abs3A_1222 : vector<16xf32>
        %gather3A_1224 = arith.constant 0 : i32
        %gather3A_1225 = arith.constant 0 : i32
        %gather3A_1226 = tpu.memref_slice %arg17[%scan3A_513, %scan3A_514, %gather3A_1224, %gather3A_1225] : memref<4x2x128x64xf32, #tpu.memory_space<vmem>> -> memref<1x1x128x64xf32, #tpu.memory_space<vmem>>
        %gather3A_1227 = tpu.memref_squeeze %gather3A_1226 : memref<1x1x128x64xf32, #tpu.memory_space<vmem>> -> memref<128x64xf32, #tpu.memory_space<vmem>>
        %gather3A_1228 = tpu.vector_load_idx %gather3A_1227[%add3A_26, %and3A_1110] : memref<128x64xf32, #tpu.memory_space<vmem>>[vector<16xi32>, vector<16xi32>], vector<16xf32>,
        %sub3A_1229 = arith.subf %gather3A_1111, %gather3A_1228 : vector<16xf32>
        %abs3A_1230 = math.absf %sub3A_1229 : vector<16xf32>
        %add3A_1231 = arith.addf %add3A_1095, %abs3A_1230 : vector<16xf32>
        %gather3A_1232 = arith.constant 0 : i32
        %gather3A_1233 = arith.constant 0 : i32
        %gather3A_1234 = tpu.memref_slice %arg17[%scan3A_513, %scan3A_514, %gather3A_1232, %gather3A_1233] : memref<4x2x128x64xf32, #tpu.memory_space<vmem>> -> memref<1x1x128x64xf32, #tpu.memory_space<vmem>>
        %gather3A_1235 = tpu.memref_squeeze %gather3A_1234 : memref<1x1x128x64xf32, #tpu.memory_space<vmem>> -> memref<128x64xf32, #tpu.memory_space<vmem>>
        %gather3A_1236 = tpu.vector_load_idx %gather3A_1235[%add3A_29, %and3A_1110] : memref<128x64xf32, #tpu.memory_space<vmem>>[vector<16xi32>, vector<16xi32>], vector<16xf32>,
        %sub3A_1237 = arith.subf %gather3A_1111, %gather3A_1236 : vector<16xf32>
        %abs3A_1238 = math.absf %sub3A_1237 : vector<16xf32>
        %add3A_1239 = arith.addf %add3A_1103, %abs3A_1238 : vector<16xf32>
        scf.yield %add3A_1119, %add3A_1127, %add3A_1135, %add3A_1143, %add3A_1151, %add3A_1159, %add3A_1167, %add3A_1175, %add3A_1183, %add3A_1191, %add3A_1199, %add3A_1207, %add3A_1215, %add3A_1223, %add3A_1231, %add3A_1239 : vector<16xf32>, vector<16xf32>, vector<16xf32>, vector<16xf32>, vector<16xf32>, vector<16xf32>, vector<16xf32>, vector<16xf32>, vector<16xf32>, vector<16xf32>, vector<16xf32>, vector<16xf32>, vector<16xf32>, vector<16xf32>, vector<16xf32>, vector<16xf32>
      }
      %scan3A_520 = arith.constant 64 : i32
      %sub3A_521 = arith.constant 1.200000e+01 : f32
      %sub3A_522 = vector.broadcast %sub3A_521 : f32 to vector<16xf32>
      %sub3A_523 = arith.subf %sub3A_522, %scan3A_519#0 : vector<16xf32>
      %swap3A_524 = arith.index_cast %select_n3A_485 : i32 to index
      %swap3A_525 = arith.constant 1 : index
      %swap3A_526 = tpu.vector_load %arg18[%swap3A_524, %swap3A_525] {strides = array<i32>} : memref<32x257xf32, #tpu.memory_space<vmem>>, vector<16xf32>,
      tpu.vector_store %arg18[%swap3A_524, %swap3A_525], %sub3A_523 {strides = array<i32>} : memref<32x257xf32, #tpu.memory_space<vmem>>, vector<16xf32>,
      %sub3A_527 = arith.constant 1.200000e+01 : f32
      %sub3A_528 = vector.broadcast %sub3A_527 : f32 to vector<16xf32>
      %sub3A_529 = arith.subf %sub3A_528, %scan3A_519#1 : vector<16xf32>
      %swap3A_530 = arith.index_cast %select_n3A_485 : i32 to index
      %swap3A_531 = arith.constant 17 : index
      %swap3A_532 = tpu.vector_load %arg18[%swap3A_530, %swap3A_531] {strides = array<i32>} : memref<32x257xf32, #tpu.memory_space<vmem>>, vector<16xf32>,
      tpu.vector_store %arg18[%swap3A_530, %swap3A_531], %sub3A_529 {strides = array<i32>} : memref<32x257xf32, #tpu.memory_space<vmem>>, vector<16xf32>,
      %sub3A_533 = arith.constant 1.200000e+01 : f32
      %sub3A_534 = vector.broadcast %sub3A_533 : f32 to vector<16xf32>
      %sub3A_535 = arith.subf %sub3A_534, %scan3A_519#2 : vector<16xf32>
      %swap3A_536 = arith.index_cast %select_n3A_485 : i32 to index
      %swap3A_537 = arith.constant 33 : index
      %swap3A_538 = tpu.vector_load %arg18[%swap3A_536, %swap3A_537] {strides = array<i32>} : memref<32x257xf32, #tpu.memory_space<vmem>>, vector<16xf32>,
      tpu.vector_store %arg18[%swap3A_536, %swap3A_537], %sub3A_535 {strides = array<i32>} : memref<32x257xf32, #tpu.memory_space<vmem>>, vector<16xf32>,
      %sub3A_539 = arith.constant 1.200000e+01 : f32
      %sub3A_540 = vector.broadcast %sub3A_539 : f32 to vector<16xf32>
      %sub3A_541 = arith.subf %sub3A_540, %scan3A_519#3 : vector<16xf32>
      %swap3A_542 = arith.index_cast %select_n3A_485 : i32 to index
      %swap3A_543 = arith.constant 49 : index
      %swap3A_544 = tpu.vector_load %arg18[%swap3A_542, %swap3A_543] {strides = array<i32>} : memref<32x257xf32, #tpu.memory_space<vmem>>, vector<16xf32>,
      tpu.vector_store %arg18[%swap3A_542, %swap3A_543], %sub3A_541 {strides = array<i32>} : memref<32x257xf32, #tpu.memory_space<vmem>>, vector<16xf32>,
      %sub3A_545 = arith.constant 1.200000e+01 : f32
      %sub3A_546 = vector.broadcast %sub3A_545 : f32 to vector<16xf32>
      %sub3A_547 = arith.subf %sub3A_546, %scan3A_519#4 : vector<16xf32>
      %swap3A_548 = arith.index_cast %select_n3A_485 : i32 to index
      %swap3A_549 = arith.constant 65 : index
      %swap3A_550 = tpu.vector_load %arg18[%swap3A_548, %swap3A_549] {strides = array<i32>} : memref<32x257xf32, #tpu.memory_space<vmem>>, vector<16xf32>,
      tpu.vector_store %arg18[%swap3A_548, %swap3A_549], %sub3A_547 {strides = array<i32>} : memref<32x257xf32, #tpu.memory_space<vmem>>, vector<16xf32>,
      %sub3A_551 = arith.constant 1.200000e+01 : f32
      %sub3A_552 = vector.broadcast %sub3A_551 : f32 to vector<16xf32>
      %sub3A_553 = arith.subf %sub3A_552, %scan3A_519#5 : vector<16xf32>
      %swap3A_554 = arith.index_cast %select_n3A_485 : i32 to index
      %swap3A_555 = arith.constant 81 : index
      %swap3A_556 = tpu.vector_load %arg18[%swap3A_554, %swap3A_555] {strides = array<i32>} : memref<32x257xf32, #tpu.memory_space<vmem>>, vector<16xf32>,
      tpu.vector_store %arg18[%swap3A_554, %swap3A_555], %sub3A_553 {strides = array<i32>} : memref<32x257xf32, #tpu.memory_space<vmem>>, vector<16xf32>,
      %sub3A_557 = arith.constant 1.200000e+01 : f32
      %sub3A_558 = vector.broadcast %sub3A_557 : f32 to vector<16xf32>
      %sub3A_559 = arith.subf %sub3A_558, %scan3A_519#6 : vector<16xf32>
      %swap3A_560 = arith.index_cast %select_n3A_485 : i32 to index
      %swap3A_561 = arith.constant 97 : index
      %swap3A_562 = tpu.vector_load %arg18[%swap3A_560, %swap3A_561] {strides = array<i32>} : memref<32x257xf32, #tpu.memory_space<vmem>>, vector<16xf32>,
      tpu.vector_store %arg18[%swap3A_560, %swap3A_561], %sub3A_559 {strides = array<i32>} : memref<32x257xf32, #tpu.memory_space<vmem>>, vector<16xf32>,
      %sub3A_563 = arith.constant 1.200000e+01 : f32
      %sub3A_564 = vector.broadcast %sub3A_563 : f32 to vector<16xf32>
      %sub3A_565 = arith.subf %sub3A_564, %scan3A_519#7 : vector<16xf32>
      %swap3A_566 = arith.index_cast %select_n3A_485 : i32 to index
      %swap3A_567 = arith.constant 113 : index
      %swap3A_568 = tpu.vector_load %arg18[%swap3A_566, %swap3A_567] {strides = array<i32>} : memref<32x257xf32, #tpu.memory_space<vmem>>, vector<16xf32>,
      tpu.vector_store %arg18[%swap3A_566, %swap3A_567], %sub3A_565 {strides = array<i32>} : memref<32x257xf32, #tpu.memory_space<vmem>>, vector<16xf32>,
      %sub3A_569 = arith.constant 1.200000e+01 : f32
      %sub3A_570 = vector.broadcast %sub3A_569 : f32 to vector<16xf32>
      %sub3A_571 = arith.subf %sub3A_570, %scan3A_519#8 : vector<16xf32>
      %swap3A_572 = arith.index_cast %select_n3A_485 : i32 to index
      %swap3A_573 = arith.constant 129 : index
      %swap3A_574 = tpu.vector_load %arg18[%swap3A_572, %swap3A_573] {strides = array<i32>} : memref<32x257xf32, #tpu.memory_space<vmem>>, vector<16xf32>,
      tpu.vector_store %arg18[%swap3A_572, %swap3A_573], %sub3A_571 {strides = array<i32>} : memref<32x257xf32, #tpu.memory_space<vmem>>, vector<16xf32>,
      %sub3A_575 = arith.constant 1.200000e+01 : f32
      %sub3A_576 = vector.broadcast %sub3A_575 : f32 to vector<16xf32>
      %sub3A_577 = arith.subf %sub3A_576, %scan3A_519#9 : vector<16xf32>
      %swap3A_578 = arith.index_cast %select_n3A_485 : i32 to index
      %swap3A_579 = arith.constant 145 : index
      %swap3A_580 = tpu.vector_load %arg18[%swap3A_578, %swap3A_579] {strides = array<i32>} : memref<32x257xf32, #tpu.memory_space<vmem>>, vector<16xf32>,
      tpu.vector_store %arg18[%swap3A_578, %swap3A_579], %sub3A_577 {strides = array<i32>} : memref<32x257xf32, #tpu.memory_space<vmem>>, vector<16xf32>,
      %sub3A_581 = arith.constant 1.200000e+01 : f32
      %sub3A_582 = vector.broadcast %sub3A_581 : f32 to vector<16xf32>
      %sub3A_583 = arith.subf %sub3A_582, %scan3A_519#10 : vector<16xf32>
      %swap3A_584 = arith.index_cast %select_n3A_485 : i32 to index
      %swap3A_585 = arith.constant 161 : index
      %swap3A_586 = tpu.vector_load %arg18[%swap3A_584, %swap3A_585] {strides = array<i32>} : memref<32x257xf32, #tpu.memory_space<vmem>>, vector<16xf32>,
      tpu.vector_store %arg18[%swap3A_584, %swap3A_585], %sub3A_583 {strides = array<i32>} : memref<32x257xf32, #tpu.memory_space<vmem>>, vector<16xf32>,
      %sub3A_587 = arith.constant 1.200000e+01 : f32
      %sub3A_588 = vector.broadcast %sub3A_587 : f32 to vector<16xf32>
      %sub3A_589 = arith.subf %sub3A_588, %scan3A_519#11 : vector<16xf32>
      %swap3A_590 = arith.index_cast %select_n3A_485 : i32 to index
      %swap3A_591 = arith.constant 177 : index
      %swap3A_592 = tpu.vector_load %arg18[%swap3A_590, %swap3A_591] {strides = array<i32>} : memref<32x257xf32, #tpu.memory_space<vmem>>, vector<16xf32>,
      tpu.vector_store %arg18[%swap3A_590, %swap3A_591], %sub3A_589 {strides = array<i32>} : memref<32x257xf32, #tpu.memory_space<vmem>>, vector<16xf32>,
      %sub3A_593 = arith.constant 1.200000e+01 : f32
      %sub3A_594 = vector.broadcast %sub3A_593 : f32 to vector<16xf32>
      %sub3A_595 = arith.subf %sub3A_594, %scan3A_519#12 : vector<16xf32>
      %swap3A_596 = arith.index_cast %select_n3A_485 : i32 to index
      %swap3A_597 = arith.constant 193 : index
      %swap3A_598 = tpu.vector_load %arg18[%swap3A_596, %swap3A_597] {strides = array<i32>} : memref<32x257xf32, #tpu.memory_space<vmem>>, vector<16xf32>,
      tpu.vector_store %arg18[%swap3A_596, %swap3A_597], %sub3A_595 {strides = array<i32>} : memref<32x257xf32, #tpu.memory_space<vmem>>, vector<16xf32>,
      %sub3A_599 = arith.constant 1.200000e+01 : f32
      %sub3A_600 = vector.broadcast %sub3A_599 : f32 to vector<16xf32>
      %sub3A_601 = arith.subf %sub3A_600, %scan3A_519#13 : vector<16xf32>
      %swap3A_602 = arith.index_cast %select_n3A_485 : i32 to index
      %swap3A_603 = arith.constant 209 : index
      %swap3A_604 = tpu.vector_load %arg18[%swap3A_602, %swap3A_603] {strides = array<i32>} : memref<32x257xf32, #tpu.memory_space<vmem>>, vector<16xf32>,
      tpu.vector_store %arg18[%swap3A_602, %swap3A_603], %sub3A_601 {strides = array<i32>} : memref<32x257xf32, #tpu.memory_space<vmem>>, vector<16xf32>,
      %sub3A_605 = arith.constant 1.200000e+01 : f32
      %sub3A_606 = vector.broadcast %sub3A_605 : f32 to vector<16xf32>
      %sub3A_607 = arith.subf %sub3A_606, %scan3A_519#14 : vector<16xf32>
      %swap3A_608 = arith.index_cast %select_n3A_485 : i32 to index
      %swap3A_609 = arith.constant 225 : index
      %swap3A_610 = tpu.vector_load %arg18[%swap3A_608, %swap3A_609] {strides = array<i32>} : memref<32x257xf32, #tpu.memory_space<vmem>>, vector<16xf32>,
      tpu.vector_store %arg18[%swap3A_608, %swap3A_609], %sub3A_607 {strides = array<i32>} : memref<32x257xf32, #tpu.memory_space<vmem>>, vector<16xf32>,
      %sub3A_611 = arith.constant 1.200000e+01 : f32
      %sub3A_612 = vector.broadcast %sub3A_611 : f32 to vector<16xf32>
      %sub3A_613 = arith.subf %sub3A_612, %scan3A_519#15 : vector<16xf32>
      %swap3A_614 = arith.index_cast %select_n3A_485 : i32 to index
      %swap3A_615 = arith.constant 241 : index
      %swap3A_616 = tpu.vector_load %arg18[%swap3A_614, %swap3A_615] {strides = array<i32>} : memref<32x257xf32, #tpu.memory_space<vmem>>, vector<16xf32>,
      tpu.vector_store %arg18[%swap3A_614, %swap3A_615], %sub3A_613 {strides = array<i32>} : memref<32x257xf32, #tpu.memory_space<vmem>>, vector<16xf32>,
      %add3A_617 = arith.constant 4 : i32
      %add3A_618 = arith.addi %add3A_469, %add3A_617 : i32
      %lt3A_619 = arith.constant 128 : i32
      %lt3A_620 = arith.cmpi slt, %add3A_618, %lt3A_619 : i32
      %convert_element_type3A_621 = arith.extui %lt3A_620 : i1 to i32
      %cond3A_622 = arith.constant 0 : i32
      %cond3A_623 = arith.cmpi ne, %convert_element_type3A_621, %cond3A_622 : i32
      scf.if %cond3A_623 {
        %add3A_955 = arith.constant 4 : i32
        %add3A_956 = arith.addi %add3A_469, %add3A_955 : i32
        %dma_start3A_957 = arith.constant 1 : i32
        %dma_start3A_958 = arith.constant 0 : i32
        %dma_start3A_959 = arith.constant 0 : i32
        %dma_start3A_960 = arith.constant 0 : i32
        %dma_start3A_961 = tpu.memref_slice %arg17[%dma_start3A_957, %dma_start3A_958, %dma_start3A_959, %dma_start3A_960] : memref<4x2x128x64xf32, #tpu.memory_space<vmem>> -> memref<1x1x128x64xf32, #tpu.memory_space<vmem>>
        %dma_start3A_962 = tpu.memref_squeeze %dma_start3A_961 : memref<1x1x128x64xf32, #tpu.memory_space<vmem>> -> memref<128x64xf32, #tpu.memory_space<vmem>>
        %dma_start3A_963 = arith.constant 0 : i32
        %dma_start3A_964 = tpu.memref_slice %arg13[%add3A_956, %dma_start3A_963] : memref<128x128xi32, #tpu.memory_space<vmem>> -> memref<1x128xi32, #tpu.memory_space<vmem>>
        %dma_start3A_965 = tpu.memref_squeeze %dma_start3A_964 : memref<1x128xi32, #tpu.memory_space<vmem>> -> memref<128xi32, #tpu.memory_space<vmem>>
        %dma_start3A_966 = arith.constant 0 : i32
        %dma_start3A_967 = arith.constant 0 : i32
        %dma_start3A_968 = tpu.memref_slice %arg2[%dma_start3A_966, %dma_start3A_967] : memref<100000x64xf32, #tpu.memory_space<hbm>> -> memref<100000x64xf32, #tpu.memory_space<hbm>>
        tpu.enqueue_indirect_dma source(%dma_start3A_968 : memref<100000x64xf32, #tpu.memory_space<hbm>>) target(%dma_start3A_962 : memref<128x64xf32, #tpu.memory_space<vmem>>) offsets(%dma_start3A_965 : memref<128xi32, #tpu.memory_space<vmem>>) semaphore(%arg23 : memref<!tpu.dma_semaphore, #tpu.memory_space<semaphore_mem>>)
        %dma_start3A_969 = arith.constant 1 : i32
        %dma_start3A_970 = arith.constant 1 : i32
        %dma_start3A_971 = arith.constant 0 : i32
        %dma_start3A_972 = arith.constant 0 : i32
        %dma_start3A_973 = tpu.memref_slice %arg17[%dma_start3A_969, %dma_start3A_970, %dma_start3A_971, %dma_start3A_972] : memref<4x2x128x64xf32, #tpu.memory_space<vmem>> -> memref<1x1x128x64xf32, #tpu.memory_space<vmem>>
        %dma_start3A_974 = tpu.memref_squeeze %dma_start3A_973 : memref<1x1x128x64xf32, #tpu.memory_space<vmem>> -> memref<128x64xf32, #tpu.memory_space<vmem>>
        %dma_start3A_975 = arith.constant 0 : i32
        %dma_start3A_976 = tpu.memref_slice %arg14[%add3A_956, %dma_start3A_975] : memref<128x128xi32, #tpu.memory_space<vmem>> -> memref<1x128xi32, #tpu.memory_space<vmem>>
        %dma_start3A_977 = tpu.memref_squeeze %dma_start3A_976 : memref<1x128xi32, #tpu.memory_space<vmem>> -> memref<128xi32, #tpu.memory_space<vmem>>
        %dma_start3A_978 = arith.constant 0 : i32
        %dma_start3A_979 = arith.constant 0 : i32
        %dma_start3A_980 = tpu.memref_slice %arg2[%dma_start3A_978, %dma_start3A_979] : memref<100000x64xf32, #tpu.memory_space<hbm>> -> memref<100000x64xf32, #tpu.memory_space<hbm>>
        tpu.enqueue_indirect_dma source(%dma_start3A_980 : memref<100000x64xf32, #tpu.memory_space<hbm>>) target(%dma_start3A_974 : memref<128x64xf32, #tpu.memory_space<vmem>>) offsets(%dma_start3A_977 : memref<128xi32, #tpu.memory_space<vmem>>) semaphore(%arg23 : memref<!tpu.dma_semaphore, #tpu.memory_space<semaphore_mem>>)
      } else {
      }
      %eq3A_624 = arith.constant 31 : i32
      %eq3A_625 = arith.cmpi eq, %select_n3A_485, %eq3A_624 : i32
      %convert_element_type3A_626 = arith.extui %eq3A_625 : i1 to i32
      %cond3A_627 = arith.constant 0 : i32
      %cond3A_628 = arith.cmpi ne, %convert_element_type3A_626, %cond3A_627 : i32
      scf.if %cond3A_628 {
        %sub3A_955 = arith.constant 31 : i32
        %sub3A_956 = arith.subi %add3A_469, %sub3A_955 : i32
        %add3A_957 = arith.constant 0 : i32
        %add3A_958 = arith.addi %sub3A_956, %add3A_957 : i32
        %get3A = arith.index_cast %add3A_958 : i32 to index
        %get3A_959 = tpu.vector_load %arg16[%get3A] {strides = array<i32>} : memref<128xf32, #tpu.memory_space<vmem>>, vector<16xf32>,
        %add3A_960 = arith.constant 0 : i32
        %add3A_961 = vector.broadcast %add3A_960 : i32 to vector<16xi32>
        %add3A_962 = arith.addi %add3A_961, %iota3A : vector<16xi32>
        tpu.vector_store_idx %arg18[%add3A_962, %broadcast_in_dim3A_3], %get3A_959 : memref<32x257xf32, #tpu.memory_space<vmem>>[vector<16xi32>, vector<16xi32>], vector<16xf32>,
        %add3A_963 = arith.constant 16 : i32
        %add3A_964 = arith.addi %sub3A_956, %add3A_963 : i32
        %get3A_965 = arith.index_cast %add3A_964 : i32 to index
        %get3A_966 = tpu.vector_load %arg16[%get3A_965] {strides = array<i32>} : memref<128xf32, #tpu.memory_space<vmem>>, vector<16xf32>,
        %add3A_967 = arith.constant 16 : i32
        %add3A_968 = vector.broadcast %add3A_967 : i32 to vector<16xi32>
        %add3A_969 = arith.addi %add3A_968, %iota3A : vector<16xi32>
        tpu.vector_store_idx %arg18[%add3A_969, %broadcast_in_dim3A_3], %get3A_966 : memref<32x257xf32, #tpu.memory_space<vmem>>[vector<16xi32>, vector<16xi32>], vector<16xf32>,
        %add3A_970 = arith.addi %mul3A_2, %sub3A_956 : i32
        "tpu.region"() ({
          %run_scoped3A = tpu.sem_alloc : memref<!tpu.dma_semaphore, #tpu.memory_space<semaphore_mem>>
          %dma_start3A_971 = arith.constant 0 : i32
          %dma_start3A_972 = tpu.memref_slice %arg9[%add3A_970, %dma_start3A_971] : memref<4096x257xf32, #tpu.memory_space<hbm>> -> memref<32x257xf32, #tpu.memory_space<hbm>>
          %dma_start3A_973 = arith.constant 0 : i32
          %dma_start3A_974 = tpu.memref_slice %arg9[%add3A_970, %dma_start3A_973] : memref<4096x257xf32, #tpu.memory_space<hbm>> -> memref<32x257xf32, #tpu.memory_space<hbm>>
          tpu.enqueue_dma source(%arg18 : memref<32x257xf32, #tpu.memory_space<vmem>>) target(%dma_start3A_974 : memref<32x257xf32, #tpu.memory_space<hbm>>) target_semaphore(%run_scoped3A : memref<!tpu.dma_semaphore, #tpu.memory_space<semaphore_mem>>)
          %dma_wait3A_975 = arith.constant 0 : i32
          %dma_wait3A_976 = tpu.memref_slice %arg9[%add3A_970, %dma_wait3A_975] : memref<4096x257xf32, #tpu.memory_space<hbm>> -> memref<32x257xf32, #tpu.memory_space<hbm>>
          %dma_wait3A_977 = arith.constant 0 : i32
          %dma_wait3A_978 = tpu.memref_slice %arg9[%add3A_970, %dma_wait3A_977] : memref<4096x257xf32, #tpu.memory_space<hbm>> -> memref<32x257xf32, #tpu.memory_space<hbm>>
          tpu.wait_dma2 semaphore(%run_scoped3A : memref<!tpu.dma_semaphore, #tpu.memory_space<semaphore_mem>>) src(%arg18 : memref<32x257xf32, #tpu.memory_space<vmem>>) dst(%dma_wait3A_978 : memref<32x257xf32, #tpu.memory_space<hbm>>)
          tpu.yield
        }) : () -> ()
      } else {
      }
      %mul3A_629 = arith.constant 4 : i32
      %mul3A_630 = arith.muli %mul3A_629, %scan3A_311 : i32
      %add3A_631 = arith.constant 2 : i32
      %add3A_632 = arith.addi %mul3A_630, %add3A_631 : i32
      %jit3A_633 = arith.constant 32 : i32
      %eq3A_634 = arith.constant 0 : i32
      %eq3A_635 = arith.cmpi eq, %jit3A_633, %eq3A_634 : i32
      %jit3A_636 = arith.constant 1 : i32
      %select_n3A_637 = arith.select %eq3A_635, %jit3A_636, %jit3A_633 : i32
      %rem3A_638 = arith.remsi %add3A_632, %select_n3A_637 : i32
      %ne3A_639 = arith.constant 0 : i32
      %ne3A_640 = arith.cmpi ne, %rem3A_638, %ne3A_639 : i32
      %lt3A_641 = arith.constant 0 : i32
      %lt3A_642 = arith.cmpi slt, %rem3A_638, %lt3A_641 : i32
      %lt3A_643 = arith.constant 0 : i32
      %lt3A_644 = arith.cmpi slt, %select_n3A_637, %lt3A_643 : i32
      %ne3A_645 = arith.xori %lt3A_642, %lt3A_644 : i1
      %and3A_646 = arith.andi %ne3A_645, %ne3A_640 : i1
      %add3A_647 = arith.addi %rem3A_638, %select_n3A_637 : i32
      %select_n3A_648 = arith.select %and3A_646, %add3A_647, %rem3A_638 : i32
      %dma_wait3A_649 = arith.constant 2 : i32
      %dma_wait3A_650 = arith.constant 0 : i32
      %dma_wait3A_651 = arith.constant 0 : i32
      %dma_wait3A_652 = arith.constant 0 : i32
      %dma_wait3A_653 = tpu.memref_slice %arg17[%dma_wait3A_649, %dma_wait3A_650, %dma_wait3A_651, %dma_wait3A_652] : memref<4x2x128x64xf32, #tpu.memory_space<vmem>> -> memref<1x1x128x64xf32, #tpu.memory_space<vmem>>
      %dma_wait3A_654 = tpu.memref_squeeze %dma_wait3A_653 : memref<1x1x128x64xf32, #tpu.memory_space<vmem>> -> memref<128x64xf32, #tpu.memory_space<vmem>>
      %dma_wait3A_655 = arith.constant 0 : i32
      %dma_wait3A_656 = tpu.memref_slice %arg13[%add3A_632, %dma_wait3A_655] : memref<128x128xi32, #tpu.memory_space<vmem>> -> memref<1x128xi32, #tpu.memory_space<vmem>>
      %dma_wait3A_657 = tpu.memref_squeeze %dma_wait3A_656 : memref<1x128xi32, #tpu.memory_space<vmem>> -> memref<128xi32, #tpu.memory_space<vmem>>
      %dma_wait3A_658 = arith.constant 0 : i32
      %dma_wait3A_659 = arith.constant 0 : i32
      %dma_wait3A_660 = tpu.memref_slice %arg2[%dma_wait3A_658, %dma_wait3A_659] : memref<100000x64xf32, #tpu.memory_space<hbm>> -> memref<100000x64xf32, #tpu.memory_space<hbm>>
      tpu.wait_indirect_dma semaphore(%arg24 : memref<!tpu.dma_semaphore, #tpu.memory_space<semaphore_mem>>) src(%dma_wait3A_660 : memref<100000x64xf32, #tpu.memory_space<hbm>>) dst(%dma_wait3A_654 : memref<128x64xf32, #tpu.memory_space<vmem>>)
      %dma_wait3A_661 = arith.constant 2 : i32
      %dma_wait3A_662 = arith.constant 1 : i32
      %dma_wait3A_663 = arith.constant 0 : i32
      %dma_wait3A_664 = arith.constant 0 : i32
      %dma_wait3A_665 = tpu.memref_slice %arg17[%dma_wait3A_661, %dma_wait3A_662, %dma_wait3A_663, %dma_wait3A_664] : memref<4x2x128x64xf32, #tpu.memory_space<vmem>> -> memref<1x1x128x64xf32, #tpu.memory_space<vmem>>
      %dma_wait3A_666 = tpu.memref_squeeze %dma_wait3A_665 : memref<1x1x128x64xf32, #tpu.memory_space<vmem>> -> memref<128x64xf32, #tpu.memory_space<vmem>>
      %dma_wait3A_667 = arith.constant 0 : i32
      %dma_wait3A_668 = tpu.memref_slice %arg14[%add3A_632, %dma_wait3A_667] : memref<128x128xi32, #tpu.memory_space<vmem>> -> memref<1x128xi32, #tpu.memory_space<vmem>>
      %dma_wait3A_669 = tpu.memref_squeeze %dma_wait3A_668 : memref<1x128xi32, #tpu.memory_space<vmem>> -> memref<128xi32, #tpu.memory_space<vmem>>
      %dma_wait3A_670 = arith.constant 0 : i32
      %dma_wait3A_671 = arith.constant 0 : i32
      %dma_wait3A_672 = tpu.memref_slice %arg2[%dma_wait3A_670, %dma_wait3A_671] : memref<100000x64xf32, #tpu.memory_space<hbm>> -> memref<100000x64xf32, #tpu.memory_space<hbm>>
      tpu.wait_indirect_dma semaphore(%arg24 : memref<!tpu.dma_semaphore, #tpu.memory_space<semaphore_mem>>) src(%dma_wait3A_672 : memref<100000x64xf32, #tpu.memory_space<hbm>>) dst(%dma_wait3A_666 : memref<128x64xf32, #tpu.memory_space<vmem>>)
      %broadcast_in_dim3A_673 = vector.broadcast %add3A_632 : i32 to vector<16xi32>
      %scan3A_674 = arith.constant 2 : i32
      %scan3A_675 = arith.constant 0 : i32
      %scan3A_676 = arith.constant 2 : i32
      %scan3A_677 = arith.constant 1 : i32
      %scan3A_678 = arith.constant 0 : i32
      %scan3A_679 = arith.constant 64 : i32
      %scan3A_680 = arith.addi %scan3A_678, %scan3A_679 : i32
      %scan3A_681 = arith.constant 2 : i32
      %scan3A_682:16 = scf.for %scan3A_955 = %scan3A_678 to %scan3A_680 step %scan3A_681 iter_args(%scan3A_956 = %broadcast_in_dim3A_5, %scan3A_957 = %broadcast_in_dim3A_5, %scan3A_958 = %broadcast_in_dim3A_5, %scan3A_959 = %broadcast_in_dim3A_5, %scan3A_960 = %broadcast_in_dim3A_5, %scan3A_961 = %broadcast_in_dim3A_5, %scan3A_962 = %broadcast_in_dim3A_5, %scan3A_963 = %broadcast_in_dim3A_5, %scan3A_964 = %broadcast_in_dim3A_5, %scan3A_965 = %broadcast_in_dim3A_5, %scan3A_966 = %broadcast_in_dim3A_5, %scan3A_967 = %broadcast_in_dim3A_5, %scan3A_968 = %broadcast_in_dim3A_5, %scan3A_969 = %broadcast_in_dim3A_5, %scan3A_970 = %broadcast_in_dim3A_5, %scan3A_971 = %broadcast_in_dim3A_5) -> (vector<16xf32>, vector<16xf32>, vector<16xf32>, vector<16xf32>, vector<16xf32>, vector<16xf32>, vector<16xf32>, vector<16xf32>, vector<16xf32>, vector<16xf32>, vector<16xf32>, vector<16xf32>, vector<16xf32>, vector<16xf32>, vector<16xf32>, vector<16xf32>)  : i32 {
        %broadcast_in_dim3A_972 = vector.broadcast %scan3A_955 : i32 to vector<16xi32>
        %add3A_973 = arith.addi %broadcast_in_dim3A_972, %iota3A : vector<16xi32>
        %and3A_974 = arith.constant 63 : i32
        %and3A_975 = vector.broadcast %and3A_974 : i32 to vector<16xi32>
        %and3A_976 = arith.andi %add3A_973, %and3A_975 : vector<16xi32>
        %gather3A = tpu.vector_load_idx %arg15[%broadcast_in_dim3A_673, %and3A_976] : memref<128x64xf32, #tpu.memory_space<vmem>>[vector<16xi32>, vector<16xi32>], vector<16xf32>,
        %gather3A_977 = arith.constant 0 : i32
        %gather3A_978 = arith.constant 0 : i32
        %gather3A_979 = tpu.memref_slice %arg17[%scan3A_674, %scan3A_675, %gather3A_977, %gather3A_978] : memref<4x2x128x64xf32, #tpu.memory_space<vmem>> -> memref<1x1x128x64xf32, #tpu.memory_space<vmem>>
        %gather3A_980 = tpu.memref_squeeze %gather3A_979 : memref<1x1x128x64xf32, #tpu.memory_space<vmem>> -> memref<128x64xf32, #tpu.memory_space<vmem>>
        %gather3A_981 = tpu.vector_load_idx %gather3A_980[%add3A_8, %and3A_976] : memref<128x64xf32, #tpu.memory_space<vmem>>[vector<16xi32>, vector<16xi32>], vector<16xf32>,
        %sub3A_982 = arith.subf %gather3A, %gather3A_981 : vector<16xf32>
        %abs3A = math.absf %sub3A_982 : vector<16xf32>
        %add3A_983 = arith.addf %scan3A_956, %abs3A : vector<16xf32>
        %gather3A_984 = arith.constant 0 : i32
        %gather3A_985 = arith.constant 0 : i32
        %gather3A_986 = tpu.memref_slice %arg17[%scan3A_674, %scan3A_675, %gather3A_984, %gather3A_985] : memref<4x2x128x64xf32, #tpu.memory_space<vmem>> -> memref<1x1x128x64xf32, #tpu.memory_space<vmem>>
        %gather3A_987 = tpu.memref_squeeze %gather3A_986 : memref<1x1x128x64xf32, #tpu.memory_space<vmem>> -> memref<128x64xf32, #tpu.memory_space<vmem>>
        %gather3A_988 = tpu.vector_load_idx %gather3A_987[%add3A_11, %and3A_976] : memref<128x64xf32, #tpu.memory_space<vmem>>[vector<16xi32>, vector<16xi32>], vector<16xf32>,
        %sub3A_989 = arith.subf %gather3A, %gather3A_988 : vector<16xf32>
        %abs3A_990 = math.absf %sub3A_989 : vector<16xf32>
        %add3A_991 = arith.addf %scan3A_957, %abs3A_990 : vector<16xf32>
        %gather3A_992 = arith.constant 0 : i32
        %gather3A_993 = arith.constant 0 : i32
        %gather3A_994 = tpu.memref_slice %arg17[%scan3A_674, %scan3A_675, %gather3A_992, %gather3A_993] : memref<4x2x128x64xf32, #tpu.memory_space<vmem>> -> memref<1x1x128x64xf32, #tpu.memory_space<vmem>>
        %gather3A_995 = tpu.memref_squeeze %gather3A_994 : memref<1x1x128x64xf32, #tpu.memory_space<vmem>> -> memref<128x64xf32, #tpu.memory_space<vmem>>
        %gather3A_996 = tpu.vector_load_idx %gather3A_995[%add3A_14, %and3A_976] : memref<128x64xf32, #tpu.memory_space<vmem>>[vector<16xi32>, vector<16xi32>], vector<16xf32>,
        %sub3A_997 = arith.subf %gather3A, %gather3A_996 : vector<16xf32>
        %abs3A_998 = math.absf %sub3A_997 : vector<16xf32>
        %add3A_999 = arith.addf %scan3A_958, %abs3A_998 : vector<16xf32>
        %gather3A_1000 = arith.constant 0 : i32
        %gather3A_1001 = arith.constant 0 : i32
        %gather3A_1002 = tpu.memref_slice %arg17[%scan3A_674, %scan3A_675, %gather3A_1000, %gather3A_1001] : memref<4x2x128x64xf32, #tpu.memory_space<vmem>> -> memref<1x1x128x64xf32, #tpu.memory_space<vmem>>
        %gather3A_1003 = tpu.memref_squeeze %gather3A_1002 : memref<1x1x128x64xf32, #tpu.memory_space<vmem>> -> memref<128x64xf32, #tpu.memory_space<vmem>>
        %gather3A_1004 = tpu.vector_load_idx %gather3A_1003[%add3A_17, %and3A_976] : memref<128x64xf32, #tpu.memory_space<vmem>>[vector<16xi32>, vector<16xi32>], vector<16xf32>,
        %sub3A_1005 = arith.subf %gather3A, %gather3A_1004 : vector<16xf32>
        %abs3A_1006 = math.absf %sub3A_1005 : vector<16xf32>
        %add3A_1007 = arith.addf %scan3A_959, %abs3A_1006 : vector<16xf32>
        %gather3A_1008 = arith.constant 0 : i32
        %gather3A_1009 = arith.constant 0 : i32
        %gather3A_1010 = tpu.memref_slice %arg17[%scan3A_674, %scan3A_675, %gather3A_1008, %gather3A_1009] : memref<4x2x128x64xf32, #tpu.memory_space<vmem>> -> memref<1x1x128x64xf32, #tpu.memory_space<vmem>>
        %gather3A_1011 = tpu.memref_squeeze %gather3A_1010 : memref<1x1x128x64xf32, #tpu.memory_space<vmem>> -> memref<128x64xf32, #tpu.memory_space<vmem>>
        %gather3A_1012 = tpu.vector_load_idx %gather3A_1011[%add3A_20, %and3A_976] : memref<128x64xf32, #tpu.memory_space<vmem>>[vector<16xi32>, vector<16xi32>], vector<16xf32>,
        %sub3A_1013 = arith.subf %gather3A, %gather3A_1012 : vector<16xf32>
        %abs3A_1014 = math.absf %sub3A_1013 : vector<16xf32>
        %add3A_1015 = arith.addf %scan3A_960, %abs3A_1014 : vector<16xf32>
        %gather3A_1016 = arith.constant 0 : i32
        %gather3A_1017 = arith.constant 0 : i32
        %gather3A_1018 = tpu.memref_slice %arg17[%scan3A_674, %scan3A_675, %gather3A_1016, %gather3A_1017] : memref<4x2x128x64xf32, #tpu.memory_space<vmem>> -> memref<1x1x128x64xf32, #tpu.memory_space<vmem>>
        %gather3A_1019 = tpu.memref_squeeze %gather3A_1018 : memref<1x1x128x64xf32, #tpu.memory_space<vmem>> -> memref<128x64xf32, #tpu.memory_space<vmem>>
        %gather3A_1020 = tpu.vector_load_idx %gather3A_1019[%add3A_23, %and3A_976] : memref<128x64xf32, #tpu.memory_space<vmem>>[vector<16xi32>, vector<16xi32>], vector<16xf32>,
        %sub3A_1021 = arith.subf %gather3A, %gather3A_1020 : vector<16xf32>
        %abs3A_1022 = math.absf %sub3A_1021 : vector<16xf32>
        %add3A_1023 = arith.addf %scan3A_961, %abs3A_1022 : vector<16xf32>
        %gather3A_1024 = arith.constant 0 : i32
        %gather3A_1025 = arith.constant 0 : i32
        %gather3A_1026 = tpu.memref_slice %arg17[%scan3A_674, %scan3A_675, %gather3A_1024, %gather3A_1025] : memref<4x2x128x64xf32, #tpu.memory_space<vmem>> -> memref<1x1x128x64xf32, #tpu.memory_space<vmem>>
        %gather3A_1027 = tpu.memref_squeeze %gather3A_1026 : memref<1x1x128x64xf32, #tpu.memory_space<vmem>> -> memref<128x64xf32, #tpu.memory_space<vmem>>
        %gather3A_1028 = tpu.vector_load_idx %gather3A_1027[%add3A_26, %and3A_976] : memref<128x64xf32, #tpu.memory_space<vmem>>[vector<16xi32>, vector<16xi32>], vector<16xf32>,
        %sub3A_1029 = arith.subf %gather3A, %gather3A_1028 : vector<16xf32>
        %abs3A_1030 = math.absf %sub3A_1029 : vector<16xf32>
        %add3A_1031 = arith.addf %scan3A_962, %abs3A_1030 : vector<16xf32>
        %gather3A_1032 = arith.constant 0 : i32
        %gather3A_1033 = arith.constant 0 : i32
        %gather3A_1034 = tpu.memref_slice %arg17[%scan3A_674, %scan3A_675, %gather3A_1032, %gather3A_1033] : memref<4x2x128x64xf32, #tpu.memory_space<vmem>> -> memref<1x1x128x64xf32, #tpu.memory_space<vmem>>
        %gather3A_1035 = tpu.memref_squeeze %gather3A_1034 : memref<1x1x128x64xf32, #tpu.memory_space<vmem>> -> memref<128x64xf32, #tpu.memory_space<vmem>>
        %gather3A_1036 = tpu.vector_load_idx %gather3A_1035[%add3A_29, %and3A_976] : memref<128x64xf32, #tpu.memory_space<vmem>>[vector<16xi32>, vector<16xi32>], vector<16xf32>,
        %sub3A_1037 = arith.subf %gather3A, %gather3A_1036 : vector<16xf32>
        %abs3A_1038 = math.absf %sub3A_1037 : vector<16xf32>
        %add3A_1039 = arith.addf %scan3A_963, %abs3A_1038 : vector<16xf32>
        %gather3A_1040 = arith.constant 0 : i32
        %gather3A_1041 = arith.constant 0 : i32
        %gather3A_1042 = tpu.memref_slice %arg17[%scan3A_676, %scan3A_677, %gather3A_1040, %gather3A_1041] : memref<4x2x128x64xf32, #tpu.memory_space<vmem>> -> memref<1x1x128x64xf32, #tpu.memory_space<vmem>>
        %gather3A_1043 = tpu.memref_squeeze %gather3A_1042 : memref<1x1x128x64xf32, #tpu.memory_space<vmem>> -> memref<128x64xf32, #tpu.memory_space<vmem>>
        %gather3A_1044 = tpu.vector_load_idx %gather3A_1043[%add3A_8, %and3A_976] : memref<128x64xf32, #tpu.memory_space<vmem>>[vector<16xi32>, vector<16xi32>], vector<16xf32>,
        %sub3A_1045 = arith.subf %gather3A, %gather3A_1044 : vector<16xf32>
        %abs3A_1046 = math.absf %sub3A_1045 : vector<16xf32>
        %add3A_1047 = arith.addf %scan3A_964, %abs3A_1046 : vector<16xf32>
        %gather3A_1048 = arith.constant 0 : i32
        %gather3A_1049 = arith.constant 0 : i32
        %gather3A_1050 = tpu.memref_slice %arg17[%scan3A_676, %scan3A_677, %gather3A_1048, %gather3A_1049] : memref<4x2x128x64xf32, #tpu.memory_space<vmem>> -> memref<1x1x128x64xf32, #tpu.memory_space<vmem>>
        %gather3A_1051 = tpu.memref_squeeze %gather3A_1050 : memref<1x1x128x64xf32, #tpu.memory_space<vmem>> -> memref<128x64xf32, #tpu.memory_space<vmem>>
        %gather3A_1052 = tpu.vector_load_idx %gather3A_1051[%add3A_11, %and3A_976] : memref<128x64xf32, #tpu.memory_space<vmem>>[vector<16xi32>, vector<16xi32>], vector<16xf32>,
        %sub3A_1053 = arith.subf %gather3A, %gather3A_1052 : vector<16xf32>
        %abs3A_1054 = math.absf %sub3A_1053 : vector<16xf32>
        %add3A_1055 = arith.addf %scan3A_965, %abs3A_1054 : vector<16xf32>
        %gather3A_1056 = arith.constant 0 : i32
        %gather3A_1057 = arith.constant 0 : i32
        %gather3A_1058 = tpu.memref_slice %arg17[%scan3A_676, %scan3A_677, %gather3A_1056, %gather3A_1057] : memref<4x2x128x64xf32, #tpu.memory_space<vmem>> -> memref<1x1x128x64xf32, #tpu.memory_space<vmem>>
        %gather3A_1059 = tpu.memref_squeeze %gather3A_1058 : memref<1x1x128x64xf32, #tpu.memory_space<vmem>> -> memref<128x64xf32, #tpu.memory_space<vmem>>
        %gather3A_1060 = tpu.vector_load_idx %gather3A_1059[%add3A_14, %and3A_976] : memref<128x64xf32, #tpu.memory_space<vmem>>[vector<16xi32>, vector<16xi32>], vector<16xf32>,
        %sub3A_1061 = arith.subf %gather3A, %gather3A_1060 : vector<16xf32>
        %abs3A_1062 = math.absf %sub3A_1061 : vector<16xf32>
        %add3A_1063 = arith.addf %scan3A_966, %abs3A_1062 : vector<16xf32>
        %gather3A_1064 = arith.constant 0 : i32
        %gather3A_1065 = arith.constant 0 : i32
        %gather3A_1066 = tpu.memref_slice %arg17[%scan3A_676, %scan3A_677, %gather3A_1064, %gather3A_1065] : memref<4x2x128x64xf32, #tpu.memory_space<vmem>> -> memref<1x1x128x64xf32, #tpu.memory_space<vmem>>
        %gather3A_1067 = tpu.memref_squeeze %gather3A_1066 : memref<1x1x128x64xf32, #tpu.memory_space<vmem>> -> memref<128x64xf32, #tpu.memory_space<vmem>>
        %gather3A_1068 = tpu.vector_load_idx %gather3A_1067[%add3A_17, %and3A_976] : memref<128x64xf32, #tpu.memory_space<vmem>>[vector<16xi32>, vector<16xi32>], vector<16xf32>,
        %sub3A_1069 = arith.subf %gather3A, %gather3A_1068 : vector<16xf32>
        %abs3A_1070 = math.absf %sub3A_1069 : vector<16xf32>
        %add3A_1071 = arith.addf %scan3A_967, %abs3A_1070 : vector<16xf32>
        %gather3A_1072 = arith.constant 0 : i32
        %gather3A_1073 = arith.constant 0 : i32
        %gather3A_1074 = tpu.memref_slice %arg17[%scan3A_676, %scan3A_677, %gather3A_1072, %gather3A_1073] : memref<4x2x128x64xf32, #tpu.memory_space<vmem>> -> memref<1x1x128x64xf32, #tpu.memory_space<vmem>>
        %gather3A_1075 = tpu.memref_squeeze %gather3A_1074 : memref<1x1x128x64xf32, #tpu.memory_space<vmem>> -> memref<128x64xf32, #tpu.memory_space<vmem>>
        %gather3A_1076 = tpu.vector_load_idx %gather3A_1075[%add3A_20, %and3A_976] : memref<128x64xf32, #tpu.memory_space<vmem>>[vector<16xi32>, vector<16xi32>], vector<16xf32>,
        %sub3A_1077 = arith.subf %gather3A, %gather3A_1076 : vector<16xf32>
        %abs3A_1078 = math.absf %sub3A_1077 : vector<16xf32>
        %add3A_1079 = arith.addf %scan3A_968, %abs3A_1078 : vector<16xf32>
        %gather3A_1080 = arith.constant 0 : i32
        %gather3A_1081 = arith.constant 0 : i32
        %gather3A_1082 = tpu.memref_slice %arg17[%scan3A_676, %scan3A_677, %gather3A_1080, %gather3A_1081] : memref<4x2x128x64xf32, #tpu.memory_space<vmem>> -> memref<1x1x128x64xf32, #tpu.memory_space<vmem>>
        %gather3A_1083 = tpu.memref_squeeze %gather3A_1082 : memref<1x1x128x64xf32, #tpu.memory_space<vmem>> -> memref<128x64xf32, #tpu.memory_space<vmem>>
        %gather3A_1084 = tpu.vector_load_idx %gather3A_1083[%add3A_23, %and3A_976] : memref<128x64xf32, #tpu.memory_space<vmem>>[vector<16xi32>, vector<16xi32>], vector<16xf32>,
        %sub3A_1085 = arith.subf %gather3A, %gather3A_1084 : vector<16xf32>
        %abs3A_1086 = math.absf %sub3A_1085 : vector<16xf32>
        %add3A_1087 = arith.addf %scan3A_969, %abs3A_1086 : vector<16xf32>
        %gather3A_1088 = arith.constant 0 : i32
        %gather3A_1089 = arith.constant 0 : i32
        %gather3A_1090 = tpu.memref_slice %arg17[%scan3A_676, %scan3A_677, %gather3A_1088, %gather3A_1089] : memref<4x2x128x64xf32, #tpu.memory_space<vmem>> -> memref<1x1x128x64xf32, #tpu.memory_space<vmem>>
        %gather3A_1091 = tpu.memref_squeeze %gather3A_1090 : memref<1x1x128x64xf32, #tpu.memory_space<vmem>> -> memref<128x64xf32, #tpu.memory_space<vmem>>
        %gather3A_1092 = tpu.vector_load_idx %gather3A_1091[%add3A_26, %and3A_976] : memref<128x64xf32, #tpu.memory_space<vmem>>[vector<16xi32>, vector<16xi32>], vector<16xf32>,
        %sub3A_1093 = arith.subf %gather3A, %gather3A_1092 : vector<16xf32>
        %abs3A_1094 = math.absf %sub3A_1093 : vector<16xf32>
        %add3A_1095 = arith.addf %scan3A_970, %abs3A_1094 : vector<16xf32>
        %gather3A_1096 = arith.constant 0 : i32
        %gather3A_1097 = arith.constant 0 : i32
        %gather3A_1098 = tpu.memref_slice %arg17[%scan3A_676, %scan3A_677, %gather3A_1096, %gather3A_1097] : memref<4x2x128x64xf32, #tpu.memory_space<vmem>> -> memref<1x1x128x64xf32, #tpu.memory_space<vmem>>
        %gather3A_1099 = tpu.memref_squeeze %gather3A_1098 : memref<1x1x128x64xf32, #tpu.memory_space<vmem>> -> memref<128x64xf32, #tpu.memory_space<vmem>>
        %gather3A_1100 = tpu.vector_load_idx %gather3A_1099[%add3A_29, %and3A_976] : memref<128x64xf32, #tpu.memory_space<vmem>>[vector<16xi32>, vector<16xi32>], vector<16xf32>,
        %sub3A_1101 = arith.subf %gather3A, %gather3A_1100 : vector<16xf32>
        %abs3A_1102 = math.absf %sub3A_1101 : vector<16xf32>
        %add3A_1103 = arith.addf %scan3A_971, %abs3A_1102 : vector<16xf32>
        %scan3A_1104 = arith.constant 1 : i32
        %scan3A_1105 = arith.addi %scan3A_955, %scan3A_1104 : i32
        %broadcast_in_dim3A_1106 = vector.broadcast %scan3A_1105 : i32 to vector<16xi32>
        %add3A_1107 = arith.addi %broadcast_in_dim3A_1106, %iota3A : vector<16xi32>
        %and3A_1108 = arith.constant 63 : i32
        %and3A_1109 = vector.broadcast %and3A_1108 : i32 to vector<16xi32>
        %and3A_1110 = arith.andi %add3A_1107, %and3A_1109 : vector<16xi32>
        %gather3A_1111 = tpu.vector_load_idx %arg15[%broadcast_in_dim3A_673, %and3A_1110] : memref<128x64xf32, #tpu.memory_space<vmem>>[vector<16xi32>, vector<16xi32>], vector<16xf32>,
        %gather3A_1112 = arith.constant 0 : i32
        %gather3A_1113 = arith.constant 0 : i32
        %gather3A_1114 = tpu.memref_slice %arg17[%scan3A_674, %scan3A_675, %gather3A_1112, %gather3A_1113] : memref<4x2x128x64xf32, #tpu.memory_space<vmem>> -> memref<1x1x128x64xf32, #tpu.memory_space<vmem>>
        %gather3A_1115 = tpu.memref_squeeze %gather3A_1114 : memref<1x1x128x64xf32, #tpu.memory_space<vmem>> -> memref<128x64xf32, #tpu.memory_space<vmem>>
        %gather3A_1116 = tpu.vector_load_idx %gather3A_1115[%add3A_8, %and3A_1110] : memref<128x64xf32, #tpu.memory_space<vmem>>[vector<16xi32>, vector<16xi32>], vector<16xf32>,
        %sub3A_1117 = arith.subf %gather3A_1111, %gather3A_1116 : vector<16xf32>
        %abs3A_1118 = math.absf %sub3A_1117 : vector<16xf32>
        %add3A_1119 = arith.addf %add3A_983, %abs3A_1118 : vector<16xf32>
        %gather3A_1120 = arith.constant 0 : i32
        %gather3A_1121 = arith.constant 0 : i32
        %gather3A_1122 = tpu.memref_slice %arg17[%scan3A_674, %scan3A_675, %gather3A_1120, %gather3A_1121] : memref<4x2x128x64xf32, #tpu.memory_space<vmem>> -> memref<1x1x128x64xf32, #tpu.memory_space<vmem>>
        %gather3A_1123 = tpu.memref_squeeze %gather3A_1122 : memref<1x1x128x64xf32, #tpu.memory_space<vmem>> -> memref<128x64xf32, #tpu.memory_space<vmem>>
        %gather3A_1124 = tpu.vector_load_idx %gather3A_1123[%add3A_11, %and3A_1110] : memref<128x64xf32, #tpu.memory_space<vmem>>[vector<16xi32>, vector<16xi32>], vector<16xf32>,
        %sub3A_1125 = arith.subf %gather3A_1111, %gather3A_1124 : vector<16xf32>
        %abs3A_1126 = math.absf %sub3A_1125 : vector<16xf32>
        %add3A_1127 = arith.addf %add3A_991, %abs3A_1126 : vector<16xf32>
        %gather3A_1128 = arith.constant 0 : i32
        %gather3A_1129 = arith.constant 0 : i32
        %gather3A_1130 = tpu.memref_slice %arg17[%scan3A_674, %scan3A_675, %gather3A_1128, %gather3A_1129] : memref<4x2x128x64xf32, #tpu.memory_space<vmem>> -> memref<1x1x128x64xf32, #tpu.memory_space<vmem>>
        %gather3A_1131 = tpu.memref_squeeze %gather3A_1130 : memref<1x1x128x64xf32, #tpu.memory_space<vmem>> -> memref<128x64xf32, #tpu.memory_space<vmem>>
        %gather3A_1132 = tpu.vector_load_idx %gather3A_1131[%add3A_14, %and3A_1110] : memref<128x64xf32, #tpu.memory_space<vmem>>[vector<16xi32>, vector<16xi32>], vector<16xf32>,
        %sub3A_1133 = arith.subf %gather3A_1111, %gather3A_1132 : vector<16xf32>
        %abs3A_1134 = math.absf %sub3A_1133 : vector<16xf32>
        %add3A_1135 = arith.addf %add3A_999, %abs3A_1134 : vector<16xf32>
        %gather3A_1136 = arith.constant 0 : i32
        %gather3A_1137 = arith.constant 0 : i32
        %gather3A_1138 = tpu.memref_slice %arg17[%scan3A_674, %scan3A_675, %gather3A_1136, %gather3A_1137] : memref<4x2x128x64xf32, #tpu.memory_space<vmem>> -> memref<1x1x128x64xf32, #tpu.memory_space<vmem>>
        %gather3A_1139 = tpu.memref_squeeze %gather3A_1138 : memref<1x1x128x64xf32, #tpu.memory_space<vmem>> -> memref<128x64xf32, #tpu.memory_space<vmem>>
        %gather3A_1140 = tpu.vector_load_idx %gather3A_1139[%add3A_17, %and3A_1110] : memref<128x64xf32, #tpu.memory_space<vmem>>[vector<16xi32>, vector<16xi32>], vector<16xf32>,
        %sub3A_1141 = arith.subf %gather3A_1111, %gather3A_1140 : vector<16xf32>
        %abs3A_1142 = math.absf %sub3A_1141 : vector<16xf32>
        %add3A_1143 = arith.addf %add3A_1007, %abs3A_1142 : vector<16xf32>
        %gather3A_1144 = arith.constant 0 : i32
        %gather3A_1145 = arith.constant 0 : i32
        %gather3A_1146 = tpu.memref_slice %arg17[%scan3A_674, %scan3A_675, %gather3A_1144, %gather3A_1145] : memref<4x2x128x64xf32, #tpu.memory_space<vmem>> -> memref<1x1x128x64xf32, #tpu.memory_space<vmem>>
        %gather3A_1147 = tpu.memref_squeeze %gather3A_1146 : memref<1x1x128x64xf32, #tpu.memory_space<vmem>> -> memref<128x64xf32, #tpu.memory_space<vmem>>
        %gather3A_1148 = tpu.vector_load_idx %gather3A_1147[%add3A_20, %and3A_1110] : memref<128x64xf32, #tpu.memory_space<vmem>>[vector<16xi32>, vector<16xi32>], vector<16xf32>,
        %sub3A_1149 = arith.subf %gather3A_1111, %gather3A_1148 : vector<16xf32>
        %abs3A_1150 = math.absf %sub3A_1149 : vector<16xf32>
        %add3A_1151 = arith.addf %add3A_1015, %abs3A_1150 : vector<16xf32>
        %gather3A_1152 = arith.constant 0 : i32
        %gather3A_1153 = arith.constant 0 : i32
        %gather3A_1154 = tpu.memref_slice %arg17[%scan3A_674, %scan3A_675, %gather3A_1152, %gather3A_1153] : memref<4x2x128x64xf32, #tpu.memory_space<vmem>> -> memref<1x1x128x64xf32, #tpu.memory_space<vmem>>
        %gather3A_1155 = tpu.memref_squeeze %gather3A_1154 : memref<1x1x128x64xf32, #tpu.memory_space<vmem>> -> memref<128x64xf32, #tpu.memory_space<vmem>>
        %gather3A_1156 = tpu.vector_load_idx %gather3A_1155[%add3A_23, %and3A_1110] : memref<128x64xf32, #tpu.memory_space<vmem>>[vector<16xi32>, vector<16xi32>], vector<16xf32>,
        %sub3A_1157 = arith.subf %gather3A_1111, %gather3A_1156 : vector<16xf32>
        %abs3A_1158 = math.absf %sub3A_1157 : vector<16xf32>
        %add3A_1159 = arith.addf %add3A_1023, %abs3A_1158 : vector<16xf32>
        %gather3A_1160 = arith.constant 0 : i32
        %gather3A_1161 = arith.constant 0 : i32
        %gather3A_1162 = tpu.memref_slice %arg17[%scan3A_674, %scan3A_675, %gather3A_1160, %gather3A_1161] : memref<4x2x128x64xf32, #tpu.memory_space<vmem>> -> memref<1x1x128x64xf32, #tpu.memory_space<vmem>>
        %gather3A_1163 = tpu.memref_squeeze %gather3A_1162 : memref<1x1x128x64xf32, #tpu.memory_space<vmem>> -> memref<128x64xf32, #tpu.memory_space<vmem>>
        %gather3A_1164 = tpu.vector_load_idx %gather3A_1163[%add3A_26, %and3A_1110] : memref<128x64xf32, #tpu.memory_space<vmem>>[vector<16xi32>, vector<16xi32>], vector<16xf32>,
        %sub3A_1165 = arith.subf %gather3A_1111, %gather3A_1164 : vector<16xf32>
        %abs3A_1166 = math.absf %sub3A_1165 : vector<16xf32>
        %add3A_1167 = arith.addf %add3A_1031, %abs3A_1166 : vector<16xf32>
        %gather3A_1168 = arith.constant 0 : i32
        %gather3A_1169 = arith.constant 0 : i32
        %gather3A_1170 = tpu.memref_slice %arg17[%scan3A_674, %scan3A_675, %gather3A_1168, %gather3A_1169] : memref<4x2x128x64xf32, #tpu.memory_space<vmem>> -> memref<1x1x128x64xf32, #tpu.memory_space<vmem>>
        %gather3A_1171 = tpu.memref_squeeze %gather3A_1170 : memref<1x1x128x64xf32, #tpu.memory_space<vmem>> -> memref<128x64xf32, #tpu.memory_space<vmem>>
        %gather3A_1172 = tpu.vector_load_idx %gather3A_1171[%add3A_29, %and3A_1110] : memref<128x64xf32, #tpu.memory_space<vmem>>[vector<16xi32>, vector<16xi32>], vector<16xf32>,
        %sub3A_1173 = arith.subf %gather3A_1111, %gather3A_1172 : vector<16xf32>
        %abs3A_1174 = math.absf %sub3A_1173 : vector<16xf32>
        %add3A_1175 = arith.addf %add3A_1039, %abs3A_1174 : vector<16xf32>
        %gather3A_1176 = arith.constant 0 : i32
        %gather3A_1177 = arith.constant 0 : i32
        %gather3A_1178 = tpu.memref_slice %arg17[%scan3A_676, %scan3A_677, %gather3A_1176, %gather3A_1177] : memref<4x2x128x64xf32, #tpu.memory_space<vmem>> -> memref<1x1x128x64xf32, #tpu.memory_space<vmem>>
        %gather3A_1179 = tpu.memref_squeeze %gather3A_1178 : memref<1x1x128x64xf32, #tpu.memory_space<vmem>> -> memref<128x64xf32, #tpu.memory_space<vmem>>
        %gather3A_1180 = tpu.vector_load_idx %gather3A_1179[%add3A_8, %and3A_1110] : memref<128x64xf32, #tpu.memory_space<vmem>>[vector<16xi32>, vector<16xi32>], vector<16xf32>,
        %sub3A_1181 = arith.subf %gather3A_1111, %gather3A_1180 : vector<16xf32>
        %abs3A_1182 = math.absf %sub3A_1181 : vector<16xf32>
        %add3A_1183 = arith.addf %add3A_1047, %abs3A_1182 : vector<16xf32>
        %gather3A_1184 = arith.constant 0 : i32
        %gather3A_1185 = arith.constant 0 : i32
        %gather3A_1186 = tpu.memref_slice %arg17[%scan3A_676, %scan3A_677, %gather3A_1184, %gather3A_1185] : memref<4x2x128x64xf32, #tpu.memory_space<vmem>> -> memref<1x1x128x64xf32, #tpu.memory_space<vmem>>
        %gather3A_1187 = tpu.memref_squeeze %gather3A_1186 : memref<1x1x128x64xf32, #tpu.memory_space<vmem>> -> memref<128x64xf32, #tpu.memory_space<vmem>>
        %gather3A_1188 = tpu.vector_load_idx %gather3A_1187[%add3A_11, %and3A_1110] : memref<128x64xf32, #tpu.memory_space<vmem>>[vector<16xi32>, vector<16xi32>], vector<16xf32>,
        %sub3A_1189 = arith.subf %gather3A_1111, %gather3A_1188 : vector<16xf32>
        %abs3A_1190 = math.absf %sub3A_1189 : vector<16xf32>
        %add3A_1191 = arith.addf %add3A_1055, %abs3A_1190 : vector<16xf32>
        %gather3A_1192 = arith.constant 0 : i32
        %gather3A_1193 = arith.constant 0 : i32
        %gather3A_1194 = tpu.memref_slice %arg17[%scan3A_676, %scan3A_677, %gather3A_1192, %gather3A_1193] : memref<4x2x128x64xf32, #tpu.memory_space<vmem>> -> memref<1x1x128x64xf32, #tpu.memory_space<vmem>>
        %gather3A_1195 = tpu.memref_squeeze %gather3A_1194 : memref<1x1x128x64xf32, #tpu.memory_space<vmem>> -> memref<128x64xf32, #tpu.memory_space<vmem>>
        %gather3A_1196 = tpu.vector_load_idx %gather3A_1195[%add3A_14, %and3A_1110] : memref<128x64xf32, #tpu.memory_space<vmem>>[vector<16xi32>, vector<16xi32>], vector<16xf32>,
        %sub3A_1197 = arith.subf %gather3A_1111, %gather3A_1196 : vector<16xf32>
        %abs3A_1198 = math.absf %sub3A_1197 : vector<16xf32>
        %add3A_1199 = arith.addf %add3A_1063, %abs3A_1198 : vector<16xf32>
        %gather3A_1200 = arith.constant 0 : i32
        %gather3A_1201 = arith.constant 0 : i32
        %gather3A_1202 = tpu.memref_slice %arg17[%scan3A_676, %scan3A_677, %gather3A_1200, %gather3A_1201] : memref<4x2x128x64xf32, #tpu.memory_space<vmem>> -> memref<1x1x128x64xf32, #tpu.memory_space<vmem>>
        %gather3A_1203 = tpu.memref_squeeze %gather3A_1202 : memref<1x1x128x64xf32, #tpu.memory_space<vmem>> -> memref<128x64xf32, #tpu.memory_space<vmem>>
        %gather3A_1204 = tpu.vector_load_idx %gather3A_1203[%add3A_17, %and3A_1110] : memref<128x64xf32, #tpu.memory_space<vmem>>[vector<16xi32>, vector<16xi32>], vector<16xf32>,
        %sub3A_1205 = arith.subf %gather3A_1111, %gather3A_1204 : vector<16xf32>
        %abs3A_1206 = math.absf %sub3A_1205 : vector<16xf32>
        %add3A_1207 = arith.addf %add3A_1071, %abs3A_1206 : vector<16xf32>
        %gather3A_1208 = arith.constant 0 : i32
        %gather3A_1209 = arith.constant 0 : i32
        %gather3A_1210 = tpu.memref_slice %arg17[%scan3A_676, %scan3A_677, %gather3A_1208, %gather3A_1209] : memref<4x2x128x64xf32, #tpu.memory_space<vmem>> -> memref<1x1x128x64xf32, #tpu.memory_space<vmem>>
        %gather3A_1211 = tpu.memref_squeeze %gather3A_1210 : memref<1x1x128x64xf32, #tpu.memory_space<vmem>> -> memref<128x64xf32, #tpu.memory_space<vmem>>
        %gather3A_1212 = tpu.vector_load_idx %gather3A_1211[%add3A_20, %and3A_1110] : memref<128x64xf32, #tpu.memory_space<vmem>>[vector<16xi32>, vector<16xi32>], vector<16xf32>,
        %sub3A_1213 = arith.subf %gather3A_1111, %gather3A_1212 : vector<16xf32>
        %abs3A_1214 = math.absf %sub3A_1213 : vector<16xf32>
        %add3A_1215 = arith.addf %add3A_1079, %abs3A_1214 : vector<16xf32>
        %gather3A_1216 = arith.constant 0 : i32
        %gather3A_1217 = arith.constant 0 : i32
        %gather3A_1218 = tpu.memref_slice %arg17[%scan3A_676, %scan3A_677, %gather3A_1216, %gather3A_1217] : memref<4x2x128x64xf32, #tpu.memory_space<vmem>> -> memref<1x1x128x64xf32, #tpu.memory_space<vmem>>
        %gather3A_1219 = tpu.memref_squeeze %gather3A_1218 : memref<1x1x128x64xf32, #tpu.memory_space<vmem>> -> memref<128x64xf32, #tpu.memory_space<vmem>>
        %gather3A_1220 = tpu.vector_load_idx %gather3A_1219[%add3A_23, %and3A_1110] : memref<128x64xf32, #tpu.memory_space<vmem>>[vector<16xi32>, vector<16xi32>], vector<16xf32>,
        %sub3A_1221 = arith.subf %gather3A_1111, %gather3A_1220 : vector<16xf32>
        %abs3A_1222 = math.absf %sub3A_1221 : vector<16xf32>
        %add3A_1223 = arith.addf %add3A_1087, %abs3A_1222 : vector<16xf32>
        %gather3A_1224 = arith.constant 0 : i32
        %gather3A_1225 = arith.constant 0 : i32
        %gather3A_1226 = tpu.memref_slice %arg17[%scan3A_676, %scan3A_677, %gather3A_1224, %gather3A_1225] : memref<4x2x128x64xf32, #tpu.memory_space<vmem>> -> memref<1x1x128x64xf32, #tpu.memory_space<vmem>>
        %gather3A_1227 = tpu.memref_squeeze %gather3A_1226 : memref<1x1x128x64xf32, #tpu.memory_space<vmem>> -> memref<128x64xf32, #tpu.memory_space<vmem>>
        %gather3A_1228 = tpu.vector_load_idx %gather3A_1227[%add3A_26, %and3A_1110] : memref<128x64xf32, #tpu.memory_space<vmem>>[vector<16xi32>, vector<16xi32>], vector<16xf32>,
        %sub3A_1229 = arith.subf %gather3A_1111, %gather3A_1228 : vector<16xf32>
        %abs3A_1230 = math.absf %sub3A_1229 : vector<16xf32>
        %add3A_1231 = arith.addf %add3A_1095, %abs3A_1230 : vector<16xf32>
        %gather3A_1232 = arith.constant 0 : i32
        %gather3A_1233 = arith.constant 0 : i32
        %gather3A_1234 = tpu.memref_slice %arg17[%scan3A_676, %scan3A_677, %gather3A_1232, %gather3A_1233] : memref<4x2x128x64xf32, #tpu.memory_space<vmem>> -> memref<1x1x128x64xf32, #tpu.memory_space<vmem>>
        %gather3A_1235 = tpu.memref_squeeze %gather3A_1234 : memref<1x1x128x64xf32, #tpu.memory_space<vmem>> -> memref<128x64xf32, #tpu.memory_space<vmem>>
        %gather3A_1236 = tpu.vector_load_idx %gather3A_1235[%add3A_29, %and3A_1110] : memref<128x64xf32, #tpu.memory_space<vmem>>[vector<16xi32>, vector<16xi32>], vector<16xf32>,
        %sub3A_1237 = arith.subf %gather3A_1111, %gather3A_1236 : vector<16xf32>
        %abs3A_1238 = math.absf %sub3A_1237 : vector<16xf32>
        %add3A_1239 = arith.addf %add3A_1103, %abs3A_1238 : vector<16xf32>
        scf.yield %add3A_1119, %add3A_1127, %add3A_1135, %add3A_1143, %add3A_1151, %add3A_1159, %add3A_1167, %add3A_1175, %add3A_1183, %add3A_1191, %add3A_1199, %add3A_1207, %add3A_1215, %add3A_1223, %add3A_1231, %add3A_1239 : vector<16xf32>, vector<16xf32>, vector<16xf32>, vector<16xf32>, vector<16xf32>, vector<16xf32>, vector<16xf32>, vector<16xf32>, vector<16xf32>, vector<16xf32>, vector<16xf32>, vector<16xf32>, vector<16xf32>, vector<16xf32>, vector<16xf32>, vector<16xf32>
      }
      %scan3A_683 = arith.constant 64 : i32
      %sub3A_684 = arith.constant 1.200000e+01 : f32
      %sub3A_685 = vector.broadcast %sub3A_684 : f32 to vector<16xf32>
      %sub3A_686 = arith.subf %sub3A_685, %scan3A_682#0 : vector<16xf32>
      %swap3A_687 = arith.index_cast %select_n3A_648 : i32 to index
      %swap3A_688 = arith.constant 1 : index
      %swap3A_689 = tpu.vector_load %arg18[%swap3A_687, %swap3A_688] {strides = array<i32>} : memref<32x257xf32, #tpu.memory_space<vmem>>, vector<16xf32>,
      tpu.vector_store %arg18[%swap3A_687, %swap3A_688], %sub3A_686 {strides = array<i32>} : memref<32x257xf32, #tpu.memory_space<vmem>>, vector<16xf32>,
      %sub3A_690 = arith.constant 1.200000e+01 : f32
      %sub3A_691 = vector.broadcast %sub3A_690 : f32 to vector<16xf32>
      %sub3A_692 = arith.subf %sub3A_691, %scan3A_682#1 : vector<16xf32>
      %swap3A_693 = arith.index_cast %select_n3A_648 : i32 to index
      %swap3A_694 = arith.constant 17 : index
      %swap3A_695 = tpu.vector_load %arg18[%swap3A_693, %swap3A_694] {strides = array<i32>} : memref<32x257xf32, #tpu.memory_space<vmem>>, vector<16xf32>,
      tpu.vector_store %arg18[%swap3A_693, %swap3A_694], %sub3A_692 {strides = array<i32>} : memref<32x257xf32, #tpu.memory_space<vmem>>, vector<16xf32>,
      %sub3A_696 = arith.constant 1.200000e+01 : f32
      %sub3A_697 = vector.broadcast %sub3A_696 : f32 to vector<16xf32>
      %sub3A_698 = arith.subf %sub3A_697, %scan3A_682#2 : vector<16xf32>
      %swap3A_699 = arith.index_cast %select_n3A_648 : i32 to index
      %swap3A_700 = arith.constant 33 : index
      %swap3A_701 = tpu.vector_load %arg18[%swap3A_699, %swap3A_700] {strides = array<i32>} : memref<32x257xf32, #tpu.memory_space<vmem>>, vector<16xf32>,
      tpu.vector_store %arg18[%swap3A_699, %swap3A_700], %sub3A_698 {strides = array<i32>} : memref<32x257xf32, #tpu.memory_space<vmem>>, vector<16xf32>,
      %sub3A_702 = arith.constant 1.200000e+01 : f32
      %sub3A_703 = vector.broadcast %sub3A_702 : f32 to vector<16xf32>
      %sub3A_704 = arith.subf %sub3A_703, %scan3A_682#3 : vector<16xf32>
      %swap3A_705 = arith.index_cast %select_n3A_648 : i32 to index
      %swap3A_706 = arith.constant 49 : index
      %swap3A_707 = tpu.vector_load %arg18[%swap3A_705, %swap3A_706] {strides = array<i32>} : memref<32x257xf32, #tpu.memory_space<vmem>>, vector<16xf32>,
      tpu.vector_store %arg18[%swap3A_705, %swap3A_706], %sub3A_704 {strides = array<i32>} : memref<32x257xf32, #tpu.memory_space<vmem>>, vector<16xf32>,
      %sub3A_708 = arith.constant 1.200000e+01 : f32
      %sub3A_709 = vector.broadcast %sub3A_708 : f32 to vector<16xf32>
      %sub3A_710 = arith.subf %sub3A_709, %scan3A_682#4 : vector<16xf32>
      %swap3A_711 = arith.index_cast %select_n3A_648 : i32 to index
      %swap3A_712 = arith.constant 65 : index
      %swap3A_713 = tpu.vector_load %arg18[%swap3A_711, %swap3A_712] {strides = array<i32>} : memref<32x257xf32, #tpu.memory_space<vmem>>, vector<16xf32>,
      tpu.vector_store %arg18[%swap3A_711, %swap3A_712], %sub3A_710 {strides = array<i32>} : memref<32x257xf32, #tpu.memory_space<vmem>>, vector<16xf32>,
      %sub3A_714 = arith.constant 1.200000e+01 : f32
      %sub3A_715 = vector.broadcast %sub3A_714 : f32 to vector<16xf32>
      %sub3A_716 = arith.subf %sub3A_715, %scan3A_682#5 : vector<16xf32>
      %swap3A_717 = arith.index_cast %select_n3A_648 : i32 to index
      %swap3A_718 = arith.constant 81 : index
      %swap3A_719 = tpu.vector_load %arg18[%swap3A_717, %swap3A_718] {strides = array<i32>} : memref<32x257xf32, #tpu.memory_space<vmem>>, vector<16xf32>,
      tpu.vector_store %arg18[%swap3A_717, %swap3A_718], %sub3A_716 {strides = array<i32>} : memref<32x257xf32, #tpu.memory_space<vmem>>, vector<16xf32>,
      %sub3A_720 = arith.constant 1.200000e+01 : f32
      %sub3A_721 = vector.broadcast %sub3A_720 : f32 to vector<16xf32>
      %sub3A_722 = arith.subf %sub3A_721, %scan3A_682#6 : vector<16xf32>
      %swap3A_723 = arith.index_cast %select_n3A_648 : i32 to index
      %swap3A_724 = arith.constant 97 : index
      %swap3A_725 = tpu.vector_load %arg18[%swap3A_723, %swap3A_724] {strides = array<i32>} : memref<32x257xf32, #tpu.memory_space<vmem>>, vector<16xf32>,
      tpu.vector_store %arg18[%swap3A_723, %swap3A_724], %sub3A_722 {strides = array<i32>} : memref<32x257xf32, #tpu.memory_space<vmem>>, vector<16xf32>,
      %sub3A_726 = arith.constant 1.200000e+01 : f32
      %sub3A_727 = vector.broadcast %sub3A_726 : f32 to vector<16xf32>
      %sub3A_728 = arith.subf %sub3A_727, %scan3A_682#7 : vector<16xf32>
      %swap3A_729 = arith.index_cast %select_n3A_648 : i32 to index
      %swap3A_730 = arith.constant 113 : index
      %swap3A_731 = tpu.vector_load %arg18[%swap3A_729, %swap3A_730] {strides = array<i32>} : memref<32x257xf32, #tpu.memory_space<vmem>>, vector<16xf32>,
      tpu.vector_store %arg18[%swap3A_729, %swap3A_730], %sub3A_728 {strides = array<i32>} : memref<32x257xf32, #tpu.memory_space<vmem>>, vector<16xf32>,
      %sub3A_732 = arith.constant 1.200000e+01 : f32
      %sub3A_733 = vector.broadcast %sub3A_732 : f32 to vector<16xf32>
      %sub3A_734 = arith.subf %sub3A_733, %scan3A_682#8 : vector<16xf32>
      %swap3A_735 = arith.index_cast %select_n3A_648 : i32 to index
      %swap3A_736 = arith.constant 129 : index
      %swap3A_737 = tpu.vector_load %arg18[%swap3A_735, %swap3A_736] {strides = array<i32>} : memref<32x257xf32, #tpu.memory_space<vmem>>, vector<16xf32>,
      tpu.vector_store %arg18[%swap3A_735, %swap3A_736], %sub3A_734 {strides = array<i32>} : memref<32x257xf32, #tpu.memory_space<vmem>>, vector<16xf32>,
      %sub3A_738 = arith.constant 1.200000e+01 : f32
      %sub3A_739 = vector.broadcast %sub3A_738 : f32 to vector<16xf32>
      %sub3A_740 = arith.subf %sub3A_739, %scan3A_682#9 : vector<16xf32>
      %swap3A_741 = arith.index_cast %select_n3A_648 : i32 to index
      %swap3A_742 = arith.constant 145 : index
      %swap3A_743 = tpu.vector_load %arg18[%swap3A_741, %swap3A_742] {strides = array<i32>} : memref<32x257xf32, #tpu.memory_space<vmem>>, vector<16xf32>,
      tpu.vector_store %arg18[%swap3A_741, %swap3A_742], %sub3A_740 {strides = array<i32>} : memref<32x257xf32, #tpu.memory_space<vmem>>, vector<16xf32>,
      %sub3A_744 = arith.constant 1.200000e+01 : f32
      %sub3A_745 = vector.broadcast %sub3A_744 : f32 to vector<16xf32>
      %sub3A_746 = arith.subf %sub3A_745, %scan3A_682#10 : vector<16xf32>
      %swap3A_747 = arith.index_cast %select_n3A_648 : i32 to index
      %swap3A_748 = arith.constant 161 : index
      %swap3A_749 = tpu.vector_load %arg18[%swap3A_747, %swap3A_748] {strides = array<i32>} : memref<32x257xf32, #tpu.memory_space<vmem>>, vector<16xf32>,
      tpu.vector_store %arg18[%swap3A_747, %swap3A_748], %sub3A_746 {strides = array<i32>} : memref<32x257xf32, #tpu.memory_space<vmem>>, vector<16xf32>,
      %sub3A_750 = arith.constant 1.200000e+01 : f32
      %sub3A_751 = vector.broadcast %sub3A_750 : f32 to vector<16xf32>
      %sub3A_752 = arith.subf %sub3A_751, %scan3A_682#11 : vector<16xf32>
      %swap3A_753 = arith.index_cast %select_n3A_648 : i32 to index
      %swap3A_754 = arith.constant 177 : index
      %swap3A_755 = tpu.vector_load %arg18[%swap3A_753, %swap3A_754] {strides = array<i32>} : memref<32x257xf32, #tpu.memory_space<vmem>>, vector<16xf32>,
      tpu.vector_store %arg18[%swap3A_753, %swap3A_754], %sub3A_752 {strides = array<i32>} : memref<32x257xf32, #tpu.memory_space<vmem>>, vector<16xf32>,
      %sub3A_756 = arith.constant 1.200000e+01 : f32
      %sub3A_757 = vector.broadcast %sub3A_756 : f32 to vector<16xf32>
      %sub3A_758 = arith.subf %sub3A_757, %scan3A_682#12 : vector<16xf32>
      %swap3A_759 = arith.index_cast %select_n3A_648 : i32 to index
      %swap3A_760 = arith.constant 193 : index
      %swap3A_761 = tpu.vector_load %arg18[%swap3A_759, %swap3A_760] {strides = array<i32>} : memref<32x257xf32, #tpu.memory_space<vmem>>, vector<16xf32>,
      tpu.vector_store %arg18[%swap3A_759, %swap3A_760], %sub3A_758 {strides = array<i32>} : memref<32x257xf32, #tpu.memory_space<vmem>>, vector<16xf32>,
      %sub3A_762 = arith.constant 1.200000e+01 : f32
      %sub3A_763 = vector.broadcast %sub3A_762 : f32 to vector<16xf32>
      %sub3A_764 = arith.subf %sub3A_763, %scan3A_682#13 : vector<16xf32>
      %swap3A_765 = arith.index_cast %select_n3A_648 : i32 to index
      %swap3A_766 = arith.constant 209 : index
      %swap3A_767 = tpu.vector_load %arg18[%swap3A_765, %swap3A_766] {strides = array<i32>} : memref<32x257xf32, #tpu.memory_space<vmem>>, vector<16xf32>,
      tpu.vector_store %arg18[%swap3A_765, %swap3A_766], %sub3A_764 {strides = array<i32>} : memref<32x257xf32, #tpu.memory_space<vmem>>, vector<16xf32>,
      %sub3A_768 = arith.constant 1.200000e+01 : f32
      %sub3A_769 = vector.broadcast %sub3A_768 : f32 to vector<16xf32>
      %sub3A_770 = arith.subf %sub3A_769, %scan3A_682#14 : vector<16xf32>
      %swap3A_771 = arith.index_cast %select_n3A_648 : i32 to index
      %swap3A_772 = arith.constant 225 : index
      %swap3A_773 = tpu.vector_load %arg18[%swap3A_771, %swap3A_772] {strides = array<i32>} : memref<32x257xf32, #tpu.memory_space<vmem>>, vector<16xf32>,
      tpu.vector_store %arg18[%swap3A_771, %swap3A_772], %sub3A_770 {strides = array<i32>} : memref<32x257xf32, #tpu.memory_space<vmem>>, vector<16xf32>,
      %sub3A_774 = arith.constant 1.200000e+01 : f32
      %sub3A_775 = vector.broadcast %sub3A_774 : f32 to vector<16xf32>
      %sub3A_776 = arith.subf %sub3A_775, %scan3A_682#15 : vector<16xf32>
      %swap3A_777 = arith.index_cast %select_n3A_648 : i32 to index
      %swap3A_778 = arith.constant 241 : index
      %swap3A_779 = tpu.vector_load %arg18[%swap3A_777, %swap3A_778] {strides = array<i32>} : memref<32x257xf32, #tpu.memory_space<vmem>>, vector<16xf32>,
      tpu.vector_store %arg18[%swap3A_777, %swap3A_778], %sub3A_776 {strides = array<i32>} : memref<32x257xf32, #tpu.memory_space<vmem>>, vector<16xf32>,
      %add3A_780 = arith.constant 4 : i32
      %add3A_781 = arith.addi %add3A_632, %add3A_780 : i32
      %lt3A_782 = arith.constant 128 : i32
      %lt3A_783 = arith.cmpi slt, %add3A_781, %lt3A_782 : i32
      %convert_element_type3A_784 = arith.extui %lt3A_783 : i1 to i32
      %cond3A_785 = arith.constant 0 : i32
      %cond3A_786 = arith.cmpi ne, %convert_element_type3A_784, %cond3A_785 : i32
      scf.if %cond3A_786 {
        %add3A_955 = arith.constant 4 : i32
        %add3A_956 = arith.addi %add3A_632, %add3A_955 : i32
        %dma_start3A_957 = arith.constant 2 : i32
        %dma_start3A_958 = arith.constant 0 : i32
        %dma_start3A_959 = arith.constant 0 : i32
        %dma_start3A_960 = arith.constant 0 : i32
        %dma_start3A_961 = tpu.memref_slice %arg17[%dma_start3A_957, %dma_start3A_958, %dma_start3A_959, %dma_start3A_960] : memref<4x2x128x64xf32, #tpu.memory_space<vmem>> -> memref<1x1x128x64xf32, #tpu.memory_space<vmem>>
        %dma_start3A_962 = tpu.memref_squeeze %dma_start3A_961 : memref<1x1x128x64xf32, #tpu.memory_space<vmem>> -> memref<128x64xf32, #tpu.memory_space<vmem>>
        %dma_start3A_963 = arith.constant 0 : i32
        %dma_start3A_964 = tpu.memref_slice %arg13[%add3A_956, %dma_start3A_963] : memref<128x128xi32, #tpu.memory_space<vmem>> -> memref<1x128xi32, #tpu.memory_space<vmem>>
        %dma_start3A_965 = tpu.memref_squeeze %dma_start3A_964 : memref<1x128xi32, #tpu.memory_space<vmem>> -> memref<128xi32, #tpu.memory_space<vmem>>
        %dma_start3A_966 = arith.constant 0 : i32
        %dma_start3A_967 = arith.constant 0 : i32
        %dma_start3A_968 = tpu.memref_slice %arg2[%dma_start3A_966, %dma_start3A_967] : memref<100000x64xf32, #tpu.memory_space<hbm>> -> memref<100000x64xf32, #tpu.memory_space<hbm>>
        tpu.enqueue_indirect_dma source(%dma_start3A_968 : memref<100000x64xf32, #tpu.memory_space<hbm>>) target(%dma_start3A_962 : memref<128x64xf32, #tpu.memory_space<vmem>>) offsets(%dma_start3A_965 : memref<128xi32, #tpu.memory_space<vmem>>) semaphore(%arg24 : memref<!tpu.dma_semaphore, #tpu.memory_space<semaphore_mem>>)
        %dma_start3A_969 = arith.constant 2 : i32
        %dma_start3A_970 = arith.constant 1 : i32
        %dma_start3A_971 = arith.constant 0 : i32
        %dma_start3A_972 = arith.constant 0 : i32
        %dma_start3A_973 = tpu.memref_slice %arg17[%dma_start3A_969, %dma_start3A_970, %dma_start3A_971, %dma_start3A_972] : memref<4x2x128x64xf32, #tpu.memory_space<vmem>> -> memref<1x1x128x64xf32, #tpu.memory_space<vmem>>
        %dma_start3A_974 = tpu.memref_squeeze %dma_start3A_973 : memref<1x1x128x64xf32, #tpu.memory_space<vmem>> -> memref<128x64xf32, #tpu.memory_space<vmem>>
        %dma_start3A_975 = arith.constant 0 : i32
        %dma_start3A_976 = tpu.memref_slice %arg14[%add3A_956, %dma_start3A_975] : memref<128x128xi32, #tpu.memory_space<vmem>> -> memref<1x128xi32, #tpu.memory_space<vmem>>
        %dma_start3A_977 = tpu.memref_squeeze %dma_start3A_976 : memref<1x128xi32, #tpu.memory_space<vmem>> -> memref<128xi32, #tpu.memory_space<vmem>>
        %dma_start3A_978 = arith.constant 0 : i32
        %dma_start3A_979 = arith.constant 0 : i32
        %dma_start3A_980 = tpu.memref_slice %arg2[%dma_start3A_978, %dma_start3A_979] : memref<100000x64xf32, #tpu.memory_space<hbm>> -> memref<100000x64xf32, #tpu.memory_space<hbm>>
        tpu.enqueue_indirect_dma source(%dma_start3A_980 : memref<100000x64xf32, #tpu.memory_space<hbm>>) target(%dma_start3A_974 : memref<128x64xf32, #tpu.memory_space<vmem>>) offsets(%dma_start3A_977 : memref<128xi32, #tpu.memory_space<vmem>>) semaphore(%arg24 : memref<!tpu.dma_semaphore, #tpu.memory_space<semaphore_mem>>)
      } else {
      }
      %eq3A_787 = arith.constant 31 : i32
      %eq3A_788 = arith.cmpi eq, %select_n3A_648, %eq3A_787 : i32
      %convert_element_type3A_789 = arith.extui %eq3A_788 : i1 to i32
      %cond3A_790 = arith.constant 0 : i32
      %cond3A_791 = arith.cmpi ne, %convert_element_type3A_789, %cond3A_790 : i32
      scf.if %cond3A_791 {
        %sub3A_955 = arith.constant 31 : i32
        %sub3A_956 = arith.subi %add3A_632, %sub3A_955 : i32
        %add3A_957 = arith.constant 0 : i32
        %add3A_958 = arith.addi %sub3A_956, %add3A_957 : i32
        %get3A = arith.index_cast %add3A_958 : i32 to index
        %get3A_959 = tpu.vector_load %arg16[%get3A] {strides = array<i32>} : memref<128xf32, #tpu.memory_space<vmem>>, vector<16xf32>,
        %add3A_960 = arith.constant 0 : i32
        %add3A_961 = vector.broadcast %add3A_960 : i32 to vector<16xi32>
        %add3A_962 = arith.addi %add3A_961, %iota3A : vector<16xi32>
        tpu.vector_store_idx %arg18[%add3A_962, %broadcast_in_dim3A_3], %get3A_959 : memref<32x257xf32, #tpu.memory_space<vmem>>[vector<16xi32>, vector<16xi32>], vector<16xf32>,
        %add3A_963 = arith.constant 16 : i32
        %add3A_964 = arith.addi %sub3A_956, %add3A_963 : i32
        %get3A_965 = arith.index_cast %add3A_964 : i32 to index
        %get3A_966 = tpu.vector_load %arg16[%get3A_965] {strides = array<i32>} : memref<128xf32, #tpu.memory_space<vmem>>, vector<16xf32>,
        %add3A_967 = arith.constant 16 : i32
        %add3A_968 = vector.broadcast %add3A_967 : i32 to vector<16xi32>
        %add3A_969 = arith.addi %add3A_968, %iota3A : vector<16xi32>
        tpu.vector_store_idx %arg18[%add3A_969, %broadcast_in_dim3A_3], %get3A_966 : memref<32x257xf32, #tpu.memory_space<vmem>>[vector<16xi32>, vector<16xi32>], vector<16xf32>,
        %add3A_970 = arith.addi %mul3A_2, %sub3A_956 : i32
        "tpu.region"() ({
          %run_scoped3A = tpu.sem_alloc : memref<!tpu.dma_semaphore, #tpu.memory_space<semaphore_mem>>
          %dma_start3A_971 = arith.constant 0 : i32
          %dma_start3A_972 = tpu.memref_slice %arg9[%add3A_970, %dma_start3A_971] : memref<4096x257xf32, #tpu.memory_space<hbm>> -> memref<32x257xf32, #tpu.memory_space<hbm>>
          %dma_start3A_973 = arith.constant 0 : i32
          %dma_start3A_974 = tpu.memref_slice %arg9[%add3A_970, %dma_start3A_973] : memref<4096x257xf32, #tpu.memory_space<hbm>> -> memref<32x257xf32, #tpu.memory_space<hbm>>
          tpu.enqueue_dma source(%arg18 : memref<32x257xf32, #tpu.memory_space<vmem>>) target(%dma_start3A_974 : memref<32x257xf32, #tpu.memory_space<hbm>>) target_semaphore(%run_scoped3A : memref<!tpu.dma_semaphore, #tpu.memory_space<semaphore_mem>>)
          %dma_wait3A_975 = arith.constant 0 : i32
          %dma_wait3A_976 = tpu.memref_slice %arg9[%add3A_970, %dma_wait3A_975] : memref<4096x257xf32, #tpu.memory_space<hbm>> -> memref<32x257xf32, #tpu.memory_space<hbm>>
          %dma_wait3A_977 = arith.constant 0 : i32
          %dma_wait3A_978 = tpu.memref_slice %arg9[%add3A_970, %dma_wait3A_977] : memref<4096x257xf32, #tpu.memory_space<hbm>> -> memref<32x257xf32, #tpu.memory_space<hbm>>
          tpu.wait_dma2 semaphore(%run_scoped3A : memref<!tpu.dma_semaphore, #tpu.memory_space<semaphore_mem>>) src(%arg18 : memref<32x257xf32, #tpu.memory_space<vmem>>) dst(%dma_wait3A_978 : memref<32x257xf32, #tpu.memory_space<hbm>>)
          tpu.yield
        }) : () -> ()
      } else {
      }
      %mul3A_792 = arith.constant 4 : i32
      %mul3A_793 = arith.muli %mul3A_792, %scan3A_311 : i32
      %add3A_794 = arith.constant 3 : i32
      %add3A_795 = arith.addi %mul3A_793, %add3A_794 : i32
      %jit3A_796 = arith.constant 32 : i32
      %eq3A_797 = arith.constant 0 : i32
      %eq3A_798 = arith.cmpi eq, %jit3A_796, %eq3A_797 : i32
      %jit3A_799 = arith.constant 1 : i32
      %select_n3A_800 = arith.select %eq3A_798, %jit3A_799, %jit3A_796 : i32
      %rem3A_801 = arith.remsi %add3A_795, %select_n3A_800 : i32
      %ne3A_802 = arith.constant 0 : i32
      %ne3A_803 = arith.cmpi ne, %rem3A_801, %ne3A_802 : i32
      %lt3A_804 = arith.constant 0 : i32
      %lt3A_805 = arith.cmpi slt, %rem3A_801, %lt3A_804 : i32
      %lt3A_806 = arith.constant 0 : i32
      %lt3A_807 = arith.cmpi slt, %select_n3A_800, %lt3A_806 : i32
      %ne3A_808 = arith.xori %lt3A_805, %lt3A_807 : i1
      %and3A_809 = arith.andi %ne3A_808, %ne3A_803 : i1
      %add3A_810 = arith.addi %rem3A_801, %select_n3A_800 : i32
      %select_n3A_811 = arith.select %and3A_809, %add3A_810, %rem3A_801 : i32
      %dma_wait3A_812 = arith.constant 3 : i32
      %dma_wait3A_813 = arith.constant 0 : i32
      %dma_wait3A_814 = arith.constant 0 : i32
      %dma_wait3A_815 = arith.constant 0 : i32
      %dma_wait3A_816 = tpu.memref_slice %arg17[%dma_wait3A_812, %dma_wait3A_813, %dma_wait3A_814, %dma_wait3A_815] : memref<4x2x128x64xf32, #tpu.memory_space<vmem>> -> memref<1x1x128x64xf32, #tpu.memory_space<vmem>>
      %dma_wait3A_817 = tpu.memref_squeeze %dma_wait3A_816 : memref<1x1x128x64xf32, #tpu.memory_space<vmem>> -> memref<128x64xf32, #tpu.memory_space<vmem>>
      %dma_wait3A_818 = arith.constant 0 : i32
      %dma_wait3A_819 = tpu.memref_slice %arg13[%add3A_795, %dma_wait3A_818] : memref<128x128xi32, #tpu.memory_space<vmem>> -> memref<1x128xi32, #tpu.memory_space<vmem>>
      %dma_wait3A_820 = tpu.memref_squeeze %dma_wait3A_819 : memref<1x128xi32, #tpu.memory_space<vmem>> -> memref<128xi32, #tpu.memory_space<vmem>>
      %dma_wait3A_821 = arith.constant 0 : i32
      %dma_wait3A_822 = arith.constant 0 : i32
      %dma_wait3A_823 = tpu.memref_slice %arg2[%dma_wait3A_821, %dma_wait3A_822] : memref<100000x64xf32, #tpu.memory_space<hbm>> -> memref<100000x64xf32, #tpu.memory_space<hbm>>
      tpu.wait_indirect_dma semaphore(%arg25 : memref<!tpu.dma_semaphore, #tpu.memory_space<semaphore_mem>>) src(%dma_wait3A_823 : memref<100000x64xf32, #tpu.memory_space<hbm>>) dst(%dma_wait3A_817 : memref<128x64xf32, #tpu.memory_space<vmem>>)
      %dma_wait3A_824 = arith.constant 3 : i32
      %dma_wait3A_825 = arith.constant 1 : i32
      %dma_wait3A_826 = arith.constant 0 : i32
      %dma_wait3A_827 = arith.constant 0 : i32
      %dma_wait3A_828 = tpu.memref_slice %arg17[%dma_wait3A_824, %dma_wait3A_825, %dma_wait3A_826, %dma_wait3A_827] : memref<4x2x128x64xf32, #tpu.memory_space<vmem>> -> memref<1x1x128x64xf32, #tpu.memory_space<vmem>>
      %dma_wait3A_829 = tpu.memref_squeeze %dma_wait3A_828 : memref<1x1x128x64xf32, #tpu.memory_space<vmem>> -> memref<128x64xf32, #tpu.memory_space<vmem>>
      %dma_wait3A_830 = arith.constant 0 : i32
      %dma_wait3A_831 = tpu.memref_slice %arg14[%add3A_795, %dma_wait3A_830] : memref<128x128xi32, #tpu.memory_space<vmem>> -> memref<1x128xi32, #tpu.memory_space<vmem>>
      %dma_wait3A_832 = tpu.memref_squeeze %dma_wait3A_831 : memref<1x128xi32, #tpu.memory_space<vmem>> -> memref<128xi32, #tpu.memory_space<vmem>>
      %dma_wait3A_833 = arith.constant 0 : i32
      %dma_wait3A_834 = arith.constant 0 : i32
      %dma_wait3A_835 = tpu.memref_slice %arg2[%dma_wait3A_833, %dma_wait3A_834] : memref<100000x64xf32, #tpu.memory_space<hbm>> -> memref<100000x64xf32, #tpu.memory_space<hbm>>
      tpu.wait_indirect_dma semaphore(%arg25 : memref<!tpu.dma_semaphore, #tpu.memory_space<semaphore_mem>>) src(%dma_wait3A_835 : memref<100000x64xf32, #tpu.memory_space<hbm>>) dst(%dma_wait3A_829 : memref<128x64xf32, #tpu.memory_space<vmem>>)
      %broadcast_in_dim3A_836 = vector.broadcast %add3A_795 : i32 to vector<16xi32>
      %scan3A_837 = arith.constant 3 : i32
      %scan3A_838 = arith.constant 0 : i32
      %scan3A_839 = arith.constant 3 : i32
      %scan3A_840 = arith.constant 1 : i32
      %scan3A_841 = arith.constant 0 : i32
      %scan3A_842 = arith.constant 64 : i32
      %scan3A_843 = arith.addi %scan3A_841, %scan3A_842 : i32
      %scan3A_844 = arith.constant 2 : i32
      %scan3A_845:16 = scf.for %scan3A_955 = %scan3A_841 to %scan3A_843 step %scan3A_844 iter_args(%scan3A_956 = %broadcast_in_dim3A_5, %scan3A_957 = %broadcast_in_dim3A_5, %scan3A_958 = %broadcast_in_dim3A_5, %scan3A_959 = %broadcast_in_dim3A_5, %scan3A_960 = %broadcast_in_dim3A_5, %scan3A_961 = %broadcast_in_dim3A_5, %scan3A_962 = %broadcast_in_dim3A_5, %scan3A_963 = %broadcast_in_dim3A_5, %scan3A_964 = %broadcast_in_dim3A_5, %scan3A_965 = %broadcast_in_dim3A_5, %scan3A_966 = %broadcast_in_dim3A_5, %scan3A_967 = %broadcast_in_dim3A_5, %scan3A_968 = %broadcast_in_dim3A_5, %scan3A_969 = %broadcast_in_dim3A_5, %scan3A_970 = %broadcast_in_dim3A_5, %scan3A_971 = %broadcast_in_dim3A_5) -> (vector<16xf32>, vector<16xf32>, vector<16xf32>, vector<16xf32>, vector<16xf32>, vector<16xf32>, vector<16xf32>, vector<16xf32>, vector<16xf32>, vector<16xf32>, vector<16xf32>, vector<16xf32>, vector<16xf32>, vector<16xf32>, vector<16xf32>, vector<16xf32>)  : i32 {
        %broadcast_in_dim3A_972 = vector.broadcast %scan3A_955 : i32 to vector<16xi32>
        %add3A_973 = arith.addi %broadcast_in_dim3A_972, %iota3A : vector<16xi32>
        %and3A_974 = arith.constant 63 : i32
        %and3A_975 = vector.broadcast %and3A_974 : i32 to vector<16xi32>
        %and3A_976 = arith.andi %add3A_973, %and3A_975 : vector<16xi32>
        %gather3A = tpu.vector_load_idx %arg15[%broadcast_in_dim3A_836, %and3A_976] : memref<128x64xf32, #tpu.memory_space<vmem>>[vector<16xi32>, vector<16xi32>], vector<16xf32>,
        %gather3A_977 = arith.constant 0 : i32
        %gather3A_978 = arith.constant 0 : i32
        %gather3A_979 = tpu.memref_slice %arg17[%scan3A_837, %scan3A_838, %gather3A_977, %gather3A_978] : memref<4x2x128x64xf32, #tpu.memory_space<vmem>> -> memref<1x1x128x64xf32, #tpu.memory_space<vmem>>
        %gather3A_980 = tpu.memref_squeeze %gather3A_979 : memref<1x1x128x64xf32, #tpu.memory_space<vmem>> -> memref<128x64xf32, #tpu.memory_space<vmem>>
        %gather3A_981 = tpu.vector_load_idx %gather3A_980[%add3A_8, %and3A_976] : memref<128x64xf32, #tpu.memory_space<vmem>>[vector<16xi32>, vector<16xi32>], vector<16xf32>,
        %sub3A_982 = arith.subf %gather3A, %gather3A_981 : vector<16xf32>
        %abs3A = math.absf %sub3A_982 : vector<16xf32>
        %add3A_983 = arith.addf %scan3A_956, %abs3A : vector<16xf32>
        %gather3A_984 = arith.constant 0 : i32
        %gather3A_985 = arith.constant 0 : i32
        %gather3A_986 = tpu.memref_slice %arg17[%scan3A_837, %scan3A_838, %gather3A_984, %gather3A_985] : memref<4x2x128x64xf32, #tpu.memory_space<vmem>> -> memref<1x1x128x64xf32, #tpu.memory_space<vmem>>
        %gather3A_987 = tpu.memref_squeeze %gather3A_986 : memref<1x1x128x64xf32, #tpu.memory_space<vmem>> -> memref<128x64xf32, #tpu.memory_space<vmem>>
        %gather3A_988 = tpu.vector_load_idx %gather3A_987[%add3A_11, %and3A_976] : memref<128x64xf32, #tpu.memory_space<vmem>>[vector<16xi32>, vector<16xi32>], vector<16xf32>,
        %sub3A_989 = arith.subf %gather3A, %gather3A_988 : vector<16xf32>
        %abs3A_990 = math.absf %sub3A_989 : vector<16xf32>
        %add3A_991 = arith.addf %scan3A_957, %abs3A_990 : vector<16xf32>
        %gather3A_992 = arith.constant 0 : i32
        %gather3A_993 = arith.constant 0 : i32
        %gather3A_994 = tpu.memref_slice %arg17[%scan3A_837, %scan3A_838, %gather3A_992, %gather3A_993] : memref<4x2x128x64xf32, #tpu.memory_space<vmem>> -> memref<1x1x128x64xf32, #tpu.memory_space<vmem>>
        %gather3A_995 = tpu.memref_squeeze %gather3A_994 : memref<1x1x128x64xf32, #tpu.memory_space<vmem>> -> memref<128x64xf32, #tpu.memory_space<vmem>>
        %gather3A_996 = tpu.vector_load_idx %gather3A_995[%add3A_14, %and3A_976] : memref<128x64xf32, #tpu.memory_space<vmem>>[vector<16xi32>, vector<16xi32>], vector<16xf32>,
        %sub3A_997 = arith.subf %gather3A, %gather3A_996 : vector<16xf32>
        %abs3A_998 = math.absf %sub3A_997 : vector<16xf32>
        %add3A_999 = arith.addf %scan3A_958, %abs3A_998 : vector<16xf32>
        %gather3A_1000 = arith.constant 0 : i32
        %gather3A_1001 = arith.constant 0 : i32
        %gather3A_1002 = tpu.memref_slice %arg17[%scan3A_837, %scan3A_838, %gather3A_1000, %gather3A_1001] : memref<4x2x128x64xf32, #tpu.memory_space<vmem>> -> memref<1x1x128x64xf32, #tpu.memory_space<vmem>>
        %gather3A_1003 = tpu.memref_squeeze %gather3A_1002 : memref<1x1x128x64xf32, #tpu.memory_space<vmem>> -> memref<128x64xf32, #tpu.memory_space<vmem>>
        %gather3A_1004 = tpu.vector_load_idx %gather3A_1003[%add3A_17, %and3A_976] : memref<128x64xf32, #tpu.memory_space<vmem>>[vector<16xi32>, vector<16xi32>], vector<16xf32>,
        %sub3A_1005 = arith.subf %gather3A, %gather3A_1004 : vector<16xf32>
        %abs3A_1006 = math.absf %sub3A_1005 : vector<16xf32>
        %add3A_1007 = arith.addf %scan3A_959, %abs3A_1006 : vector<16xf32>
        %gather3A_1008 = arith.constant 0 : i32
        %gather3A_1009 = arith.constant 0 : i32
        %gather3A_1010 = tpu.memref_slice %arg17[%scan3A_837, %scan3A_838, %gather3A_1008, %gather3A_1009] : memref<4x2x128x64xf32, #tpu.memory_space<vmem>> -> memref<1x1x128x64xf32, #tpu.memory_space<vmem>>
        %gather3A_1011 = tpu.memref_squeeze %gather3A_1010 : memref<1x1x128x64xf32, #tpu.memory_space<vmem>> -> memref<128x64xf32, #tpu.memory_space<vmem>>
        %gather3A_1012 = tpu.vector_load_idx %gather3A_1011[%add3A_20, %and3A_976] : memref<128x64xf32, #tpu.memory_space<vmem>>[vector<16xi32>, vector<16xi32>], vector<16xf32>,
        %sub3A_1013 = arith.subf %gather3A, %gather3A_1012 : vector<16xf32>
        %abs3A_1014 = math.absf %sub3A_1013 : vector<16xf32>
        %add3A_1015 = arith.addf %scan3A_960, %abs3A_1014 : vector<16xf32>
        %gather3A_1016 = arith.constant 0 : i32
        %gather3A_1017 = arith.constant 0 : i32
        %gather3A_1018 = tpu.memref_slice %arg17[%scan3A_837, %scan3A_838, %gather3A_1016, %gather3A_1017] : memref<4x2x128x64xf32, #tpu.memory_space<vmem>> -> memref<1x1x128x64xf32, #tpu.memory_space<vmem>>
        %gather3A_1019 = tpu.memref_squeeze %gather3A_1018 : memref<1x1x128x64xf32, #tpu.memory_space<vmem>> -> memref<128x64xf32, #tpu.memory_space<vmem>>
        %gather3A_1020 = tpu.vector_load_idx %gather3A_1019[%add3A_23, %and3A_976] : memref<128x64xf32, #tpu.memory_space<vmem>>[vector<16xi32>, vector<16xi32>], vector<16xf32>,
        %sub3A_1021 = arith.subf %gather3A, %gather3A_1020 : vector<16xf32>
        %abs3A_1022 = math.absf %sub3A_1021 : vector<16xf32>
        %add3A_1023 = arith.addf %scan3A_961, %abs3A_1022 : vector<16xf32>
        %gather3A_1024 = arith.constant 0 : i32
        %gather3A_1025 = arith.constant 0 : i32
        %gather3A_1026 = tpu.memref_slice %arg17[%scan3A_837, %scan3A_838, %gather3A_1024, %gather3A_1025] : memref<4x2x128x64xf32, #tpu.memory_space<vmem>> -> memref<1x1x128x64xf32, #tpu.memory_space<vmem>>
        %gather3A_1027 = tpu.memref_squeeze %gather3A_1026 : memref<1x1x128x64xf32, #tpu.memory_space<vmem>> -> memref<128x64xf32, #tpu.memory_space<vmem>>
        %gather3A_1028 = tpu.vector_load_idx %gather3A_1027[%add3A_26, %and3A_976] : memref<128x64xf32, #tpu.memory_space<vmem>>[vector<16xi32>, vector<16xi32>], vector<16xf32>,
        %sub3A_1029 = arith.subf %gather3A, %gather3A_1028 : vector<16xf32>
        %abs3A_1030 = math.absf %sub3A_1029 : vector<16xf32>
        %add3A_1031 = arith.addf %scan3A_962, %abs3A_1030 : vector<16xf32>
        %gather3A_1032 = arith.constant 0 : i32
        %gather3A_1033 = arith.constant 0 : i32
        %gather3A_1034 = tpu.memref_slice %arg17[%scan3A_837, %scan3A_838, %gather3A_1032, %gather3A_1033] : memref<4x2x128x64xf32, #tpu.memory_space<vmem>> -> memref<1x1x128x64xf32, #tpu.memory_space<vmem>>
        %gather3A_1035 = tpu.memref_squeeze %gather3A_1034 : memref<1x1x128x64xf32, #tpu.memory_space<vmem>> -> memref<128x64xf32, #tpu.memory_space<vmem>>
        %gather3A_1036 = tpu.vector_load_idx %gather3A_1035[%add3A_29, %and3A_976] : memref<128x64xf32, #tpu.memory_space<vmem>>[vector<16xi32>, vector<16xi32>], vector<16xf32>,
        %sub3A_1037 = arith.subf %gather3A, %gather3A_1036 : vector<16xf32>
        %abs3A_1038 = math.absf %sub3A_1037 : vector<16xf32>
        %add3A_1039 = arith.addf %scan3A_963, %abs3A_1038 : vector<16xf32>
        %gather3A_1040 = arith.constant 0 : i32
        %gather3A_1041 = arith.constant 0 : i32
        %gather3A_1042 = tpu.memref_slice %arg17[%scan3A_839, %scan3A_840, %gather3A_1040, %gather3A_1041] : memref<4x2x128x64xf32, #tpu.memory_space<vmem>> -> memref<1x1x128x64xf32, #tpu.memory_space<vmem>>
        %gather3A_1043 = tpu.memref_squeeze %gather3A_1042 : memref<1x1x128x64xf32, #tpu.memory_space<vmem>> -> memref<128x64xf32, #tpu.memory_space<vmem>>
        %gather3A_1044 = tpu.vector_load_idx %gather3A_1043[%add3A_8, %and3A_976] : memref<128x64xf32, #tpu.memory_space<vmem>>[vector<16xi32>, vector<16xi32>], vector<16xf32>,
        %sub3A_1045 = arith.subf %gather3A, %gather3A_1044 : vector<16xf32>
        %abs3A_1046 = math.absf %sub3A_1045 : vector<16xf32>
        %add3A_1047 = arith.addf %scan3A_964, %abs3A_1046 : vector<16xf32>
        %gather3A_1048 = arith.constant 0 : i32
        %gather3A_1049 = arith.constant 0 : i32
        %gather3A_1050 = tpu.memref_slice %arg17[%scan3A_839, %scan3A_840, %gather3A_1048, %gather3A_1049] : memref<4x2x128x64xf32, #tpu.memory_space<vmem>> -> memref<1x1x128x64xf32, #tpu.memory_space<vmem>>
        %gather3A_1051 = tpu.memref_squeeze %gather3A_1050 : memref<1x1x128x64xf32, #tpu.memory_space<vmem>> -> memref<128x64xf32, #tpu.memory_space<vmem>>
        %gather3A_1052 = tpu.vector_load_idx %gather3A_1051[%add3A_11, %and3A_976] : memref<128x64xf32, #tpu.memory_space<vmem>>[vector<16xi32>, vector<16xi32>], vector<16xf32>,
        %sub3A_1053 = arith.subf %gather3A, %gather3A_1052 : vector<16xf32>
        %abs3A_1054 = math.absf %sub3A_1053 : vector<16xf32>
        %add3A_1055 = arith.addf %scan3A_965, %abs3A_1054 : vector<16xf32>
        %gather3A_1056 = arith.constant 0 : i32
        %gather3A_1057 = arith.constant 0 : i32
        %gather3A_1058 = tpu.memref_slice %arg17[%scan3A_839, %scan3A_840, %gather3A_1056, %gather3A_1057] : memref<4x2x128x64xf32, #tpu.memory_space<vmem>> -> memref<1x1x128x64xf32, #tpu.memory_space<vmem>>
        %gather3A_1059 = tpu.memref_squeeze %gather3A_1058 : memref<1x1x128x64xf32, #tpu.memory_space<vmem>> -> memref<128x64xf32, #tpu.memory_space<vmem>>
        %gather3A_1060 = tpu.vector_load_idx %gather3A_1059[%add3A_14, %and3A_976] : memref<128x64xf32, #tpu.memory_space<vmem>>[vector<16xi32>, vector<16xi32>], vector<16xf32>,
        %sub3A_1061 = arith.subf %gather3A, %gather3A_1060 : vector<16xf32>
        %abs3A_1062 = math.absf %sub3A_1061 : vector<16xf32>
        %add3A_1063 = arith.addf %scan3A_966, %abs3A_1062 : vector<16xf32>
        %gather3A_1064 = arith.constant 0 : i32
        %gather3A_1065 = arith.constant 0 : i32
        %gather3A_1066 = tpu.memref_slice %arg17[%scan3A_839, %scan3A_840, %gather3A_1064, %gather3A_1065] : memref<4x2x128x64xf32, #tpu.memory_space<vmem>> -> memref<1x1x128x64xf32, #tpu.memory_space<vmem>>
        %gather3A_1067 = tpu.memref_squeeze %gather3A_1066 : memref<1x1x128x64xf32, #tpu.memory_space<vmem>> -> memref<128x64xf32, #tpu.memory_space<vmem>>
        %gather3A_1068 = tpu.vector_load_idx %gather3A_1067[%add3A_17, %and3A_976] : memref<128x64xf32, #tpu.memory_space<vmem>>[vector<16xi32>, vector<16xi32>], vector<16xf32>,
        %sub3A_1069 = arith.subf %gather3A, %gather3A_1068 : vector<16xf32>
        %abs3A_1070 = math.absf %sub3A_1069 : vector<16xf32>
        %add3A_1071 = arith.addf %scan3A_967, %abs3A_1070 : vector<16xf32>
        %gather3A_1072 = arith.constant 0 : i32
        %gather3A_1073 = arith.constant 0 : i32
        %gather3A_1074 = tpu.memref_slice %arg17[%scan3A_839, %scan3A_840, %gather3A_1072, %gather3A_1073] : memref<4x2x128x64xf32, #tpu.memory_space<vmem>> -> memref<1x1x128x64xf32, #tpu.memory_space<vmem>>
        %gather3A_1075 = tpu.memref_squeeze %gather3A_1074 : memref<1x1x128x64xf32, #tpu.memory_space<vmem>> -> memref<128x64xf32, #tpu.memory_space<vmem>>
        %gather3A_1076 = tpu.vector_load_idx %gather3A_1075[%add3A_20, %and3A_976] : memref<128x64xf32, #tpu.memory_space<vmem>>[vector<16xi32>, vector<16xi32>], vector<16xf32>,
        %sub3A_1077 = arith.subf %gather3A, %gather3A_1076 : vector<16xf32>
        %abs3A_1078 = math.absf %sub3A_1077 : vector<16xf32>
        %add3A_1079 = arith.addf %scan3A_968, %abs3A_1078 : vector<16xf32>
        %gather3A_1080 = arith.constant 0 : i32
        %gather3A_1081 = arith.constant 0 : i32
        %gather3A_1082 = tpu.memref_slice %arg17[%scan3A_839, %scan3A_840, %gather3A_1080, %gather3A_1081] : memref<4x2x128x64xf32, #tpu.memory_space<vmem>> -> memref<1x1x128x64xf32, #tpu.memory_space<vmem>>
        %gather3A_1083 = tpu.memref_squeeze %gather3A_1082 : memref<1x1x128x64xf32, #tpu.memory_space<vmem>> -> memref<128x64xf32, #tpu.memory_space<vmem>>
        %gather3A_1084 = tpu.vector_load_idx %gather3A_1083[%add3A_23, %and3A_976] : memref<128x64xf32, #tpu.memory_space<vmem>>[vector<16xi32>, vector<16xi32>], vector<16xf32>,
        %sub3A_1085 = arith.subf %gather3A, %gather3A_1084 : vector<16xf32>
        %abs3A_1086 = math.absf %sub3A_1085 : vector<16xf32>
        %add3A_1087 = arith.addf %scan3A_969, %abs3A_1086 : vector<16xf32>
        %gather3A_1088 = arith.constant 0 : i32
        %gather3A_1089 = arith.constant 0 : i32
        %gather3A_1090 = tpu.memref_slice %arg17[%scan3A_839, %scan3A_840, %gather3A_1088, %gather3A_1089] : memref<4x2x128x64xf32, #tpu.memory_space<vmem>> -> memref<1x1x128x64xf32, #tpu.memory_space<vmem>>
        %gather3A_1091 = tpu.memref_squeeze %gather3A_1090 : memref<1x1x128x64xf32, #tpu.memory_space<vmem>> -> memref<128x64xf32, #tpu.memory_space<vmem>>
        %gather3A_1092 = tpu.vector_load_idx %gather3A_1091[%add3A_26, %and3A_976] : memref<128x64xf32, #tpu.memory_space<vmem>>[vector<16xi32>, vector<16xi32>], vector<16xf32>,
        %sub3A_1093 = arith.subf %gather3A, %gather3A_1092 : vector<16xf32>
        %abs3A_1094 = math.absf %sub3A_1093 : vector<16xf32>
        %add3A_1095 = arith.addf %scan3A_970, %abs3A_1094 : vector<16xf32>
        %gather3A_1096 = arith.constant 0 : i32
        %gather3A_1097 = arith.constant 0 : i32
        %gather3A_1098 = tpu.memref_slice %arg17[%scan3A_839, %scan3A_840, %gather3A_1096, %gather3A_1097] : memref<4x2x128x64xf32, #tpu.memory_space<vmem>> -> memref<1x1x128x64xf32, #tpu.memory_space<vmem>>
        %gather3A_1099 = tpu.memref_squeeze %gather3A_1098 : memref<1x1x128x64xf32, #tpu.memory_space<vmem>> -> memref<128x64xf32, #tpu.memory_space<vmem>>
        %gather3A_1100 = tpu.vector_load_idx %gather3A_1099[%add3A_29, %and3A_976] : memref<128x64xf32, #tpu.memory_space<vmem>>[vector<16xi32>, vector<16xi32>], vector<16xf32>,
        %sub3A_1101 = arith.subf %gather3A, %gather3A_1100 : vector<16xf32>
        %abs3A_1102 = math.absf %sub3A_1101 : vector<16xf32>
        %add3A_1103 = arith.addf %scan3A_971, %abs3A_1102 : vector<16xf32>
        %scan3A_1104 = arith.constant 1 : i32
        %scan3A_1105 = arith.addi %scan3A_955, %scan3A_1104 : i32
        %broadcast_in_dim3A_1106 = vector.broadcast %scan3A_1105 : i32 to vector<16xi32>
        %add3A_1107 = arith.addi %broadcast_in_dim3A_1106, %iota3A : vector<16xi32>
        %and3A_1108 = arith.constant 63 : i32
        %and3A_1109 = vector.broadcast %and3A_1108 : i32 to vector<16xi32>
        %and3A_1110 = arith.andi %add3A_1107, %and3A_1109 : vector<16xi32>
        %gather3A_1111 = tpu.vector_load_idx %arg15[%broadcast_in_dim3A_836, %and3A_1110] : memref<128x64xf32, #tpu.memory_space<vmem>>[vector<16xi32>, vector<16xi32>], vector<16xf32>,
        %gather3A_1112 = arith.constant 0 : i32
        %gather3A_1113 = arith.constant 0 : i32
        %gather3A_1114 = tpu.memref_slice %arg17[%scan3A_837, %scan3A_838, %gather3A_1112, %gather3A_1113] : memref<4x2x128x64xf32, #tpu.memory_space<vmem>> -> memref<1x1x128x64xf32, #tpu.memory_space<vmem>>
        %gather3A_1115 = tpu.memref_squeeze %gather3A_1114 : memref<1x1x128x64xf32, #tpu.memory_space<vmem>> -> memref<128x64xf32, #tpu.memory_space<vmem>>
        %gather3A_1116 = tpu.vector_load_idx %gather3A_1115[%add3A_8, %and3A_1110] : memref<128x64xf32, #tpu.memory_space<vmem>>[vector<16xi32>, vector<16xi32>], vector<16xf32>,
        %sub3A_1117 = arith.subf %gather3A_1111, %gather3A_1116 : vector<16xf32>
        %abs3A_1118 = math.absf %sub3A_1117 : vector<16xf32>
        %add3A_1119 = arith.addf %add3A_983, %abs3A_1118 : vector<16xf32>
        %gather3A_1120 = arith.constant 0 : i32
        %gather3A_1121 = arith.constant 0 : i32
        %gather3A_1122 = tpu.memref_slice %arg17[%scan3A_837, %scan3A_838, %gather3A_1120, %gather3A_1121] : memref<4x2x128x64xf32, #tpu.memory_space<vmem>> -> memref<1x1x128x64xf32, #tpu.memory_space<vmem>>
        %gather3A_1123 = tpu.memref_squeeze %gather3A_1122 : memref<1x1x128x64xf32, #tpu.memory_space<vmem>> -> memref<128x64xf32, #tpu.memory_space<vmem>>
        %gather3A_1124 = tpu.vector_load_idx %gather3A_1123[%add3A_11, %and3A_1110] : memref<128x64xf32, #tpu.memory_space<vmem>>[vector<16xi32>, vector<16xi32>], vector<16xf32>,
        %sub3A_1125 = arith.subf %gather3A_1111, %gather3A_1124 : vector<16xf32>
        %abs3A_1126 = math.absf %sub3A_1125 : vector<16xf32>
        %add3A_1127 = arith.addf %add3A_991, %abs3A_1126 : vector<16xf32>
        %gather3A_1128 = arith.constant 0 : i32
        %gather3A_1129 = arith.constant 0 : i32
        %gather3A_1130 = tpu.memref_slice %arg17[%scan3A_837, %scan3A_838, %gather3A_1128, %gather3A_1129] : memref<4x2x128x64xf32, #tpu.memory_space<vmem>> -> memref<1x1x128x64xf32, #tpu.memory_space<vmem>>
        %gather3A_1131 = tpu.memref_squeeze %gather3A_1130 : memref<1x1x128x64xf32, #tpu.memory_space<vmem>> -> memref<128x64xf32, #tpu.memory_space<vmem>>
        %gather3A_1132 = tpu.vector_load_idx %gather3A_1131[%add3A_14, %and3A_1110] : memref<128x64xf32, #tpu.memory_space<vmem>>[vector<16xi32>, vector<16xi32>], vector<16xf32>,
        %sub3A_1133 = arith.subf %gather3A_1111, %gather3A_1132 : vector<16xf32>
        %abs3A_1134 = math.absf %sub3A_1133 : vector<16xf32>
        %add3A_1135 = arith.addf %add3A_999, %abs3A_1134 : vector<16xf32>
        %gather3A_1136 = arith.constant 0 : i32
        %gather3A_1137 = arith.constant 0 : i32
        %gather3A_1138 = tpu.memref_slice %arg17[%scan3A_837, %scan3A_838, %gather3A_1136, %gather3A_1137] : memref<4x2x128x64xf32, #tpu.memory_space<vmem>> -> memref<1x1x128x64xf32, #tpu.memory_space<vmem>>
        %gather3A_1139 = tpu.memref_squeeze %gather3A_1138 : memref<1x1x128x64xf32, #tpu.memory_space<vmem>> -> memref<128x64xf32, #tpu.memory_space<vmem>>
        %gather3A_1140 = tpu.vector_load_idx %gather3A_1139[%add3A_17, %and3A_1110] : memref<128x64xf32, #tpu.memory_space<vmem>>[vector<16xi32>, vector<16xi32>], vector<16xf32>,
        %sub3A_1141 = arith.subf %gather3A_1111, %gather3A_1140 : vector<16xf32>
        %abs3A_1142 = math.absf %sub3A_1141 : vector<16xf32>
        %add3A_1143 = arith.addf %add3A_1007, %abs3A_1142 : vector<16xf32>
        %gather3A_1144 = arith.constant 0 : i32
        %gather3A_1145 = arith.constant 0 : i32
        %gather3A_1146 = tpu.memref_slice %arg17[%scan3A_837, %scan3A_838, %gather3A_1144, %gather3A_1145] : memref<4x2x128x64xf32, #tpu.memory_space<vmem>> -> memref<1x1x128x64xf32, #tpu.memory_space<vmem>>
        %gather3A_1147 = tpu.memref_squeeze %gather3A_1146 : memref<1x1x128x64xf32, #tpu.memory_space<vmem>> -> memref<128x64xf32, #tpu.memory_space<vmem>>
        %gather3A_1148 = tpu.vector_load_idx %gather3A_1147[%add3A_20, %and3A_1110] : memref<128x64xf32, #tpu.memory_space<vmem>>[vector<16xi32>, vector<16xi32>], vector<16xf32>,
        %sub3A_1149 = arith.subf %gather3A_1111, %gather3A_1148 : vector<16xf32>
        %abs3A_1150 = math.absf %sub3A_1149 : vector<16xf32>
        %add3A_1151 = arith.addf %add3A_1015, %abs3A_1150 : vector<16xf32>
        %gather3A_1152 = arith.constant 0 : i32
        %gather3A_1153 = arith.constant 0 : i32
        %gather3A_1154 = tpu.memref_slice %arg17[%scan3A_837, %scan3A_838, %gather3A_1152, %gather3A_1153] : memref<4x2x128x64xf32, #tpu.memory_space<vmem>> -> memref<1x1x128x64xf32, #tpu.memory_space<vmem>>
        %gather3A_1155 = tpu.memref_squeeze %gather3A_1154 : memref<1x1x128x64xf32, #tpu.memory_space<vmem>> -> memref<128x64xf32, #tpu.memory_space<vmem>>
        %gather3A_1156 = tpu.vector_load_idx %gather3A_1155[%add3A_23, %and3A_1110] : memref<128x64xf32, #tpu.memory_space<vmem>>[vector<16xi32>, vector<16xi32>], vector<16xf32>,
        %sub3A_1157 = arith.subf %gather3A_1111, %gather3A_1156 : vector<16xf32>
        %abs3A_1158 = math.absf %sub3A_1157 : vector<16xf32>
        %add3A_1159 = arith.addf %add3A_1023, %abs3A_1158 : vector<16xf32>
        %gather3A_1160 = arith.constant 0 : i32
        %gather3A_1161 = arith.constant 0 : i32
        %gather3A_1162 = tpu.memref_slice %arg17[%scan3A_837, %scan3A_838, %gather3A_1160, %gather3A_1161] : memref<4x2x128x64xf32, #tpu.memory_space<vmem>> -> memref<1x1x128x64xf32, #tpu.memory_space<vmem>>
        %gather3A_1163 = tpu.memref_squeeze %gather3A_1162 : memref<1x1x128x64xf32, #tpu.memory_space<vmem>> -> memref<128x64xf32, #tpu.memory_space<vmem>>
        %gather3A_1164 = tpu.vector_load_idx %gather3A_1163[%add3A_26, %and3A_1110] : memref<128x64xf32, #tpu.memory_space<vmem>>[vector<16xi32>, vector<16xi32>], vector<16xf32>,
        %sub3A_1165 = arith.subf %gather3A_1111, %gather3A_1164 : vector<16xf32>
        %abs3A_1166 = math.absf %sub3A_1165 : vector<16xf32>
        %add3A_1167 = arith.addf %add3A_1031, %abs3A_1166 : vector<16xf32>
        %gather3A_1168 = arith.constant 0 : i32
        %gather3A_1169 = arith.constant 0 : i32
        %gather3A_1170 = tpu.memref_slice %arg17[%scan3A_837, %scan3A_838, %gather3A_1168, %gather3A_1169] : memref<4x2x128x64xf32, #tpu.memory_space<vmem>> -> memref<1x1x128x64xf32, #tpu.memory_space<vmem>>
        %gather3A_1171 = tpu.memref_squeeze %gather3A_1170 : memref<1x1x128x64xf32, #tpu.memory_space<vmem>> -> memref<128x64xf32, #tpu.memory_space<vmem>>
        %gather3A_1172 = tpu.vector_load_idx %gather3A_1171[%add3A_29, %and3A_1110] : memref<128x64xf32, #tpu.memory_space<vmem>>[vector<16xi32>, vector<16xi32>], vector<16xf32>,
        %sub3A_1173 = arith.subf %gather3A_1111, %gather3A_1172 : vector<16xf32>
        %abs3A_1174 = math.absf %sub3A_1173 : vector<16xf32>
        %add3A_1175 = arith.addf %add3A_1039, %abs3A_1174 : vector<16xf32>
        %gather3A_1176 = arith.constant 0 : i32
        %gather3A_1177 = arith.constant 0 : i32
        %gather3A_1178 = tpu.memref_slice %arg17[%scan3A_839, %scan3A_840, %gather3A_1176, %gather3A_1177] : memref<4x2x128x64xf32, #tpu.memory_space<vmem>> -> memref<1x1x128x64xf32, #tpu.memory_space<vmem>>
        %gather3A_1179 = tpu.memref_squeeze %gather3A_1178 : memref<1x1x128x64xf32, #tpu.memory_space<vmem>> -> memref<128x64xf32, #tpu.memory_space<vmem>>
        %gather3A_1180 = tpu.vector_load_idx %gather3A_1179[%add3A_8, %and3A_1110] : memref<128x64xf32, #tpu.memory_space<vmem>>[vector<16xi32>, vector<16xi32>], vector<16xf32>,
        %sub3A_1181 = arith.subf %gather3A_1111, %gather3A_1180 : vector<16xf32>
        %abs3A_1182 = math.absf %sub3A_1181 : vector<16xf32>
        %add3A_1183 = arith.addf %add3A_1047, %abs3A_1182 : vector<16xf32>
        %gather3A_1184 = arith.constant 0 : i32
        %gather3A_1185 = arith.constant 0 : i32
        %gather3A_1186 = tpu.memref_slice %arg17[%scan3A_839, %scan3A_840, %gather3A_1184, %gather3A_1185] : memref<4x2x128x64xf32, #tpu.memory_space<vmem>> -> memref<1x1x128x64xf32, #tpu.memory_space<vmem>>
        %gather3A_1187 = tpu.memref_squeeze %gather3A_1186 : memref<1x1x128x64xf32, #tpu.memory_space<vmem>> -> memref<128x64xf32, #tpu.memory_space<vmem>>
        %gather3A_1188 = tpu.vector_load_idx %gather3A_1187[%add3A_11, %and3A_1110] : memref<128x64xf32, #tpu.memory_space<vmem>>[vector<16xi32>, vector<16xi32>], vector<16xf32>,
        %sub3A_1189 = arith.subf %gather3A_1111, %gather3A_1188 : vector<16xf32>
        %abs3A_1190 = math.absf %sub3A_1189 : vector<16xf32>
        %add3A_1191 = arith.addf %add3A_1055, %abs3A_1190 : vector<16xf32>
        %gather3A_1192 = arith.constant 0 : i32
        %gather3A_1193 = arith.constant 0 : i32
        %gather3A_1194 = tpu.memref_slice %arg17[%scan3A_839, %scan3A_840, %gather3A_1192, %gather3A_1193] : memref<4x2x128x64xf32, #tpu.memory_space<vmem>> -> memref<1x1x128x64xf32, #tpu.memory_space<vmem>>
        %gather3A_1195 = tpu.memref_squeeze %gather3A_1194 : memref<1x1x128x64xf32, #tpu.memory_space<vmem>> -> memref<128x64xf32, #tpu.memory_space<vmem>>
        %gather3A_1196 = tpu.vector_load_idx %gather3A_1195[%add3A_14, %and3A_1110] : memref<128x64xf32, #tpu.memory_space<vmem>>[vector<16xi32>, vector<16xi32>], vector<16xf32>,
        %sub3A_1197 = arith.subf %gather3A_1111, %gather3A_1196 : vector<16xf32>
        %abs3A_1198 = math.absf %sub3A_1197 : vector<16xf32>
        %add3A_1199 = arith.addf %add3A_1063, %abs3A_1198 : vector<16xf32>
        %gather3A_1200 = arith.constant 0 : i32
        %gather3A_1201 = arith.constant 0 : i32
        %gather3A_1202 = tpu.memref_slice %arg17[%scan3A_839, %scan3A_840, %gather3A_1200, %gather3A_1201] : memref<4x2x128x64xf32, #tpu.memory_space<vmem>> -> memref<1x1x128x64xf32, #tpu.memory_space<vmem>>
        %gather3A_1203 = tpu.memref_squeeze %gather3A_1202 : memref<1x1x128x64xf32, #tpu.memory_space<vmem>> -> memref<128x64xf32, #tpu.memory_space<vmem>>
        %gather3A_1204 = tpu.vector_load_idx %gather3A_1203[%add3A_17, %and3A_1110] : memref<128x64xf32, #tpu.memory_space<vmem>>[vector<16xi32>, vector<16xi32>], vector<16xf32>,
        %sub3A_1205 = arith.subf %gather3A_1111, %gather3A_1204 : vector<16xf32>
        %abs3A_1206 = math.absf %sub3A_1205 : vector<16xf32>
        %add3A_1207 = arith.addf %add3A_1071, %abs3A_1206 : vector<16xf32>
        %gather3A_1208 = arith.constant 0 : i32
        %gather3A_1209 = arith.constant 0 : i32
        %gather3A_1210 = tpu.memref_slice %arg17[%scan3A_839, %scan3A_840, %gather3A_1208, %gather3A_1209] : memref<4x2x128x64xf32, #tpu.memory_space<vmem>> -> memref<1x1x128x64xf32, #tpu.memory_space<vmem>>
        %gather3A_1211 = tpu.memref_squeeze %gather3A_1210 : memref<1x1x128x64xf32, #tpu.memory_space<vmem>> -> memref<128x64xf32, #tpu.memory_space<vmem>>
        %gather3A_1212 = tpu.vector_load_idx %gather3A_1211[%add3A_20, %and3A_1110] : memref<128x64xf32, #tpu.memory_space<vmem>>[vector<16xi32>, vector<16xi32>], vector<16xf32>,
        %sub3A_1213 = arith.subf %gather3A_1111, %gather3A_1212 : vector<16xf32>
        %abs3A_1214 = math.absf %sub3A_1213 : vector<16xf32>
        %add3A_1215 = arith.addf %add3A_1079, %abs3A_1214 : vector<16xf32>
        %gather3A_1216 = arith.constant 0 : i32
        %gather3A_1217 = arith.constant 0 : i32
        %gather3A_1218 = tpu.memref_slice %arg17[%scan3A_839, %scan3A_840, %gather3A_1216, %gather3A_1217] : memref<4x2x128x64xf32, #tpu.memory_space<vmem>> -> memref<1x1x128x64xf32, #tpu.memory_space<vmem>>
        %gather3A_1219 = tpu.memref_squeeze %gather3A_1218 : memref<1x1x128x64xf32, #tpu.memory_space<vmem>> -> memref<128x64xf32, #tpu.memory_space<vmem>>
        %gather3A_1220 = tpu.vector_load_idx %gather3A_1219[%add3A_23, %and3A_1110] : memref<128x64xf32, #tpu.memory_space<vmem>>[vector<16xi32>, vector<16xi32>], vector<16xf32>,
        %sub3A_1221 = arith.subf %gather3A_1111, %gather3A_1220 : vector<16xf32>
        %abs3A_1222 = math.absf %sub3A_1221 : vector<16xf32>
        %add3A_1223 = arith.addf %add3A_1087, %abs3A_1222 : vector<16xf32>
        %gather3A_1224 = arith.constant 0 : i32
        %gather3A_1225 = arith.constant 0 : i32
        %gather3A_1226 = tpu.memref_slice %arg17[%scan3A_839, %scan3A_840, %gather3A_1224, %gather3A_1225] : memref<4x2x128x64xf32, #tpu.memory_space<vmem>> -> memref<1x1x128x64xf32, #tpu.memory_space<vmem>>
        %gather3A_1227 = tpu.memref_squeeze %gather3A_1226 : memref<1x1x128x64xf32, #tpu.memory_space<vmem>> -> memref<128x64xf32, #tpu.memory_space<vmem>>
        %gather3A_1228 = tpu.vector_load_idx %gather3A_1227[%add3A_26, %and3A_1110] : memref<128x64xf32, #tpu.memory_space<vmem>>[vector<16xi32>, vector<16xi32>], vector<16xf32>,
        %sub3A_1229 = arith.subf %gather3A_1111, %gather3A_1228 : vector<16xf32>
        %abs3A_1230 = math.absf %sub3A_1229 : vector<16xf32>
        %add3A_1231 = arith.addf %add3A_1095, %abs3A_1230 : vector<16xf32>
        %gather3A_1232 = arith.constant 0 : i32
        %gather3A_1233 = arith.constant 0 : i32
        %gather3A_1234 = tpu.memref_slice %arg17[%scan3A_839, %scan3A_840, %gather3A_1232, %gather3A_1233] : memref<4x2x128x64xf32, #tpu.memory_space<vmem>> -> memref<1x1x128x64xf32, #tpu.memory_space<vmem>>
        %gather3A_1235 = tpu.memref_squeeze %gather3A_1234 : memref<1x1x128x64xf32, #tpu.memory_space<vmem>> -> memref<128x64xf32, #tpu.memory_space<vmem>>
        %gather3A_1236 = tpu.vector_load_idx %gather3A_1235[%add3A_29, %and3A_1110] : memref<128x64xf32, #tpu.memory_space<vmem>>[vector<16xi32>, vector<16xi32>], vector<16xf32>,
        %sub3A_1237 = arith.subf %gather3A_1111, %gather3A_1236 : vector<16xf32>
        %abs3A_1238 = math.absf %sub3A_1237 : vector<16xf32>
        %add3A_1239 = arith.addf %add3A_1103, %abs3A_1238 : vector<16xf32>
        scf.yield %add3A_1119, %add3A_1127, %add3A_1135, %add3A_1143, %add3A_1151, %add3A_1159, %add3A_1167, %add3A_1175, %add3A_1183, %add3A_1191, %add3A_1199, %add3A_1207, %add3A_1215, %add3A_1223, %add3A_1231, %add3A_1239 : vector<16xf32>, vector<16xf32>, vector<16xf32>, vector<16xf32>, vector<16xf32>, vector<16xf32>, vector<16xf32>, vector<16xf32>, vector<16xf32>, vector<16xf32>, vector<16xf32>, vector<16xf32>, vector<16xf32>, vector<16xf32>, vector<16xf32>, vector<16xf32>
      }
      %scan3A_846 = arith.constant 64 : i32
      %sub3A_847 = arith.constant 1.200000e+01 : f32
      %sub3A_848 = vector.broadcast %sub3A_847 : f32 to vector<16xf32>
      %sub3A_849 = arith.subf %sub3A_848, %scan3A_845#0 : vector<16xf32>
      %swap3A_850 = arith.index_cast %select_n3A_811 : i32 to index
      %swap3A_851 = arith.constant 1 : index
      %swap3A_852 = tpu.vector_load %arg18[%swap3A_850, %swap3A_851] {strides = array<i32>} : memref<32x257xf32, #tpu.memory_space<vmem>>, vector<16xf32>,
      tpu.vector_store %arg18[%swap3A_850, %swap3A_851], %sub3A_849 {strides = array<i32>} : memref<32x257xf32, #tpu.memory_space<vmem>>, vector<16xf32>,
      %sub3A_853 = arith.constant 1.200000e+01 : f32
      %sub3A_854 = vector.broadcast %sub3A_853 : f32 to vector<16xf32>
      %sub3A_855 = arith.subf %sub3A_854, %scan3A_845#1 : vector<16xf32>
      %swap3A_856 = arith.index_cast %select_n3A_811 : i32 to index
      %swap3A_857 = arith.constant 17 : index
      %swap3A_858 = tpu.vector_load %arg18[%swap3A_856, %swap3A_857] {strides = array<i32>} : memref<32x257xf32, #tpu.memory_space<vmem>>, vector<16xf32>,
      tpu.vector_store %arg18[%swap3A_856, %swap3A_857], %sub3A_855 {strides = array<i32>} : memref<32x257xf32, #tpu.memory_space<vmem>>, vector<16xf32>,
      %sub3A_859 = arith.constant 1.200000e+01 : f32
      %sub3A_860 = vector.broadcast %sub3A_859 : f32 to vector<16xf32>
      %sub3A_861 = arith.subf %sub3A_860, %scan3A_845#2 : vector<16xf32>
      %swap3A_862 = arith.index_cast %select_n3A_811 : i32 to index
      %swap3A_863 = arith.constant 33 : index
      %swap3A_864 = tpu.vector_load %arg18[%swap3A_862, %swap3A_863] {strides = array<i32>} : memref<32x257xf32, #tpu.memory_space<vmem>>, vector<16xf32>,
      tpu.vector_store %arg18[%swap3A_862, %swap3A_863], %sub3A_861 {strides = array<i32>} : memref<32x257xf32, #tpu.memory_space<vmem>>, vector<16xf32>,
      %sub3A_865 = arith.constant 1.200000e+01 : f32
      %sub3A_866 = vector.broadcast %sub3A_865 : f32 to vector<16xf32>
      %sub3A_867 = arith.subf %sub3A_866, %scan3A_845#3 : vector<16xf32>
      %swap3A_868 = arith.index_cast %select_n3A_811 : i32 to index
      %swap3A_869 = arith.constant 49 : index
      %swap3A_870 = tpu.vector_load %arg18[%swap3A_868, %swap3A_869] {strides = array<i32>} : memref<32x257xf32, #tpu.memory_space<vmem>>, vector<16xf32>,
      tpu.vector_store %arg18[%swap3A_868, %swap3A_869], %sub3A_867 {strides = array<i32>} : memref<32x257xf32, #tpu.memory_space<vmem>>, vector<16xf32>,
      %sub3A_871 = arith.constant 1.200000e+01 : f32
      %sub3A_872 = vector.broadcast %sub3A_871 : f32 to vector<16xf32>
      %sub3A_873 = arith.subf %sub3A_872, %scan3A_845#4 : vector<16xf32>
      %swap3A_874 = arith.index_cast %select_n3A_811 : i32 to index
      %swap3A_875 = arith.constant 65 : index
      %swap3A_876 = tpu.vector_load %arg18[%swap3A_874, %swap3A_875] {strides = array<i32>} : memref<32x257xf32, #tpu.memory_space<vmem>>, vector<16xf32>,
      tpu.vector_store %arg18[%swap3A_874, %swap3A_875], %sub3A_873 {strides = array<i32>} : memref<32x257xf32, #tpu.memory_space<vmem>>, vector<16xf32>,
      %sub3A_877 = arith.constant 1.200000e+01 : f32
      %sub3A_878 = vector.broadcast %sub3A_877 : f32 to vector<16xf32>
      %sub3A_879 = arith.subf %sub3A_878, %scan3A_845#5 : vector<16xf32>
      %swap3A_880 = arith.index_cast %select_n3A_811 : i32 to index
      %swap3A_881 = arith.constant 81 : index
      %swap3A_882 = tpu.vector_load %arg18[%swap3A_880, %swap3A_881] {strides = array<i32>} : memref<32x257xf32, #tpu.memory_space<vmem>>, vector<16xf32>,
      tpu.vector_store %arg18[%swap3A_880, %swap3A_881], %sub3A_879 {strides = array<i32>} : memref<32x257xf32, #tpu.memory_space<vmem>>, vector<16xf32>,
      %sub3A_883 = arith.constant 1.200000e+01 : f32
      %sub3A_884 = vector.broadcast %sub3A_883 : f32 to vector<16xf32>
      %sub3A_885 = arith.subf %sub3A_884, %scan3A_845#6 : vector<16xf32>
      %swap3A_886 = arith.index_cast %select_n3A_811 : i32 to index
      %swap3A_887 = arith.constant 97 : index
      %swap3A_888 = tpu.vector_load %arg18[%swap3A_886, %swap3A_887] {strides = array<i32>} : memref<32x257xf32, #tpu.memory_space<vmem>>, vector<16xf32>,
      tpu.vector_store %arg18[%swap3A_886, %swap3A_887], %sub3A_885 {strides = array<i32>} : memref<32x257xf32, #tpu.memory_space<vmem>>, vector<16xf32>,
      %sub3A_889 = arith.constant 1.200000e+01 : f32
      %sub3A_890 = vector.broadcast %sub3A_889 : f32 to vector<16xf32>
      %sub3A_891 = arith.subf %sub3A_890, %scan3A_845#7 : vector<16xf32>
      %swap3A_892 = arith.index_cast %select_n3A_811 : i32 to index
      %swap3A_893 = arith.constant 113 : index
      %swap3A_894 = tpu.vector_load %arg18[%swap3A_892, %swap3A_893] {strides = array<i32>} : memref<32x257xf32, #tpu.memory_space<vmem>>, vector<16xf32>,
      tpu.vector_store %arg18[%swap3A_892, %swap3A_893], %sub3A_891 {strides = array<i32>} : memref<32x257xf32, #tpu.memory_space<vmem>>, vector<16xf32>,
      %sub3A_895 = arith.constant 1.200000e+01 : f32
      %sub3A_896 = vector.broadcast %sub3A_895 : f32 to vector<16xf32>
      %sub3A_897 = arith.subf %sub3A_896, %scan3A_845#8 : vector<16xf32>
      %swap3A_898 = arith.index_cast %select_n3A_811 : i32 to index
      %swap3A_899 = arith.constant 129 : index
      %swap3A_900 = tpu.vector_load %arg18[%swap3A_898, %swap3A_899] {strides = array<i32>} : memref<32x257xf32, #tpu.memory_space<vmem>>, vector<16xf32>,
      tpu.vector_store %arg18[%swap3A_898, %swap3A_899], %sub3A_897 {strides = array<i32>} : memref<32x257xf32, #tpu.memory_space<vmem>>, vector<16xf32>,
      %sub3A_901 = arith.constant 1.200000e+01 : f32
      %sub3A_902 = vector.broadcast %sub3A_901 : f32 to vector<16xf32>
      %sub3A_903 = arith.subf %sub3A_902, %scan3A_845#9 : vector<16xf32>
      %swap3A_904 = arith.index_cast %select_n3A_811 : i32 to index
      %swap3A_905 = arith.constant 145 : index
      %swap3A_906 = tpu.vector_load %arg18[%swap3A_904, %swap3A_905] {strides = array<i32>} : memref<32x257xf32, #tpu.memory_space<vmem>>, vector<16xf32>,
      tpu.vector_store %arg18[%swap3A_904, %swap3A_905], %sub3A_903 {strides = array<i32>} : memref<32x257xf32, #tpu.memory_space<vmem>>, vector<16xf32>,
      %sub3A_907 = arith.constant 1.200000e+01 : f32
      %sub3A_908 = vector.broadcast %sub3A_907 : f32 to vector<16xf32>
      %sub3A_909 = arith.subf %sub3A_908, %scan3A_845#10 : vector<16xf32>
      %swap3A_910 = arith.index_cast %select_n3A_811 : i32 to index
      %swap3A_911 = arith.constant 161 : index
      %swap3A_912 = tpu.vector_load %arg18[%swap3A_910, %swap3A_911] {strides = array<i32>} : memref<32x257xf32, #tpu.memory_space<vmem>>, vector<16xf32>,
      tpu.vector_store %arg18[%swap3A_910, %swap3A_911], %sub3A_909 {strides = array<i32>} : memref<32x257xf32, #tpu.memory_space<vmem>>, vector<16xf32>,
      %sub3A_913 = arith.constant 1.200000e+01 : f32
      %sub3A_914 = vector.broadcast %sub3A_913 : f32 to vector<16xf32>
      %sub3A_915 = arith.subf %sub3A_914, %scan3A_845#11 : vector<16xf32>
      %swap3A_916 = arith.index_cast %select_n3A_811 : i32 to index
      %swap3A_917 = arith.constant 177 : index
      %swap3A_918 = tpu.vector_load %arg18[%swap3A_916, %swap3A_917] {strides = array<i32>} : memref<32x257xf32, #tpu.memory_space<vmem>>, vector<16xf32>,
      tpu.vector_store %arg18[%swap3A_916, %swap3A_917], %sub3A_915 {strides = array<i32>} : memref<32x257xf32, #tpu.memory_space<vmem>>, vector<16xf32>,
      %sub3A_919 = arith.constant 1.200000e+01 : f32
      %sub3A_920 = vector.broadcast %sub3A_919 : f32 to vector<16xf32>
      %sub3A_921 = arith.subf %sub3A_920, %scan3A_845#12 : vector<16xf32>
      %swap3A_922 = arith.index_cast %select_n3A_811 : i32 to index
      %swap3A_923 = arith.constant 193 : index
      %swap3A_924 = tpu.vector_load %arg18[%swap3A_922, %swap3A_923] {strides = array<i32>} : memref<32x257xf32, #tpu.memory_space<vmem>>, vector<16xf32>,
      tpu.vector_store %arg18[%swap3A_922, %swap3A_923], %sub3A_921 {strides = array<i32>} : memref<32x257xf32, #tpu.memory_space<vmem>>, vector<16xf32>,
      %sub3A_925 = arith.constant 1.200000e+01 : f32
      %sub3A_926 = vector.broadcast %sub3A_925 : f32 to vector<16xf32>
      %sub3A_927 = arith.subf %sub3A_926, %scan3A_845#13 : vector<16xf32>
      %swap3A_928 = arith.index_cast %select_n3A_811 : i32 to index
      %swap3A_929 = arith.constant 209 : index
      %swap3A_930 = tpu.vector_load %arg18[%swap3A_928, %swap3A_929] {strides = array<i32>} : memref<32x257xf32, #tpu.memory_space<vmem>>, vector<16xf32>,
      tpu.vector_store %arg18[%swap3A_928, %swap3A_929], %sub3A_927 {strides = array<i32>} : memref<32x257xf32, #tpu.memory_space<vmem>>, vector<16xf32>,
      %sub3A_931 = arith.constant 1.200000e+01 : f32
      %sub3A_932 = vector.broadcast %sub3A_931 : f32 to vector<16xf32>
      %sub3A_933 = arith.subf %sub3A_932, %scan3A_845#14 : vector<16xf32>
      %swap3A_934 = arith.index_cast %select_n3A_811 : i32 to index
      %swap3A_935 = arith.constant 225 : index
      %swap3A_936 = tpu.vector_load %arg18[%swap3A_934, %swap3A_935] {strides = array<i32>} : memref<32x257xf32, #tpu.memory_space<vmem>>, vector<16xf32>,
      tpu.vector_store %arg18[%swap3A_934, %swap3A_935], %sub3A_933 {strides = array<i32>} : memref<32x257xf32, #tpu.memory_space<vmem>>, vector<16xf32>,
      %sub3A_937 = arith.constant 1.200000e+01 : f32
      %sub3A_938 = vector.broadcast %sub3A_937 : f32 to vector<16xf32>
      %sub3A_939 = arith.subf %sub3A_938, %scan3A_845#15 : vector<16xf32>
      %swap3A_940 = arith.index_cast %select_n3A_811 : i32 to index
      %swap3A_941 = arith.constant 241 : index
      %swap3A_942 = tpu.vector_load %arg18[%swap3A_940, %swap3A_941] {strides = array<i32>} : memref<32x257xf32, #tpu.memory_space<vmem>>, vector<16xf32>,
      tpu.vector_store %arg18[%swap3A_940, %swap3A_941], %sub3A_939 {strides = array<i32>} : memref<32x257xf32, #tpu.memory_space<vmem>>, vector<16xf32>,
      %add3A_943 = arith.constant 4 : i32
      %add3A_944 = arith.addi %add3A_795, %add3A_943 : i32
      %lt3A_945 = arith.constant 128 : i32
      %lt3A_946 = arith.cmpi slt, %add3A_944, %lt3A_945 : i32
      %convert_element_type3A_947 = arith.extui %lt3A_946 : i1 to i32
      %cond3A_948 = arith.constant 0 : i32
      %cond3A_949 = arith.cmpi ne, %convert_element_type3A_947, %cond3A_948 : i32
      scf.if %cond3A_949 {
        %add3A_955 = arith.constant 4 : i32
        %add3A_956 = arith.addi %add3A_795, %add3A_955 : i32
        %dma_start3A_957 = arith.constant 3 : i32
        %dma_start3A_958 = arith.constant 0 : i32
        %dma_start3A_959 = arith.constant 0 : i32
        %dma_start3A_960 = arith.constant 0 : i32
        %dma_start3A_961 = tpu.memref_slice %arg17[%dma_start3A_957, %dma_start3A_958, %dma_start3A_959, %dma_start3A_960] : memref<4x2x128x64xf32, #tpu.memory_space<vmem>> -> memref<1x1x128x64xf32, #tpu.memory_space<vmem>>
        %dma_start3A_962 = tpu.memref_squeeze %dma_start3A_961 : memref<1x1x128x64xf32, #tpu.memory_space<vmem>> -> memref<128x64xf32, #tpu.memory_space<vmem>>
        %dma_start3A_963 = arith.constant 0 : i32
        %dma_start3A_964 = tpu.memref_slice %arg13[%add3A_956, %dma_start3A_963] : memref<128x128xi32, #tpu.memory_space<vmem>> -> memref<1x128xi32, #tpu.memory_space<vmem>>
        %dma_start3A_965 = tpu.memref_squeeze %dma_start3A_964 : memref<1x128xi32, #tpu.memory_space<vmem>> -> memref<128xi32, #tpu.memory_space<vmem>>
        %dma_start3A_966 = arith.constant 0 : i32
        %dma_start3A_967 = arith.constant 0 : i32
        %dma_start3A_968 = tpu.memref_slice %arg2[%dma_start3A_966, %dma_start3A_967] : memref<100000x64xf32, #tpu.memory_space<hbm>> -> memref<100000x64xf32, #tpu.memory_space<hbm>>
        tpu.enqueue_indirect_dma source(%dma_start3A_968 : memref<100000x64xf32, #tpu.memory_space<hbm>>) target(%dma_start3A_962 : memref<128x64xf32, #tpu.memory_space<vmem>>) offsets(%dma_start3A_965 : memref<128xi32, #tpu.memory_space<vmem>>) semaphore(%arg25 : memref<!tpu.dma_semaphore, #tpu.memory_space<semaphore_mem>>)
        %dma_start3A_969 = arith.constant 3 : i32
        %dma_start3A_970 = arith.constant 1 : i32
        %dma_start3A_971 = arith.constant 0 : i32
        %dma_start3A_972 = arith.constant 0 : i32
        %dma_start3A_973 = tpu.memref_slice %arg17[%dma_start3A_969, %dma_start3A_970, %dma_start3A_971, %dma_start3A_972] : memref<4x2x128x64xf32, #tpu.memory_space<vmem>> -> memref<1x1x128x64xf32, #tpu.memory_space<vmem>>
        %dma_start3A_974 = tpu.memref_squeeze %dma_start3A_973 : memref<1x1x128x64xf32, #tpu.memory_space<vmem>> -> memref<128x64xf32, #tpu.memory_space<vmem>>
        %dma_start3A_975 = arith.constant 0 : i32
        %dma_start3A_976 = tpu.memref_slice %arg14[%add3A_956, %dma_start3A_975] : memref<128x128xi32, #tpu.memory_space<vmem>> -> memref<1x128xi32, #tpu.memory_space<vmem>>
        %dma_start3A_977 = tpu.memref_squeeze %dma_start3A_976 : memref<1x128xi32, #tpu.memory_space<vmem>> -> memref<128xi32, #tpu.memory_space<vmem>>
        %dma_start3A_978 = arith.constant 0 : i32
        %dma_start3A_979 = arith.constant 0 : i32
        %dma_start3A_980 = tpu.memref_slice %arg2[%dma_start3A_978, %dma_start3A_979] : memref<100000x64xf32, #tpu.memory_space<hbm>> -> memref<100000x64xf32, #tpu.memory_space<hbm>>
        tpu.enqueue_indirect_dma source(%dma_start3A_980 : memref<100000x64xf32, #tpu.memory_space<hbm>>) target(%dma_start3A_974 : memref<128x64xf32, #tpu.memory_space<vmem>>) offsets(%dma_start3A_977 : memref<128xi32, #tpu.memory_space<vmem>>) semaphore(%arg25 : memref<!tpu.dma_semaphore, #tpu.memory_space<semaphore_mem>>)
      } else {
      }
      %eq3A_950 = arith.constant 31 : i32
      %eq3A_951 = arith.cmpi eq, %select_n3A_811, %eq3A_950 : i32
      %convert_element_type3A_952 = arith.extui %eq3A_951 : i1 to i32
      %cond3A_953 = arith.constant 0 : i32
      %cond3A_954 = arith.cmpi ne, %convert_element_type3A_952, %cond3A_953 : i32
      scf.if %cond3A_954 {
        %sub3A_955 = arith.constant 31 : i32
        %sub3A_956 = arith.subi %add3A_795, %sub3A_955 : i32
        %add3A_957 = arith.constant 0 : i32
        %add3A_958 = arith.addi %sub3A_956, %add3A_957 : i32
        %get3A = arith.index_cast %add3A_958 : i32 to index
        %get3A_959 = tpu.vector_load %arg16[%get3A] {strides = array<i32>} : memref<128xf32, #tpu.memory_space<vmem>>, vector<16xf32>,
        %add3A_960 = arith.constant 0 : i32
        %add3A_961 = vector.broadcast %add3A_960 : i32 to vector<16xi32>
        %add3A_962 = arith.addi %add3A_961, %iota3A : vector<16xi32>
        tpu.vector_store_idx %arg18[%add3A_962, %broadcast_in_dim3A_3], %get3A_959 : memref<32x257xf32, #tpu.memory_space<vmem>>[vector<16xi32>, vector<16xi32>], vector<16xf32>,
        %add3A_963 = arith.constant 16 : i32
        %add3A_964 = arith.addi %sub3A_956, %add3A_963 : i32
        %get3A_965 = arith.index_cast %add3A_964 : i32 to index
        %get3A_966 = tpu.vector_load %arg16[%get3A_965] {strides = array<i32>} : memref<128xf32, #tpu.memory_space<vmem>>, vector<16xf32>,
        %add3A_967 = arith.constant 16 : i32
        %add3A_968 = vector.broadcast %add3A_967 : i32 to vector<16xi32>
        %add3A_969 = arith.addi %add3A_968, %iota3A : vector<16xi32>
        tpu.vector_store_idx %arg18[%add3A_969, %broadcast_in_dim3A_3], %get3A_966 : memref<32x257xf32, #tpu.memory_space<vmem>>[vector<16xi32>, vector<16xi32>], vector<16xf32>,
        %add3A_970 = arith.addi %mul3A_2, %sub3A_956 : i32
        "tpu.region"() ({
          %run_scoped3A = tpu.sem_alloc : memref<!tpu.dma_semaphore, #tpu.memory_space<semaphore_mem>>
          %dma_start3A_971 = arith.constant 0 : i32
          %dma_start3A_972 = tpu.memref_slice %arg9[%add3A_970, %dma_start3A_971] : memref<4096x257xf32, #tpu.memory_space<hbm>> -> memref<32x257xf32, #tpu.memory_space<hbm>>
          %dma_start3A_973 = arith.constant 0 : i32
          %dma_start3A_974 = tpu.memref_slice %arg9[%add3A_970, %dma_start3A_973] : memref<4096x257xf32, #tpu.memory_space<hbm>> -> memref<32x257xf32, #tpu.memory_space<hbm>>
          tpu.enqueue_dma source(%arg18 : memref<32x257xf32, #tpu.memory_space<vmem>>) target(%dma_start3A_974 : memref<32x257xf32, #tpu.memory_space<hbm>>) target_semaphore(%run_scoped3A : memref<!tpu.dma_semaphore, #tpu.memory_space<semaphore_mem>>)
          %dma_wait3A_975 = arith.constant 0 : i32
          %dma_wait3A_976 = tpu.memref_slice %arg9[%add3A_970, %dma_wait3A_975] : memref<4096x257xf32, #tpu.memory_space<hbm>> -> memref<32x257xf32, #tpu.memory_space<hbm>>
          %dma_wait3A_977 = arith.constant 0 : i32
          %dma_wait3A_978 = tpu.memref_slice %arg9[%add3A_970, %dma_wait3A_977] : memref<4096x257xf32, #tpu.memory_space<hbm>> -> memref<32x257xf32, #tpu.memory_space<hbm>>
          tpu.wait_dma2 semaphore(%run_scoped3A : memref<!tpu.dma_semaphore, #tpu.memory_space<semaphore_mem>>) src(%arg18 : memref<32x257xf32, #tpu.memory_space<vmem>>) dst(%dma_wait3A_978 : memref<32x257xf32, #tpu.memory_space<hbm>>)
          tpu.yield
        }) : () -> ()
      } else {
      }
    }
    %scan3A_310 = arith.constant 32 : i32
    return
  }
}

</mosaic_0001>

<sc_bundles>
// kernel: kernel.3.cloned.1.call-start
scs
__scs_entry_jumppad:
0x0: {  	(pc) =	sbr.rel $0x88, $3  }
0x1: {  	(tag) =	ssettag $0x0;
	lr =	simm.s32 $0x1  }
0x2: {  	[smem:$0x3F9A] =	sst lr;
	_ =	strace $0xD0000000  }
0x3: {  	_ = 	snop  }
0x4: {  	_ = 	snop  }
0x5: {  	_ = 	snop  }
0x6: {  	_ = 	snop  }
0x7: {  	_ = 	snop  }
__scs_overlays_trampoline_lowered:
0x8: {  	[smem:$0x3FA9] =	sst s0  }
0x9: {  	[smem:$0x3FAA] =	sst s1  }
0xa: {  	[smem:$0x3FAB] =	sst s2  }
0xb: {  	[smem:$0x3FAC] =	sst s3  }
0xc: {  	[smem:$0x3FAD] =	sst s4  }
0xd: {  	[smem:$0x3FAE] =	sst s5  }
0xe: {  	[smem:$0x3FAF] =	sst s6  }
0xf: {  	[smem:$0x3FB0] =	sst s7  }
0x10: {  	[smem:$0x3FB1] =	sst s8  }
0x11: {  	[smem:$0x3FB2] =	sst s9;
	s0 =	simm.s32 @!p0 $0x0  }
0x12: {  	s1 =	sld [smem:$0x3F98];
	s0 =	simm.s32 @p0 $0x1  }
0x13: {  	[smem:$0x3FB3] =	sst s0;
	s0 =	simm.s32 @!p1 $0x0  }
0x14: {  	s2 =	sld [smem:$0x3F97];
	s0 =	simm.s32 @p1 $0x1  }
0x15: {  	[smem:$0x3FB4] =	sst s0;
	s0 =	simm.s32 @!p2 $0x0  }
0x16: {  	s3 =	sld [smem:$0x3FDB];
	s0 =	simm.s32 @p2 $0x1  }
0x17: {  	s4 =	simm.s32 $0x1BF5;
	[smem:$0x3FB6] =	sst s0  }
0x18: {  	s0 =	sld [smem:$0x3F99];
	_ =	swait.ge [sflag:s4], $0x0  }
0x19: {  	s7 =	sld [smem:$0x3F9A]  }
0x1a: {  	s8 =	sadd.s32 $0xFFFFE003, lr  }
0x1b: {  	s9 =	sadd.s32 $0xFFFFFEF7, lr;
	s5 =	simm.s32 $0xFFFFFFFF;
	p2 =	slt.u32 s8, $0xFFFFF086  }
0x1c: {  	p1 =	slt.u32 s9, $0xF7A;
	s5 =	simm.s32 @!p2 $0x0  }
0x1d: {  	s5 =	simm.s32 @p1 $0x1;
	p0 =	seq.s32 s7, s2  }
0x1e: {  	s7 =	smul.u32 @!p0 $0xF7A, s2;
	p2 =	seq.s32 @!p0 s5, $0x0  }
0x1f: {  	s9 =	smul.u32 $0xF7A, s1;
	s8 =	simm.s32 @!p0 $0x1BF5;
	p2 =	por !p2, p0  }
0x20: {  	[sflag:s8] =	ssyncset.s32 @!p0 $0xFFFFF086;
	s6 =	sadd.s32 @!p0 s3, s7;
	s7 =	simm.s32 @!p0 $0x108  }
0x21: {  	s3 =	sadd.s32 s3, s9;
	s6 =	sadd.s32 @!p0 $0x88, s6;
	s7 =	simm.s32 @p2 $0x1082  }
0x22: {  	[simem:s7], [sflag:s8] =	dma.local @!p0 [hbm:s6], $0xF7A  }
0x23: {  	s9 =	sor.u32 $0xD0000000, s2;
	s6 =	simm.s32 $0x108;
	_ =	swait.ge @!p0 [sflag:s8], $0x0  }
0x24: {  	s3 =	sadd.s32 $0x88, s3;
	s6 =	simm.s32 @!p1 $0x1082;
	[sflag:s4] =	ssyncset.s32 $0xFFFFF086  }
0x25: {  	[simem:s6], [sflag:s4] =	dma.local [hbm:s3], $0xF7A  }
0x26: {  	[smem:$0x3F9A] =	sst s1;
	(tag) =	ssettag s2;
	_ =	strace s9  }
0x27: {  	s1 =	sld [smem:$0x3FAA]  }
0x28: {  	s2 =	sld [smem:$0x3FAB]  }
0x29: {  	s4 =	sld [smem:$0x3FAD]  }
0x2a: {  	p0 =	seq.s32 s5, $0x0;
	s5 =	sld [smem:$0x3FAE]  }
0x2b: {  	s6 =	sld [smem:$0x3FAF]  }
0x2c: {  	s7 =	sld [smem:$0x3FB0]  }
0x2d: {  	s3 =	simm.s32 $0x108;
	s8 =	sld [smem:$0x3FB1]  }
0x2e: {  	s3 =	simm.s32 @!p0 $0x1082;
	s9 =	sld [smem:$0x3FB2]  }
0x2f: {  	lr =	sadd.s32 s0, s3;
	s0 =	sld [smem:$0x3FA9]  }
0x30: {  	s3 =	sld [smem:$0x3FAC]  }
0x31: {  	[smem:$0x3FB5] =	sst s10  }
0x32: {  	s10 =	sld [smem:$0x3FB3];
	_ =	sdelay $0x3  }
0x33: {  	p0 =	seq.s32 s10, $0x1;
	s10 =	sld [smem:$0x3FB5];
	_ =	sdelay $0x3  }
0x34: {  	[smem:$0x3FB5] =	sst s10  }
0x35: {  	s10 =	sld [smem:$0x3FB4];
	_ =	sdelay $0x3  }
0x36: {  	p1 =	seq.s32 s10, $0x1;
	s10 =	sld [smem:$0x3FB5];
	_ =	sdelay $0x3  }
0x37: {  	[smem:$0x3FB5] =	sst s10  }
0x38: {  	s10 =	sld [smem:$0x3FB6]  }
0x39: {  	_ = 	snop;
	(pc) =	sbr.ind lr, $3  }
0x3a: {  	_ = 	snop  }
0x3b: {  	_ = 	snop  }
0x3c: {  	p2 =	seq.s32 s10, $0x1;
	s10 =	sld [smem:$0x3FB5]  }
0x3d: {  	_ =	shalt  }
0x3e: {  	_ =	shalt  }
0x3f: {  	_ =	shalt  }
0x40: {  	_ =	shalt  }
0x41: {  	_ =	shalt  }
0x42: {  	_ =	shalt  }
0x43: {  	_ =	shalt  }
0x44: {  	_ =	shalt  }
0x45: {  	_ =	shalt  }
0x46: {  	_ =	shalt  }
0x47: {  	_ =	shalt  }
0x48: {  	_ =	shalt  }
0x49: {  	_ =	shalt  }
0x4a: {  	_ =	shalt  }
0x4b: {  	_ =	shalt  }
0x4c: {  	_ =	shalt  }
0x4d: {  	_ =	shalt  }
0x4e: {  	_ =	shalt  }
0x4f: {  	_ =	shalt  }
0x50: {  	_ =	shalt  }
0x51: {  	_ =	shalt  }
0x52: {  	_ =	shalt  }
0x53: {  	_ =	shalt  }
0x54: {  	_ =	shalt  }
0x55: {  	_ =	shalt  }
0x56: {  	_ =	shalt  }
0x57: {  	_ =	shalt  }
0x58: {  	_ =	shalt  }
0x59: {  	_ =	shalt  }
0x5a: {  	_ =	shalt  }
0x5b: {  	_ =	shalt  }
0x5c: {  	_ =	shalt  }
0x5d: {  	_ =	shalt  }
0x5e: {  	_ =	shalt  }
0x5f: {  	_ =	shalt  }
0x60: {  	_ =	shalt  }
0x61: {  	_ =	shalt  }
0x62: {  	_ =	shalt  }
0x63: {  	_ =	shalt  }
0x64: {  	_ =	shalt  }
0x65: {  	_ =	shalt  }
0x66: {  	_ =	shalt  }
0x67: {  	_ =	shalt  }
0x68: {  	_ =	shalt  }
0x69: {  	_ =	shalt  }
0x6a: {  	_ =	shalt  }
0x6b: {  	_ =	shalt  }
0x6c: {  	_ =	shalt  }
0x6d: {  	_ =	shalt  }
0x6e: {  	_ =	shalt  }
0x6f: {  	_ =	shalt  }
0x70: {  	_ =	shalt  }
0x71: {  	_ =	shalt  }
0x72: {  	_ =	shalt  }
0x73: {  	_ =	shalt  }
0x74: {  	_ =	shalt  }
0x75: {  	_ =	shalt  }
0x76: {  	_ =	shalt  }
0x77: {  	_ =	shalt  }
0x78: {  	_ =	shalt  }
0x79: {  	_ =	shalt  }
0x7a: {  	_ =	shalt  }
0x7b: {  	_ =	shalt  }
0x7c: {  	_ =	shalt  }
0x7d: {  	_ =	shalt  }
0x7e: {  	_ =	shalt  }
0x7f: {  	_ =	shalt  }
0x80: {  	_ =	shalt  }
0x81: {  	_ =	shalt  }
0x82: {  	_ =	shalt  }
0x83: {  	_ =	shalt  }
0x84: {  	_ =	shalt  }
0x85: {  	_ =	shalt  }
0x86: {  	_ =	shalt  }
0x87: {  	_ =	shalt  }
.Lfunc_end0:
.L_simem_size_0:
called_computation_lowered:
.L_overlay_start_0:
0x88: {  	s2 =	sld [smem:$0x3FD9]  }
0x89: {  	s3 =	sld [smem:$0x3FFE];
	_ =	sdelay $0x1  }
0x8a: {  	s1 =	srdreg.scid  }
0x8b: {  	s0 =	sand.u32 $0x1, s1  }
0x8c: {  	s17 =	sshll.u32 s0, $0xA;
	s2 =	sadd.s32 s3, s2  }
0x8d: {  	s2 =	sadd.s32 s2, s17  }
0x8e: {  	[smem:$0x3FC1] =	sst s2  }
0x8f: {  	_ = 	snop  }
0x90: {  	s2 =	sld [smem:$0x3FC7]  }
0x91: {  	s18 =	sld [smem:$0x3FC6]  }
0x92: {  	s4 =	sld [smem:$0x3FC5]  }
0x93: {  	s5 =	sld [smem:$0x3FC4]  }
0x94: {  	s6 =	sld [smem:$0x3FC3]  }
0x95: {  	s7 =	sld [smem:$0x3FD0];
	(tm) =	ssettm $0x1  }
0x96: {  	s8 =	sld [smem:$0x3FFB];
	_ =	sdelay $0x3  }
0x97: {  	_ =	strace s8  }
0x98: {  	s8 =	sld [smem:$0x3FFC];
	_ =	sdelay $0x3  }
0x99: {  	_ =	strace s8  }
0x9a: {  	s8 =	sld [smem:$0x3FFD];
	_ =	sdelay $0x3  }
0x9b: {  	_ =	strace s8  }
0x9c: {  	_ =	strace $0x8FFFFFFF  }
0x9d: {  	s19 =	sld [smem:$0x3FDB];
	_ =	sdelay $0x1  }
0x9e: {  	s9 =	simm.s32 $_scs_section_size  }
0x9f: {  	s10 =	simm.s32 $_size__tile_overlayer_lowered;
	s11 =	simm.s32 $_tile_overlayer_lowered  }
0xa0: {  	s22 =	simm.s32 $0x1BFF;
	s21 =	sshll.u32 s11, $0x1;
	s8 =	sadd.s32 s9, s19  }
0xa1: {  	s12 =	simm.s32 $0x0;
	s20 =	sshll.u32 s10, $0x1;
	s10 =	sadd.s32 s21, s8  }
0xa2: {  	[timem:s12], [sflag:s22] =	dma.local [hbm:s10], s20  }
0xa3: {  	_ =	swait.ge [sflag:s22], s20  }
0xa4: {  	s9 =	ssub.s32 $0x0, s20;
	[sflag:s22] =	ssyncset.done $0x0  }
0xa5: {  	[sflag:s22] =	ssyncadd.s32 s9;
	_ =	sdelay $0x1  }
0xa6: {  	s23 =	simm.s32 $0x1B8B  }
0xa7: {  	_ =	swait.ge [sflag:s23], $0x1  }
0xa8: {  	[sflag:s23] =	ssyncset.done $0x0  }
0xa9: {  	s25 =	simm.s32 $0x1B8E;
	s24 =	sld [smem:$0x3FFE];
	[sflag:s23] =	ssyncadd.s32 $0xFFFFFFFF  }
0xaa: {  	s26 =	simm.s32 $execute0_lowered;
	[smem:$0x3FD2] =	sst s25  }
0xab: {  	s10 =	sshll.u32 s26, $0x1;
	_ =	strace $0x80000046;
	[dreg:$0x1] =	wrdreg $0xFFFFFFFF  }
0xac: {  	s28 =	simm.s32 $_size_execute0_lowered;
	s8 =	sadd.s32 s8, s10;
	[dreg:$0x0] =	wrdreg $0x0  }
0xad: {  	s10 =	sshll.u32 s28, $0x1;
	[dreg:$0x2] =	wrdreg s8  }
0xae: {  	[dreg:$0x3] =	wrdreg s10  }
0xaf: {  	[dreg:$0x4] =	wrdreg $0xC0  }
0xb0: {  	_ =	task [dreg:s12], $0x5FFFF  }
0xb1: {  	[dreg:$0x1] =	wrdreg $0xFFFFFFFF  }
0xb2: {  	[dreg:$0x0] =	wrdreg $0x60  }
0xb3: {  	[dreg:$0x2] =	wrdreg s24  }
0xb4: {  	[dreg:$0x3] =	wrdreg s2  }
0xb5: {  	[dreg:$0x4] =	wrdreg s18  }
0xb6: {  	[dreg:$0x5] =	wrdreg s4  }
0xb7: {  	[dreg:$0x6] =	wrdreg s5  }
0xb8: {  	[dreg:$0x7] =	wrdreg s6  }
0xb9: {  	[dreg:$0x8] =	wrdreg s7  }
0xba: {  	[dreg:$0x9] =	wrdreg $0x9  }
0xbb: {  	_ =	task.clear_ibuf [dreg:s12], $0xAFFFF;
	_ =	strace $0x90000046  }
0xbc: {  	s29 =	simm.s32 $0x9;
	_ =	strace $0x80000048  }
0xbd: {  	_ =	swait.ge [sflag:s29], $0x1  }
0xbe: {  	[sflag:s29] =	ssyncadd.s32 $0xFFFFFFFF  }
0xbf: {  	_ =	strace $0x90000048  }
0xc0: {  	_ =	sfence  }
0xc1: {  	s30 =	sld [smem:$0x0];
	_ =	sdelay $0x2  }
0xc2: {  	s31 =	sshll.u32 s1, $0xD;
	s1 =	sshrl.u32 s1, $0x2  }
0xc3: {  	s3 =	sand.u32 $0x4000, s31;
	s1 =	sadd.s32 s1, s30  }
0xc4: {  	s0 =	sor.u32 s3, s0;
	s1 =	sshll.u32 s1, $0x11  }
0xc5: {  	s0 =	sor.u32 s1, s0  }
0xc6: {  	s0 =	sadd.s32 $0x8F2B, s0  }
0xc7: {  	[sflag:s0] =	ssyncadd.remote.s32 $0x1  }
0xc8: {  	_ =	sfence.sel $0xFFFF  }
0xc9: {  	[dreg:$0x0] =	wrdreg $0xFFFFFFFF;
	(pc) =	sbr.abs _section_cstart, $3  }
0xca: {  	[dreg:$0x1] =	wrdreg $0xFFFFFFFF  }
0xcb: {  	_ =	task.clear_ibuf [dreg:s12], $0x2FFFF;
	_ =	strace $0x9FFFFFFF  }
0xcc: {  	(tm) =	ssettm $0x7FFFFFFF  }
0xcd: {  	_ =	shalt  }
tec
execute0_lowered:
.L_overlay_start_1:
0x0: {  	(tag) =	ssettag $0x1  }
0x1: {  	s0 =	rddreg [dreg:$0x0]  }
0x2: {  	s2 =	rddreg [dreg:$0x1]  }
0x3: {  	s6 =	rddreg [dreg:$0x2]  }
0x4: {  	s7 =	rddreg [dreg:$0x3]  }
0x5: {  	s8 =	rddreg [dreg:$0x4]  }
0x6: {  	s9 =	rddreg [dreg:$0x5]  }
0x7: {  	s1 =	rddreg [dreg:$0x6];
	s3 =	simm.s32 $0x0  }
0x8: {  	s4 =	srdreg.scid;
	s10 =	stileid.u32;
	s13 =	simm.s32 $0x8  }
0x9: {  	s14 =	simm.s32 $0x80;
	s18 =	simm.s32 $0xA200;
	s19 =	simm.s32 $0xC200  }
0xa: {  	s21 =	simm.s32 $0xE200;
	s28 =	simm.s32 $0x18200;
	s29 =	simm.s32 $0x8180  }
0xb: {  	s30 =	simm.s32 $0x14200;
	s31 =	simm.s32 $0x12200;
	s20 =	simm.s32 $0x3  }
0xc: {  	s22 =	simm.s32 $0x5;
	s15 =	simm.s32 $0x7;
	s5 =	sand.u32 $0x1, s4  }
0xd: {  	s16 =	simm.s32 $0x0;
	s10 =	sshll.u32 s10, $0x8;
	s11 =	sshll.u32 s5, $0x7  }
0xe: {  	[smem:$0x7FF] =	sst s3;
	s12 =	ssub.s32 $0x2, s5;
	s5 =	sor.u32 s11, s10  }
0xf: {  	s4 =	sadd.s32 $0x187000, s0;
	s0 =	sadd.s32 $0x600, s0;
	s10 =	sshrl.u32 s5, $0x3  }
0x10: {  	_ =	strace $0x80000047;
	[dreg:$0x8] =	wrdreg s0;
	s2 =	sadd.s32 s2, s10  }
0x11: {  	s23 =	sshrl.u32 s12, $0x1;
	s6 =	sadd.s32 s6, s10;
	[dreg:$0x9] =	wrdreg s2  }
0x12: {  	v0 =	vlaneseq.u32;
	s24 =	sshll.u32 s5, $0x4;
	s25 =	sadd.s32 s7, s10;
	[dreg:$0xa] =	wrdreg s6  }
0x13: {  	v1 =	vmul.u32 $0x40, v0;
	s0 =	ssub.s32 s12, s23;
	s26 =	sadd.s32 s8, s24;
	[dreg:$0xb] =	wrdreg s25  }
0x14: {  	s17 =	simm.s32 $0x0;
	s0 =	smax.u32 s0, $0x1;
	[dreg:$0xc] =	wrdreg s26  }
0x15: {  	v2 =	vor.u32 $0x400, v1;
	s23 =	simm.s32 $0x10200;
	s2 =	sadd.s32 s9, s24;
	[dreg:$0xe] =	wrdreg s0  }
0x16: {  	v3 =	vor.u32 $0x800, v1;
	v4 =	vor.u32 $0xC00, v1;
	v5 =	vor.u32 $0x1000, v1;
	s25 =	simm.s32 $0x16200;
	s0 =	simm.s32 $0x1;
	s26 =	simm.s32 $0x4  }
0x17: {  	v6 =	vor.u32 $0x1400, v1;
	v7 =	vor.u32 $0x1800, v1;
	v8 =	vor.u32 $0x1C00, v1;
	s24 =	simm.s32 $0x6;
	[dreg:$0xd] =	wrdreg s2;
	s2 =	simm.s32 $0x2  }
.LBB2_1:
0x18: {  	s6 =	rddreg [dreg:$0x9]  }
0x19: {  	[tilespmem:s3], [sflag:$0x8] =	stream.linear.gather [hbm4b:s6+s3], $0x80, $0x38;
	[tilespmem:$0x1C300] =	vst v63  }
0x1a: {  	_ =	swait.ge [sflag:s13], $0x80  }
0x1b: {  	[sflag:s13] =	ssyncset.done $0x0  }
0x1c: {  	s9 =	rddreg [dreg:$0xa];
	[sflag:s13] =	ssyncadd.s32 $0xFFFFFF80  }
0x1d: {  	[tilespmem:s14], [sflag:$0x8] =	stream.linear.gather [hbm4b:s9+s3], $0x80, $0x38;
	[tilespmem:$0x1C300] =	vst v63  }
0x1e: {  	_ =	swait.ge [sflag:s13], $0x80  }
0x1f: {  	[sflag:s13] =	ssyncset.done $0x0  }
0x20: {  	s7 =	simm.s32 $0x100;
	s10 =	rddreg [dreg:$0xb];
	[sflag:s13] =	ssyncadd.s32 $0xFFFFFF80  }
0x21: {  	[tilespmem:s7], [sflag:$0x8] =	stream.linear.gather [hbm4b:s10+s3], $0x80, $0x38;
	[tilespmem:$0x1C300] =	vst v63  }
0x22: {  	_ =	swait.ge [sflag:s13], $0x80  }
0x23: {  	[sflag:s13] =	ssyncset.done $0x0  }
0x24: {  	s8 =	simm.s32 $0x180;
	s11 =	rddreg [dreg:$0xc];
	[sflag:s13] =	ssyncadd.s32 $0xFFFFFF80  }
0x25: {  	[tilespmem:s8], [sflag:$0x8] =	stream.linear.gather [hbm4b:s11+s3], $0x4000, $0x38;
	[tilespmem:$0x1C300] =	vst v63  }
0x26: {  	_ =	swait.ge [sflag:s13], $0x4000  }
0x27: {  	[sflag:s13] =	ssyncset.done $0x0  }
0x28: {  	s9 =	simm.s32 $0x4180;
	s12 =	rddreg [dreg:$0xd];
	[sflag:s13] =	ssyncadd.s32 $0xFFFFC000  }
0x29: {  	[tilespmem:s9], [sflag:$0x8] =	stream.linear.gather [hbm4b:s12+s3], $0x4000, $0x38;
	[tilespmem:$0x1C300] =	vst v63  }
0x2a: {  	_ =	swait.ge [sflag:s13], $0x4000  }
0x2b: {  	[sflag:s13] =	ssyncset.done $0x0  }
0x2c: {  	[sflag:s13] =	ssyncadd.s32 $0xFFFFC000  }
0x2d: {  	[tilespmem:s18], [sflag:$0x4] =	stream.indirect.gather [hbm4b:s4+s14], $0x40, s8, s14, $0xb8;
	[tilespmem:$0x1C300] =	vst v63  }
0x2e: {  	_ = 	snop  }
0x2f: {  	[tilespmem:s19], [sflag:$0x4] =	stream.indirect.gather [hbm4b:s4+s14], $0x40, s9, s14, $0xb8;
	[tilespmem:$0x1C300] =	vst v63  }
0x30: {  	s8 =	simm.s32 $0x200  }
0x31: {  	[tilespmem:s21], [sflag:$0x5] =	stream.indirect.gather [hbm4b:s4+s14], $0x40, s8, s14, $0xb8;
	[tilespmem:$0x1C300] =	vst v63  }
0x32: {  	s9 =	simm.s32 $0x4200  }
0x33: {  	[tilespmem:s23], [sflag:$0x5] =	stream.indirect.gather [hbm4b:s4+s14], $0x40, s9, s14, $0xb8;
	[tilespmem:$0x1C300] =	vst v63  }
0x34: {  	s10 =	simm.s32 $0x300  }
0x35: {  	[tilespmem:s25], [sflag:$0x7] =	stream.indirect.gather [hbm4b:s4+s14], $0x40, s10, s14, $0xb8;
	[tilespmem:$0x1C300] =	vst v63  }
0x36: {  	s11 =	simm.s32 $0x4300  }
0x37: {  	[tilespmem:s28], [sflag:$0x7] =	stream.indirect.gather [hbm4b:s4+s14], $0x40, s11, s14, $0xb8;
	[tilespmem:$0x1C300] =	vst v63  }
0x38: {  	_ = 	snop  }
0x39: {  	[tilespmem:s29], [sflag:$0x1] =	stream.indirect.gather [hbm4b:s4+s14], $0x40, s3, s14, $0xb8;
	[tilespmem:$0x1C300] =	vst v63  }
0x3a: {  	s12 =	rddreg [dreg:$0x8]  }
0x3b: {  	[tilespmem:s30], [sflag:$0x2] =	stream.indirect.gather [hbm4b:s12+s14], $0x40, s14, s14, $0xb8;
	[tilespmem:$0x1C300] =	vst v63  }
0x3c: {  	_ = 	snop  }
0x3d: {  	[tilespmem:s31], [sflag:$0x3] =	stream.indirect.gather [hbm4b:s4+s14], $0x40, s7, s14, $0xb8;
	[tilespmem:$0x1C300] =	vst v63  }
0x3e: {  	_ =	swait.ge [sflag:s0], $0x2000  }
0x3f: {  	[sflag:s0] =	ssyncset.done $0x0  }
0x40: {  	[sflag:s0] =	ssyncadd.s32 $0xFFFFE000  }
0x41: {  	_ =	swait.ge [sflag:s2], $0x2000  }
0x42: {  	[sflag:s2] =	ssyncset.done $0x0  }
0x43: {  	s6 =	simm.s32 $0x0;
	[sflag:s2] =	ssyncadd.s32 $0xFFFFE000  }
0x44: {  	v17 =	vld [tilespmem:s6+$0x14200]  }
0x45: {  	v12 =	vld [tilespmem:s6+$0x142F0]  }
0x46: {  	v14 =	vld [tilespmem:s6+$0x8270]  }
0x47: {  	v9 =	vld [tilespmem:s6+$0x142E0]  }
0x48: {  	v10 =	vld [tilespmem:s6+$0x8250]  }
0x49: {  	v11 =	vld [tilespmem:s6+$0x142D0]  }
0x4a: {  	v13 =	vld [tilespmem:s6+$0x8240]  }
0x4b: {  	v18 =	vld [tilespmem:s6+$0x142B0]  }
0x4c: {  	v20 =	vld [tilespmem:s6+$0x8230]  }
0x4d: {  	v21 =	vld [tilespmem:s6+$0x8180]  }
0x4e: {  	v15 =	vld [tilespmem:s6+$0x14290]  }
0x4f: {  	v19 =	vld [tilespmem:s6+$0x8210]  }
0x50: {  	v16 =	vld [tilespmem:s6+$0x14280]  }
0x51: {  	v22 =	vld [tilespmem:s6+$0x8200]  }
0x52: {  	v23 =	vld [tilespmem:s6+$0x81F0]  }
0x53: {  	v24 =	vld [tilespmem:s6+$0x81D0]  }
0x54: {  	v25 =	vld [tilespmem:s6+$0x14260]  }
0x55: {  	v26 =	vld [tilespmem:s6+$0x14250]  }
0x56: {  	v27 =	vld [tilespmem:s6+$0x81E0];
	v14 =	vadd.f32 v12, v14  }
0x57: {  	v28 =	vld [tilespmem:s6+$0x14240]  }
0x58: {  	[tilespmem:s6+$0x8270] =	vst v14;
	v14 =	vld [tilespmem:s6+$0x14270]  }
0x59: {  	v29 =	vld [tilespmem:s6+$0x81C0]  }
0x5a: {  	v12 =	vld [tilespmem:s6+$0x8220];
	v22 =	vadd.f32 v16, v22  }
0x5b: {  	v16 =	vld [tilespmem:s6+$0x14230]  }
0x5c: {  	v21 =	vadd.f32 v17, v21;
	v17 =	vld [tilespmem:s6+$0x142A0];
	[tilespmem:s6+$0x8200] =	vst v22;
	v22 =	vadd.f32 v15, v19  }
0x5d: {  	v63 =	vadd.f32 v18, v20;
	v20 =	vld [tilespmem:s6+$0x8190];
	v23 =	vadd.f32 v14, v23  }
0x5e: {  	v19 =	vld [tilespmem:s6+$0x81B0];
	[tilespmem:s6+$0x8210] =	vst v22  }
0x5f: {  	v22 =	vld [tilespmem:s6+$0x142C0];
	[tilespmem:s6+$0x81F0] =	vst v23;
	v23 =	vadd.f32 v25, v27  }
0x60: {  	v15 =	vld [tilespmem:s6+$0x14210];
	[tilespmem:s6+$0x8180] =	vst v21  }
0x61: {  	v21 =	vld [tilespmem:s6+$0x8260];
	[tilespmem:s6+$0x81E0] =	vst v23;
	v23 =	vadd.f32 v28, v29  }
0x62: {  	s8 =	simm.s32 $0x400;
	s7 =	simm.s32 $0x0;
	v18 =	vadd.f32 v26, v24;
	[tilespmem:s6+$0x8230] =	vst v63;
	v14 =	vld [tilespmem:s6+$0x14220]  }
.LBB2_2:
0x63: {  	s9 =	sshra.s32 s8, $0x2;
	s7 =	sadd.s32 $0x4, s7;
	v24 =	vld [tilespmem:s6+$0x81A0];
	v16 =	vadd.f32 v16, v19;
	[tilespmem:s6+$0x81C0] =	vst v23  }
0x64: {  	v10 =	vadd.f32 v11, v10;
	v23 =	vld [tilespmem:s9+$0x14200];
	p0 =	slt.u32 s7, $0x7C;
	v13 =	vadd.f32 v22, v13  }
0x65: {  	v19 =	vld [tilespmem:s9+$0x142F0];
	[tilespmem:s6+$0x81B0] =	vst v16;
	v12 =	vadd.f32 v17, v12  }
0x66: {  	v16 =	vld [tilespmem:s9+$0x8270];
	[tilespmem:s6+$0x8240] =	vst v13;
	v11 =	vadd.f32 v9, v21  }
0x67: {  	v9 =	vld [tilespmem:s9+$0x142E0];
	v15 =	vadd.f32 v15, v20;
	[tilespmem:s6+$0x8250] =	vst v10  }
0x68: {  	v10 =	vld [tilespmem:s9+$0x8250];
	[tilespmem:s6+$0x8260] =	vst v11  }
0x69: {  	v14 =	vadd.f32 v14, v24;
	v11 =	vld [tilespmem:s9+$0x142D0];
	[tilespmem:s6+$0x81D0] =	vst v18  }
0x6a: {  	v13 =	vld [tilespmem:s9+$0x8240];
	[tilespmem:s6+$0x8190] =	vst v15  }
0x6b: {  	v18 =	vld [tilespmem:s9+$0x142B0];
	v15 =	vadd.f32 v19, v16;
	[tilespmem:s6+$0x81A0] =	vst v14  }
0x6c: {  	v20 =	vld [tilespmem:s9+$0x8230];
	[tilespmem:s6+$0x8220] =	vst v12;
	s6 =	smov.u32 s9  }
0x6d: {  	v12 =	vld [tilespmem:s6+$0x8220];
	[tilespmem:s6+$0x8270] =	vst v15  }
0x6e: {  	v17 =	vld [tilespmem:s6+$0x8180]  }
0x6f: {  	v15 =	vld [tilespmem:s6+$0x14290]  }
0x70: {  	v19 =	vld [tilespmem:s6+$0x8210]  }
0x71: {  	v14 =	vld [tilespmem:s6+$0x14280]  }
0x72: {  	v16 =	vld [tilespmem:s6+$0x8200]  }
0x73: {  	v21 =	vld [tilespmem:s6+$0x14270]  }
0x74: {  	v22 =	vld [tilespmem:s6+$0x81F0]  }
0x75: {  	v24 =	vld [tilespmem:s6+$0x81D0]  }
0x76: {  	v25 =	vld [tilespmem:s6+$0x14260]  }
0x77: {  	v26 =	vld [tilespmem:s6+$0x14250]  }
0x78: {  	v27 =	vld [tilespmem:s6+$0x81E0]  }
0x79: {  	v28 =	vld [tilespmem:s6+$0x14240];
	v21 =	vadd.f32 v21, v22  }
0x7a: {  	v29 =	vadd.f32 v14, v16;
	v22 =	vld [tilespmem:s6+$0x81C0]  }
0x7b: {  	v14 =	vld [tilespmem:s6+$0x14220];
	[tilespmem:s6+$0x81F0] =	vst v21  }
0x7c: {  	v21 =	vadd.f32 v15, v19;
	v16 =	vld [tilespmem:s6+$0x14230];
	[tilespmem:s6+$0x8200] =	vst v29  }
0x7d: {  	v19 =	vld [tilespmem:s6+$0x81B0];
	v25 =	vadd.f32 v25, v27  }
.Ltmp0:
0x7e: {  	v15 =	vld [tilespmem:s6+$0x14210];
	[tilespmem:s6+$0x8210] =	vst v21;
	(pc) =	sbr.rel @p0 .LBB2_2-.Ltmp0, $4  }
0x7f: {  	v21 =	vadd.f32 v23, v17;
	v23 =	vadd.f32 v28, v22;
	[tilespmem:s6+$0x81E0] =	vst v25;
	v22 =	vld [tilespmem:s6+$0x142C0]  }
0x80: {  	v25 =	vadd.f32 v18, v20;
	v17 =	vld [tilespmem:s6+$0x142A0]  }
0x81: {  	[tilespmem:s6+$0x8180] =	vst v21;
	v21 =	vld [tilespmem:s6+$0x8260]  }
0x82: {  	s8 =	sadd.s32 $0x400, s8;
	v18 =	vadd.f32 v26, v24;
	v20 =	vld [tilespmem:s6+$0x8190];
	[tilespmem:s6+$0x8230] =	vst v25  }
0x83: {  	v24 =	vld [tilespmem:s6+$0x81A0];
	v16 =	vadd.f32 v16, v19;
	[tilespmem:s6+$0x81C0] =	vst v23  }
0x84: {  	v10 =	vadd.f32 v11, v10;
	[tilespmem:s6+$0x81D0] =	vst v18  }
0x85: {  	v13 =	vadd.f32 v22, v13;
	[tilespmem:s6+$0x81B0] =	vst v16  }
0x86: {  	[tilespmem:s6+$0x8250] =	vst v10;
	v9 =	vadd.f32 v9, v21  }
0x87: {  	s7 =	simm.s32 $0x0;
	[tilespmem:s6+$0x8240] =	vst v13;
	v10 =	vadd.f32 v15, v20  }
0x88: {  	v11 =	vadd.s32 s7, v0;
	[tilespmem:s6+$0x8260] =	vst v9;
	v9 =	vadd.f32 v14, v24  }
0x89: {  	s8 =	simm.s32 $0x1;
	v12 =	vadd.f32 v17, v12;
	[tilespmem:s6+$0x8190] =	vst v10;
	v10 =	vand.u32 $0x3F, v11  }
0x8a: {  	[tilespmem:s6+$0x81A0] =	vst v9;
	v9 =	vor.u32 v1, v10;
	v10 =	vadd.s32 s8, v0  }
0x8b: {  	[tilespmem:s6+$0x8220] =	vst v12;
	v10 =	vand.u32 $0x3F, v10  }
0x8c: {  	s9 =	simm.s32 $0x2;
	_ =	swait.ge [sflag:s20], $0x2000;
	v10 =	vor.u32 v1, v10  }
0x8d: {  	v11 =	vadd.s32 s9, v0;
	[sflag:s20] =	ssyncset.done $0x0  }
0x8e: {  	s10 =	simm.s32 $0x3;
	v11 =	vand.u32 $0x3F, v11;
	[sflag:s20] =	ssyncadd.s32 $0xFFFFE000  }
0x8f: {  	v13 =	vadd.s32 s10, v0;
	v11 =	vor.u32 v1, v11;
	v12 =	vld.idx.msk [tilespmem:v9+s29+$0x0], $0xffff  }
0x90: {  	v14 =	vld.idx.msk [tilespmem:v9+s31+$0x0], $0xffff;
	v9 =	vand.u32 $0x3F, v13  }
0x91: {  	v16 =	vor.u32 v1, v9;
	v15 =	vld.idx.msk [tilespmem:v10+s29+$0x0], $0xffff  }
0x92: {  	s11 =	simm.s32 $0x4;
	v17 =	vld.idx.msk [tilespmem:v10+s31+$0x0], $0xffff  }
0x93: {  	v10 =	vadd.s32 s11, v0  }
0x94: {  	s12 =	simm.s32 $0x5;
	v9 =	vld.idx.msk [tilespmem:v11+s29+$0x0], $0xffff;
	v10 =	vand.u32 $0x3F, v10  }
0x95: {  	v11 =	vld.idx.msk [tilespmem:v11+s31+$0x0], $0xffff;
	v13 =	vor.u32 v1, v10;
	v12 =	vsub.f32 v12, v14;
	v14 =	vadd.s32 s12, v0  }
0x96: {  	v18 =	vimm.f32 $0.0e+00;
	v14 =	vand.u32 $0x3F, v14;
	v10 =	vld.idx.msk [tilespmem:v16+s29+$0x0], $0xffff  }
0x97: {  	v19 =	vand.u32 $0x7FFFFFFF, v12;
	v14 =	vor.u32 v1, v14;
	v12 =	vld.idx.msk [tilespmem:v16+s31+$0x0], $0xffff;
	v16 =	vsub.f32 v15, v17  }
0x98: {  	s7 =	simm.s32 $0x8;
	s6 =	simm.s32 $0x6;
	v15 =	vadd.f32 v19, v18  }
.LBB2_4:
0x99: {  	p0 =	slt.u32 s7, $0x3E;
	v17 =	vadd.s32 s6, v0;
	v18 =	vand.u32 $0x7FFFFFFF, v16;
	s8 =	smov.u32 s7;
	s7 =	sadd.s32 $0x2, s7  }
.Ltmp1:
0x9a: {  	s9 =	sadd.s32 $0x1, s6;
	v16 =	vmov v9;
	v17 =	vand.u32 $0x3F, v17;
	v15 =	vadd.f32 v18, v15;
	v9 =	vld.idx.msk [tilespmem:v13+s29+$0x0], $0xffff;
	s6 =	smov.u32 s8;
	(pc) =	sbr.rel @p0 .LBB2_4-.Ltmp1, $4  }
0x9b: {  	v19 =	vadd.s32 s9, v0;
	v16 =	vsub.f32 v16, v11;
	v11 =	vld.idx.msk [tilespmem:v13+s31+$0x0], $0xffff;
	v13 =	vor.u32 v1, v17  }
0x9c: {  	v17 =	vand.u32 $0x3F, v19;
	v18 =	vmov v10;
	v10 =	vld.idx.msk [tilespmem:v14+s29+$0x0], $0xffff  }
0x9d: {  	v19 =	vand.u32 $0x7FFFFFFF, v16;
	v16 =	vsub.f32 v18, v12;
	v12 =	vld.idx.msk [tilespmem:v14+s31+$0x0], $0xffff;
	v14 =	vor.u32 v1, v17  }
0x9e: {  	v15 =	vadd.f32 v19, v15  }
0x9f: {  	_ = 	snop  }
0xa0: {  	v17 =	vadd.s32 s6, v0  }
0xa1: {  	s12 =	sadd.s32 $0x1, s6;
	v17 =	vand.u32 $0x3F, v17  }
0xa2: {  	v18 =	vadd.s32 s12, v0;
	v17 =	vor.u32 v1, v17  }
0xa3: {  	v19 =	vld.idx.msk [tilespmem:v13+s29+$0x0], $0xffff;
	v18 =	vand.u32 $0x3F, v18  }
0xa4: {  	v13 =	vld.idx.msk [tilespmem:v13+s31+$0x0], $0xffff;
	v18 =	vor.u32 v1, v18  }
0xa5: {  	v16 =	vand.u32 $0x7FFFFFFF, v16;
	v9 =	vsub.f32 v9, v11;
	v11 =	vld.idx.msk [tilespmem:v14+s29+$0x0], $0xffff  }
0xa6: {  	v15 =	vadd.f32 v16, v15;
	v14 =	vld.idx.msk [tilespmem:v14+s31+$0x0], $0xffff  }
0xa7: {  	v9 =	vand.u32 $0x7FFFFFFF, v9;
	v10 =	vsub.f32 v10, v12;
	v12 =	vld.idx.msk [tilespmem:v17+s29+$0x0], $0xffff  }
0xa8: {  	v9 =	vadd.f32 v9, v15;
	v15 =	vld.idx.msk [tilespmem:v17+s31+$0x0], $0xffff  }
0xa9: {  	v10 =	vand.u32 $0x7FFFFFFF, v10;
	v13 =	vsub.f32 v19, v13;
	v16 =	vld.idx.msk [tilespmem:v18+s29+$0x0], $0xffff  }
0xaa: {  	v9 =	vadd.f32 v10, v9;
	v10 =	vld.idx.msk [tilespmem:v18+s31+$0x0], $0xffff  }
0xab: {  	v11 =	vsub.f32 v11, v14;
	v13 =	vand.u32 $0x7FFFFFFF, v13  }
0xac: {  	v9 =	vadd.f32 v13, v9  }
0xad: {  	v11 =	vand.u32 $0x7FFFFFFF, v11;
	v12 =	vsub.f32 v12, v15  }
0xae: {  	v9 =	vadd.f32 v11, v9  }
0xaf: {  	s7 =	simm.s32 $0x0;
	v10 =	vsub.f32 v16, v10;
	v11 =	vand.u32 $0x7FFFFFFF, v12  }
0xb0: {  	v9 =	vadd.f32 v11, v9;
	v11 =	vadd.s32 s7, v0  }
0xb1: {  	v10 =	vand.u32 $0x7FFFFFFF, v10;
	v11 =	vand.u32 $0x3F, v11  }
0xb2: {  	s8 =	simm.s32 $0x1;
	v9 =	vadd.f32 v10, v9;
	v10 =	vor.u32 v2, v11  }
0xb3: {  	v11 =	vadd.s32 s8, v0  }
0xb4: {  	v11 =	vand.u32 $0x3F, v11;
	v9 =	vsub.f32 $1.200000000e+01, v9  }
0xb5: {  	s9 =	simm.s32 $0x2;
	v11 =	vor.u32 v2, v11  }
0xb6: {  	[tilespmem:$0xA180] =	vst v9;
	v9 =	vadd.s32 s9, v0  }
0xb7: {  	s10 =	simm.s32 $0x3;
	v9 =	vand.u32 $0x3F, v9;
	v12 =	vld.idx.msk [tilespmem:v10+s29+$0x0], $0xffff  }
0xb8: {  	v10 =	vld.idx.msk [tilespmem:v10+s31+$0x0], $0xffff;
	v13 =	vor.u32 v2, v9;
	v9 =	vadd.s32 s10, v0  }
0xb9: {  	v9 =	vand.u32 $0x3F, v9  }
0xba: {  	v15 =	vld.idx.msk [tilespmem:v11+s29+$0x0], $0xffff;
	v16 =	vor.u32 v2, v9  }
0xbb: {  	s11 =	simm.s32 $0x4;
	v17 =	vld.idx.msk [tilespmem:v11+s31+$0x0], $0xffff  }
0xbc: {  	v11 =	vadd.s32 s11, v0  }
0xbd: {  	s12 =	simm.s32 $0x5;
	v12 =	vsub.f32 v12, v10;
	v10 =	vand.u32 $0x3F, v11;
	v9 =	vld.idx.msk [tilespmem:v13+s29+$0x0], $0xffff  }
0xbe: {  	v14 =	vadd.s32 s12, v0;
	v11 =	vld.idx.msk [tilespmem:v13+s31+$0x0], $0xffff;
	v13 =	vor.u32 v2, v10  }
0xbf: {  	v14 =	vand.u32 $0x3F, v14;
	v18 =	vimm.f32 $0.0e+00;
	v10 =	vld.idx.msk [tilespmem:v16+s29+$0x0], $0xffff  }
0xc0: {  	v14 =	vor.u32 v2, v14;
	v19 =	vand.u32 $0x7FFFFFFF, v12;
	v12 =	vld.idx.msk [tilespmem:v16+s31+$0x0], $0xffff;
	v16 =	vsub.f32 v15, v17  }
0xc1: {  	s6 =	simm.s32 $0x6;
	s7 =	simm.s32 $0x8;
	v15 =	vadd.f32 v19, v18  }
.LBB2_6:
0xc2: {  	p0 =	slt.u32 s7, $0x3E;
	v17 =	vadd.s32 s6, v0;
	v18 =	vand.u32 $0x7FFFFFFF, v16;
	s8 =	smov.u32 s7;
	s7 =	sadd.s32 $0x2, s7  }
.Ltmp2:
0xc3: {  	s9 =	sadd.s32 $0x1, s6;
	v16 =	vmov v9;
	v17 =	vand.u32 $0x3F, v17;
	v15 =	vadd.f32 v18, v15;
	v9 =	vld.idx.msk [tilespmem:v13+s29+$0x0], $0xffff;
	s6 =	smov.u32 s8;
	(pc) =	sbr.rel @p0 .LBB2_6-.Ltmp2, $4  }
0xc4: {  	v19 =	vadd.s32 s9, v0;
	v16 =	vsub.f32 v16, v11;
	v11 =	vld.idx.msk [tilespmem:v13+s31+$0x0], $0xffff;
	v13 =	vor.u32 v2, v17  }
0xc5: {  	v17 =	vand.u32 $0x3F, v19;
	v18 =	vmov v10;
	v10 =	vld.idx.msk [tilespmem:v14+s29+$0x0], $0xffff  }
0xc6: {  	v19 =	vand.u32 $0x7FFFFFFF, v16;
	v16 =	vsub.f32 v18, v12;
	v12 =	vld.idx.msk [tilespmem:v14+s31+$0x0], $0xffff;
	v14 =	vor.u32 v2, v17  }
0xc7: {  	v15 =	vadd.f32 v19, v15  }
0xc8: {  	_ = 	snop  }
0xc9: {  	v17 =	vadd.s32 s6, v0  }
0xca: {  	s12 =	sadd.s32 $0x1, s6;
	v17 =	vand.u32 $0x3F, v17  }
0xcb: {  	v18 =	vadd.s32 s12, v0;
	v17 =	vor.u32 v2, v17  }
0xcc: {  	v19 =	vld.idx.msk [tilespmem:v13+s29+$0x0], $0xffff;
	v18 =	vand.u32 $0x3F, v18  }
0xcd: {  	v13 =	vld.idx.msk [tilespmem:v13+s31+$0x0], $0xffff;
	v18 =	vor.u32 v2, v18  }
0xce: {  	v16 =	vand.u32 $0x7FFFFFFF, v16;
	v9 =	vsub.f32 v9, v11;
	v11 =	vld.idx.msk [tilespmem:v14+s29+$0x0], $0xffff  }
0xcf: {  	v15 =	vadd.f32 v16, v15;
	v14 =	vld.idx.msk [tilespmem:v14+s31+$0x0], $0xffff  }
0xd0: {  	v9 =	vand.u32 $0x7FFFFFFF, v9;
	v10 =	vsub.f32 v10, v12;
	v12 =	vld.idx.msk [tilespmem:v17+s29+$0x0], $0xffff  }
0xd1: {  	v9 =	vadd.f32 v9, v15;
	v15 =	vld.idx.msk [tilespmem:v17+s31+$0x0], $0xffff  }
0xd2: {  	v10 =	vand.u32 $0x7FFFFFFF, v10;
	v13 =	vsub.f32 v19, v13;
	v16 =	vld.idx.msk [tilespmem:v18+s29+$0x0], $0xffff  }
0xd3: {  	v9 =	vadd.f32 v10, v9;
	v10 =	vld.idx.msk [tilespmem:v18+s31+$0x0], $0xffff  }
0xd4: {  	v11 =	vsub.f32 v11, v14;
	v13 =	vand.u32 $0x7FFFFFFF, v13  }
0xd5: {  	v9 =	vadd.f32 v13, v9  }
0xd6: {  	v11 =	vand.u32 $0x7FFFFFFF, v11;
	v12 =	vsub.f32 v12, v15  }
0xd7: {  	v9 =	vadd.f32 v11, v9  }
0xd8: {  	s7 =	simm.s32 $0x0;
	v10 =	vsub.f32 v16, v10;
	v11 =	vand.u32 $0x7FFFFFFF, v12  }
0xd9: {  	v9 =	vadd.f32 v11, v9;
	v11 =	vadd.s32 s7, v0  }
0xda: {  	v10 =	vand.u32 $0x7FFFFFFF, v10;
	v11 =	vand.u32 $0x3F, v11  }
0xdb: {  	s8 =	simm.s32 $0x1;
	v9 =	vadd.f32 v10, v9;
	v10 =	vor.u32 v3, v11  }
0xdc: {  	v11 =	vadd.s32 s8, v0  }
0xdd: {  	v11 =	vand.u32 $0x3F, v11;
	v9 =	vsub.f32 $1.200000000e+01, v9  }
0xde: {  	s9 =	simm.s32 $0x2;
	v11 =	vor.u32 v3, v11  }
0xdf: {  	[tilespmem:$0xA190] =	vst v9;
	v9 =	vadd.s32 s9, v0  }
0xe0: {  	s10 =	simm.s32 $0x3;
	v9 =	vand.u32 $0x3F, v9;
	v12 =	vld.idx.msk [tilespmem:v10+s29+$0x0], $0xffff  }
0xe1: {  	v10 =	vld.idx.msk [tilespmem:v10+s31+$0x0], $0xffff;
	v13 =	vor.u32 v3, v9;
	v9 =	vadd.s32 s10, v0  }
0xe2: {  	v9 =	vand.u32 $0x3F, v9  }
0xe3: {  	v15 =	vld.idx.msk [tilespmem:v11+s29+$0x0], $0xffff;
	v16 =	vor.u32 v3, v9  }
0xe4: {  	s11 =	simm.s32 $0x4;
	v17 =	vld.idx.msk [tilespmem:v11+s31+$0x0], $0xffff  }
0xe5: {  	v11 =	vadd.s32 s11, v0  }
0xe6: {  	s12 =	simm.s32 $0x5;
	v12 =	vsub.f32 v12, v10;
	v10 =	vand.u32 $0x3F, v11;
	v9 =	vld.idx.msk [tilespmem:v13+s29+$0x0], $0xffff  }
0xe7: {  	v14 =	vadd.s32 s12, v0;
	v11 =	vld.idx.msk [tilespmem:v13+s31+$0x0], $0xffff;
	v13 =	vor.u32 v3, v10  }
0xe8: {  	v14 =	vand.u32 $0x3F, v14;
	v18 =	vimm.f32 $0.0e+00;
	v10 =	vld.idx.msk [tilespmem:v16+s29+$0x0], $0xffff  }
0xe9: {  	v14 =	vor.u32 v3, v14;
	v19 =	vand.u32 $0x7FFFFFFF, v12;
	v12 =	vld.idx.msk [tilespmem:v16+s31+$0x0], $0xffff;
	v16 =	vsub.f32 v15, v17  }
0xea: {  	s6 =	simm.s32 $0x6;
	s7 =	simm.s32 $0x8;
	v15 =	vadd.f32 v19, v18  }
.LBB2_8:
0xeb: {  	p0 =	slt.u32 s7, $0x3E;
	v17 =	vadd.s32 s6, v0;
	v18 =	vand.u32 $0x7FFFFFFF, v16;
	s8 =	smov.u32 s7;
	s7 =	sadd.s32 $0x2, s7  }
.Ltmp3:
0xec: {  	s9 =	sadd.s32 $0x1, s6;
	v16 =	vmov v9;
	v17 =	vand.u32 $0x3F, v17;
	v15 =	vadd.f32 v18, v15;
	v9 =	vld.idx.msk [tilespmem:v13+s29+$0x0], $0xffff;
	s6 =	smov.u32 s8;
	(pc) =	sbr.rel @p0 .LBB2_8-.Ltmp3, $4  }
0xed: {  	v19 =	vadd.s32 s9, v0;
	v16 =	vsub.f32 v16, v11;
	v11 =	vld.idx.msk [tilespmem:v13+s31+$0x0], $0xffff;
	v13 =	vor.u32 v3, v17  }
0xee: {  	v17 =	vand.u32 $0x3F, v19;
	v18 =	vmov v10;
	v10 =	vld.idx.msk [tilespmem:v14+s29+$0x0], $0xffff  }
0xef: {  	v19 =	vand.u32 $0x7FFFFFFF, v16;
	v16 =	vsub.f32 v18, v12;
	v12 =	vld.idx.msk [tilespmem:v14+s31+$0x0], $0xffff;
	v14 =	vor.u32 v3, v17  }
0xf0: {  	v15 =	vadd.f32 v19, v15  }
0xf1: {  	_ = 	snop  }
0xf2: {  	v17 =	vadd.s32 s6, v0  }
0xf3: {  	s12 =	sadd.s32 $0x1, s6;
	v17 =	vand.u32 $0x3F, v17  }
0xf4: {  	v18 =	vadd.s32 s12, v0;
	v17 =	vor.u32 v3, v17  }
0xf5: {  	v19 =	vld.idx.msk [tilespmem:v13+s29+$0x0], $0xffff;
	v18 =	vand.u32 $0x3F, v18  }
0xf6: {  	v13 =	vld.idx.msk [tilespmem:v13+s31+$0x0], $0xffff;
	v18 =	vor.u32 v3, v18  }
0xf7: {  	v16 =	vand.u32 $0x7FFFFFFF, v16;
	v9 =	vsub.f32 v9, v11;
	v11 =	vld.idx.msk [tilespmem:v14+s29+$0x0], $0xffff  }
0xf8: {  	v15 =	vadd.f32 v16, v15;
	v14 =	vld.idx.msk [tilespmem:v14+s31+$0x0], $0xffff  }
0xf9: {  	v9 =	vand.u32 $0x7FFFFFFF, v9;
	v10 =	vsub.f32 v10, v12;
	v12 =	vld.idx.msk [tilespmem:v17+s29+$0x0], $0xffff  }
0xfa: {  	v9 =	vadd.f32 v9, v15;
	v15 =	vld.idx.msk [tilespmem:v17+s31+$0x0], $0xffff  }
0xfb: {  	v10 =	vand.u32 $0x7FFFFFFF, v10;
	v13 =	vsub.f32 v19, v13;
	v16 =	vld.idx.msk [tilespmem:v18+s29+$0x0], $0xffff  }
0xfc: {  	v9 =	vadd.f32 v10, v9;
	v10 =	vld.idx.msk [tilespmem:v18+s31+$0x0], $0xffff  }
0xfd: {  	v11 =	vsub.f32 v11, v14;
	v13 =	vand.u32 $0x7FFFFFFF, v13  }
0xfe: {  	v9 =	vadd.f32 v13, v9  }
0xff: {  	v11 =	vand.u32 $0x7FFFFFFF, v11;
	v12 =	vsub.f32 v12, v15  }
0x100: {  	v9 =	vadd.f32 v11, v9  }
0x101: {  	s7 =	simm.s32 $0x0;
	v10 =	vsub.f32 v16, v10;
	v11 =	vand.u32 $0x7FFFFFFF, v12  }
0x102: {  	v9 =	vadd.f32 v11, v9;
	v11 =	vadd.s32 s7, v0  }
0x103: {  	v10 =	vand.u32 $0x7FFFFFFF, v10;
	v11 =	vand.u32 $0x3F, v11  }
0x104: {  	s8 =	simm.s32 $0x1;
	v9 =	vadd.f32 v10, v9;
	v10 =	vor.u32 v4, v11  }
0x105: {  	v11 =	vadd.s32 s8, v0  }
0x106: {  	v11 =	vand.u32 $0x3F, v11;
	v9 =	vsub.f32 $1.200000000e+01, v9  }
0x107: {  	s9 =	simm.s32 $0x2;
	v11 =	vor.u32 v4, v11  }
0x108: {  	[tilespmem:$0xA1A0] =	vst v9;
	v9 =	vadd.s32 s9, v0  }
0x109: {  	s10 =	simm.s32 $0x3;
	v9 =	vand.u32 $0x3F, v9;
	v12 =	vld.idx.msk [tilespmem:v10+s29+$0x0], $0xffff  }
0x10a: {  	v10 =	vld.idx.msk [tilespmem:v10+s31+$0x0], $0xffff;
	v13 =	vor.u32 v4, v9;
	v9 =	vadd.s32 s10, v0  }
0x10b: {  	v9 =	vand.u32 $0x3F, v9  }
0x10c: {  	v15 =	vld.idx.msk [tilespmem:v11+s29+$0x0], $0xffff;
	v16 =	vor.u32 v4, v9  }
0x10d: {  	s11 =	simm.s32 $0x4;
	v17 =	vld.idx.msk [tilespmem:v11+s31+$0x0], $0xffff  }
0x10e: {  	v11 =	vadd.s32 s11, v0  }
0x10f: {  	s12 =	simm.s32 $0x5;
	v12 =	vsub.f32 v12, v10;
	v10 =	vand.u32 $0x3F, v11;
	v9 =	vld.idx.msk [tilespmem:v13+s29+$0x0], $0xffff  }
0x110: {  	v14 =	vadd.s32 s12, v0;
	v11 =	vld.idx.msk [tilespmem:v13+s31+$0x0], $0xffff;
	v13 =	vor.u32 v4, v10  }
0x111: {  	v14 =	vand.u32 $0x3F, v14;
	v18 =	vimm.f32 $0.0e+00;
	v10 =	vld.idx.msk [tilespmem:v16+s29+$0x0], $0xffff  }
0x112: {  	v14 =	vor.u32 v4, v14;
	v19 =	vand.u32 $0x7FFFFFFF, v12;
	v12 =	vld.idx.msk [tilespmem:v16+s31+$0x0], $0xffff;
	v16 =	vsub.f32 v15, v17  }
0x113: {  	s6 =	simm.s32 $0x6;
	s7 =	simm.s32 $0x8;
	v15 =	vadd.f32 v19, v18  }
.LBB2_10:
0x114: {  	p0 =	slt.u32 s7, $0x3E;
	v17 =	vadd.s32 s6, v0;
	v18 =	vand.u32 $0x7FFFFFFF, v16;
	s8 =	smov.u32 s7;
	s7 =	sadd.s32 $0x2, s7  }
.Ltmp4:
0x115: {  	s9 =	sadd.s32 $0x1, s6;
	v16 =	vmov v9;
	v17 =	vand.u32 $0x3F, v17;
	v15 =	vadd.f32 v18, v15;
	v9 =	vld.idx.msk [tilespmem:v13+s29+$0x0], $0xffff;
	s6 =	smov.u32 s8;
	(pc) =	sbr.rel @p0 .LBB2_10-.Ltmp4, $4  }
0x116: {  	v19 =	vadd.s32 s9, v0;
	v16 =	vsub.f32 v16, v11;
	v11 =	vld.idx.msk [tilespmem:v13+s31+$0x0], $0xffff;
	v13 =	vor.u32 v4, v17  }
0x117: {  	v17 =	vand.u32 $0x3F, v19;
	v18 =	vmov v10;
	v10 =	vld.idx.msk [tilespmem:v14+s29+$0x0], $0xffff  }
0x118: {  	v19 =	vand.u32 $0x7FFFFFFF, v16;
	v16 =	vsub.f32 v18, v12;
	v12 =	vld.idx.msk [tilespmem:v14+s31+$0x0], $0xffff;
	v14 =	vor.u32 v4, v17  }
0x119: {  	v15 =	vadd.f32 v19, v15  }
0x11a: {  	_ = 	snop  }
0x11b: {  	v17 =	vadd.s32 s6, v0  }
0x11c: {  	s12 =	sadd.s32 $0x1, s6;
	v17 =	vand.u32 $0x3F, v17  }
0x11d: {  	v18 =	vadd.s32 s12, v0;
	v17 =	vor.u32 v4, v17  }
0x11e: {  	v19 =	vld.idx.msk [tilespmem:v13+s29+$0x0], $0xffff;
	v18 =	vand.u32 $0x3F, v18  }
0x11f: {  	v13 =	vld.idx.msk [tilespmem:v13+s31+$0x0], $0xffff;
	v18 =	vor.u32 v4, v18  }
0x120: {  	v16 =	vand.u32 $0x7FFFFFFF, v16;
	v9 =	vsub.f32 v9, v11;
	v11 =	vld.idx.msk [tilespmem:v14+s29+$0x0], $0xffff  }
0x121: {  	v15 =	vadd.f32 v16, v15;
	v14 =	vld.idx.msk [tilespmem:v14+s31+$0x0], $0xffff  }
0x122: {  	v9 =	vand.u32 $0x7FFFFFFF, v9;
	v10 =	vsub.f32 v10, v12;
	v12 =	vld.idx.msk [tilespmem:v17+s29+$0x0], $0xffff  }
0x123: {  	v9 =	vadd.f32 v9, v15;
	v15 =	vld.idx.msk [tilespmem:v17+s31+$0x0], $0xffff  }
0x124: {  	v10 =	vand.u32 $0x7FFFFFFF, v10;
	v13 =	vsub.f32 v19, v13;
	v16 =	vld.idx.msk [tilespmem:v18+s29+$0x0], $0xffff  }
0x125: {  	v9 =	vadd.f32 v10, v9;
	v10 =	vld.idx.msk [tilespmem:v18+s31+$0x0], $0xffff  }
0x126: {  	v11 =	vsub.f32 v11, v14;
	v13 =	vand.u32 $0x7FFFFFFF, v13  }
0x127: {  	v9 =	vadd.f32 v13, v9  }
0x128: {  	v11 =	vand.u32 $0x7FFFFFFF, v11;
	v12 =	vsub.f32 v12, v15  }
0x129: {  	v9 =	vadd.f32 v11, v9  }
0x12a: {  	s7 =	simm.s32 $0x0;
	v10 =	vsub.f32 v16, v10;
	v11 =	vand.u32 $0x7FFFFFFF, v12  }
0x12b: {  	v9 =	vadd.f32 v11, v9;
	v11 =	vadd.s32 s7, v0  }
0x12c: {  	v10 =	vand.u32 $0x7FFFFFFF, v10;
	v11 =	vand.u32 $0x3F, v11  }
0x12d: {  	s8 =	simm.s32 $0x1;
	v9 =	vadd.f32 v10, v9;
	v10 =	vor.u32 v5, v11  }
0x12e: {  	v11 =	vadd.s32 s8, v0  }
0x12f: {  	v11 =	vand.u32 $0x3F, v11;
	v9 =	vsub.f32 $1.200000000e+01, v9  }
0x130: {  	s9 =	simm.s32 $0x2;
	v11 =	vor.u32 v5, v11  }
0x131: {  	[tilespmem:$0xA1B0] =	vst v9;
	v9 =	vadd.s32 s9, v0  }
0x132: {  	s10 =	simm.s32 $0x3;
	v9 =	vand.u32 $0x3F, v9;
	v12 =	vld.idx.msk [tilespmem:v10+s29+$0x0], $0xffff  }
0x133: {  	v10 =	vld.idx.msk [tilespmem:v10+s31+$0x0], $0xffff;
	v13 =	vor.u32 v5, v9;
	v9 =	vadd.s32 s10, v0  }
0x134: {  	v9 =	vand.u32 $0x3F, v9  }
0x135: {  	v15 =	vld.idx.msk [tilespmem:v11+s29+$0x0], $0xffff;
	v16 =	vor.u32 v5, v9  }
0x136: {  	s11 =	simm.s32 $0x4;
	v17 =	vld.idx.msk [tilespmem:v11+s31+$0x0], $0xffff  }
0x137: {  	v11 =	vadd.s32 s11, v0  }
0x138: {  	s12 =	simm.s32 $0x5;
	v12 =	vsub.f32 v12, v10;
	v10 =	vand.u32 $0x3F, v11;
	v9 =	vld.idx.msk [tilespmem:v13+s29+$0x0], $0xffff  }
0x139: {  	v14 =	vadd.s32 s12, v0;
	v11 =	vld.idx.msk [tilespmem:v13+s31+$0x0], $0xffff;
	v13 =	vor.u32 v5, v10  }
0x13a: {  	v14 =	vand.u32 $0x3F, v14;
	v18 =	vimm.f32 $0.0e+00;
	v10 =	vld.idx.msk [tilespmem:v16+s29+$0x0], $0xffff  }
0x13b: {  	v14 =	vor.u32 v5, v14;
	v19 =	vand.u32 $0x7FFFFFFF, v12;
	v12 =	vld.idx.msk [tilespmem:v16+s31+$0x0], $0xffff;
	v16 =	vsub.f32 v15, v17  }
0x13c: {  	s6 =	simm.s32 $0x6;
	s7 =	simm.s32 $0x8;
	v15 =	vadd.f32 v19, v18  }
.LBB2_12:
0x13d: {  	p0 =	slt.u32 s7, $0x3E;
	v17 =	vadd.s32 s6, v0;
	v18 =	vand.u32 $0x7FFFFFFF, v16;
	s8 =	smov.u32 s7;
	s7 =	sadd.s32 $0x2, s7  }
.Ltmp5:
0x13e: {  	s9 =	sadd.s32 $0x1, s6;
	v16 =	vmov v9;
	v17 =	vand.u32 $0x3F, v17;
	v15 =	vadd.f32 v18, v15;
	v9 =	vld.idx.msk [tilespmem:v13+s29+$0x0], $0xffff;
	s6 =	smov.u32 s8;
	(pc) =	sbr.rel @p0 .LBB2_12-.Ltmp5, $4  }
0x13f: {  	v19 =	vadd.s32 s9, v0;
	v16 =	vsub.f32 v16, v11;
	v11 =	vld.idx.msk [tilespmem:v13+s31+$0x0], $0xffff;
	v13 =	vor.u32 v5, v17  }
0x140: {  	v17 =	vand.u32 $0x3F, v19;
	v18 =	vmov v10;
	v10 =	vld.idx.msk [tilespmem:v14+s29+$0x0], $0xffff  }
0x141: {  	v19 =	vand.u32 $0x7FFFFFFF, v16;
	v16 =	vsub.f32 v18, v12;
	v12 =	vld.idx.msk [tilespmem:v14+s31+$0x0], $0xffff;
	v14 =	vor.u32 v5, v17  }
0x142: {  	v15 =	vadd.f32 v19, v15  }
0x143: {  	_ = 	snop  }
0x144: {  	v17 =	vadd.s32 s6, v0  }
0x145: {  	s12 =	sadd.s32 $0x1, s6;
	v17 =	vand.u32 $0x3F, v17  }
0x146: {  	v18 =	vadd.s32 s12, v0;
	v17 =	vor.u32 v5, v17  }
0x147: {  	v19 =	vld.idx.msk [tilespmem:v13+s29+$0x0], $0xffff;
	v18 =	vand.u32 $0x3F, v18  }
0x148: {  	v13 =	vld.idx.msk [tilespmem:v13+s31+$0x0], $0xffff;
	v18 =	vor.u32 v5, v18  }
0x149: {  	v16 =	vand.u32 $0x7FFFFFFF, v16;
	v9 =	vsub.f32 v9, v11;
	v11 =	vld.idx.msk [tilespmem:v14+s29+$0x0], $0xffff  }
0x14a: {  	v15 =	vadd.f32 v16, v15;
	v14 =	vld.idx.msk [tilespmem:v14+s31+$0x0], $0xffff  }
0x14b: {  	v9 =	vand.u32 $0x7FFFFFFF, v9;
	v10 =	vsub.f32 v10, v12;
	v12 =	vld.idx.msk [tilespmem:v17+s29+$0x0], $0xffff  }
0x14c: {  	v9 =	vadd.f32 v9, v15;
	v15 =	vld.idx.msk [tilespmem:v17+s31+$0x0], $0xffff  }
0x14d: {  	v10 =	vand.u32 $0x7FFFFFFF, v10;
	v13 =	vsub.f32 v19, v13;
	v16 =	vld.idx.msk [tilespmem:v18+s29+$0x0], $0xffff  }
0x14e: {  	v9 =	vadd.f32 v10, v9;
	v10 =	vld.idx.msk [tilespmem:v18+s31+$0x0], $0xffff  }
0x14f: {  	v11 =	vsub.f32 v11, v14;
	v13 =	vand.u32 $0x7FFFFFFF, v13  }
0x150: {  	v9 =	vadd.f32 v13, v9  }
0x151: {  	v11 =	vand.u32 $0x7FFFFFFF, v11;
	v12 =	vsub.f32 v12, v15  }
0x152: {  	v9 =	vadd.f32 v11, v9  }
0x153: {  	s7 =	simm.s32 $0x0;
	v10 =	vsub.f32 v16, v10;
	v11 =	vand.u32 $0x7FFFFFFF, v12  }
0x154: {  	v9 =	vadd.f32 v11, v9;
	v11 =	vadd.s32 s7, v0  }
0x155: {  	v10 =	vand.u32 $0x7FFFFFFF, v10;
	v11 =	vand.u32 $0x3F, v11  }
0x156: {  	s8 =	simm.s32 $0x1;
	v9 =	vadd.f32 v10, v9;
	v10 =	vor.u32 v6, v11  }
0x157: {  	v11 =	vadd.s32 s8, v0  }
0x158: {  	v11 =	vand.u32 $0x3F, v11;
	v9 =	vsub.f32 $1.200000000e+01, v9  }
0x159: {  	s9 =	simm.s32 $0x2;
	v11 =	vor.u32 v6, v11  }
0x15a: {  	[tilespmem:$0xA1C0] =	vst v9;
	v9 =	vadd.s32 s9, v0  }
0x15b: {  	s10 =	simm.s32 $0x3;
	v9 =	vand.u32 $0x3F, v9;
	v12 =	vld.idx.msk [tilespmem:v10+s29+$0x0], $0xffff  }
0x15c: {  	v10 =	vld.idx.msk [tilespmem:v10+s31+$0x0], $0xffff;
	v13 =	vor.u32 v6, v9;
	v9 =	vadd.s32 s10, v0  }
0x15d: {  	v9 =	vand.u32 $0x3F, v9  }
0x15e: {  	v15 =	vld.idx.msk [tilespmem:v11+s29+$0x0], $0xffff;
	v16 =	vor.u32 v6, v9  }
0x15f: {  	s11 =	simm.s32 $0x4;
	v17 =	vld.idx.msk [tilespmem:v11+s31+$0x0], $0xffff  }
0x160: {  	v11 =	vadd.s32 s11, v0  }
0x161: {  	s12 =	simm.s32 $0x5;
	v12 =	vsub.f32 v12, v10;
	v10 =	vand.u32 $0x3F, v11;
	v9 =	vld.idx.msk [tilespmem:v13+s29+$0x0], $0xffff  }
0x162: {  	v14 =	vadd.s32 s12, v0;
	v11 =	vld.idx.msk [tilespmem:v13+s31+$0x0], $0xffff;
	v13 =	vor.u32 v6, v10  }
0x163: {  	v14 =	vand.u32 $0x3F, v14;
	v18 =	vimm.f32 $0.0e+00;
	v10 =	vld.idx.msk [tilespmem:v16+s29+$0x0], $0xffff  }
0x164: {  	v14 =	vor.u32 v6, v14;
	v19 =	vand.u32 $0x7FFFFFFF, v12;
	v12 =	vld.idx.msk [tilespmem:v16+s31+$0x0], $0xffff;
	v16 =	vsub.f32 v15, v17  }
0x165: {  	s6 =	simm.s32 $0x6;
	s7 =	simm.s32 $0x8;
	v15 =	vadd.f32 v19, v18  }
.LBB2_14:
0x166: {  	p0 =	slt.u32 s7, $0x3E;
	v17 =	vadd.s32 s6, v0;
	v18 =	vand.u32 $0x7FFFFFFF, v16;
	s8 =	smov.u32 s7;
	s7 =	sadd.s32 $0x2, s7  }
.Ltmp6:
0x167: {  	s9 =	sadd.s32 $0x1, s6;
	v16 =	vmov v9;
	v17 =	vand.u32 $0x3F, v17;
	v15 =	vadd.f32 v18, v15;
	v9 =	vld.idx.msk [tilespmem:v13+s29+$0x0], $0xffff;
	s6 =	smov.u32 s8;
	(pc) =	sbr.rel @p0 .LBB2_14-.Ltmp6, $4  }
0x168: {  	v19 =	vadd.s32 s9, v0;
	v16 =	vsub.f32 v16, v11;
	v11 =	vld.idx.msk [tilespmem:v13+s31+$0x0], $0xffff;
	v13 =	vor.u32 v6, v17  }
0x169: {  	v17 =	vand.u32 $0x3F, v19;
	v18 =	vmov v10;
	v10 =	vld.idx.msk [tilespmem:v14+s29+$0x0], $0xffff  }
0x16a: {  	v19 =	vand.u32 $0x7FFFFFFF, v16;
	v16 =	vsub.f32 v18, v12;
	v12 =	vld.idx.msk [tilespmem:v14+s31+$0x0], $0xffff;
	v14 =	vor.u32 v6, v17  }
0x16b: {  	v15 =	vadd.f32 v19, v15  }
0x16c: {  	_ = 	snop  }
0x16d: {  	v17 =	vadd.s32 s6, v0  }
0x16e: {  	s12 =	sadd.s32 $0x1, s6;
	v17 =	vand.u32 $0x3F, v17  }
0x16f: {  	v18 =	vadd.s32 s12, v0;
	v17 =	vor.u32 v6, v17  }
0x170: {  	v19 =	vld.idx.msk [tilespmem:v13+s29+$0x0], $0xffff;
	v18 =	vand.u32 $0x3F, v18  }
0x171: {  	v13 =	vld.idx.msk [tilespmem:v13+s31+$0x0], $0xffff;
	v18 =	vor.u32 v6, v18  }
0x172: {  	v16 =	vand.u32 $0x7FFFFFFF, v16;
	v9 =	vsub.f32 v9, v11;
	v11 =	vld.idx.msk [tilespmem:v14+s29+$0x0], $0xffff  }
0x173: {  	v15 =	vadd.f32 v16, v15;
	v14 =	vld.idx.msk [tilespmem:v14+s31+$0x0], $0xffff  }
0x174: {  	v9 =	vand.u32 $0x7FFFFFFF, v9;
	v10 =	vsub.f32 v10, v12;
	v12 =	vld.idx.msk [tilespmem:v17+s29+$0x0], $0xffff  }
0x175: {  	v9 =	vadd.f32 v9, v15;
	v15 =	vld.idx.msk [tilespmem:v17+s31+$0x0], $0xffff  }
0x176: {  	v10 =	vand.u32 $0x7FFFFFFF, v10;
	v13 =	vsub.f32 v19, v13;
	v16 =	vld.idx.msk [tilespmem:v18+s29+$0x0], $0xffff  }
0x177: {  	v9 =	vadd.f32 v10, v9;
	v10 =	vld.idx.msk [tilespmem:v18+s31+$0x0], $0xffff  }
0x178: {  	v11 =	vsub.f32 v11, v14;
	v13 =	vand.u32 $0x7FFFFFFF, v13  }
0x179: {  	v9 =	vadd.f32 v13, v9  }
0x17a: {  	v11 =	vand.u32 $0x7FFFFFFF, v11;
	v12 =	vsub.f32 v12, v15  }
0x17b: {  	v9 =	vadd.f32 v11, v9  }
0x17c: {  	s7 =	simm.s32 $0x0;
	v10 =	vsub.f32 v16, v10;
	v11 =	vand.u32 $0x7FFFFFFF, v12  }
0x17d: {  	v9 =	vadd.f32 v11, v9;
	v11 =	vadd.s32 s7, v0  }
0x17e: {  	v10 =	vand.u32 $0x7FFFFFFF, v10;
	v11 =	vand.u32 $0x3F, v11  }
0x17f: {  	s8 =	simm.s32 $0x1;
	v9 =	vadd.f32 v10, v9;
	v10 =	vor.u32 v7, v11  }
0x180: {  	v11 =	vadd.s32 s8, v0  }
0x181: {  	v11 =	vand.u32 $0x3F, v11;
	v9 =	vsub.f32 $1.200000000e+01, v9  }
0x182: {  	s9 =	simm.s32 $0x2;
	v11 =	vor.u32 v7, v11  }
0x183: {  	[tilespmem:$0xA1D0] =	vst v9;
	v9 =	vadd.s32 s9, v0  }
0x184: {  	s10 =	simm.s32 $0x3;
	v9 =	vand.u32 $0x3F, v9;
	v12 =	vld.idx.msk [tilespmem:v10+s29+$0x0], $0xffff  }
0x185: {  	v10 =	vld.idx.msk [tilespmem:v10+s31+$0x0], $0xffff;
	v13 =	vor.u32 v7, v9;
	v9 =	vadd.s32 s10, v0  }
0x186: {  	v9 =	vand.u32 $0x3F, v9  }
0x187: {  	v15 =	vld.idx.msk [tilespmem:v11+s29+$0x0], $0xffff;
	v16 =	vor.u32 v7, v9  }
0x188: {  	s11 =	simm.s32 $0x4;
	v17 =	vld.idx.msk [tilespmem:v11+s31+$0x0], $0xffff  }
0x189: {  	v11 =	vadd.s32 s11, v0  }
0x18a: {  	s12 =	simm.s32 $0x5;
	v12 =	vsub.f32 v12, v10;
	v10 =	vand.u32 $0x3F, v11;
	v9 =	vld.idx.msk [tilespmem:v13+s29+$0x0], $0xffff  }
0x18b: {  	v14 =	vadd.s32 s12, v0;
	v11 =	vld.idx.msk [tilespmem:v13+s31+$0x0], $0xffff;
	v13 =	vor.u32 v7, v10  }
0x18c: {  	v14 =	vand.u32 $0x3F, v14;
	v18 =	vimm.f32 $0.0e+00;
	v10 =	vld.idx.msk [tilespmem:v16+s29+$0x0], $0xffff  }
0x18d: {  	v14 =	vor.u32 v7, v14;
	v19 =	vand.u32 $0x7FFFFFFF, v12;
	v12 =	vld.idx.msk [tilespmem:v16+s31+$0x0], $0xffff;
	v16 =	vsub.f32 v15, v17  }
0x18e: {  	s6 =	simm.s32 $0x6;
	s7 =	simm.s32 $0x8;
	v15 =	vadd.f32 v19, v18  }
.LBB2_16:
0x18f: {  	p0 =	slt.u32 s7, $0x3E;
	v17 =	vadd.s32 s6, v0;
	v18 =	vand.u32 $0x7FFFFFFF, v16;
	s8 =	smov.u32 s7;
	s7 =	sadd.s32 $0x2, s7  }
.Ltmp7:
0x190: {  	s9 =	sadd.s32 $0x1, s6;
	v16 =	vmov v9;
	v17 =	vand.u32 $0x3F, v17;
	v15 =	vadd.f32 v18, v15;
	v9 =	vld.idx.msk [tilespmem:v13+s29+$0x0], $0xffff;
	s6 =	smov.u32 s8;
	(pc) =	sbr.rel @p0 .LBB2_16-.Ltmp7, $4  }
0x191: {  	v19 =	vadd.s32 s9, v0;
	v16 =	vsub.f32 v16, v11;
	v11 =	vld.idx.msk [tilespmem:v13+s31+$0x0], $0xffff;
	v13 =	vor.u32 v7, v17  }
0x192: {  	v17 =	vand.u32 $0x3F, v19;
	v18 =	vmov v10;
	v10 =	vld.idx.msk [tilespmem:v14+s29+$0x0], $0xffff  }
0x193: {  	v19 =	vand.u32 $0x7FFFFFFF, v16;
	v16 =	vsub.f32 v18, v12;
	v12 =	vld.idx.msk [tilespmem:v14+s31+$0x0], $0xffff;
	v14 =	vor.u32 v7, v17  }
0x194: {  	v15 =	vadd.f32 v19, v15  }
0x195: {  	_ = 	snop  }
0x196: {  	v17 =	vadd.s32 s6, v0  }
0x197: {  	s12 =	sadd.s32 $0x1, s6;
	v17 =	vand.u32 $0x3F, v17  }
0x198: {  	v18 =	vadd.s32 s12, v0;
	v17 =	vor.u32 v7, v17  }
0x199: {  	v19 =	vld.idx.msk [tilespmem:v13+s29+$0x0], $0xffff;
	v18 =	vand.u32 $0x3F, v18  }
0x19a: {  	v13 =	vld.idx.msk [tilespmem:v13+s31+$0x0], $0xffff;
	v18 =	vor.u32 v7, v18  }
0x19b: {  	v16 =	vand.u32 $0x7FFFFFFF, v16;
	v9 =	vsub.f32 v9, v11;
	v11 =	vld.idx.msk [tilespmem:v14+s29+$0x0], $0xffff  }
0x19c: {  	v15 =	vadd.f32 v16, v15;
	v14 =	vld.idx.msk [tilespmem:v14+s31+$0x0], $0xffff  }
0x19d: {  	v9 =	vand.u32 $0x7FFFFFFF, v9;
	v10 =	vsub.f32 v10, v12;
	v12 =	vld.idx.msk [tilespmem:v17+s29+$0x0], $0xffff  }
0x19e: {  	v9 =	vadd.f32 v9, v15;
	v15 =	vld.idx.msk [tilespmem:v17+s31+$0x0], $0xffff  }
0x19f: {  	v10 =	vand.u32 $0x7FFFFFFF, v10;
	v13 =	vsub.f32 v19, v13;
	v16 =	vld.idx.msk [tilespmem:v18+s29+$0x0], $0xffff  }
0x1a0: {  	v9 =	vadd.f32 v10, v9;
	v10 =	vld.idx.msk [tilespmem:v18+s31+$0x0], $0xffff  }
0x1a1: {  	v11 =	vsub.f32 v11, v14;
	v13 =	vand.u32 $0x7FFFFFFF, v13  }
0x1a2: {  	v9 =	vadd.f32 v13, v9  }
0x1a3: {  	v11 =	vand.u32 $0x7FFFFFFF, v11;
	v12 =	vsub.f32 v12, v15  }
0x1a4: {  	v9 =	vadd.f32 v11, v9  }
0x1a5: {  	s7 =	simm.s32 $0x0;
	v10 =	vsub.f32 v16, v10;
	v11 =	vand.u32 $0x7FFFFFFF, v12  }
0x1a6: {  	v9 =	vadd.f32 v11, v9;
	v11 =	vadd.s32 s7, v0  }
0x1a7: {  	v10 =	vand.u32 $0x7FFFFFFF, v10;
	v11 =	vand.u32 $0x3F, v11  }
0x1a8: {  	s8 =	simm.s32 $0x1;
	v9 =	vadd.f32 v10, v9;
	v10 =	vor.u32 v8, v11  }
0x1a9: {  	v11 =	vadd.s32 s8, v0  }
0x1aa: {  	v11 =	vand.u32 $0x3F, v11;
	v9 =	vsub.f32 $1.200000000e+01, v9  }
0x1ab: {  	s9 =	simm.s32 $0x2;
	v11 =	vor.u32 v8, v11  }
0x1ac: {  	[tilespmem:$0xA1E0] =	vst v9;
	v9 =	vadd.s32 s9, v0  }
0x1ad: {  	s10 =	simm.s32 $0x3;
	v9 =	vand.u32 $0x3F, v9;
	v12 =	vld.idx.msk [tilespmem:v10+s29+$0x0], $0xffff  }
0x1ae: {  	v10 =	vld.idx.msk [tilespmem:v10+s31+$0x0], $0xffff;
	v13 =	vor.u32 v8, v9;
	v9 =	vadd.s32 s10, v0  }
0x1af: {  	v9 =	vand.u32 $0x3F, v9  }
0x1b0: {  	v15 =	vld.idx.msk [tilespmem:v11+s29+$0x0], $0xffff;
	v16 =	vor.u32 v8, v9  }
0x1b1: {  	s11 =	simm.s32 $0x4;
	v17 =	vld.idx.msk [tilespmem:v11+s31+$0x0], $0xffff  }
0x1b2: {  	v11 =	vadd.s32 s11, v0  }
0x1b3: {  	s12 =	simm.s32 $0x5;
	v12 =	vsub.f32 v12, v10;
	v10 =	vand.u32 $0x3F, v11;
	v9 =	vld.idx.msk [tilespmem:v13+s29+$0x0], $0xffff  }
0x1b4: {  	v14 =	vadd.s32 s12, v0;
	v11 =	vld.idx.msk [tilespmem:v13+s31+$0x0], $0xffff;
	v13 =	vor.u32 v8, v10  }
0x1b5: {  	v14 =	vand.u32 $0x3F, v14;
	v18 =	vimm.f32 $0.0e+00;
	v10 =	vld.idx.msk [tilespmem:v16+s29+$0x0], $0xffff  }
0x1b6: {  	v14 =	vor.u32 v8, v14;
	v19 =	vand.u32 $0x7FFFFFFF, v12;
	v12 =	vld.idx.msk [tilespmem:v16+s31+$0x0], $0xffff;
	v16 =	vsub.f32 v15, v17  }
0x1b7: {  	s6 =	simm.s32 $0x6;
	s7 =	simm.s32 $0x8;
	v15 =	vadd.f32 v19, v18  }
.LBB2_18:
0x1b8: {  	p0 =	slt.u32 s7, $0x3E;
	v17 =	vadd.s32 s6, v0;
	v18 =	vand.u32 $0x7FFFFFFF, v16;
	s8 =	smov.u32 s7;
	s7 =	sadd.s32 $0x2, s7  }
.Ltmp8:
0x1b9: {  	s9 =	sadd.s32 $0x1, s6;
	v16 =	vmov v9;
	v17 =	vand.u32 $0x3F, v17;
	v15 =	vadd.f32 v18, v15;
	v9 =	vld.idx.msk [tilespmem:v13+s29+$0x0], $0xffff;
	s6 =	smov.u32 s8;
	(pc) =	sbr.rel @p0 .LBB2_18-.Ltmp8, $4  }
0x1ba: {  	v19 =	vadd.s32 s9, v0;
	v16 =	vsub.f32 v16, v11;
	v11 =	vld.idx.msk [tilespmem:v13+s31+$0x0], $0xffff;
	v13 =	vor.u32 v8, v17  }
0x1bb: {  	v17 =	vand.u32 $0x3F, v19;
	v18 =	vmov v10;
	v10 =	vld.idx.msk [tilespmem:v14+s29+$0x0], $0xffff  }
0x1bc: {  	v19 =	vand.u32 $0x7FFFFFFF, v16;
	v16 =	vsub.f32 v18, v12;
	v12 =	vld.idx.msk [tilespmem:v14+s31+$0x0], $0xffff;
	v14 =	vor.u32 v8, v17  }
0x1bd: {  	v15 =	vadd.f32 v19, v15  }
0x1be: {  	_ = 	snop  }
0x1bf: {  	v17 =	vadd.s32 s6, v0  }
0x1c0: {  	s10 =	sadd.s32 $0x1, s6;
	v17 =	vand.u32 $0x3F, v17  }
0x1c1: {  	v18 =	vadd.s32 s10, v0;
	v17 =	vor.u32 v8, v17  }
0x1c2: {  	v19 =	vld.idx.msk [tilespmem:v13+s29+$0x0], $0xffff;
	v18 =	vand.u32 $0x3F, v18  }
0x1c3: {  	v59 =	vld.idx.msk [tilespmem:v13+s31+$0x0], $0xffff;
	v18 =	vor.u32 v8, v18  }
0x1c4: {  	v16 =	vand.u32 $0x7FFFFFFF, v16;
	v60 =	vld.idx.msk [tilespmem:v14+s31+$0x0], $0xffff;
	v9 =	vsub.f32 v9, v11  }
0x1c5: {  	v11 =	vld.idx.msk [tilespmem:v14+s29+$0x0], $0xffff;
	v15 =	vadd.f32 v16, v15  }
0x1c6: {  	v9 =	vand.u32 $0x7FFFFFFF, v9;
	v10 =	vsub.f32 v10, v12;
	v61 =	vld.idx.msk [tilespmem:v17+s29+$0x0], $0xffff  }
0x1c7: {  	v9 =	vadd.f32 v9, v15;
	v62 =	vld.idx.msk [tilespmem:v17+s31+$0x0], $0xffff  }
0x1c8: {  	v10 =	vand.u32 $0x7FFFFFFF, v10;
	v13 =	vsub.f32 v19, v59;
	v63 =	vld.idx.msk [tilespmem:v18+s29+$0x0], $0xffff  }
0x1c9: {  	v9 =	vadd.f32 v10, v9;
	v10 =	vld.idx.msk [tilespmem:v18+s31+$0x0], $0xffff  }
0x1ca: {  	v11 =	vsub.f32 v11, v60;
	v13 =	vand.u32 $0x7FFFFFFF, v13  }
0x1cb: {  	v9 =	vadd.f32 v13, v9  }
0x1cc: {  	v11 =	vand.u32 $0x7FFFFFFF, v11;
	v12 =	vsub.f32 v61, v62  }
0x1cd: {  	v9 =	vadd.f32 v11, v9  }
0x1ce: {  	v10 =	vsub.f32 v63, v10;
	v11 =	vand.u32 $0x7FFFFFFF, v12  }
0x1cf: {  	v9 =	vadd.f32 v11, v9  }
0x1d0: {  	v10 =	vand.u32 $0x7FFFFFFF, v10  }
0x1d1: {  	v9 =	vadd.f32 v10, v9;
	_ =	sdelay $0x1  }
0x1d2: {  	v9 =	vsub.f32 $1.200000000e+01, v9;
	_ =	sdelay $0x1  }
0x1d3: {  	s11 =	simm.s32 $0x280;
	[tilespmem:$0xA1F0] =	vst v9  }
0x1d4: {  	[tilespmem:s31], [sflag:$0x6] =	stream.indirect.gather [hbm4b:s4+s14], $0x40, s11, s14, $0xb8;
	[tilespmem:$0x1C300] =	vst v63  }
0x1d5: {  	s12 =	simm.s32 $0x4280;
	s6 =	simm.s32 $0x0  }
0x1d6: {  	[tilespmem:s30], [sflag:$0x6] =	stream.indirect.gather [hbm4b:s4+s14], $0x40, s12, s14, $0xb8;
	[tilespmem:$0x1C300] =	vst v63  }
.LBB2_20:
0x1d7: {  	s7 =	simm.s32 $0x1  }
0x1d8: {  	v9 =	vadd.s32 s7, v0  }
0x1d9: {  	_ =	swait.ge [sflag:s26], $0x2000;
	s12 =	sshll.u32 s6, $0x8;
	v9 =	vand.u32 $0x3F, v9  }
0x1da: {  	[sflag:s26] =	ssyncset.done $0x0;
	v11 =	vmov s12;
	v10 =	vor.u32 v7, v9  }
0x1db: {  	[sflag:s26] =	ssyncadd.s32 $0xFFFFE000;
	v12 =	vor.u32 v11, v9  }
0x1dc: {  	_ =	swait.ge [sflag:s26], $0x2000  }
0x1dd: {  	v13 =	vor.u32 v6, v9;
	[sflag:s26] =	ssyncset.done $0x0  }
0x1de: {  	v14 =	vor.u32 v5, v9;
	[sflag:s26] =	ssyncadd.s32 $0xFFFFE000  }
0x1df: {  	v16 =	vor.u32 v8, v9;
	v15 =	vld.idx.msk [tilespmem:v10+s18+$0x0], $0xffff  }
0x1e0: {  	v12 =	vld.idx.msk [tilespmem:v12+s29+$0x0], $0xffff  }
0x1e1: {  	v10 =	vld.idx.msk [tilespmem:v10+s19+$0x0], $0xffff  }
0x1e2: {  	v17 =	vor.u32 v1, v9;
	v18 =	vld.idx.msk [tilespmem:v13+s19+$0x0], $0xffff  }
0x1e3: {  	v19 =	vld.idx.msk [tilespmem:v14+s19+$0x0], $0xffff  }
0x1e4: {  	v20 =	vld.idx.msk [tilespmem:v16+s18+$0x0], $0xffff  }
0x1e5: {  	v21 =	vor.u32 v3, v9;
	v16 =	vld.idx.msk [tilespmem:v16+s19+$0x0], $0xffff  }
0x1e6: {  	v22 =	vor.u32 v2, v9;
	v23 =	vld.idx.msk [tilespmem:v14+s18+$0x0], $0xffff  }
0x1e7: {  	v24 =	vld.idx.msk [tilespmem:v17+s19+$0x0], $0xffff  }
0x1e8: {  	v14 =	vld.idx.msk [tilespmem:v17+s18+$0x0], $0xffff  }
0x1e9: {  	v17 =	vor.u32 v4, v9;
	v9 =	vadd.s32 s17, v0;
	v13 =	vld.idx.msk [tilespmem:v13+s18+$0x0], $0xffff  }
0x1ea: {  	v27 =	vld.idx.msk [tilespmem:v21+s18+$0x0], $0xffff;
	v25 =	vand.u32 $0x3F, v9  }
0x1eb: {  	v43 =	vimm.f32 $0.0e+00;
	v28 =	vld.idx.msk [tilespmem:v22+s18+$0x0], $0xffff;
	v26 =	vor.u32 v11, v25  }
0x1ec: {  	v21 =	vld.idx.msk [tilespmem:v21+s19+$0x0], $0xffff;
	v33 =	vor.u32 v1, v25;
	v35 =	vor.u32 v2, v25;
	v34 =	vor.u32 v4, v25  }
0x1ed: {  	v37 =	vor.u32 v3, v25;
	v9 =	vsub.f32 v12, v15;
	v30 =	vsub.f32 v12, v10;
	v10 =	vld.idx.msk [tilespmem:v22+s19+$0x0], $0xffff  }
0x1ee: {  	v44 =	vor.u32 v5, v25;
	v31 =	vsub.f32 v12, v20;
	v15 =	vld.idx.msk [tilespmem:v17+s18+$0x0], $0xffff;
	v22 =	vsub.f32 v12, v14  }
0x1ef: {  	v40 =	vor.u32 v6, v25;
	v14 =	vsub.f32 v12, v16;
	v16 =	vsub.f32 v12, v23;
	v17 =	vld.idx.msk [tilespmem:v17+s19+$0x0], $0xffff  }
0x1f0: {  	v46 =	vor.u32 v7, v25;
	v13 =	vsub.f32 v12, v13;
	v23 =	vsub.f32 v12, v27;
	v26 =	vld.idx.msk [tilespmem:v26+s29+$0x0], $0xffff  }
0x1f1: {  	v20 =	vor.u32 v8, v25;
	v27 =	vsub.f32 v12, v28;
	v24 =	vsub.f32 v12, v24;
	v28 =	vld.idx.msk [tilespmem:v33+s18+$0x0], $0xffff  }
0x1f2: {  	v21 =	vsub.f32 v12, v21;
	v32 =	vand.u32 $0x7FFFFFFF, v16;
	v16 =	vsub.f32 v12, v18;
	v18 =	vld.idx.msk [tilespmem:v34+s18+$0x0], $0xffff  }
0x1f3: {  	v25 =	vimm.f32 $0.0e+00;
	v39 =	vand.u32 $0x7FFFFFFF, v13;
	v36 =	vand.u32 $0x7FFFFFFF, v24;
	v47 =	vld.idx.msk [tilespmem:v37+s18+$0x0], $0xffff  }
0x1f4: {  	v29 =	vand.u32 $0x7FFFFFFF, v27;
	v45 =	vand.u32 $0x7FFFFFFF, v23;
	v53 =	vld.idx.msk [tilespmem:v33+s19+$0x0], $0xffff;
	v42 =	vand.u32 $0x7FFFFFFF, v22  }
0x1f5: {  	v27 =	vimm.f32 $0.0e+00;
	v22 =	vimm.f32 $0.0e+00;
	v54 =	vld.idx.msk [tilespmem:v34+s19+$0x0], $0xffff;
	v33 =	vimm.f32 $0.0e+00  }
0x1f6: {  	v34 =	vimm.f32 $0.0e+00;
	v50 =	vld.idx.msk [tilespmem:v37+s19+$0x0], $0xffff;
	v23 =	vimm.f32 $0.0e+00;
	v37 =	vimm.f32 $0.0e+00  }
0x1f7: {  	v24 =	vimm.f32 $0.0e+00;
	v10 =	vsub.f32 v12, v10;
	v38 =	vld.idx.msk [tilespmem:v20+s18+$0x0], $0xffff;
	v15 =	vsub.f32 v12, v15  }
0x1f8: {  	v16 =	vand.u32 $0x7FFFFFFF, v16;
	v13 =	vsub.f32 v12, v17;
	v12 =	vsub.f32 v12, v19  }
0x1f9: {  	v52 =	vld.idx.msk [tilespmem:v20+s19+$0x0], $0xffff;
	v20 =	vimm.f32 $0.0e+00;
	v17 =	vimm.f32 $0.0e+00;
	v19 =	vimm.f32 $0.0e+00  }
0x1fa: {  	v10 =	vand.u32 $0x7FFFFFFF, v10;
	v15 =	vand.u32 $0x7FFFFFFF, v15;
	v41 =	vand.u32 $0x7FFFFFFF, v13  }
0x1fb: {  	v49 =	vsub.f32 v26, v28;
	v12 =	vand.u32 $0x7FFFFFFF, v12;
	v56 =	vsub.f32 v26, v18  }
0x1fc: {  	v51 =	vld.idx.msk [tilespmem:v40+s18+$0x0], $0xffff;
	v13 =	vand.u32 $0x7FFFFFFF, v30;
	v30 =	vimm.f32 $0.0e+00;
	v48 =	vsub.f32 v26, v38  }
0x1fd: {  	s8 =	simm.s32 $0x2;
	s7 =	sshll.u32 s6, $0x2;
	v55 =	vld.idx.msk [tilespmem:v35+s18+$0x0], $0xffff;
	v28 =	vimm.f32 $0.0e+00;
	v18 =	vimm.f32 $0.0e+00;
	v38 =	vimm.f32 $0.0e+00  }
.LBB2_21:
0x1fe: {  	p0 =	slt.u32 s8, $0x3E;
	v48 =	vand.u32 $0x7FFFFFFF, v48;
	v53 =	vsub.f32 v26, v53;
	v57 =	vand.u32 $0x7FFFFFFF, v31;
	s9 =	smov.u32 s8;
	s8 =	sadd.s32 $0x2, s8  }
0x1ff: {  	v31 =	vand.u32 $0x7FFFFFFF, v49;
	v52 =	vsub.f32 v26, v52;
	s10 =	sadd.s32 $0x1, s9;
	v49 =	vand.u32 $0x7FFFFFFF, v56;
	v56 =	vld.idx.msk [tilespmem:v44+s18+$0x0], $0xffff  }
0x200: {  	v47 =	vsub.f32 v26, v47;
	v54 =	vsub.f32 v26, v54;
	v58 =	vadd.s32 s10, v0;
	v44 =	vld.idx.msk [tilespmem:v44+s19+$0x0], $0xffff  }
0x201: {  	v43 =	vadd.f32 v49, v43;
	v53 =	vand.u32 $0x7FFFFFFF, v53;
	v52 =	vand.u32 $0x7FFFFFFF, v52;
	v49 =	vld.idx.msk [tilespmem:v46+s18+$0x0], $0xffff  }
0x202: {  	v47 =	vand.u32 $0x7FFFFFFF, v47;
	v50 =	vsub.f32 v26, v50;
	v54 =	vand.u32 $0x7FFFFFFF, v54;
	v46 =	vld.idx.msk [tilespmem:v46+s19+$0x0], $0xffff  }
0x203: {  	v58 =	vand.u32 $0x3F, v58;
	v51 =	vsub.f32 v26, v51;
	v55 =	vsub.f32 v26, v55  }
0x204: {  	v59 =	vor.u32 v11, v58;
	v60 =	vor.u32 v6, v58;
	v61 =	vor.u32 v7, v58;
	v35 =	vld.idx.msk [tilespmem:v35+s19+$0x0], $0xffff  }
0x205: {  	v50 =	vand.u32 $0x7FFFFFFF, v50;
	v51 =	vand.u32 $0x7FFFFFFF, v51;
	v56 =	vsub.f32 v26, v56;
	v40 =	vld.idx.msk [tilespmem:v40+s19+$0x0], $0xffff  }
0x206: {  	v14 =	vand.u32 $0x7FFFFFFF, v14;
	v27 =	vadd.f32 v47, v27;
	v22 =	vadd.f32 v52, v22  }
0x207: {  	v38 =	vadd.f32 v50, v38;
	v44 =	vsub.f32 v26, v44;
	v47 =	vand.u32 $0x7FFFFFFF, v56  }
0x208: {  	v22 =	vadd.f32 v14, v22;
	v50 =	vand.u32 $0x7FFFFFFF, v55;
	v30 =	vadd.f32 v51, v30  }
0x209: {  	v14 =	vor.u32 v5, v58;
	v27 =	vadd.f32 v45, v27;
	v46 =	vsub.f32 v26, v46  }
0x20a: {  	v31 =	vadd.f32 v31, v33;
	v34 =	vadd.f32 v53, v34;
	v51 =	vor.u32 v8, v58;
	v45 =	vld.idx.msk [tilespmem:v61+s18+$0x0], $0xffff  }
0x20b: {  	v23 =	vadd.f32 v54, v23;
	v33 =	vsub.f32 v26, v40;
	v40 =	vand.u32 $0x7FFFFFFF, v46;
	v55 =	vld.idx.msk [tilespmem:v59+s29+$0x0], $0xffff  }
0x20c: {  	v49 =	vsub.f32 v26, v49;
	v30 =	vadd.f32 v39, v30;
	v46 =	vor.u32 v1, v58;
	v52 =	vld.idx.msk [tilespmem:v61+s19+$0x0], $0xffff  }
0x20d: {  	v20 =	vadd.f32 v47, v20;
	v26 =	vsub.f32 v26, v35;
	v33 =	vand.u32 $0x7FFFFFFF, v33;
	v39 =	vld.idx.msk [tilespmem:v60+s19+$0x0], $0xffff  }
0x20e: {  	v23 =	vadd.f32 v41, v23;
	v35 =	vand.u32 $0x7FFFFFFF, v49;
	v17 =	vadd.f32 v33, v17;
	v56 =	vld.idx.msk [tilespmem:v14+s19+$0x0], $0xffff  }
0x20f: {  	v44 =	vand.u32 $0x7FFFFFFF, v44;
	v20 =	vadd.f32 v32, v20;
	v26 =	vand.u32 $0x7FFFFFFF, v26;
	v41 =	vld.idx.msk [tilespmem:v51+s18+$0x0], $0xffff  }
0x210: {  	v32 =	vor.u32 v3, v58;
	v33 =	vadd.f32 v42, v31;
	v17 =	vadd.f32 v16, v17;
	v47 =	vld.idx.msk [tilespmem:v51+s19+$0x0], $0xffff  }
0x211: {  	v34 =	vadd.f32 v36, v34;
	v16 =	vor.u32 v2, v58;
	v45 =	vsub.f32 v55, v45;
	v42 =	vld.idx.msk [tilespmem:v14+s18+$0x0], $0xffff  }
0x212: {  	v21 =	vand.u32 $0x7FFFFFFF, v21;
	v37 =	vadd.f32 v35, v37;
	v14 =	vadd.f32 v50, v28;
	v36 =	vld.idx.msk [tilespmem:v46+s19+$0x0], $0xffff  }
0x213: {  	v18 =	vadd.f32 v48, v18;
	v38 =	vadd.f32 v21, v38;
	v49 =	vor.u32 v4, v58;
	v46 =	vld.idx.msk [tilespmem:v46+s18+$0x0], $0xffff  }
0x214: {  	v21 =	vadd.s32 s9, v0;
	v19 =	vadd.f32 v40, v19;
	v58 =	vsub.f32 v55, v52;
	v48 =	vld.idx.msk [tilespmem:v60+s18+$0x0], $0xffff  }
0x215: {  	v21 =	vand.u32 $0x3F, v21;
	v24 =	vadd.f32 v44, v24;
	v31 =	vsub.f32 v55, v41;
	v50 =	vld.idx.msk [tilespmem:v32+s18+$0x0], $0xffff  }
0x216: {  	v25 =	vadd.f32 v26, v25;
	v51 =	vor.u32 v1, v21;
	v41 =	vor.u32 v11, v21;
	v52 =	vld.idx.msk [tilespmem:v16+s18+$0x0], $0xffff  }
0x217: {  	v35 =	vor.u32 v2, v21;
	v59 =	vor.u32 v3, v21;
	v28 =	vadd.f32 v29, v14;
	v16 =	vld.idx.msk [tilespmem:v16+s19+$0x0], $0xffff  }
0x218: {  	v18 =	vadd.f32 v57, v18;
	v44 =	vor.u32 v5, v21;
	v40 =	vor.u32 v6, v21;
	v29 =	vld.idx.msk [tilespmem:v49+s18+$0x0], $0xffff  }
0x219: {  	v54 =	vor.u32 v8, v21;
	v14 =	vsub.f32 v55, v47;
	v57 =	vsub.f32 v55, v46;
	v60 =	vld.idx.msk [tilespmem:v32+s19+$0x0], $0xffff  }
0x21a: {  	v61 =	vor.u32 v4, v21;
	v32 =	vsub.f32 v55, v42;
	v42 =	vsub.f32 v55, v48;
	v48 =	vld.idx.msk [tilespmem:v49+s19+$0x0], $0xffff  }
0x21b: {  	v43 =	vadd.f32 v15, v43;
	v26 =	vld.idx.msk [tilespmem:v41+s29+$0x0], $0xffff;
	v41 =	vsub.f32 v55, v50  }
0x21c: {  	v36 =	vsub.f32 v55, v36;
	v62 =	vsub.f32 v55, v52;
	v49 =	vld.idx.msk [tilespmem:v51+s18+$0x0], $0xffff  }
0x21d: {  	v25 =	vadd.f32 v10, v25;
	v15 =	vsub.f32 v55, v16;
	v16 =	vand.u32 $0x7FFFFFFF, v9;
	v9 =	vmovc v45;
	v47 =	vld.idx.msk [tilespmem:v59+s18+$0x0], $0xffff  }
0x21e: {  	v19 =	vadd.f32 v13, v19;
	v32 =	vand.u32 $0x7FFFFFFF, v32;
	v29 =	vsub.f32 v55, v29;
	v63 =	vld.idx.msk [tilespmem:v54+s18+$0x0], $0xffff  }
0x21f: {  	v46 =	vor.u32 v7, v21;
	v45 =	vsub.f32 v55, v39;
	v37 =	vadd.f32 v16, v37;
	v13 =	vld.idx.msk [tilespmem:v61+s18+$0x0], $0xffff  }
0x220: {  	v24 =	vadd.f32 v12, v24;
	v39 =	vand.u32 $0x7FFFFFFF, v42;
	v10 =	vand.u32 $0x7FFFFFFF, v15;
	v53 =	vld.idx.msk [tilespmem:v51+s19+$0x0], $0xffff  }
.Ltmp9:
0x221: {  	v21 =	vsub.f32 v55, v60;
	v16 =	vand.u32 $0x7FFFFFFF, v45;
	v12 =	vsub.f32 v55, v48;
	v52 =	vld.idx.msk [tilespmem:v54+s19+$0x0], $0xffff;
	(pc) =	sbr.rel @p0 .LBB2_21-.Ltmp9, $4  }
0x222: {  	v36 =	vand.u32 $0x7FFFFFFF, v36;
	v42 =	vsub.f32 v55, v56;
	v15 =	vand.u32 $0x7FFFFFFF, v29;
	v54 =	vld.idx.msk [tilespmem:v61+s19+$0x0], $0xffff  }
0x223: {  	v45 =	vand.u32 $0x7FFFFFFF, v41;
	v29 =	vand.u32 $0x7FFFFFFF, v62;
	v41 =	vand.u32 $0x7FFFFFFF, v12;
	v50 =	vld.idx.msk [tilespmem:v59+s19+$0x0], $0xffff  }
0x224: {  	v49 =	vsub.f32 v26, v49;
	v12 =	vand.u32 $0x7FFFFFFF, v42;
	v48 =	vsub.f32 v26, v63;
	v51 =	vld.idx.msk [tilespmem:v40+s18+$0x0], $0xffff  }
0x225: {  	v42 =	vand.u32 $0x7FFFFFFF, v57;
	v56 =	vsub.f32 v26, v13;
	v13 =	vand.u32 $0x7FFFFFFF, v58;
	v55 =	vld.idx.msk [tilespmem:v35+s18+$0x0], $0xffff  }
0x226: {  	_ =	sdelay $0x2  }
0x227: {  	v53 =	vsub.f32 v26, v53;
	v52 =	vsub.f32 v26, v52  }
0x228: {  	v11 =	vld.idx.msk [tilespmem:v44+s18+$0x0], $0xffff;
	v47 =	vsub.f32 v26, v47;
	v49 =	vand.u32 $0x7FFFFFFF, v49;
	v59 =	vand.u32 $0x7FFFFFFF, v48  }
0x229: {  	v63 =	vld.idx.msk [tilespmem:v44+s19+$0x0], $0xffff;
	v56 =	vand.u32 $0x7FFFFFFF, v56;
	v54 =	vsub.f32 v26, v54;
	v33 =	vadd.f32 v49, v33  }
0x22a: {  	v60 =	vld.idx.msk [tilespmem:v46+s19+$0x0], $0xffff;
	v18 =	vadd.f32 v59, v18;
	v43 =	vadd.f32 v56, v43;
	v52 =	vand.u32 $0x7FFFFFFF, v52  }
0x22b: {  	v40 =	vld.idx.msk [tilespmem:v40+s19+$0x0], $0xffff;
	v50 =	vsub.f32 v26, v50;
	v47 =	vand.u32 $0x7FFFFFFF, v47;
	v51 =	vsub.f32 v26, v51  }
0x22c: {  	v61 =	vld.idx.msk [tilespmem:v46+s18+$0x0], $0xffff;
	v27 =	vadd.f32 v47, v27;
	v22 =	vadd.f32 v52, v22;
	v52 =	vand.u32 $0x7FFFFFFF, v53  }
0x22d: {  	v35 =	vld.idx.msk [tilespmem:v35+s19+$0x0], $0xffff;
	v53 =	vand.u32 $0x7FFFFFFF, v54;
	v55 =	vsub.f32 v26, v55;
	v34 =	vadd.f32 v52, v34  }
0x22e: {  	v50 =	vand.u32 $0x7FFFFFFF, v50;
	v23 =	vadd.f32 v53, v23;
	v15 =	vadd.f32 v15, v43  }
0x22f: {  	v11 =	vsub.f32 v26, v11;
	v38 =	vadd.f32 v50, v38  }
0x230: {  	v44 =	vsub.f32 v26, v63;
	v63 =	vsub.f32 v26, v60  }
0x231: {  	v27 =	vadd.f32 v45, v27;
	v40 =	vsub.f32 v26, v40  }
0x232: {  	v62 =	vand.u32 $0x7FFFFFFF, v51;
	v54 =	vsub.f32 v26, v61;
	v26 =	vsub.f32 v26, v35  }
0x233: {  	v21 =	vand.u32 $0x7FFFFFFF, v21;
	v30 =	vadd.f32 v62, v30;
	v58 =	vadd.f32 v36, v34  }
0x234: {  	v15 =	vsub.f32 $1.200000000e+01, v15;
	v11 =	vand.u32 $0x7FFFFFFF, v11;
	v27 =	vsub.f32 $1.200000000e+01, v27  }
0x235: {  	s8 =	sand.u32 $0x1C, s7;
	v26 =	vand.u32 $0x7FFFFFFF, v26;
	v21 =	vadd.f32 v21, v38;
	v30 =	vadd.f32 v39, v30  }
0x236: {  	s8 =	smul.u32 $0x420, s8;
	v11 =	vadd.f32 v11, v20;
	v20 =	vand.u32 $0x7FFFFFFF, v40;
	v25 =	vadd.f32 v26, v25  }
0x237: {  	v56 =	vand.u32 $0x7FFFFFFF, v55;
	v17 =	vadd.f32 v20, v17;
	v20 =	vadd.f32 v41, v23  }
0x238: {  	s9 =	sshrl.u32 s8, $0x2;
	v23 =	vadd.f32 v56, v28;
	v28 =	vadd.f32 v42, v33  }
0x239: {  	v57 =	vand.u32 $0x7FFFFFFF, v54;
	[tilespmem:s9+$0x1A231] =	vst v15;
	v11 =	vadd.f32 v32, v11;
	v15 =	vsub.f32 $1.200000000e+01, v30  }
0x23a: {  	v23 =	vadd.f32 v29, v23;
	v29 =	vadd.f32 v57, v37  }
0x23b: {  	v9 =	vand.u32 $0x7FFFFFFF, v9;
	[tilespmem:s9+$0x1A221] =	vst v27;
	v10 =	vadd.f32 v10, v25;
	v11 =	vsub.f32 $1.200000000e+01, v11  }
0x23c: {  	[tilespmem:s9+$0x1A251] =	vst v15;
	v23 =	vsub.f32 $1.200000000e+01, v23;
	v9 =	vadd.f32 v9, v29  }
0x23d: {  	v28 =	vsub.f32 $1.200000000e+01, v28;
	v10 =	vsub.f32 $1.200000000e+01, v10;
	[tilespmem:s9+$0x1A241] =	vst v11  }
0x23e: {  	v11 =	vand.u32 $0x7FFFFFFF, v44;
	[tilespmem:s9+$0x1A211] =	vst v23;
	v23 =	vand.u32 $0x7FFFFFFF, v31;
	v9 =	vsub.f32 $1.200000000e+01, v9  }
0x23f: {  	[tilespmem:s9+$0x1A291] =	vst v10;
	v11 =	vadd.f32 v11, v24;
	v18 =	vadd.f32 v23, v18  }
0x240: {  	v10 =	vsub.f32 $1.200000000e+01, v20;
	[tilespmem:s9+$0x1A261] =	vst v9;
	v9 =	vsub.f32 $1.200000000e+01, v58  }
0x241: {  	[tilespmem:s9+$0x1A201] =	vst v28;
	v11 =	vadd.f32 v12, v11;
	v15 =	vsub.f32 $1.200000000e+01, v18;
	v18 =	vand.u32 $0x7FFFFFFF, v63  }
0x242: {  	v18 =	vadd.f32 v18, v19;
	[tilespmem:s9+$0x1A281] =	vst v9;
	v9 =	vsub.f32 $1.200000000e+01, v21  }
0x243: {  	[tilespmem:s9+$0x1A2B1] =	vst v10;
	v12 =	vadd.f32 v16, v17  }
0x244: {  	v14 =	vand.u32 $0x7FFFFFFF, v14;
	v13 =	vadd.f32 v13, v18;
	[tilespmem:s9+$0x1A2A1] =	vst v9;
	v9 =	vsub.f32 $1.200000000e+01, v11  }
0x245: {  	v10 =	vsub.f32 $1.200000000e+01, v12;
	[tilespmem:s9+$0x1A271] =	vst v15;
	v11 =	vadd.f32 v14, v22  }
0x246: {  	[tilespmem:s9+$0x1A2C1] =	vst v9;
	v9 =	vsub.f32 $1.200000000e+01, v13  }
0x247: {  	p0 =	seq.s32 s6, $0x1F;
	[tilespmem:s9+$0x1A2D1] =	vst v10;
	v10 =	vsub.f32 $1.200000000e+01, v11  }
0x248: {  	s8 =	sshll.u32 @!p0 s6, $0x9;
	[tilespmem:s9+$0x1A2E1] =	vst v9  }
0x249: {  	s10 =	simm.s32 @!p0 $0x80;
	s11 =	simm.s32 @!p0 $0xA200;
	[tilespmem:s9+$0x1A2F1] =	vst v10;
	s9 =	sadd.s32 @!p0 $0x380, s8  }
0x24a: {  	[tilespmem:s11], [sflag:$0x4] =	stream.indirect.gather @!p0 [hbm4b:s4+s10], $0x40, s9, s10, $0xb8;
	[tilespmem:$0x1C300] =	vst v63  }
0x24b: {  	s12 =	simm.s32 $0x1;
	s9 =	sadd.s32 @!p0 $0x4380, s8;
	s11 =	simm.s32 @!p0 $0xC200  }
0x24c: {  	v9 =	vadd.s32 s12, v0;
	[tilespmem:s11], [sflag:$0x4] =	stream.indirect.gather @!p0 [hbm4b:s4+s10], $0x40, s9, s10, $0xb8;
	[tilespmem:$0x1C300] =	vst v63  }
0x24d: {  	v9 =	vand.u32 $0x3F, v9;
	_ =	swait.ge [sflag:s22], $0x2000  }
0x24e: {  	v10 =	vor.u32 v7, v9;
	[sflag:s22] =	ssyncset.done $0x0  }
0x24f: {  	[sflag:s22] =	ssyncadd.s32 $0xFFFFE000  }
0x250: {  	v13 =	vor.u32 v6, v9;
	_ =	swait.ge [sflag:s22], $0x2000  }
0x251: {  	v14 =	vor.u32 v5, v9;
	[sflag:s22] =	ssyncset.done $0x0  }
0x252: {  	v16 =	vor.u32 v8, v9;
	[sflag:s22] =	ssyncadd.s32 $0xFFFFE000  }
0x253: {  	s9 =	sor.u32 $0x1, s7;
	v15 =	vld.idx.msk [tilespmem:v10+s21+$0x0], $0xffff  }
0x254: {  	s11 =	sshll.u32 s9, $0x6;
	v10 =	vld.idx.msk [tilespmem:v10+s23+$0x0], $0xffff  }
0x255: {  	v17 =	vor.u32 v1, v9;
	v11 =	vmov s11;
	v18 =	vld.idx.msk [tilespmem:v13+s23+$0x0], $0xffff  }
0x256: {  	v12 =	vor.u32 v11, v9;
	v19 =	vld.idx.msk [tilespmem:v14+s23+$0x0], $0xffff  }
0x257: {  	v20 =	vld.idx.msk [tilespmem:v16+s21+$0x0], $0xffff  }
0x258: {  	v16 =	vld.idx.msk [tilespmem:v16+s23+$0x0], $0xffff  }
0x259: {  	v21 =	vor.u32 v3, v9;
	v23 =	vld.idx.msk [tilespmem:v14+s21+$0x0], $0xffff  }
0x25a: {  	v22 =	vor.u32 v2, v9;
	v24 =	vld.idx.msk [tilespmem:v17+s23+$0x0], $0xffff  }
0x25b: {  	v12 =	vld.idx.msk [tilespmem:v12+s29+$0x0], $0xffff  }
0x25c: {  	v43 =	vimm.f32 $0.0e+00;
	v34 =	vimm.f32 $0.0e+00;
	s12 =	simm.s32 $0x0;
	v14 =	vld.idx.msk [tilespmem:v17+s21+$0x0], $0xffff  }
0x25d: {  	v38 =	vimm.f32 $0.0e+00;
	v17 =	vor.u32 v4, v9;
	v9 =	vadd.s32 s12, v0;
	v13 =	vld.idx.msk [tilespmem:v13+s21+$0x0], $0xffff  }
0x25e: {  	v33 =	vimm.f32 $0.0e+00;
	v37 =	vimm.f32 $0.0e+00;
	v27 =	vld.idx.msk [tilespmem:v21+s21+$0x0], $0xffff;
	v25 =	vand.u32 $0x3F, v9  }
0x25f: {  	v28 =	vld.idx.msk [tilespmem:v22+s21+$0x0], $0xffff;
	v26 =	vor.u32 v11, v25;
	v60 =	vor.u32 v1, v25;
	v35 =	vor.u32 v2, v25  }
0x260: {  	v21 =	vld.idx.msk [tilespmem:v21+s23+$0x0], $0xffff;
	v61 =	vor.u32 v4, v25;
	v62 =	vor.u32 v3, v25;
	v9 =	vsub.f32 v12, v15  }
0x261: {  	v44 =	vor.u32 v5, v25;
	v30 =	vsub.f32 v12, v10;
	v31 =	vsub.f32 v12, v20  }
0x262: {  	v40 =	vor.u32 v6, v25;
	v10 =	vld.idx.msk [tilespmem:v22+s23+$0x0], $0xffff;
	v22 =	vsub.f32 v12, v14;
	v14 =	vsub.f32 v12, v16  }
0x263: {  	v46 =	vor.u32 v7, v25;
	v15 =	vld.idx.msk [tilespmem:v17+s21+$0x0], $0xffff;
	v16 =	vsub.f32 v12, v23;
	v13 =	vsub.f32 v12, v13  }
0x264: {  	v20 =	vor.u32 v8, v25;
	v17 =	vld.idx.msk [tilespmem:v17+s23+$0x0], $0xffff;
	v23 =	vsub.f32 v12, v27;
	v27 =	vsub.f32 v12, v28  }
0x265: {  	v24 =	vsub.f32 v12, v24;
	v21 =	vsub.f32 v12, v21;
	v25 =	vimm.f32 $0.0e+00;
	v26 =	vld.idx.msk [tilespmem:v26+s29+$0x0], $0xffff  }
0x266: {  	v28 =	vld.idx.msk [tilespmem:v60+s21+$0x0], $0xffff;
	v32 =	vand.u32 $0x7FFFFFFF, v16;
	v16 =	vsub.f32 v12, v18;
	v39 =	vand.u32 $0x7FFFFFFF, v13  }
0x267: {  	v47 =	vld.idx.msk [tilespmem:v62+s21+$0x0], $0xffff;
	v36 =	vand.u32 $0x7FFFFFFF, v24;
	v29 =	vand.u32 $0x7FFFFFFF, v27;
	v45 =	vand.u32 $0x7FFFFFFF, v23  }
0x268: {  	v18 =	vld.idx.msk [tilespmem:v61+s21+$0x0], $0xffff;
	v42 =	vand.u32 $0x7FFFFFFF, v22;
	v27 =	vimm.f32 $0.0e+00;
	v22 =	vimm.f32 $0.0e+00  }
0x269: {  	v23 =	vimm.f32 $0.0e+00;
	v24 =	vimm.f32 $0.0e+00;
	v10 =	vsub.f32 v12, v10;
	v63 =	vld.idx.msk [tilespmem:v20+s21+$0x0], $0xffff  }
0x26a: {  	v53 =	vld.idx.msk [tilespmem:v60+s23+$0x0], $0xffff;
	v16 =	vand.u32 $0x7FFFFFFF, v16;
	v15 =	vsub.f32 v12, v15;
	v13 =	vsub.f32 v12, v17  }
0x26b: {  	v12 =	vsub.f32 v12, v19;
	v52 =	vld.idx.msk [tilespmem:v20+s23+$0x0], $0xffff;
	v20 =	vimm.f32 $0.0e+00;
	v17 =	vimm.f32 $0.0e+00  }
0x26c: {  	v54 =	vld.idx.msk [tilespmem:v61+s23+$0x0], $0xffff;
	v19 =	vimm.f32 $0.0e+00;
	v49 =	vsub.f32 v26, v28;
	v28 =	vimm.f32 $0.0e+00  }
0x26d: {  	v50 =	vld.idx.msk [tilespmem:v62+s23+$0x0], $0xffff;
	v10 =	vand.u32 $0x7FFFFFFF, v10;
	v15 =	vand.u32 $0x7FFFFFFF, v15;
	v41 =	vand.u32 $0x7FFFFFFF, v13  }
0x26e: {  	v51 =	vld.idx.msk [tilespmem:v40+s21+$0x0], $0xffff;
	v12 =	vand.u32 $0x7FFFFFFF, v12;
	v56 =	vsub.f32 v26, v18;
	v48 =	vsub.f32 v26, v63  }
0x26f: {  	s10 =	simm.s32 $0x2;
	v55 =	vld.idx.msk [tilespmem:v35+s21+$0x0], $0xffff;
	v13 =	vand.u32 $0x7FFFFFFF, v30;
	v30 =	vimm.f32 $0.0e+00;
	v18 =	vimm.f32 $0.0e+00  }
.LBB2_23:
0x270: {  	p1 =	slt.u32 s10, $0x3E;
	v48 =	vand.u32 $0x7FFFFFFF, v48;
	v53 =	vsub.f32 v26, v53;
	v57 =	vand.u32 $0x7FFFFFFF, v31;
	s11 =	smov.u32 s10;
	s10 =	sadd.s32 $0x2, s10  }
0x271: {  	v31 =	vand.u32 $0x7FFFFFFF, v49;
	v52 =	vsub.f32 v26, v52;
	s12 =	sadd.s32 $0x1, s11;
	v49 =	vand.u32 $0x7FFFFFFF, v56;
	v56 =	vld.idx.msk [tilespmem:v44+s21+$0x0], $0xffff  }
0x272: {  	v47 =	vsub.f32 v26, v47;
	v54 =	vsub.f32 v26, v54;
	v58 =	vadd.s32 s12, v0;
	v44 =	vld.idx.msk [tilespmem:v44+s23+$0x0], $0xffff  }
0x273: {  	v43 =	vadd.f32 v49, v43;
	v53 =	vand.u32 $0x7FFFFFFF, v53;
	v52 =	vand.u32 $0x7FFFFFFF, v52;
	v49 =	vld.idx.msk [tilespmem:v46+s21+$0x0], $0xffff  }
0x274: {  	v47 =	vand.u32 $0x7FFFFFFF, v47;
	v50 =	vsub.f32 v26, v50;
	v54 =	vand.u32 $0x7FFFFFFF, v54;
	v46 =	vld.idx.msk [tilespmem:v46+s23+$0x0], $0xffff  }
0x275: {  	v58 =	vand.u32 $0x3F, v58;
	v51 =	vsub.f32 v26, v51;
	v55 =	vsub.f32 v26, v55  }
0x276: {  	v59 =	vor.u32 v11, v58;
	v60 =	vor.u32 v6, v58;
	v61 =	vor.u32 v7, v58;
	v35 =	vld.idx.msk [tilespmem:v35+s23+$0x0], $0xffff  }
0x277: {  	v50 =	vand.u32 $0x7FFFFFFF, v50;
	v51 =	vand.u32 $0x7FFFFFFF, v51;
	v56 =	vsub.f32 v26, v56;
	v40 =	vld.idx.msk [tilespmem:v40+s23+$0x0], $0xffff  }
0x278: {  	v14 =	vand.u32 $0x7FFFFFFF, v14;
	v27 =	vadd.f32 v47, v27;
	v22 =	vadd.f32 v52, v22  }
0x279: {  	v38 =	vadd.f32 v50, v38;
	v44 =	vsub.f32 v26, v44;
	v47 =	vand.u32 $0x7FFFFFFF, v56  }
0x27a: {  	v22 =	vadd.f32 v14, v22;
	v50 =	vand.u32 $0x7FFFFFFF, v55;
	v30 =	vadd.f32 v51, v30  }
0x27b: {  	v14 =	vor.u32 v5, v58;
	v27 =	vadd.f32 v45, v27;
	v46 =	vsub.f32 v26, v46  }
0x27c: {  	v31 =	vadd.f32 v31, v33;
	v34 =	vadd.f32 v53, v34;
	v51 =	vor.u32 v8, v58;
	v45 =	vld.idx.msk [tilespmem:v61+s21+$0x0], $0xffff  }
0x27d: {  	v23 =	vadd.f32 v54, v23;
	v33 =	vsub.f32 v26, v40;
	v40 =	vand.u32 $0x7FFFFFFF, v46;
	v55 =	vld.idx.msk [tilespmem:v59+s29+$0x0], $0xffff  }
0x27e: {  	v49 =	vsub.f32 v26, v49;
	v30 =	vadd.f32 v39, v30;
	v46 =	vor.u32 v1, v58;
	v52 =	vld.idx.msk [tilespmem:v61+s23+$0x0], $0xffff  }
0x27f: {  	v20 =	vadd.f32 v47, v20;
	v26 =	vsub.f32 v26, v35;
	v33 =	vand.u32 $0x7FFFFFFF, v33;
	v39 =	vld.idx.msk [tilespmem:v60+s23+$0x0], $0xffff  }
0x280: {  	v23 =	vadd.f32 v41, v23;
	v35 =	vand.u32 $0x7FFFFFFF, v49;
	v17 =	vadd.f32 v33, v17;
	v56 =	vld.idx.msk [tilespmem:v14+s23+$0x0], $0xffff  }
0x281: {  	v44 =	vand.u32 $0x7FFFFFFF, v44;
	v20 =	vadd.f32 v32, v20;
	v26 =	vand.u32 $0x7FFFFFFF, v26;
	v41 =	vld.idx.msk [tilespmem:v51+s21+$0x0], $0xffff  }
0x282: {  	v32 =	vor.u32 v3, v58;
	v33 =	vadd.f32 v42, v31;
	v17 =	vadd.f32 v16, v17;
	v47 =	vld.idx.msk [tilespmem:v51+s23+$0x0], $0xffff  }
0x283: {  	v34 =	vadd.f32 v36, v34;
	v16 =	vor.u32 v2, v58;
	v45 =	vsub.f32 v55, v45;
	v42 =	vld.idx.msk [tilespmem:v14+s21+$0x0], $0xffff  }
0x284: {  	v21 =	vand.u32 $0x7FFFFFFF, v21;
	v37 =	vadd.f32 v35, v37;
	v14 =	vadd.f32 v50, v28;
	v36 =	vld.idx.msk [tilespmem:v46+s23+$0x0], $0xffff  }
0x285: {  	v18 =	vadd.f32 v48, v18;
	v38 =	vadd.f32 v21, v38;
	v49 =	vor.u32 v4, v58;
	v46 =	vld.idx.msk [tilespmem:v46+s21+$0x0], $0xffff  }
0x286: {  	v21 =	vadd.s32 s11, v0;
	v19 =	vadd.f32 v40, v19;
	v58 =	vsub.f32 v55, v52;
	v48 =	vld.idx.msk [tilespmem:v60+s21+$0x0], $0xffff  }
0x287: {  	v21 =	vand.u32 $0x3F, v21;
	v24 =	vadd.f32 v44, v24;
	v31 =	vsub.f32 v55, v41;
	v50 =	vld.idx.msk [tilespmem:v32+s21+$0x0], $0xffff  }
0x288: {  	v25 =	vadd.f32 v26, v25;
	v51 =	vor.u32 v1, v21;
	v41 =	vor.u32 v11, v21;
	v52 =	vld.idx.msk [tilespmem:v16+s21+$0x0], $0xffff  }
0x289: {  	v35 =	vor.u32 v2, v21;
	v59 =	vor.u32 v3, v21;
	v28 =	vadd.f32 v29, v14;
	v16 =	vld.idx.msk [tilespmem:v16+s23+$0x0], $0xffff  }
0x28a: {  	v18 =	vadd.f32 v57, v18;
	v44 =	vor.u32 v5, v21;
	v40 =	vor.u32 v6, v21;
	v29 =	vld.idx.msk [tilespmem:v49+s21+$0x0], $0xffff  }
0x28b: {  	v54 =	vor.u32 v8, v21;
	v14 =	vsub.f32 v55, v47;
	v57 =	vsub.f32 v55, v46;
	v60 =	vld.idx.msk [tilespmem:v32+s23+$0x0], $0xffff  }
0x28c: {  	v61 =	vor.u32 v4, v21;
	v32 =	vsub.f32 v55, v42;
	v42 =	vsub.f32 v55, v48;
	v48 =	vld.idx.msk [tilespmem:v49+s23+$0x0], $0xffff  }
0x28d: {  	v43 =	vadd.f32 v15, v43;
	v26 =	vld.idx.msk [tilespmem:v41+s29+$0x0], $0xffff;
	v41 =	vsub.f32 v55, v50  }
0x28e: {  	v36 =	vsub.f32 v55, v36;
	v62 =	vsub.f32 v55, v52;
	v49 =	vld.idx.msk [tilespmem:v51+s21+$0x0], $0xffff  }
0x28f: {  	v25 =	vadd.f32 v10, v25;
	v15 =	vsub.f32 v55, v16;
	v16 =	vand.u32 $0x7FFFFFFF, v9;
	v9 =	vmovc v45;
	v47 =	vld.idx.msk [tilespmem:v59+s21+$0x0], $0xffff  }
0x290: {  	v19 =	vadd.f32 v13, v19;
	v32 =	vand.u32 $0x7FFFFFFF, v32;
	v29 =	vsub.f32 v55, v29;
	v63 =	vld.idx.msk [tilespmem:v54+s21+$0x0], $0xffff  }
0x291: {  	v46 =	vor.u32 v7, v21;
	v45 =	vsub.f32 v55, v39;
	v37 =	vadd.f32 v16, v37;
	v13 =	vld.idx.msk [tilespmem:v61+s21+$0x0], $0xffff  }
0x292: {  	v24 =	vadd.f32 v12, v24;
	v39 =	vand.u32 $0x7FFFFFFF, v42;
	v10 =	vand.u32 $0x7FFFFFFF, v15;
	v53 =	vld.idx.msk [tilespmem:v51+s23+$0x0], $0xffff  }
.Ltmp10:
0x293: {  	v21 =	vsub.f32 v55, v60;
	v16 =	vand.u32 $0x7FFFFFFF, v45;
	v12 =	vsub.f32 v55, v48;
	v52 =	vld.idx.msk [tilespmem:v54+s23+$0x0], $0xffff;
	(pc) =	sbr.rel @p1 .LBB2_23-.Ltmp10, $4  }
0x294: {  	v36 =	vand.u32 $0x7FFFFFFF, v36;
	v42 =	vsub.f32 v55, v56;
	v15 =	vand.u32 $0x7FFFFFFF, v29;
	v54 =	vld.idx.msk [tilespmem:v61+s23+$0x0], $0xffff  }
0x295: {  	v45 =	vand.u32 $0x7FFFFFFF, v41;
	v29 =	vand.u32 $0x7FFFFFFF, v62;
	v41 =	vand.u32 $0x7FFFFFFF, v12;
	v50 =	vld.idx.msk [tilespmem:v59+s23+$0x0], $0xffff  }
0x296: {  	v49 =	vsub.f32 v26, v49;
	v12 =	vand.u32 $0x7FFFFFFF, v42;
	v48 =	vsub.f32 v26, v63;
	v51 =	vld.idx.msk [tilespmem:v40+s21+$0x0], $0xffff  }
0x297: {  	v42 =	vand.u32 $0x7FFFFFFF, v57;
	v56 =	vsub.f32 v26, v13;
	v13 =	vand.u32 $0x7FFFFFFF, v58;
	v55 =	vld.idx.msk [tilespmem:v35+s21+$0x0], $0xffff  }
0x298: {  	_ =	sdelay $0x2  }
0x299: {  	v53 =	vsub.f32 v26, v53;
	v52 =	vsub.f32 v26, v52  }
0x29a: {  	v11 =	vld.idx.msk [tilespmem:v44+s21+$0x0], $0xffff;
	v47 =	vsub.f32 v26, v47;
	v49 =	vand.u32 $0x7FFFFFFF, v49;
	v59 =	vand.u32 $0x7FFFFFFF, v48  }
0x29b: {  	v63 =	vld.idx.msk [tilespmem:v44+s23+$0x0], $0xffff;
	v56 =	vand.u32 $0x7FFFFFFF, v56;
	v54 =	vsub.f32 v26, v54;
	v33 =	vadd.f32 v49, v33  }
0x29c: {  	v60 =	vld.idx.msk [tilespmem:v46+s23+$0x0], $0xffff;
	v18 =	vadd.f32 v59, v18;
	v43 =	vadd.f32 v56, v43;
	v52 =	vand.u32 $0x7FFFFFFF, v52  }
0x29d: {  	v40 =	vld.idx.msk [tilespmem:v40+s23+$0x0], $0xffff;
	v50 =	vsub.f32 v26, v50;
	v47 =	vand.u32 $0x7FFFFFFF, v47;
	v51 =	vsub.f32 v26, v51  }
0x29e: {  	v61 =	vld.idx.msk [tilespmem:v46+s21+$0x0], $0xffff;
	v27 =	vadd.f32 v47, v27;
	v22 =	vadd.f32 v52, v22;
	v52 =	vand.u32 $0x7FFFFFFF, v53  }
0x29f: {  	v35 =	vld.idx.msk [tilespmem:v35+s23+$0x0], $0xffff;
	v53 =	vand.u32 $0x7FFFFFFF, v54;
	v55 =	vsub.f32 v26, v55;
	v34 =	vadd.f32 v52, v34  }
0x2a0: {  	v50 =	vand.u32 $0x7FFFFFFF, v50;
	v23 =	vadd.f32 v53, v23;
	v15 =	vadd.f32 v15, v43  }
0x2a1: {  	v11 =	vsub.f32 v26, v11;
	v38 =	vadd.f32 v50, v38  }
0x2a2: {  	v44 =	vsub.f32 v26, v63;
	v63 =	vsub.f32 v26, v60  }
0x2a3: {  	v27 =	vadd.f32 v45, v27;
	v40 =	vsub.f32 v26, v40  }
0x2a4: {  	v62 =	vand.u32 $0x7FFFFFFF, v51;
	v54 =	vsub.f32 v26, v61;
	v26 =	vsub.f32 v26, v35  }
0x2a5: {  	v21 =	vand.u32 $0x7FFFFFFF, v21;
	v30 =	vadd.f32 v62, v30;
	v58 =	vadd.f32 v36, v34  }
0x2a6: {  	v15 =	vsub.f32 $1.200000000e+01, v15;
	v11 =	vand.u32 $0x7FFFFFFF, v11;
	v27 =	vsub.f32 $1.200000000e+01, v27  }
0x2a7: {  	s9 =	sand.u32 $0x1D, s9;
	v26 =	vand.u32 $0x7FFFFFFF, v26;
	v21 =	vadd.f32 v21, v38;
	v30 =	vadd.f32 v39, v30  }
0x2a8: {  	s9 =	smul.u32 $0x420, s9;
	v11 =	vadd.f32 v11, v20;
	v20 =	vand.u32 $0x7FFFFFFF, v40;
	v25 =	vadd.f32 v26, v25  }
0x2a9: {  	v56 =	vand.u32 $0x7FFFFFFF, v55;
	v17 =	vadd.f32 v20, v17;
	v20 =	vadd.f32 v41, v23  }
0x2aa: {  	s9 =	sshrl.u32 s9, $0x2;
	v23 =	vadd.f32 v56, v28;
	v28 =	vadd.f32 v42, v33  }
0x2ab: {  	v57 =	vand.u32 $0x7FFFFFFF, v54;
	[tilespmem:s9+$0x1A231] =	vst v15;
	v11 =	vadd.f32 v32, v11;
	v15 =	vsub.f32 $1.200000000e+01, v30  }
0x2ac: {  	v23 =	vadd.f32 v29, v23;
	v29 =	vadd.f32 v57, v37  }
0x2ad: {  	v9 =	vand.u32 $0x7FFFFFFF, v9;
	[tilespmem:s9+$0x1A221] =	vst v27;
	v10 =	vadd.f32 v10, v25;
	v11 =	vsub.f32 $1.200000000e+01, v11  }
0x2ae: {  	[tilespmem:s9+$0x1A251] =	vst v15;
	v23 =	vsub.f32 $1.200000000e+01, v23;
	v9 =	vadd.f32 v9, v29  }
0x2af: {  	v28 =	vsub.f32 $1.200000000e+01, v28;
	v10 =	vsub.f32 $1.200000000e+01, v10;
	[tilespmem:s9+$0x1A241] =	vst v11  }
0x2b0: {  	v11 =	vand.u32 $0x7FFFFFFF, v44;
	[tilespmem:s9+$0x1A211] =	vst v23;
	v23 =	vand.u32 $0x7FFFFFFF, v31;
	v9 =	vsub.f32 $1.200000000e+01, v9  }
0x2b1: {  	[tilespmem:s9+$0x1A291] =	vst v10;
	v11 =	vadd.f32 v11, v24;
	v18 =	vadd.f32 v23, v18  }
0x2b2: {  	v10 =	vsub.f32 $1.200000000e+01, v20;
	[tilespmem:s9+$0x1A261] =	vst v9;
	v9 =	vsub.f32 $1.200000000e+01, v58  }
0x2b3: {  	[tilespmem:s9+$0x1A201] =	vst v28;
	v11 =	vadd.f32 v12, v11;
	v15 =	vsub.f32 $1.200000000e+01, v18;
	v18 =	vand.u32 $0x7FFFFFFF, v63  }
0x2b4: {  	v18 =	vadd.f32 v18, v19;
	[tilespmem:s9+$0x1A281] =	vst v9;
	v9 =	vsub.f32 $1.200000000e+01, v21  }
0x2b5: {  	[tilespmem:s9+$0x1A2B1] =	vst v10;
	v12 =	vadd.f32 v16, v17  }
0x2b6: {  	v14 =	vand.u32 $0x7FFFFFFF, v14;
	v13 =	vadd.f32 v13, v18;
	[tilespmem:s9+$0x1A2A1] =	vst v9;
	v9 =	vsub.f32 $1.200000000e+01, v11  }
0x2b7: {  	v10 =	vsub.f32 $1.200000000e+01, v12;
	[tilespmem:s9+$0x1A271] =	vst v15;
	v11 =	vadd.f32 v14, v22  }
0x2b8: {  	[tilespmem:s9+$0x1A2C1] =	vst v9;
	v9 =	vsub.f32 $1.200000000e+01, v13  }
0x2b9: {  	[tilespmem:s9+$0x1A2D1] =	vst v10;
	v10 =	vsub.f32 $1.200000000e+01, v11  }
0x2ba: {  	[tilespmem:s9+$0x1A2E1] =	vst v9  }
0x2bb: {  	s10 =	simm.s32 @!p0 $0x80;
	s11 =	simm.s32 @!p0 $0xE200;
	[tilespmem:s9+$0x1A2F1] =	vst v10;
	s9 =	sadd.s32 @!p0 $0x400, s8  }
0x2bc: {  	[tilespmem:s11], [sflag:$0x5] =	stream.indirect.gather @!p0 [hbm4b:s4+s10], $0x40, s9, s10, $0xb8;
	[tilespmem:$0x1C300] =	vst v63  }
0x2bd: {  	s12 =	simm.s32 $0x1;
	s9 =	sadd.s32 @!p0 $0x4400, s8;
	s11 =	simm.s32 @!p0 $0x10200  }
0x2be: {  	v9 =	vadd.s32 s12, v0;
	[tilespmem:s11], [sflag:$0x5] =	stream.indirect.gather @!p0 [hbm4b:s4+s10], $0x40, s9, s10, $0xb8;
	[tilespmem:$0x1C300] =	vst v63  }
0x2bf: {  	v9 =	vand.u32 $0x3F, v9;
	_ =	swait.ge [sflag:s24], $0x2000  }
0x2c0: {  	v10 =	vor.u32 v7, v9;
	[sflag:s24] =	ssyncset.done $0x0  }
0x2c1: {  	[sflag:s24] =	ssyncadd.s32 $0xFFFFE000  }
0x2c2: {  	v13 =	vor.u32 v6, v9;
	_ =	swait.ge [sflag:s24], $0x2000  }
0x2c3: {  	v14 =	vor.u32 v5, v9;
	[sflag:s24] =	ssyncset.done $0x0  }
0x2c4: {  	v16 =	vor.u32 v8, v9;
	[sflag:s24] =	ssyncadd.s32 $0xFFFFE000  }
0x2c5: {  	s9 =	sor.u32 $0x2, s7;
	v15 =	vld.idx.msk [tilespmem:v10+s31+$0x0], $0xffff  }
0x2c6: {  	s11 =	sshll.u32 s9, $0x6;
	v10 =	vld.idx.msk [tilespmem:v10+s30+$0x0], $0xffff  }
0x2c7: {  	v17 =	vor.u32 v1, v9;
	v11 =	vmov s11;
	v18 =	vld.idx.msk [tilespmem:v13+s30+$0x0], $0xffff  }
0x2c8: {  	v12 =	vor.u32 v11, v9;
	v19 =	vld.idx.msk [tilespmem:v14+s30+$0x0], $0xffff  }
0x2c9: {  	v20 =	vld.idx.msk [tilespmem:v16+s31+$0x0], $0xffff  }
0x2ca: {  	v16 =	vld.idx.msk [tilespmem:v16+s30+$0x0], $0xffff  }
0x2cb: {  	v21 =	vor.u32 v3, v9;
	v23 =	vld.idx.msk [tilespmem:v14+s31+$0x0], $0xffff  }
0x2cc: {  	v22 =	vor.u32 v2, v9;
	v24 =	vld.idx.msk [tilespmem:v17+s30+$0x0], $0xffff  }
0x2cd: {  	v12 =	vld.idx.msk [tilespmem:v12+s29+$0x0], $0xffff  }
0x2ce: {  	v43 =	vimm.f32 $0.0e+00;
	v34 =	vimm.f32 $0.0e+00;
	s12 =	simm.s32 $0x0;
	v14 =	vld.idx.msk [tilespmem:v17+s31+$0x0], $0xffff  }
0x2cf: {  	v38 =	vimm.f32 $0.0e+00;
	v17 =	vor.u32 v4, v9;
	v9 =	vadd.s32 s12, v0;
	v13 =	vld.idx.msk [tilespmem:v13+s31+$0x0], $0xffff  }
0x2d0: {  	v33 =	vimm.f32 $0.0e+00;
	v37 =	vimm.f32 $0.0e+00;
	v27 =	vld.idx.msk [tilespmem:v21+s31+$0x0], $0xffff;
	v25 =	vand.u32 $0x3F, v9  }
0x2d1: {  	v28 =	vld.idx.msk [tilespmem:v22+s31+$0x0], $0xffff;
	v26 =	vor.u32 v11, v25;
	v60 =	vor.u32 v1, v25;
	v35 =	vor.u32 v2, v25  }
0x2d2: {  	v21 =	vld.idx.msk [tilespmem:v21+s30+$0x0], $0xffff;
	v61 =	vor.u32 v4, v25;
	v62 =	vor.u32 v3, v25;
	v9 =	vsub.f32 v12, v15  }
0x2d3: {  	v44 =	vor.u32 v5, v25;
	v30 =	vsub.f32 v12, v10;
	v31 =	vsub.f32 v12, v20  }
0x2d4: {  	v40 =	vor.u32 v6, v25;
	v10 =	vld.idx.msk [tilespmem:v22+s30+$0x0], $0xffff;
	v22 =	vsub.f32 v12, v14;
	v14 =	vsub.f32 v12, v16  }
0x2d5: {  	v46 =	vor.u32 v7, v25;
	v15 =	vld.idx.msk [tilespmem:v17+s31+$0x0], $0xffff;
	v16 =	vsub.f32 v12, v23;
	v13 =	vsub.f32 v12, v13  }
0x2d6: {  	v20 =	vor.u32 v8, v25;
	v17 =	vld.idx.msk [tilespmem:v17+s30+$0x0], $0xffff;
	v23 =	vsub.f32 v12, v27;
	v27 =	vsub.f32 v12, v28  }
0x2d7: {  	v24 =	vsub.f32 v12, v24;
	v21 =	vsub.f32 v12, v21;
	v25 =	vimm.f32 $0.0e+00;
	v26 =	vld.idx.msk [tilespmem:v26+s29+$0x0], $0xffff  }
0x2d8: {  	v28 =	vld.idx.msk [tilespmem:v60+s31+$0x0], $0xffff;
	v32 =	vand.u32 $0x7FFFFFFF, v16;
	v16 =	vsub.f32 v12, v18;
	v39 =	vand.u32 $0x7FFFFFFF, v13  }
0x2d9: {  	v47 =	vld.idx.msk [tilespmem:v62+s31+$0x0], $0xffff;
	v36 =	vand.u32 $0x7FFFFFFF, v24;
	v29 =	vand.u32 $0x7FFFFFFF, v27;
	v45 =	vand.u32 $0x7FFFFFFF, v23  }
0x2da: {  	v18 =	vld.idx.msk [tilespmem:v61+s31+$0x0], $0xffff;
	v42 =	vand.u32 $0x7FFFFFFF, v22;
	v27 =	vimm.f32 $0.0e+00;
	v22 =	vimm.f32 $0.0e+00  }
0x2db: {  	v23 =	vimm.f32 $0.0e+00;
	v24 =	vimm.f32 $0.0e+00;
	v10 =	vsub.f32 v12, v10;
	v63 =	vld.idx.msk [tilespmem:v20+s31+$0x0], $0xffff  }
0x2dc: {  	v53 =	vld.idx.msk [tilespmem:v60+s30+$0x0], $0xffff;
	v16 =	vand.u32 $0x7FFFFFFF, v16;
	v15 =	vsub.f32 v12, v15;
	v13 =	vsub.f32 v12, v17  }
0x2dd: {  	v12 =	vsub.f32 v12, v19;
	v52 =	vld.idx.msk [tilespmem:v20+s30+$0x0], $0xffff;
	v20 =	vimm.f32 $0.0e+00;
	v17 =	vimm.f32 $0.0e+00  }
0x2de: {  	v54 =	vld.idx.msk [tilespmem:v61+s30+$0x0], $0xffff;
	v19 =	vimm.f32 $0.0e+00;
	v49 =	vsub.f32 v26, v28;
	v28 =	vimm.f32 $0.0e+00  }
0x2df: {  	v50 =	vld.idx.msk [tilespmem:v62+s30+$0x0], $0xffff;
	v10 =	vand.u32 $0x7FFFFFFF, v10;
	v15 =	vand.u32 $0x7FFFFFFF, v15;
	v41 =	vand.u32 $0x7FFFFFFF, v13  }
0x2e0: {  	v51 =	vld.idx.msk [tilespmem:v40+s31+$0x0], $0xffff;
	v12 =	vand.u32 $0x7FFFFFFF, v12;
	v56 =	vsub.f32 v26, v18;
	v48 =	vsub.f32 v26, v63  }
0x2e1: {  	s10 =	simm.s32 $0x2;
	v55 =	vld.idx.msk [tilespmem:v35+s31+$0x0], $0xffff;
	v13 =	vand.u32 $0x7FFFFFFF, v30;
	v30 =	vimm.f32 $0.0e+00;
	v18 =	vimm.f32 $0.0e+00  }
.LBB2_25:
0x2e2: {  	p1 =	slt.u32 s10, $0x3E;
	v48 =	vand.u32 $0x7FFFFFFF, v48;
	v53 =	vsub.f32 v26, v53;
	v57 =	vand.u32 $0x7FFFFFFF, v31;
	s11 =	smov.u32 s10;
	s10 =	sadd.s32 $0x2, s10  }
0x2e3: {  	v31 =	vand.u32 $0x7FFFFFFF, v49;
	v52 =	vsub.f32 v26, v52;
	s12 =	sadd.s32 $0x1, s11;
	v49 =	vand.u32 $0x7FFFFFFF, v56;
	v56 =	vld.idx.msk [tilespmem:v44+s31+$0x0], $0xffff  }
0x2e4: {  	v47 =	vsub.f32 v26, v47;
	v54 =	vsub.f32 v26, v54;
	v58 =	vadd.s32 s12, v0;
	v44 =	vld.idx.msk [tilespmem:v44+s30+$0x0], $0xffff  }
0x2e5: {  	v43 =	vadd.f32 v49, v43;
	v53 =	vand.u32 $0x7FFFFFFF, v53;
	v52 =	vand.u32 $0x7FFFFFFF, v52;
	v49 =	vld.idx.msk [tilespmem:v46+s31+$0x0], $0xffff  }
0x2e6: {  	v47 =	vand.u32 $0x7FFFFFFF, v47;
	v50 =	vsub.f32 v26, v50;
	v54 =	vand.u32 $0x7FFFFFFF, v54;
	v46 =	vld.idx.msk [tilespmem:v46+s30+$0x0], $0xffff  }
0x2e7: {  	v58 =	vand.u32 $0x3F, v58;
	v51 =	vsub.f32 v26, v51;
	v55 =	vsub.f32 v26, v55  }
0x2e8: {  	v59 =	vor.u32 v11, v58;
	v60 =	vor.u32 v6, v58;
	v61 =	vor.u32 v7, v58;
	v35 =	vld.idx.msk [tilespmem:v35+s30+$0x0], $0xffff  }
0x2e9: {  	v50 =	vand.u32 $0x7FFFFFFF, v50;
	v51 =	vand.u32 $0x7FFFFFFF, v51;
	v56 =	vsub.f32 v26, v56;
	v40 =	vld.idx.msk [tilespmem:v40+s30+$0x0], $0xffff  }
0x2ea: {  	v14 =	vand.u32 $0x7FFFFFFF, v14;
	v27 =	vadd.f32 v47, v27;
	v22 =	vadd.f32 v52, v22  }
0x2eb: {  	v38 =	vadd.f32 v50, v38;
	v44 =	vsub.f32 v26, v44;
	v47 =	vand.u32 $0x7FFFFFFF, v56  }
0x2ec: {  	v22 =	vadd.f32 v14, v22;
	v50 =	vand.u32 $0x7FFFFFFF, v55;
	v30 =	vadd.f32 v51, v30  }
0x2ed: {  	v14 =	vor.u32 v5, v58;
	v27 =	vadd.f32 v45, v27;
	v46 =	vsub.f32 v26, v46  }
0x2ee: {  	v31 =	vadd.f32 v31, v33;
	v34 =	vadd.f32 v53, v34;
	v51 =	vor.u32 v8, v58;
	v45 =	vld.idx.msk [tilespmem:v61+s31+$0x0], $0xffff  }
0x2ef: {  	v23 =	vadd.f32 v54, v23;
	v33 =	vsub.f32 v26, v40;
	v40 =	vand.u32 $0x7FFFFFFF, v46;
	v55 =	vld.idx.msk [tilespmem:v59+s29+$0x0], $0xffff  }
0x2f0: {  	v49 =	vsub.f32 v26, v49;
	v30 =	vadd.f32 v39, v30;
	v46 =	vor.u32 v1, v58;
	v52 =	vld.idx.msk [tilespmem:v61+s30+$0x0], $0xffff  }
0x2f1: {  	v20 =	vadd.f32 v47, v20;
	v26 =	vsub.f32 v26, v35;
	v33 =	vand.u32 $0x7FFFFFFF, v33;
	v39 =	vld.idx.msk [tilespmem:v60+s30+$0x0], $0xffff  }
0x2f2: {  	v23 =	vadd.f32 v41, v23;
	v35 =	vand.u32 $0x7FFFFFFF, v49;
	v17 =	vadd.f32 v33, v17;
	v56 =	vld.idx.msk [tilespmem:v14+s30+$0x0], $0xffff  }
0x2f3: {  	v44 =	vand.u32 $0x7FFFFFFF, v44;
	v20 =	vadd.f32 v32, v20;
	v26 =	vand.u32 $0x7FFFFFFF, v26;
	v41 =	vld.idx.msk [tilespmem:v51+s31+$0x0], $0xffff  }
0x2f4: {  	v32 =	vor.u32 v3, v58;
	v33 =	vadd.f32 v42, v31;
	v17 =	vadd.f32 v16, v17;
	v47 =	vld.idx.msk [tilespmem:v51+s30+$0x0], $0xffff  }
0x2f5: {  	v34 =	vadd.f32 v36, v34;
	v16 =	vor.u32 v2, v58;
	v45 =	vsub.f32 v55, v45;
	v42 =	vld.idx.msk [tilespmem:v14+s31+$0x0], $0xffff  }
0x2f6: {  	v21 =	vand.u32 $0x7FFFFFFF, v21;
	v37 =	vadd.f32 v35, v37;
	v14 =	vadd.f32 v50, v28;
	v36 =	vld.idx.msk [tilespmem:v46+s30+$0x0], $0xffff  }
0x2f7: {  	v18 =	vadd.f32 v48, v18;
	v38 =	vadd.f32 v21, v38;
	v49 =	vor.u32 v4, v58;
	v46 =	vld.idx.msk [tilespmem:v46+s31+$0x0], $0xffff  }
0x2f8: {  	v21 =	vadd.s32 s11, v0;
	v19 =	vadd.f32 v40, v19;
	v58 =	vsub.f32 v55, v52;
	v48 =	vld.idx.msk [tilespmem:v60+s31+$0x0], $0xffff  }
0x2f9: {  	v21 =	vand.u32 $0x3F, v21;
	v24 =	vadd.f32 v44, v24;
	v31 =	vsub.f32 v55, v41;
	v50 =	vld.idx.msk [tilespmem:v32+s31+$0x0], $0xffff  }
0x2fa: {  	v25 =	vadd.f32 v26, v25;
	v51 =	vor.u32 v1, v21;
	v41 =	vor.u32 v11, v21;
	v52 =	vld.idx.msk [tilespmem:v16+s31+$0x0], $0xffff  }
0x2fb: {  	v35 =	vor.u32 v2, v21;
	v59 =	vor.u32 v3, v21;
	v28 =	vadd.f32 v29, v14;
	v16 =	vld.idx.msk [tilespmem:v16+s30+$0x0], $0xffff  }
0x2fc: {  	v18 =	vadd.f32 v57, v18;
	v44 =	vor.u32 v5, v21;
	v40 =	vor.u32 v6, v21;
	v29 =	vld.idx.msk [tilespmem:v49+s31+$0x0], $0xffff  }
0x2fd: {  	v54 =	vor.u32 v8, v21;
	v14 =	vsub.f32 v55, v47;
	v57 =	vsub.f32 v55, v46;
	v60 =	vld.idx.msk [tilespmem:v32+s30+$0x0], $0xffff  }
0x2fe: {  	v61 =	vor.u32 v4, v21;
	v32 =	vsub.f32 v55, v42;
	v42 =	vsub.f32 v55, v48;
	v48 =	vld.idx.msk [tilespmem:v49+s30+$0x0], $0xffff  }
0x2ff: {  	v43 =	vadd.f32 v15, v43;
	v26 =	vld.idx.msk [tilespmem:v41+s29+$0x0], $0xffff;
	v41 =	vsub.f32 v55, v50  }
0x300: {  	v36 =	vsub.f32 v55, v36;
	v62 =	vsub.f32 v55, v52;
	v49 =	vld.idx.msk [tilespmem:v51+s31+$0x0], $0xffff  }
0x301: {  	v25 =	vadd.f32 v10, v25;
	v15 =	vsub.f32 v55, v16;
	v16 =	vand.u32 $0x7FFFFFFF, v9;
	v9 =	vmovc v45;
	v47 =	vld.idx.msk [tilespmem:v59+s31+$0x0], $0xffff  }
0x302: {  	v19 =	vadd.f32 v13, v19;
	v32 =	vand.u32 $0x7FFFFFFF, v32;
	v29 =	vsub.f32 v55, v29;
	v63 =	vld.idx.msk [tilespmem:v54+s31+$0x0], $0xffff  }
0x303: {  	v46 =	vor.u32 v7, v21;
	v45 =	vsub.f32 v55, v39;
	v37 =	vadd.f32 v16, v37;
	v13 =	vld.idx.msk [tilespmem:v61+s31+$0x0], $0xffff  }
0x304: {  	v24 =	vadd.f32 v12, v24;
	v39 =	vand.u32 $0x7FFFFFFF, v42;
	v10 =	vand.u32 $0x7FFFFFFF, v15;
	v53 =	vld.idx.msk [tilespmem:v51+s30+$0x0], $0xffff  }
.Ltmp11:
0x305: {  	v21 =	vsub.f32 v55, v60;
	v16 =	vand.u32 $0x7FFFFFFF, v45;
	v12 =	vsub.f32 v55, v48;
	v52 =	vld.idx.msk [tilespmem:v54+s30+$0x0], $0xffff;
	(pc) =	sbr.rel @p1 .LBB2_25-.Ltmp11, $4  }
0x306: {  	v36 =	vand.u32 $0x7FFFFFFF, v36;
	v42 =	vsub.f32 v55, v56;
	v15 =	vand.u32 $0x7FFFFFFF, v29;
	v54 =	vld.idx.msk [tilespmem:v61+s30+$0x0], $0xffff  }
0x307: {  	v45 =	vand.u32 $0x7FFFFFFF, v41;
	v29 =	vand.u32 $0x7FFFFFFF, v62;
	v41 =	vand.u32 $0x7FFFFFFF, v12;
	v50 =	vld.idx.msk [tilespmem:v59+s30+$0x0], $0xffff  }
0x308: {  	v49 =	vsub.f32 v26, v49;
	v12 =	vand.u32 $0x7FFFFFFF, v42;
	v48 =	vsub.f32 v26, v63;
	v51 =	vld.idx.msk [tilespmem:v40+s31+$0x0], $0xffff  }
0x309: {  	v42 =	vand.u32 $0x7FFFFFFF, v57;
	v56 =	vsub.f32 v26, v13;
	v13 =	vand.u32 $0x7FFFFFFF, v58;
	v55 =	vld.idx.msk [tilespmem:v35+s31+$0x0], $0xffff  }
0x30a: {  	_ =	sdelay $0x2  }
0x30b: {  	v53 =	vsub.f32 v26, v53;
	v52 =	vsub.f32 v26, v52  }
0x30c: {  	v11 =	vld.idx.msk [tilespmem:v44+s31+$0x0], $0xffff;
	v47 =	vsub.f32 v26, v47;
	v49 =	vand.u32 $0x7FFFFFFF, v49;
	v59 =	vand.u32 $0x7FFFFFFF, v48  }
0x30d: {  	v63 =	vld.idx.msk [tilespmem:v44+s30+$0x0], $0xffff;
	v56 =	vand.u32 $0x7FFFFFFF, v56;
	v54 =	vsub.f32 v26, v54;
	v33 =	vadd.f32 v49, v33  }
0x30e: {  	v60 =	vld.idx.msk [tilespmem:v46+s30+$0x0], $0xffff;
	v18 =	vadd.f32 v59, v18;
	v43 =	vadd.f32 v56, v43;
	v52 =	vand.u32 $0x7FFFFFFF, v52  }
0x30f: {  	v40 =	vld.idx.msk [tilespmem:v40+s30+$0x0], $0xffff;
	v50 =	vsub.f32 v26, v50;
	v47 =	vand.u32 $0x7FFFFFFF, v47;
	v51 =	vsub.f32 v26, v51  }
0x310: {  	v61 =	vld.idx.msk [tilespmem:v46+s31+$0x0], $0xffff;
	v27 =	vadd.f32 v47, v27;
	v22 =	vadd.f32 v52, v22;
	v52 =	vand.u32 $0x7FFFFFFF, v53  }
0x311: {  	v35 =	vld.idx.msk [tilespmem:v35+s30+$0x0], $0xffff;
	v53 =	vand.u32 $0x7FFFFFFF, v54;
	v55 =	vsub.f32 v26, v55;
	v34 =	vadd.f32 v52, v34  }
0x312: {  	v50 =	vand.u32 $0x7FFFFFFF, v50;
	v23 =	vadd.f32 v53, v23;
	v15 =	vadd.f32 v15, v43  }
0x313: {  	v11 =	vsub.f32 v26, v11;
	v38 =	vadd.f32 v50, v38  }
0x314: {  	v44 =	vsub.f32 v26, v63;
	v63 =	vsub.f32 v26, v60  }
0x315: {  	v27 =	vadd.f32 v45, v27;
	v40 =	vsub.f32 v26, v40  }
0x316: {  	v62 =	vand.u32 $0x7FFFFFFF, v51;
	v54 =	vsub.f32 v26, v61;
	v26 =	vsub.f32 v26, v35  }
0x317: {  	v21 =	vand.u32 $0x7FFFFFFF, v21;
	v30 =	vadd.f32 v62, v30;
	v58 =	vadd.f32 v36, v34  }
0x318: {  	v15 =	vsub.f32 $1.200000000e+01, v15;
	v11 =	vand.u32 $0x7FFFFFFF, v11;
	v27 =	vsub.f32 $1.200000000e+01, v27  }
0x319: {  	s9 =	sand.u32 $0x1E, s9;
	v26 =	vand.u32 $0x7FFFFFFF, v26;
	v21 =	vadd.f32 v21, v38;
	v30 =	vadd.f32 v39, v30  }
0x31a: {  	s9 =	smul.u32 $0x420, s9;
	v11 =	vadd.f32 v11, v20;
	v20 =	vand.u32 $0x7FFFFFFF, v40;
	v25 =	vadd.f32 v26, v25  }
0x31b: {  	v56 =	vand.u32 $0x7FFFFFFF, v55;
	v17 =	vadd.f32 v20, v17;
	v20 =	vadd.f32 v41, v23  }
0x31c: {  	s9 =	sshrl.u32 s9, $0x2;
	v23 =	vadd.f32 v56, v28;
	v28 =	vadd.f32 v42, v33  }
0x31d: {  	v57 =	vand.u32 $0x7FFFFFFF, v54;
	[tilespmem:s9+$0x1A231] =	vst v15;
	v11 =	vadd.f32 v32, v11;
	v15 =	vsub.f32 $1.200000000e+01, v30  }
0x31e: {  	v23 =	vadd.f32 v29, v23;
	v29 =	vadd.f32 v57, v37  }
0x31f: {  	v9 =	vand.u32 $0x7FFFFFFF, v9;
	[tilespmem:s9+$0x1A221] =	vst v27;
	v10 =	vadd.f32 v10, v25;
	v11 =	vsub.f32 $1.200000000e+01, v11  }
0x320: {  	[tilespmem:s9+$0x1A251] =	vst v15;
	v23 =	vsub.f32 $1.200000000e+01, v23;
	v9 =	vadd.f32 v9, v29  }
0x321: {  	v28 =	vsub.f32 $1.200000000e+01, v28;
	v10 =	vsub.f32 $1.200000000e+01, v10;
	[tilespmem:s9+$0x1A241] =	vst v11  }
0x322: {  	v11 =	vand.u32 $0x7FFFFFFF, v44;
	[tilespmem:s9+$0x1A211] =	vst v23;
	v23 =	vand.u32 $0x7FFFFFFF, v31;
	v9 =	vsub.f32 $1.200000000e+01, v9  }
0x323: {  	[tilespmem:s9+$0x1A291] =	vst v10;
	v11 =	vadd.f32 v11, v24;
	v18 =	vadd.f32 v23, v18  }
0x324: {  	v10 =	vsub.f32 $1.200000000e+01, v20;
	[tilespmem:s9+$0x1A261] =	vst v9;
	v9 =	vsub.f32 $1.200000000e+01, v58  }
0x325: {  	[tilespmem:s9+$0x1A201] =	vst v28;
	v11 =	vadd.f32 v12, v11;
	v15 =	vsub.f32 $1.200000000e+01, v18;
	v18 =	vand.u32 $0x7FFFFFFF, v63  }
0x326: {  	v18 =	vadd.f32 v18, v19;
	[tilespmem:s9+$0x1A281] =	vst v9;
	v9 =	vsub.f32 $1.200000000e+01, v21  }
0x327: {  	[tilespmem:s9+$0x1A2B1] =	vst v10;
	v12 =	vadd.f32 v16, v17  }
0x328: {  	v14 =	vand.u32 $0x7FFFFFFF, v14;
	v13 =	vadd.f32 v13, v18;
	[tilespmem:s9+$0x1A2A1] =	vst v9;
	v9 =	vsub.f32 $1.200000000e+01, v11  }
0x329: {  	v10 =	vsub.f32 $1.200000000e+01, v12;
	[tilespmem:s9+$0x1A271] =	vst v15;
	v11 =	vadd.f32 v14, v22  }
0x32a: {  	[tilespmem:s9+$0x1A2C1] =	vst v9;
	v9 =	vsub.f32 $1.200000000e+01, v13  }
0x32b: {  	[tilespmem:s9+$0x1A2D1] =	vst v10;
	v10 =	vsub.f32 $1.200000000e+01, v11  }
0x32c: {  	[tilespmem:s9+$0x1A2E1] =	vst v9  }
0x32d: {  	s10 =	simm.s32 @!p0 $0x80;
	s11 =	simm.s32 @!p0 $0x12200;
	[tilespmem:s9+$0x1A2F1] =	vst v10;
	s9 =	sadd.s32 @!p0 $0x480, s8  }
0x32e: {  	[tilespmem:s11], [sflag:$0x6] =	stream.indirect.gather @!p0 [hbm4b:s4+s10], $0x40, s9, s10, $0xb8;
	[tilespmem:$0x1C300] =	vst v63  }
0x32f: {  	s12 =	simm.s32 $0x1;
	s9 =	sadd.s32 @!p0 $0x4480, s8;
	s11 =	simm.s32 @!p0 $0x14200  }
0x330: {  	v9 =	vadd.s32 s12, v0;
	[tilespmem:s11], [sflag:$0x6] =	stream.indirect.gather @!p0 [hbm4b:s4+s10], $0x40, s9, s10, $0xb8;
	[tilespmem:$0x1C300] =	vst v63  }
0x331: {  	v9 =	vand.u32 $0x3F, v9;
	_ =	swait.ge [sflag:s15], $0x2000  }
0x332: {  	v10 =	vor.u32 v7, v9;
	[sflag:s15] =	ssyncset.done $0x0  }
0x333: {  	[sflag:s15] =	ssyncadd.s32 $0xFFFFE000  }
0x334: {  	v13 =	vor.u32 v6, v9;
	_ =	swait.ge [sflag:s15], $0x2000  }
0x335: {  	v14 =	vor.u32 v5, v9;
	[sflag:s15] =	ssyncset.done $0x0  }
0x336: {  	v16 =	vor.u32 v8, v9;
	[sflag:s15] =	ssyncadd.s32 $0xFFFFE000  }
0x337: {  	s9 =	sor.u32 $0x3, s7;
	v15 =	vld.idx.msk [tilespmem:v10+s25+$0x0], $0xffff  }
0x338: {  	s11 =	sshll.u32 s9, $0x6;
	v10 =	vld.idx.msk [tilespmem:v10+s28+$0x0], $0xffff  }
0x339: {  	v17 =	vor.u32 v1, v9;
	v11 =	vmov s11;
	v18 =	vld.idx.msk [tilespmem:v13+s28+$0x0], $0xffff  }
0x33a: {  	v12 =	vor.u32 v11, v9;
	v19 =	vld.idx.msk [tilespmem:v14+s28+$0x0], $0xffff  }
0x33b: {  	v20 =	vld.idx.msk [tilespmem:v16+s25+$0x0], $0xffff  }
0x33c: {  	v16 =	vld.idx.msk [tilespmem:v16+s28+$0x0], $0xffff  }
0x33d: {  	v21 =	vor.u32 v3, v9;
	v23 =	vld.idx.msk [tilespmem:v14+s25+$0x0], $0xffff  }
0x33e: {  	v22 =	vor.u32 v2, v9;
	v24 =	vld.idx.msk [tilespmem:v17+s28+$0x0], $0xffff  }
0x33f: {  	v12 =	vld.idx.msk [tilespmem:v12+s29+$0x0], $0xffff  }
0x340: {  	v43 =	vimm.f32 $0.0e+00;
	v34 =	vimm.f32 $0.0e+00;
	s12 =	simm.s32 $0x0;
	v14 =	vld.idx.msk [tilespmem:v17+s25+$0x0], $0xffff  }
0x341: {  	v38 =	vimm.f32 $0.0e+00;
	v17 =	vor.u32 v4, v9;
	v9 =	vadd.s32 s12, v0;
	v13 =	vld.idx.msk [tilespmem:v13+s25+$0x0], $0xffff  }
0x342: {  	v33 =	vimm.f32 $0.0e+00;
	v37 =	vimm.f32 $0.0e+00;
	v27 =	vld.idx.msk [tilespmem:v21+s25+$0x0], $0xffff;
	v25 =	vand.u32 $0x3F, v9  }
0x343: {  	v28 =	vld.idx.msk [tilespmem:v22+s25+$0x0], $0xffff;
	v26 =	vor.u32 v11, v25;
	v60 =	vor.u32 v1, v25;
	v35 =	vor.u32 v2, v25  }
0x344: {  	v21 =	vld.idx.msk [tilespmem:v21+s28+$0x0], $0xffff;
	v61 =	vor.u32 v4, v25;
	v62 =	vor.u32 v3, v25;
	v9 =	vsub.f32 v12, v15  }
0x345: {  	v44 =	vor.u32 v5, v25;
	v30 =	vsub.f32 v12, v10;
	v31 =	vsub.f32 v12, v20  }
0x346: {  	v40 =	vor.u32 v6, v25;
	v10 =	vld.idx.msk [tilespmem:v22+s28+$0x0], $0xffff;
	v22 =	vsub.f32 v12, v14;
	v14 =	vsub.f32 v12, v16  }
0x347: {  	v46 =	vor.u32 v7, v25;
	v15 =	vld.idx.msk [tilespmem:v17+s25+$0x0], $0xffff;
	v16 =	vsub.f32 v12, v23;
	v13 =	vsub.f32 v12, v13  }
0x348: {  	v20 =	vor.u32 v8, v25;
	v17 =	vld.idx.msk [tilespmem:v17+s28+$0x0], $0xffff;
	v23 =	vsub.f32 v12, v27;
	v27 =	vsub.f32 v12, v28  }
0x349: {  	v24 =	vsub.f32 v12, v24;
	v21 =	vsub.f32 v12, v21;
	v25 =	vimm.f32 $0.0e+00;
	v26 =	vld.idx.msk [tilespmem:v26+s29+$0x0], $0xffff  }
0x34a: {  	v28 =	vld.idx.msk [tilespmem:v60+s25+$0x0], $0xffff;
	v32 =	vand.u32 $0x7FFFFFFF, v16;
	v16 =	vsub.f32 v12, v18;
	v39 =	vand.u32 $0x7FFFFFFF, v13  }
0x34b: {  	v47 =	vld.idx.msk [tilespmem:v62+s25+$0x0], $0xffff;
	v36 =	vand.u32 $0x7FFFFFFF, v24;
	v29 =	vand.u32 $0x7FFFFFFF, v27;
	v45 =	vand.u32 $0x7FFFFFFF, v23  }
0x34c: {  	v18 =	vld.idx.msk [tilespmem:v61+s25+$0x0], $0xffff;
	v42 =	vand.u32 $0x7FFFFFFF, v22;
	v27 =	vimm.f32 $0.0e+00;
	v22 =	vimm.f32 $0.0e+00  }
0x34d: {  	v23 =	vimm.f32 $0.0e+00;
	v24 =	vimm.f32 $0.0e+00;
	v10 =	vsub.f32 v12, v10;
	v63 =	vld.idx.msk [tilespmem:v20+s25+$0x0], $0xffff  }
0x34e: {  	v53 =	vld.idx.msk [tilespmem:v60+s28+$0x0], $0xffff;
	v16 =	vand.u32 $0x7FFFFFFF, v16;
	v15 =	vsub.f32 v12, v15;
	v13 =	vsub.f32 v12, v17  }
0x34f: {  	v12 =	vsub.f32 v12, v19;
	v52 =	vld.idx.msk [tilespmem:v20+s28+$0x0], $0xffff;
	v20 =	vimm.f32 $0.0e+00;
	v17 =	vimm.f32 $0.0e+00  }
0x350: {  	v54 =	vld.idx.msk [tilespmem:v61+s28+$0x0], $0xffff;
	v19 =	vimm.f32 $0.0e+00;
	v49 =	vsub.f32 v26, v28;
	v28 =	vimm.f32 $0.0e+00  }
0x351: {  	v50 =	vld.idx.msk [tilespmem:v62+s28+$0x0], $0xffff;
	v10 =	vand.u32 $0x7FFFFFFF, v10;
	v15 =	vand.u32 $0x7FFFFFFF, v15;
	v41 =	vand.u32 $0x7FFFFFFF, v13  }
0x352: {  	v51 =	vld.idx.msk [tilespmem:v40+s25+$0x0], $0xffff;
	v12 =	vand.u32 $0x7FFFFFFF, v12;
	v56 =	vsub.f32 v26, v18;
	v48 =	vsub.f32 v26, v63  }
0x353: {  	s10 =	simm.s32 $0x2;
	v55 =	vld.idx.msk [tilespmem:v35+s25+$0x0], $0xffff;
	v13 =	vand.u32 $0x7FFFFFFF, v30;
	v30 =	vimm.f32 $0.0e+00;
	v18 =	vimm.f32 $0.0e+00  }
.LBB2_27:
0x354: {  	p1 =	slt.u32 s10, $0x3E;
	v48 =	vand.u32 $0x7FFFFFFF, v48;
	v53 =	vsub.f32 v26, v53;
	v57 =	vand.u32 $0x7FFFFFFF, v31;
	s11 =	smov.u32 s10;
	s10 =	sadd.s32 $0x2, s10  }
0x355: {  	v31 =	vand.u32 $0x7FFFFFFF, v49;
	v52 =	vsub.f32 v26, v52;
	s12 =	sadd.s32 $0x1, s11;
	v49 =	vand.u32 $0x7FFFFFFF, v56;
	v56 =	vld.idx.msk [tilespmem:v44+s25+$0x0], $0xffff  }
0x356: {  	v47 =	vsub.f32 v26, v47;
	v54 =	vsub.f32 v26, v54;
	v58 =	vadd.s32 s12, v0;
	v44 =	vld.idx.msk [tilespmem:v44+s28+$0x0], $0xffff  }
0x357: {  	v43 =	vadd.f32 v49, v43;
	v53 =	vand.u32 $0x7FFFFFFF, v53;
	v52 =	vand.u32 $0x7FFFFFFF, v52;
	v49 =	vld.idx.msk [tilespmem:v46+s25+$0x0], $0xffff  }
0x358: {  	v47 =	vand.u32 $0x7FFFFFFF, v47;
	v50 =	vsub.f32 v26, v50;
	v54 =	vand.u32 $0x7FFFFFFF, v54;
	v46 =	vld.idx.msk [tilespmem:v46+s28+$0x0], $0xffff  }
0x359: {  	v58 =	vand.u32 $0x3F, v58;
	v51 =	vsub.f32 v26, v51;
	v55 =	vsub.f32 v26, v55  }
0x35a: {  	v59 =	vor.u32 v11, v58;
	v60 =	vor.u32 v6, v58;
	v61 =	vor.u32 v7, v58;
	v35 =	vld.idx.msk [tilespmem:v35+s28+$0x0], $0xffff  }
0x35b: {  	v50 =	vand.u32 $0x7FFFFFFF, v50;
	v51 =	vand.u32 $0x7FFFFFFF, v51;
	v56 =	vsub.f32 v26, v56;
	v40 =	vld.idx.msk [tilespmem:v40+s28+$0x0], $0xffff  }
0x35c: {  	v14 =	vand.u32 $0x7FFFFFFF, v14;
	v27 =	vadd.f32 v47, v27;
	v22 =	vadd.f32 v52, v22  }
0x35d: {  	v38 =	vadd.f32 v50, v38;
	v44 =	vsub.f32 v26, v44;
	v47 =	vand.u32 $0x7FFFFFFF, v56  }
0x35e: {  	v22 =	vadd.f32 v14, v22;
	v50 =	vand.u32 $0x7FFFFFFF, v55;
	v30 =	vadd.f32 v51, v30  }
0x35f: {  	v14 =	vor.u32 v5, v58;
	v27 =	vadd.f32 v45, v27;
	v46 =	vsub.f32 v26, v46  }
0x360: {  	v31 =	vadd.f32 v31, v33;
	v34 =	vadd.f32 v53, v34;
	v51 =	vor.u32 v8, v58;
	v45 =	vld.idx.msk [tilespmem:v61+s25+$0x0], $0xffff  }
0x361: {  	v23 =	vadd.f32 v54, v23;
	v33 =	vsub.f32 v26, v40;
	v40 =	vand.u32 $0x7FFFFFFF, v46;
	v55 =	vld.idx.msk [tilespmem:v59+s29+$0x0], $0xffff  }
0x362: {  	v49 =	vsub.f32 v26, v49;
	v30 =	vadd.f32 v39, v30;
	v46 =	vor.u32 v1, v58;
	v52 =	vld.idx.msk [tilespmem:v61+s28+$0x0], $0xffff  }
0x363: {  	v20 =	vadd.f32 v47, v20;
	v26 =	vsub.f32 v26, v35;
	v33 =	vand.u32 $0x7FFFFFFF, v33;
	v39 =	vld.idx.msk [tilespmem:v60+s28+$0x0], $0xffff  }
0x364: {  	v23 =	vadd.f32 v41, v23;
	v35 =	vand.u32 $0x7FFFFFFF, v49;
	v17 =	vadd.f32 v33, v17;
	v56 =	vld.idx.msk [tilespmem:v14+s28+$0x0], $0xffff  }
0x365: {  	v44 =	vand.u32 $0x7FFFFFFF, v44;
	v20 =	vadd.f32 v32, v20;
	v26 =	vand.u32 $0x7FFFFFFF, v26;
	v41 =	vld.idx.msk [tilespmem:v51+s25+$0x0], $0xffff  }
0x366: {  	v32 =	vor.u32 v3, v58;
	v33 =	vadd.f32 v42, v31;
	v17 =	vadd.f32 v16, v17;
	v47 =	vld.idx.msk [tilespmem:v51+s28+$0x0], $0xffff  }
0x367: {  	v34 =	vadd.f32 v36, v34;
	v16 =	vor.u32 v2, v58;
	v45 =	vsub.f32 v55, v45;
	v42 =	vld.idx.msk [tilespmem:v14+s25+$0x0], $0xffff  }
0x368: {  	v21 =	vand.u32 $0x7FFFFFFF, v21;
	v37 =	vadd.f32 v35, v37;
	v14 =	vadd.f32 v50, v28;
	v36 =	vld.idx.msk [tilespmem:v46+s28+$0x0], $0xffff  }
0x369: {  	v18 =	vadd.f32 v48, v18;
	v38 =	vadd.f32 v21, v38;
	v49 =	vor.u32 v4, v58;
	v46 =	vld.idx.msk [tilespmem:v46+s25+$0x0], $0xffff  }
0x36a: {  	v21 =	vadd.s32 s11, v0;
	v19 =	vadd.f32 v40, v19;
	v58 =	vsub.f32 v55, v52;
	v48 =	vld.idx.msk [tilespmem:v60+s25+$0x0], $0xffff  }
0x36b: {  	v21 =	vand.u32 $0x3F, v21;
	v24 =	vadd.f32 v44, v24;
	v31 =	vsub.f32 v55, v41;
	v50 =	vld.idx.msk [tilespmem:v32+s25+$0x0], $0xffff  }
0x36c: {  	v25 =	vadd.f32 v26, v25;
	v51 =	vor.u32 v1, v21;
	v41 =	vor.u32 v11, v21;
	v52 =	vld.idx.msk [tilespmem:v16+s25+$0x0], $0xffff  }
0x36d: {  	v35 =	vor.u32 v2, v21;
	v59 =	vor.u32 v3, v21;
	v28 =	vadd.f32 v29, v14;
	v16 =	vld.idx.msk [tilespmem:v16+s28+$0x0], $0xffff  }
0x36e: {  	v18 =	vadd.f32 v57, v18;
	v44 =	vor.u32 v5, v21;
	v40 =	vor.u32 v6, v21;
	v29 =	vld.idx.msk [tilespmem:v49+s25+$0x0], $0xffff  }
0x36f: {  	v54 =	vor.u32 v8, v21;
	v14 =	vsub.f32 v55, v47;
	v57 =	vsub.f32 v55, v46;
	v60 =	vld.idx.msk [tilespmem:v32+s28+$0x0], $0xffff  }
0x370: {  	v61 =	vor.u32 v4, v21;
	v32 =	vsub.f32 v55, v42;
	v42 =	vsub.f32 v55, v48;
	v48 =	vld.idx.msk [tilespmem:v49+s28+$0x0], $0xffff  }
0x371: {  	v43 =	vadd.f32 v15, v43;
	v26 =	vld.idx.msk [tilespmem:v41+s29+$0x0], $0xffff;
	v41 =	vsub.f32 v55, v50  }
0x372: {  	v36 =	vsub.f32 v55, v36;
	v62 =	vsub.f32 v55, v52;
	v49 =	vld.idx.msk [tilespmem:v51+s25+$0x0], $0xffff  }
0x373: {  	v25 =	vadd.f32 v10, v25;
	v15 =	vsub.f32 v55, v16;
	v16 =	vand.u32 $0x7FFFFFFF, v9;
	v9 =	vmovc v45;
	v47 =	vld.idx.msk [tilespmem:v59+s25+$0x0], $0xffff  }
0x374: {  	v19 =	vadd.f32 v13, v19;
	v32 =	vand.u32 $0x7FFFFFFF, v32;
	v29 =	vsub.f32 v55, v29;
	v63 =	vld.idx.msk [tilespmem:v54+s25+$0x0], $0xffff  }
0x375: {  	v46 =	vor.u32 v7, v21;
	v45 =	vsub.f32 v55, v39;
	v37 =	vadd.f32 v16, v37;
	v13 =	vld.idx.msk [tilespmem:v61+s25+$0x0], $0xffff  }
0x376: {  	v24 =	vadd.f32 v12, v24;
	v39 =	vand.u32 $0x7FFFFFFF, v42;
	v10 =	vand.u32 $0x7FFFFFFF, v15;
	v53 =	vld.idx.msk [tilespmem:v51+s28+$0x0], $0xffff  }
.Ltmp12:
0x377: {  	v21 =	vsub.f32 v55, v60;
	v16 =	vand.u32 $0x7FFFFFFF, v45;
	v12 =	vsub.f32 v55, v48;
	v52 =	vld.idx.msk [tilespmem:v54+s28+$0x0], $0xffff;
	(pc) =	sbr.rel @p1 .LBB2_27-.Ltmp12, $4  }
0x378: {  	v36 =	vand.u32 $0x7FFFFFFF, v36;
	v42 =	vsub.f32 v55, v56;
	v15 =	vand.u32 $0x7FFFFFFF, v29;
	v54 =	vld.idx.msk [tilespmem:v61+s28+$0x0], $0xffff  }
0x379: {  	v45 =	vand.u32 $0x7FFFFFFF, v41;
	v29 =	vand.u32 $0x7FFFFFFF, v62;
	v41 =	vand.u32 $0x7FFFFFFF, v12;
	v50 =	vld.idx.msk [tilespmem:v59+s28+$0x0], $0xffff  }
0x37a: {  	v49 =	vsub.f32 v26, v49;
	v12 =	vand.u32 $0x7FFFFFFF, v42;
	v48 =	vsub.f32 v26, v63;
	v51 =	vld.idx.msk [tilespmem:v40+s25+$0x0], $0xffff  }
0x37b: {  	v42 =	vand.u32 $0x7FFFFFFF, v57;
	v56 =	vsub.f32 v26, v13;
	v13 =	vand.u32 $0x7FFFFFFF, v58;
	v55 =	vld.idx.msk [tilespmem:v35+s25+$0x0], $0xffff  }
0x37c: {  	_ =	sdelay $0x2  }
0x37d: {  	v53 =	vsub.f32 v26, v53;
	v52 =	vsub.f32 v26, v52  }
0x37e: {  	v11 =	vld.idx.msk [tilespmem:v44+s25+$0x0], $0xffff;
	v47 =	vsub.f32 v26, v47;
	v49 =	vand.u32 $0x7FFFFFFF, v49;
	v58 =	vand.u32 $0x7FFFFFFF, v48  }
0x37f: {  	v62 =	vld.idx.msk [tilespmem:v44+s28+$0x0], $0xffff;
	v56 =	vand.u32 $0x7FFFFFFF, v56;
	v54 =	vsub.f32 v26, v54;
	v33 =	vadd.f32 v49, v33  }
0x380: {  	v63 =	vld.idx.msk [tilespmem:v46+s28+$0x0], $0xffff;
	v18 =	vadd.f32 v58, v18;
	v43 =	vadd.f32 v56, v43;
	v52 =	vand.u32 $0x7FFFFFFF, v52  }
0x381: {  	v40 =	vld.idx.msk [tilespmem:v40+s28+$0x0], $0xffff;
	v50 =	vsub.f32 v26, v50;
	v47 =	vand.u32 $0x7FFFFFFF, v47;
	v51 =	vsub.f32 v26, v51  }
0x382: {  	v59 =	vld.idx.msk [tilespmem:v46+s25+$0x0], $0xffff;
	v61 =	vand.u32 $0x7FFFFFFF, v53;
	v27 =	vadd.f32 v47, v27;
	v22 =	vadd.f32 v52, v22  }
0x383: {  	v35 =	vld.idx.msk [tilespmem:v35+s28+$0x0], $0xffff;
	v34 =	vadd.f32 v61, v34;
	v55 =	vsub.f32 v26, v55  }
0x384: {  	v50 =	vand.u32 $0x7FFFFFFF, v50;
	v15 =	vadd.f32 v15, v43;
	v11 =	vsub.f32 v26, v11  }
0x385: {  	v38 =	vadd.f32 v50, v38;
	v44 =	vsub.f32 v26, v62  }
0x386: {  	v47 =	vsub.f32 v26, v63;
	v27 =	vadd.f32 v45, v27  }
0x387: {  	v60 =	vand.u32 $0x7FFFFFFF, v51;
	v40 =	vsub.f32 v26, v40;
	v63 =	vsub.f32 v26, v59  }
0x388: {  	v62 =	vand.u32 $0x7FFFFFFF, v54;
	v51 =	vsub.f32 v26, v35;
	v54 =	vadd.f32 v42, v33  }
0x389: {  	v56 =	vadd.f32 v36, v34;
	v59 =	vand.u32 $0x7FFFFFFF, v31;
	v30 =	vadd.f32 v60, v30  }
0x38a: {  	v23 =	vadd.f32 v62, v23;
	v50 =	vand.u32 $0x7FFFFFFF, v55;
	v15 =	vsub.f32 $1.200000000e+01, v15  }
0x38b: {  	s9 =	sand.u32 $0x1F, s9;
	v21 =	vand.u32 $0x7FFFFFFF, v21;
	v18 =	vadd.f32 v59, v18;
	v53 =	vadd.f32 v50, v28  }
0x38c: {  	s10 =	smul.u32 $0x420, s9;
	v11 =	vand.u32 $0x7FFFFFFF, v11;
	v28 =	vsub.f32 $1.200000000e+01, v54;
	v27 =	vsub.f32 $1.200000000e+01, v27  }
0x38d: {  	v55 =	vand.u32 $0x7FFFFFFF, v63;
	v21 =	vadd.f32 v21, v38;
	v30 =	vadd.f32 v39, v30  }
0x38e: {  	s10 =	sshrl.u32 s10, $0x2;
	v26 =	vand.u32 $0x7FFFFFFF, v51;
	v11 =	vadd.f32 v11, v20;
	v52 =	vadd.f32 v41, v23  }
0x38f: {  	v57 =	vadd.f32 v55, v37;
	v25 =	vadd.f32 v26, v25;
	[tilespmem:s10+$0x1A231] =	vst v15  }
0x390: {  	v9 =	vand.u32 $0x7FFFFFFF, v9;
	v61 =	vsub.f32 $1.200000000e+01, v18;
	[tilespmem:s10+$0x1A201] =	vst v28;
	v11 =	vadd.f32 v32, v11  }
0x391: {  	[tilespmem:s10+$0x1A221] =	vst v27;
	v9 =	vadd.f32 v9, v57;
	v60 =	vsub.f32 $1.200000000e+01, v30  }
0x392: {  	v49 =	vand.u32 $0x7FFFFFFF, v40;
	v23 =	vadd.f32 v29, v53;
	[tilespmem:s10+$0x1A271] =	vst v61;
	v11 =	vsub.f32 $1.200000000e+01, v11  }
0x393: {  	v17 =	vadd.f32 v49, v17;
	v9 =	vsub.f32 $1.200000000e+01, v9;
	[tilespmem:s10+$0x1A251] =	vst v60  }
0x394: {  	v10 =	vadd.f32 v10, v25;
	v23 =	vsub.f32 $1.200000000e+01, v23;
	[tilespmem:s10+$0x1A241] =	vst v11;
	v11 =	vand.u32 $0x7FFFFFFF, v44  }
0x395: {  	v62 =	vand.u32 $0x7FFFFFFF, v47;
	[tilespmem:s10+$0x1A261] =	vst v9;
	v9 =	vsub.f32 $1.200000000e+01, v56;
	v11 =	vadd.f32 v11, v24  }
0x396: {  	v18 =	vadd.f32 v62, v19;
	v10 =	vsub.f32 $1.200000000e+01, v10;
	[tilespmem:s10+$0x1A211] =	vst v23  }
0x397: {  	[tilespmem:s10+$0x1A281] =	vst v9;
	v9 =	vsub.f32 $1.200000000e+01, v21;
	v11 =	vadd.f32 v12, v11  }
0x398: {  	v63 =	vadd.f32 v16, v17;
	[tilespmem:s10+$0x1A291] =	vst v10;
	v10 =	vsub.f32 $1.200000000e+01, v52  }
0x399: {  	v14 =	vand.u32 $0x7FFFFFFF, v14;
	v13 =	vadd.f32 v13, v18;
	[tilespmem:s10+$0x1A2A1] =	vst v9;
	v9 =	vsub.f32 $1.200000000e+01, v11  }
0x39a: {  	[tilespmem:s10+$0x1A2B1] =	vst v10;
	v10 =	vsub.f32 $1.200000000e+01, v63;
	v11 =	vadd.f32 v14, v22  }
0x39b: {  	[tilespmem:s10+$0x1A2C1] =	vst v9;
	v9 =	vsub.f32 $1.200000000e+01, v13  }
0x39c: {  	[tilespmem:s10+$0x1A2D1] =	vst v10;
	v10 =	vsub.f32 $1.200000000e+01, v11  }
0x39d: {  	s11 =	simm.s32 @!p0 $0x80;
	[tilespmem:s10+$0x1A2E1] =	vst v9  }
0x39e: {  	s12 =	simm.s32 @!p0 $0x16200;
	p1 =	sne.s32 s9, $0x1F;
	[tilespmem:s10+$0x1A2F1] =	vst v10;
	s10 =	sadd.s32 @!p0 $0x500, s8  }
0x39f: {  	[tilespmem:s12], [sflag:$0x7] =	stream.indirect.gather @!p0 [hbm4b:s4+s11], $0x40, s10, s11, $0xb8;
	[tilespmem:$0x1C300] =	vst v63  }
0x3a0: {  	s9 =	simm.s32 @!p0 $0x18200;
	s8 =	sadd.s32 @!p0 $0x4500, s8;
	v9 =	vlaneseq.u32 @!p1  }
0x3a1: {  	v9 =	vmul.u32 @!p1 $0x108, v9;
	[tilespmem:s9], [sflag:$0x7] =	stream.indirect.gather @!p0 [hbm4b:s4+s11], $0x40, s8, s11, $0xb8;
	[tilespmem:$0x1C300] =	vst v63  }
0x3a2: {  	v10 =	vld @!p1 [tilespmem:s7+$0xA164];
	_ =	sdelay $0x3  }
0x3a3: {  	s8 =	simm.s32 @!p1 $0x1A200  }
0x3a4: {  	[tilespmem:v9+s8+$0x0] =	vst.idx.msk @!p1 $0xffff, v10  }
0x3a5: {  	s9 =	sadd.s32 @!p1 s5, s7;
	v9 =	vadd.s32 @!p1 $0x1080, v9;
	v10 =	vld @!p1 [tilespmem:s7+$0xA174]  }
0x3a6: {  	s7 =	smul.u32 @!p1 $0x108, s9;
	_ =	sdelay $0x1  }
0x3a7: {  	s7 =	sadd.s32 @!p1 $0xFFFFE320, s7  }
0x3a8: {  	s6 =	sadd.s32 $0x1, s6;
	s7 =	sshrl.u32 @!p1 s7, $0x3  }
0x3a9: {  	p0 =	sne.s32 s6, $0x20;
	s9 =	simm.s32 @!p1 $0x0;
	s7 =	sadd.s32 @!p1 s1, s7;
	[tilespmem:v9+s8+$0x0] =	vst.idx.msk @!p1 $0xffff, v10  }
0x3aa: {  	[hbm4b:s7+s9] =	stream.linear.scatter @!p1 [tilespmem:s8], [sflag:$0x8], $0x2100, $0x38;
	[tilespmem:$0x1C300] =	vst v63  }
.Ltmp13:
0x3ab: {  	_ = 	snop;
	(pc) =	sbr.rel @p0 .LBB2_20-.Ltmp13, $4  }
0x3ac: {  	s7 =	simm.s32 @!p1 $0x8  }
0x3ad: {  	_ =	swait.ge @!p1 [sflag:s7], $0x2100  }
0x3ae: {  	[sflag:s7] =	ssyncset.done @!p1 $0x0  }
0x3af: {  	[sflag:s7] =	ssyncadd.s32 @!p1 $0xFFFFDF00  }
0x3b0: {  	s16 =	sadd.s32 $0x1, s16;
	s6 =	rddreg [dreg:$0xe]  }
0x3b1: {  	p0 =	sne.s32 s16, s6  }
.Ltmp14:
0x3b2: {  	_ = 	snop;
	(pc) =	sbr.rel @p0 .LBB2_1-.Ltmp14, $1  }
0x3b3: {  	_ =	sdelay $0x3  }
0x3b4: {  	_ =	sfence.sel $0x180000  }
0x3b5: {  	[bflag:$0x0] =	sbarrier.arrive $0xFFFF  }
0x3b6: {  	_ =	strace $0x90000047  }
0x3b7: {  	s0 =	stileid.u32;
	[bflag:$0x2] =	sbarrier.arrive $0xFFFF  }
0x3b8: {  	p0 =	sne.s32 s0, $0x0;
	s0 =	rddreg [dreg:$0x7]  }
0x3b9: {  	s0 =	sadd.s32 @!p0 $0x100000, s0  }
0x3ba: {  	[sflag:s0] =	ssyncadd.tile.s32 @!p0 $0x1;
	_ =	shalt  }
.Lfunc_end2:
_tile_overlayer_lowered:
.L_overlay_start_2:
0x3bb: {  	(tag) =	ssettag $0x2  }
0x3bc: {  	s0 =	rddreg [dreg:$0x0];
	s2 =	stileid.u32  }
0x3bd: {  	s1 =	rddreg [dreg:$0x1];
	p0 =	sne.s32 s2, $0x0  }
0x3be: {  	s3 =	rddreg [dreg:$0x2];
	[bflag:$0x3] =	sbarrier.arrive $0xFFFF;
	s2 =	simm.s32 @!p0 $0x1C08  }
0x3bf: {  	[timem:s3], [sflag:s2] =	dma.local @!p0 [hbm:s0], s1  }
0x3c0: {  	s0 =	simm.s32 @!p0 $0x8  }
0x3c1: {  	_ =	swait.ge @!p0 [sflag:s0], s1  }
0x3c2: {  	s1 =	ssub.s32 @!p0 $0x0, s1;
	[sflag:s0] =	ssyncset.done @!p0 $0x0  }
0x3c3: {  	[sflag:s0] =	ssyncadd.s32 @!p0 s1  }
0x3c4: {  	[bflag:$0x3] =	sbarrier.arrive $0xFFFF  }
0x3c5: {  	_ =	shalt  }

</sc_bundles>
